<compile_context>
chip_gen: v7x
topology: tpu7x:2x2x1
jax: 0.10.2.dev20260603
libtpu: 0.0.44.dev20260713+nightly
codegen_flags: <defaults>
</compile_context>

<pallas_src>
import jax
import jax.numpy as jnp
from jax import lax
from jax.experimental import pallas as pl
from jax.experimental.pallas import tpu as pltpu
from jax.experimental.pallas import tpu_sc as plsc

N = 10000
E = 320000
D = 128
G = 64
BN_EPS = 1e-5

NC = 2
NS = 16
NW = NC * NS
NBUF = 3
EPW = E // NW
CE = 80
CH = EPW // CE
GROUPS = (CH // NBUF)
ZROWS = 624
OROWS = 624
IDX_MASK = (1 << 14) - 1


def _agg_body(x_hbm, edges_hbm, zeros_hbm, out_hbm,
              idx_pk, idx_v, r0, r1, r2, agg_sh,
              g0, g1, g2, s0, s1, s2):
    rows = (r0, r1, r2)
    gsem = (g0, g1, g2)
    ssem = (s0, s1, s2)
    c = lax.axis_index("c")
    s = lax.axis_index("s")
    w = c * NS + s
    pltpu.sync_copy(edges_hbm.at[w], idx_pk)

    def unpack(j, b):
        for i in range(CE // 16):
            pk = idx_pk[pl.ds(j * CE + i * 16, 16)]
            idx_v[b, 0, pl.ds(i * 16, 16)] = pk & IDX_MASK
            idx_v[b, 1, pl.ds(i * 16, 16)] = lax.shift_right_logical(pk, 14)

    def gather_start(b):
        pltpu.async_copy(x_hbm.at[idx_v.at[b, 0]], rows[b], gsem[b])

    def gather_wait(b):
        pltpu.make_async_copy(x_hbm.at[idx_v.at[b, 0]], rows[b],
                              gsem[b]).wait()

    def scatter(b):
        pltpu.async_copy(rows[b], agg_sh.at[idx_v.at[b, 1]], ssem[b],
                         add=True).wait()

    for b in range(NBUF):
        unpack(jnp.int32(b), b)
        gather_start(b)
    pltpu.sync_copy(zeros_hbm, agg_sh.at[pl.ds(s * ZROWS, ZROWS)])

    @pl.when(s == 0)
    def _():
        pltpu.sync_copy(zeros_hbm.at[pl.ds(0, N - NS * ZROWS)],
                        agg_sh.at[pl.ds(NS * ZROWS, N - NS * ZROWS)])

    plsc.subcore_barrier()

    def group(g, carry):
        for k in range(NBUF):
            j = g * NBUF + k
            gather_wait(k)
            scatter(k)
            nj = j + NBUF

            @pl.when(nj < CH)
            def _():
                unpack(nj, k)
                gather_start(k)
        return carry

    lax.fori_loop(0, GROUPS, group, 0)
    for t in range(GROUPS * NBUF, CH):
        b = t % NBUF
        gather_wait(b)
        scatter(b)
    plsc.subcore_barrier()
    pltpu.sync_copy(agg_sh.at[pl.ds(s * OROWS, OROWS)],
                    out_hbm.at[c, pl.ds(s * OROWS, OROWS)])

    @pl.when(s == 0)
    def _():
        pltpu.sync_copy(agg_sh.at[pl.ds(NS * OROWS, N - NS * OROWS)],
                        out_hbm.at[c, pl.ds(NS * OROWS, N - NS * OROWS)])


_agg = pl.kernel(
    _agg_body,
    out_type=jax.ShapeDtypeStruct((NC, N, D), jnp.float32),
    mesh=plsc.VectorSubcoreMesh(core_axis_name="c", subcore_axis_name="s",
                                num_cores=NC, num_subcores=NS),
    scratch_types=[
        pltpu.VMEM((EPW,), jnp.int32),
        pltpu.VMEM((NBUF, 2, CE), jnp.int32),
        pltpu.VMEM((CE, D), jnp.float32),
        pltpu.VMEM((CE, D), jnp.float32),
        pltpu.VMEM((CE, D), jnp.float32),
        pltpu.VMEM_SHARED((N, D), jnp.float32),
        pltpu.SemaphoreType.DMA,
        pltpu.SemaphoreType.DMA,
        pltpu.SemaphoreType.DMA,
        pltpu.SemaphoreType.DMA,
        pltpu.SemaphoreType.DMA,
        pltpu.SemaphoreType.DMA,
    ],
)


def _mlp_body(x_ref, a_ref, ope_ref, w1_ref, b1_ref, w2_ref, b2_ref,
              g_ref, bt_ref, o_ref):
    h = x_ref[...] * ope_ref[...] + a_ref[0] + a_ref[1]
    h = jnp.maximum(
        jnp.dot(h, w1_ref[...], preferred_element_type=jnp.float32)
        + b1_ref[...], 0.0)
    h = jnp.dot(h, w2_ref[...], preferred_element_type=jnp.float32) + b2_ref[...]
    mu = jnp.mean(h, axis=0, keepdims=True)
    var = jnp.mean((h - mu) * (h - mu), axis=0, keepdims=True)
    h = (h - mu) * lax.rsqrt(var + BN_EPS) * g_ref[...] + bt_ref[...]
    o_ref[...] = jnp.maximum(h, 0.0)


_mlp = pl.pallas_call(
    _mlp_body,
    out_shape=jax.ShapeDtypeStruct((N, D), jnp.float32),
)


def _final_body(x_ref, a_ref, ope_ref, w1_ref, b1_ref, w2_ref, b2_ref,
                g_ref, bt_ref, batch_ref, hw1_ref, hb1_ref, hw2_ref, hb2_ref,
                o_ref):
    h = x_ref[...] * ope_ref[...] + a_ref[0] + a_ref[1]
    h = jnp.maximum(
        jnp.dot(h, w1_ref[...], preferred_element_type=jnp.float32)
        + b1_ref[...], 0.0)
    h = jnp.dot(h, w2_ref[...], preferred_element_type=jnp.float32) + b2_ref[...]
    mu = jnp.mean(h, axis=0, keepdims=True)
    var = jnp.mean((h - mu) * (h - mu), axis=0, keepdims=True)
    h = (h - mu) * lax.rsqrt(var + BN_EPS) * g_ref[...] + bt_ref[...]
    h = jnp.maximum(h, 0.0)
    gi = lax.broadcasted_iota(jnp.int32, (G, N), 0)
    oh = (batch_ref[...] == gi).astype(jnp.float32)
    s = jnp.dot(oh, h, preferred_element_type=jnp.float32)
    cnt = jnp.dot(oh, jnp.ones((N, 1), jnp.float32),
                  preferred_element_type=jnp.float32)
    pooled = s / jnp.maximum(cnt, 1.0)
    hh = jnp.maximum(
        jnp.dot(pooled, hw1_ref[...], preferred_element_type=jnp.float32)
        + hb1_ref[...], 0.0)
    o_ref[...] = (jnp.dot(hh, hw2_ref[...], preferred_element_type=jnp.float32)
                  + hb2_ref[...])


_final = pl.pallas_call(
    _final_body,
    out_shape=jax.ShapeDtypeStruct((G, D), jnp.float32),
)


def kernel(x, edge_index, batch,
           eps_0, w1_0, b1_0, w2_0, b2_0, g_0, bt_0,
           eps_1, w1_1, b1_1, w2_1, b2_1, g_1, bt_1,
           eps_2, w1_2, b1_2, w2_2, b2_2, g_2, bt_2,
           hw1, hb1, hw2, hb2):
    packed = edge_index[0] | (edge_index[1] << 14)
    edges_p = packed.reshape(NW, EPW)
    zeros = jnp.zeros((ZROWS, D), jnp.float32)
    batch2d = batch.reshape(1, N)

    layers = [
        (eps_0, w1_0, b1_0, w2_0, b2_0, g_0, bt_0),
        (eps_1, w1_1, b1_1, w2_1, b2_1, g_1, bt_1),
        (eps_2, w1_2, b1_2, w2_2, b2_2, g_2, bt_2),
    ]

    for l, (eps, w1, b1, w2, b2, g, bt) in enumerate(layers):
        a = _agg(x, edges_p, zeros)
        ope = (1.0 + eps).reshape(1, 1).astype(jnp.float32)
        args = (x, a, ope, w1, b1.reshape(1, D), w2, b2.reshape(1, D),
                g.reshape(1, D), bt.reshape(1, D))
        if l < 2:
            x = _mlp(*args)
        else:
            return _final(*args, batch2d, hw1, hb1.reshape(1, D),
                          hw2, hb2.reshape(1, D))

# --- scband reference (transcript-rebuilt; emitter-appended) ---
"""Pipeline reference for scband-gin-41558103556403 (READ-ONLY COPY).

The authoritative reference and input builder live on the scoring server;
editing this copy changes nothing except your own understanding.
"""

import jax, jax.numpy as jnp
import numpy as np

N = 10000
E = 320000
D = 128
H = 128
O = 128
G = 64
NUM_LAYERS = 3
BN_EPS = 1e-5


def _lin_params(key, fan_in, fan_out):
    k1, k2 = jax.random.split(key)
    lim = 1.0 / np.sqrt(fan_in)
    w = jax.random.uniform(k1, (fan_in, fan_out), jnp.float32, -lim, lim)
    b = jax.random.uniform(k2, (fan_out,), jnp.float32, -lim, lim)
    return w, b


def setup_inputs(seed: int = 0) -> dict:
    key = jax.random.key(seed)
    keys = jax.random.split(key, 4)
    inp = {}
    inp["x"] = jax.random.normal(keys[0], (N, D), jnp.float32)
    inp["edge_index"] = jax.random.randint(keys[1], (2, E), 0, N, dtype=jnp.int32)
    inp["batch"] = jnp.sort(jax.random.randint(keys[2], (N,), 0, G, dtype=jnp.int32))
    in_ch = D
    for l in range(NUM_LAYERS):
        kl = jax.random.fold_in(key, 100 + l)
        k1, k2 = jax.random.split(kl)
        w1, b1 = _lin_params(k1, in_ch, H)
        w2, b2 = _lin_params(k2, H, H)
        inp[f"eps_{l}"] = jnp.zeros((), jnp.float32)
        inp[f"w1_{l}"] = w1
        inp[f"b1_{l}"] = b1
        inp[f"w2_{l}"] = w2
        inp[f"b2_{l}"] = b2
        inp[f"g_{l}"] = jnp.ones((H,), jnp.float32)
        inp[f"bt_{l}"] = jnp.zeros((H,), jnp.float32)
        in_ch = H
    kh = jax.random.fold_in(key, 200)
    k1, k2 = jax.random.split(kh)
    hw1, hb1 = _lin_params(k1, H, H)
    hw2, hb2 = _lin_params(k2, H, O)
    inp["hw1"] = hw1
    inp["hb1"] = hb1
    inp["hw2"] = hw2
    inp["hb2"] = hb2
    return inp


def _forward(x, edge_index, batch, layers, head):
    src = edge_index[0]
    dst = edge_index[1]
    for (eps, w1, b1, w2, b2, g, bt) in layers:
        # GINConv with train_eps: (1+eps)*x_i + sum_{j in N(i)} x_j
        agg = jnp.zeros((x.shape[0], x.shape[1]), x.dtype).at[dst].add(x[src])
        h = (1.0 + eps) * x + agg
        # mlp: Linear -> ReLU -> Linear -> BatchNorm (train-mode stats) -> Dropout(p=0)
        h = jnp.maximum(h @ w1 + b1, 0.0)
        h = h @ w2 + b2
        mu = jnp.mean(h, axis=0)
        var = jnp.var(h, axis=0)
        h = (h - mu) / jnp.sqrt(var + BN_EPS) * g + bt
        # outer .relu() after each conv
        x = jnp.maximum(h, 0.0)
    # global_mean_pool over graph ids
    ones = jnp.ones((x.shape[0],), jnp.float32)
    cnt = jax.ops.segment_sum(ones, batch, num_segments=G)
    s = jax.ops.segment_sum(x, batch, num_segments=G)
    pooled = s / jnp.maximum(cnt, 1.0)[:, None]
    hw1, hb1, hw2, hb2 = head
    h = jnp.maximum(pooled @ hw1 + hb1, 0.0)
    return h @ hw2 + hb2


def reference(x, edge_index, batch,
              eps_0, w1_0, b1_0, w2_0, b2_0, g_0, bt_0,
              eps_1, w1_1, b1_1, w2_1, b2_1, g_1, bt_1,
              eps_2, w1_2, b1_2, w2_2, b2_2, g_2, bt_2,
              hw1, hb1, hw2, hb2):
    layers = [
        (eps_0, w1_0, b1_0, w2_0, b2_0, g_0, bt_0),
        (eps_1, w1_1, b1_1, w2_1, b2_1, g_1, bt_1),
        (eps_2, w1_2, b1_2, w2_2, b2_2, g_2, bt_2),
    ]
    head = (hw1, hb1, hw2, hb2)
    return _forward(x, edge_index, batch, layers, head)

if __name__ == "__main__":
    import jax
    _d = setup_inputs()
    print(jax.jit(kernel)(*tuple(_d.values())))

</pallas_src>

<mosaic_0001>
#map = affine_map<(d0, d1) -> (0, 0)>
#map1 = affine_map<(d0, d1) -> (0, 0, 0)>
module attributes {stable_mosaic.version = 14 : i64} {
  func.func @_agg_body(%arg0: i32, %arg1: i32, %arg2: memref<10000x128xf32, #tpu.memory_space<hbm>>, %arg3: memref<32x10000xi32, #tpu.memory_space<hbm>>, %arg4: memref<624x128xf32, #tpu.memory_space<hbm>>, %arg5: memref<2x10000x128xf32, #tpu.memory_space<hbm>>, %arg6: memref<10000xi32, #tpu.memory_space<vmem>>, %arg7: memref<3x2x80xi32, #tpu.memory_space<vmem>>, %arg8: memref<80x128xf32, #tpu.memory_space<vmem>>, %arg9: memref<80x128xf32, #tpu.memory_space<vmem>>, %arg10: memref<80x128xf32, #tpu.memory_space<vmem>>, %arg11: memref<10000x128xf32, #tpu.memory_space<vmem_shared>>, %arg12: memref<!tpu.dma_semaphore, #tpu.memory_space<semaphore_mem>>, %arg13: memref<!tpu.dma_semaphore, #tpu.memory_space<semaphore_mem>>, %arg14: memref<!tpu.dma_semaphore, #tpu.memory_space<semaphore_mem>>, %arg15: memref<!tpu.dma_semaphore, #tpu.memory_space<semaphore_mem>>, %arg16: memref<!tpu.dma_semaphore, #tpu.memory_space<semaphore_mem>>, %arg17: memref<!tpu.dma_semaphore, #tpu.memory_space<semaphore_mem>>) attributes {dimension_semantics = [#tpu.dimension_semantics<core_parallel>, #tpu.dimension_semantics<subcore_parallel>], iteration_bounds = array<i64: 2, 16>, scalar_prefetch = 0 : i64, scratch_operands = 12 : i64, tpu.core_type = #tpu.core_type<sc_vector_subcore>, window_params = [{transform_indices = #map}, {transform_indices = #map}, {transform_indices = #map}, {transform_indices = #map1}]} {
    %mul3A = arith.constant 16 : i32
    %mul3A_0 = arith.muli %arg0, %mul3A : i32
    %add3A = arith.addi %mul3A_0, %arg1 : i32
    "tpu.region"() ({
      %run_scoped3A = tpu.sem_alloc : memref<!tpu.dma_semaphore, #tpu.memory_space<semaphore_mem>>
      %dma_start3A_536 = arith.constant 0 : i32
      %dma_start3A_537 = tpu.memref_slice %arg3[%add3A, %dma_start3A_536] : memref<32x10000xi32, #tpu.memory_space<hbm>> -> memref<1x10000xi32, #tpu.memory_space<hbm>>
      %dma_start3A_538 = tpu.memref_squeeze %dma_start3A_537 : memref<1x10000xi32, #tpu.memory_space<hbm>> -> memref<10000xi32, #tpu.memory_space<hbm>>
      %dma_start3A_539 = arith.constant 0 : i32
      %dma_start3A_540 = tpu.memref_slice %arg3[%add3A, %dma_start3A_539] : memref<32x10000xi32, #tpu.memory_space<hbm>> -> memref<1x10000xi32, #tpu.memory_space<hbm>>
      %dma_start3A_541 = tpu.memref_squeeze %dma_start3A_540 : memref<1x10000xi32, #tpu.memory_space<hbm>> -> memref<10000xi32, #tpu.memory_space<hbm>>
      tpu.enqueue_dma source(%dma_start3A_541 : memref<10000xi32, #tpu.memory_space<hbm>>) target(%arg6 : memref<10000xi32, #tpu.memory_space<vmem>>) target_semaphore(%run_scoped3A : memref<!tpu.dma_semaphore, #tpu.memory_space<semaphore_mem>>)
      %dma_wait3A_542 = arith.constant 0 : i32
      %dma_wait3A_543 = tpu.memref_slice %arg3[%add3A, %dma_wait3A_542] : memref<32x10000xi32, #tpu.memory_space<hbm>> -> memref<1x10000xi32, #tpu.memory_space<hbm>>
      %dma_wait3A_544 = tpu.memref_squeeze %dma_wait3A_543 : memref<1x10000xi32, #tpu.memory_space<hbm>> -> memref<10000xi32, #tpu.memory_space<hbm>>
      %dma_wait3A_545 = arith.constant 0 : i32
      %dma_wait3A_546 = tpu.memref_slice %arg3[%add3A, %dma_wait3A_545] : memref<32x10000xi32, #tpu.memory_space<hbm>> -> memref<1x10000xi32, #tpu.memory_space<hbm>>
      %dma_wait3A_547 = tpu.memref_squeeze %dma_wait3A_546 : memref<1x10000xi32, #tpu.memory_space<hbm>> -> memref<10000xi32, #tpu.memory_space<hbm>>
      tpu.wait_dma2 semaphore(%run_scoped3A : memref<!tpu.dma_semaphore, #tpu.memory_space<semaphore_mem>>) src(%dma_wait3A_547 : memref<10000xi32, #tpu.memory_space<hbm>>) dst(%arg6 : memref<10000xi32, #tpu.memory_space<vmem>>)
      tpu.yield
    }) : () -> ()
    %mul3A_1 = arith.constant 0 : i32
    %mul3A_2 = arith.constant 80 : i32
    %mul3A_3 = arith.muli %mul3A_1, %mul3A_2 : i32
    %add3A_4 = arith.constant 0 : i32
    %add3A_5 = arith.addi %mul3A_3, %add3A_4 : i32
    %get3A = arith.index_cast %add3A_5 : i32 to index
    %get3A_6 = tpu.vector_load %arg6[%get3A] {strides = array<i32>} : memref<10000xi32, #tpu.memory_space<vmem>>, vector<16xi32>,
    %get3A_7 = vector.shape_cast %get3A_6 : vector<16xi32> to vector<16xi32>
    %and3A = arith.constant 16383 : i32
    %and3A_8 = vector.broadcast %and3A : i32 to vector<16xi32>
    %and3A_9 = arith.andi %get3A_7, %and3A_8 : vector<16xi32>
    %swap3A = arith.constant 0 : i32
    %swap3A_10 = arith.constant 0 : i32
    %swap3A_11 = arith.index_cast %swap3A : i32 to index
    %swap3A_12 = arith.index_cast %swap3A_10 : i32 to index
    %swap3A_13 = arith.constant 0 : index
    %swap3A_14 = tpu.vector_load %arg7[%swap3A_11, %swap3A_12, %swap3A_13] {strides = array<i32>} : memref<3x2x80xi32, #tpu.memory_space<vmem>>, vector<1x1x16xi32>,
    %swap3A_15 = vector.shape_cast %swap3A_14 : vector<1x1x16xi32> to vector<16xi32>
    %swap3A_16 = vector.shape_cast %and3A_9 : vector<16xi32> to vector<1x1x16xi32>
    tpu.vector_store %arg7[%swap3A_11, %swap3A_12, %swap3A_13], %swap3A_16 {strides = array<i32>} : memref<3x2x80xi32, #tpu.memory_space<vmem>>, vector<1x1x16xi32>,
    %shift_right_logical3A = arith.constant 14 : i32
    %shift_right_logical3A_17 = vector.broadcast %shift_right_logical3A : i32 to vector<16xi32>
    %shift_right_logical3A_18 = arith.shrui %get3A_7, %shift_right_logical3A_17 : vector<16xi32>
    %swap3A_19 = arith.constant 0 : i32
    %swap3A_20 = arith.constant 1 : i32
    %swap3A_21 = arith.index_cast %swap3A_19 : i32 to index
    %swap3A_22 = arith.index_cast %swap3A_20 : i32 to index
    %swap3A_23 = arith.constant 0 : index
    %swap3A_24 = tpu.vector_load %arg7[%swap3A_21, %swap3A_22, %swap3A_23] {strides = array<i32>} : memref<3x2x80xi32, #tpu.memory_space<vmem>>, vector<1x1x16xi32>,
    %swap3A_25 = vector.shape_cast %swap3A_24 : vector<1x1x16xi32> to vector<16xi32>
    %swap3A_26 = vector.shape_cast %shift_right_logical3A_18 : vector<16xi32> to vector<1x1x16xi32>
    tpu.vector_store %arg7[%swap3A_21, %swap3A_22, %swap3A_23], %swap3A_26 {strides = array<i32>} : memref<3x2x80xi32, #tpu.memory_space<vmem>>, vector<1x1x16xi32>,
    %mul3A_27 = arith.constant 0 : i32
    %mul3A_28 = arith.constant 80 : i32
    %mul3A_29 = arith.muli %mul3A_27, %mul3A_28 : i32
    %add3A_30 = arith.constant 16 : i32
    %add3A_31 = arith.addi %mul3A_29, %add3A_30 : i32
    %get3A_32 = arith.index_cast %add3A_31 : i32 to index
    %get3A_33 = tpu.vector_load %arg6[%get3A_32] {strides = array<i32>} : memref<10000xi32, #tpu.memory_space<vmem>>, vector<16xi32>,
    %get3A_34 = vector.shape_cast %get3A_33 : vector<16xi32> to vector<16xi32>
    %and3A_35 = arith.constant 16383 : i32
    %and3A_36 = vector.broadcast %and3A_35 : i32 to vector<16xi32>
    %and3A_37 = arith.andi %get3A_34, %and3A_36 : vector<16xi32>
    %swap3A_38 = arith.constant 0 : i32
    %swap3A_39 = arith.constant 0 : i32
    %swap3A_40 = arith.index_cast %swap3A_38 : i32 to index
    %swap3A_41 = arith.index_cast %swap3A_39 : i32 to index
    %swap3A_42 = arith.constant 16 : index
    %swap3A_43 = tpu.vector_load %arg7[%swap3A_40, %swap3A_41, %swap3A_42] {strides = array<i32>} : memref<3x2x80xi32, #tpu.memory_space<vmem>>, vector<1x1x16xi32>,
    %swap3A_44 = vector.shape_cast %swap3A_43 : vector<1x1x16xi32> to vector<16xi32>
    %swap3A_45 = vector.shape_cast %and3A_37 : vector<16xi32> to vector<1x1x16xi32>
    tpu.vector_store %arg7[%swap3A_40, %swap3A_41, %swap3A_42], %swap3A_45 {strides = array<i32>} : memref<3x2x80xi32, #tpu.memory_space<vmem>>, vector<1x1x16xi32>,
    %shift_right_logical3A_46 = arith.constant 14 : i32
    %shift_right_logical3A_47 = vector.broadcast %shift_right_logical3A_46 : i32 to vector<16xi32>
    %shift_right_logical3A_48 = arith.shrui %get3A_34, %shift_right_logical3A_47 : vector<16xi32>
    %swap3A_49 = arith.constant 0 : i32
    %swap3A_50 = arith.constant 1 : i32
    %swap3A_51 = arith.index_cast %swap3A_49 : i32 to index
    %swap3A_52 = arith.index_cast %swap3A_50 : i32 to index
    %swap3A_53 = arith.constant 16 : index
    %swap3A_54 = tpu.vector_load %arg7[%swap3A_51, %swap3A_52, %swap3A_53] {strides = array<i32>} : memref<3x2x80xi32, #tpu.memory_space<vmem>>, vector<1x1x16xi32>,
    %swap3A_55 = vector.shape_cast %swap3A_54 : vector<1x1x16xi32> to vector<16xi32>
    %swap3A_56 = vector.shape_cast %shift_right_logical3A_48 : vector<16xi32> to vector<1x1x16xi32>
    tpu.vector_store %arg7[%swap3A_51, %swap3A_52, %swap3A_53], %swap3A_56 {strides = array<i32>} : memref<3x2x80xi32, #tpu.memory_space<vmem>>, vector<1x1x16xi32>,
    %mul3A_57 = arith.constant 0 : i32
    %mul3A_58 = arith.constant 80 : i32
    %mul3A_59 = arith.muli %mul3A_57, %mul3A_58 : i32
    %add3A_60 = arith.constant 32 : i32
    %add3A_61 = arith.addi %mul3A_59, %add3A_60 : i32
    %get3A_62 = arith.index_cast %add3A_61 : i32 to index
    %get3A_63 = tpu.vector_load %arg6[%get3A_62] {strides = array<i32>} : memref<10000xi32, #tpu.memory_space<vmem>>, vector<16xi32>,
    %get3A_64 = vector.shape_cast %get3A_63 : vector<16xi32> to vector<16xi32>
    %and3A_65 = arith.constant 16383 : i32
    %and3A_66 = vector.broadcast %and3A_65 : i32 to vector<16xi32>
    %and3A_67 = arith.andi %get3A_64, %and3A_66 : vector<16xi32>
    %swap3A_68 = arith.constant 0 : i32
    %swap3A_69 = arith.constant 0 : i32
    %swap3A_70 = arith.index_cast %swap3A_68 : i32 to index
    %swap3A_71 = arith.index_cast %swap3A_69 : i32 to index
    %swap3A_72 = arith.constant 32 : index
    %swap3A_73 = tpu.vector_load %arg7[%swap3A_70, %swap3A_71, %swap3A_72] {strides = array<i32>} : memref<3x2x80xi32, #tpu.memory_space<vmem>>, vector<1x1x16xi32>,
    %swap3A_74 = vector.shape_cast %swap3A_73 : vector<1x1x16xi32> to vector<16xi32>
    %swap3A_75 = vector.shape_cast %and3A_67 : vector<16xi32> to vector<1x1x16xi32>
    tpu.vector_store %arg7[%swap3A_70, %swap3A_71, %swap3A_72], %swap3A_75 {strides = array<i32>} : memref<3x2x80xi32, #tpu.memory_space<vmem>>, vector<1x1x16xi32>,
    %shift_right_logical3A_76 = arith.constant 14 : i32
    %shift_right_logical3A_77 = vector.broadcast %shift_right_logical3A_76 : i32 to vector<16xi32>
    %shift_right_logical3A_78 = arith.shrui %get3A_64, %shift_right_logical3A_77 : vector<16xi32>
    %swap3A_79 = arith.constant 0 : i32
    %swap3A_80 = arith.constant 1 : i32
    %swap3A_81 = arith.index_cast %swap3A_79 : i32 to index
    %swap3A_82 = arith.index_cast %swap3A_80 : i32 to index
    %swap3A_83 = arith.constant 32 : index
    %swap3A_84 = tpu.vector_load %arg7[%swap3A_81, %swap3A_82, %swap3A_83] {strides = array<i32>} : memref<3x2x80xi32, #tpu.memory_space<vmem>>, vector<1x1x16xi32>,
    %swap3A_85 = vector.shape_cast %swap3A_84 : vector<1x1x16xi32> to vector<16xi32>
    %swap3A_86 = vector.shape_cast %shift_right_logical3A_78 : vector<16xi32> to vector<1x1x16xi32>
    tpu.vector_store %arg7[%swap3A_81, %swap3A_82, %swap3A_83], %swap3A_86 {strides = array<i32>} : memref<3x2x80xi32, #tpu.memory_space<vmem>>, vector<1x1x16xi32>,
    %mul3A_87 = arith.constant 0 : i32
    %mul3A_88 = arith.constant 80 : i32
    %mul3A_89 = arith.muli %mul3A_87, %mul3A_88 : i32
    %add3A_90 = arith.constant 48 : i32
    %add3A_91 = arith.addi %mul3A_89, %add3A_90 : i32
    %get3A_92 = arith.index_cast %add3A_91 : i32 to index
    %get3A_93 = tpu.vector_load %arg6[%get3A_92] {strides = array<i32>} : memref<10000xi32, #tpu.memory_space<vmem>>, vector<16xi32>,
    %get3A_94 = vector.shape_cast %get3A_93 : vector<16xi32> to vector<16xi32>
    %and3A_95 = arith.constant 16383 : i32
    %and3A_96 = vector.broadcast %and3A_95 : i32 to vector<16xi32>
    %and3A_97 = arith.andi %get3A_94, %and3A_96 : vector<16xi32>
    %swap3A_98 = arith.constant 0 : i32
    %swap3A_99 = arith.constant 0 : i32
    %swap3A_100 = arith.index_cast %swap3A_98 : i32 to index
    %swap3A_101 = arith.index_cast %swap3A_99 : i32 to index
    %swap3A_102 = arith.constant 48 : index
    %swap3A_103 = tpu.vector_load %arg7[%swap3A_100, %swap3A_101, %swap3A_102] {strides = array<i32>} : memref<3x2x80xi32, #tpu.memory_space<vmem>>, vector<1x1x16xi32>,
    %swap3A_104 = vector.shape_cast %swap3A_103 : vector<1x1x16xi32> to vector<16xi32>
    %swap3A_105 = vector.shape_cast %and3A_97 : vector<16xi32> to vector<1x1x16xi32>
    tpu.vector_store %arg7[%swap3A_100, %swap3A_101, %swap3A_102], %swap3A_105 {strides = array<i32>} : memref<3x2x80xi32, #tpu.memory_space<vmem>>, vector<1x1x16xi32>,
    %shift_right_logical3A_106 = arith.constant 14 : i32
    %shift_right_logical3A_107 = vector.broadcast %shift_right_logical3A_106 : i32 to vector<16xi32>
    %shift_right_logical3A_108 = arith.shrui %get3A_94, %shift_right_logical3A_107 : vector<16xi32>
    %swap3A_109 = arith.constant 0 : i32
    %swap3A_110 = arith.constant 1 : i32
    %swap3A_111 = arith.index_cast %swap3A_109 : i32 to index
    %swap3A_112 = arith.index_cast %swap3A_110 : i32 to index
    %swap3A_113 = arith.constant 48 : index
    %swap3A_114 = tpu.vector_load %arg7[%swap3A_111, %swap3A_112, %swap3A_113] {strides = array<i32>} : memref<3x2x80xi32, #tpu.memory_space<vmem>>, vector<1x1x16xi32>,
    %swap3A_115 = vector.shape_cast %swap3A_114 : vector<1x1x16xi32> to vector<16xi32>
    %swap3A_116 = vector.shape_cast %shift_right_logical3A_108 : vector<16xi32> to vector<1x1x16xi32>
    tpu.vector_store %arg7[%swap3A_111, %swap3A_112, %swap3A_113], %swap3A_116 {strides = array<i32>} : memref<3x2x80xi32, #tpu.memory_space<vmem>>, vector<1x1x16xi32>,
    %mul3A_117 = arith.constant 0 : i32
    %mul3A_118 = arith.constant 80 : i32
    %mul3A_119 = arith.muli %mul3A_117, %mul3A_118 : i32
    %add3A_120 = arith.constant 64 : i32
    %add3A_121 = arith.addi %mul3A_119, %add3A_120 : i32
    %get3A_122 = arith.index_cast %add3A_121 : i32 to index
    %get3A_123 = tpu.vector_load %arg6[%get3A_122] {strides = array<i32>} : memref<10000xi32, #tpu.memory_space<vmem>>, vector<16xi32>,
    %get3A_124 = vector.shape_cast %get3A_123 : vector<16xi32> to vector<16xi32>
    %and3A_125 = arith.constant 16383 : i32
    %and3A_126 = vector.broadcast %and3A_125 : i32 to vector<16xi32>
    %and3A_127 = arith.andi %get3A_124, %and3A_126 : vector<16xi32>
    %swap3A_128 = arith.constant 0 : i32
    %swap3A_129 = arith.constant 0 : i32
    %swap3A_130 = arith.index_cast %swap3A_128 : i32 to index
    %swap3A_131 = arith.index_cast %swap3A_129 : i32 to index
    %swap3A_132 = arith.constant 64 : index
    %swap3A_133 = tpu.vector_load %arg7[%swap3A_130, %swap3A_131, %swap3A_132] {strides = array<i32>} : memref<3x2x80xi32, #tpu.memory_space<vmem>>, vector<1x1x16xi32>,
    %swap3A_134 = vector.shape_cast %swap3A_133 : vector<1x1x16xi32> to vector<16xi32>
    %swap3A_135 = vector.shape_cast %and3A_127 : vector<16xi32> to vector<1x1x16xi32>
    tpu.vector_store %arg7[%swap3A_130, %swap3A_131, %swap3A_132], %swap3A_135 {strides = array<i32>} : memref<3x2x80xi32, #tpu.memory_space<vmem>>, vector<1x1x16xi32>,
    %shift_right_logical3A_136 = arith.constant 14 : i32
    %shift_right_logical3A_137 = vector.broadcast %shift_right_logical3A_136 : i32 to vector<16xi32>
    %shift_right_logical3A_138 = arith.shrui %get3A_124, %shift_right_logical3A_137 : vector<16xi32>
    %swap3A_139 = arith.constant 0 : i32
    %swap3A_140 = arith.constant 1 : i32
    %swap3A_141 = arith.index_cast %swap3A_139 : i32 to index
    %swap3A_142 = arith.index_cast %swap3A_140 : i32 to index
    %swap3A_143 = arith.constant 64 : index
    %swap3A_144 = tpu.vector_load %arg7[%swap3A_141, %swap3A_142, %swap3A_143] {strides = array<i32>} : memref<3x2x80xi32, #tpu.memory_space<vmem>>, vector<1x1x16xi32>,
    %swap3A_145 = vector.shape_cast %swap3A_144 : vector<1x1x16xi32> to vector<16xi32>
    %swap3A_146 = vector.shape_cast %shift_right_logical3A_138 : vector<16xi32> to vector<1x1x16xi32>
    tpu.vector_store %arg7[%swap3A_141, %swap3A_142, %swap3A_143], %swap3A_146 {strides = array<i32>} : memref<3x2x80xi32, #tpu.memory_space<vmem>>, vector<1x1x16xi32>,
    %dma_start3A = arith.constant 0 : i32
    %dma_start3A_147 = arith.constant 0 : i32
    %dma_start3A_148 = arith.constant 0 : i32
    %dma_start3A_149 = tpu.memref_slice %arg7[%dma_start3A, %dma_start3A_147, %dma_start3A_148] : memref<3x2x80xi32, #tpu.memory_space<vmem>> -> memref<1x1x80xi32, #tpu.memory_space<vmem>>
    %dma_start3A_150 = tpu.memref_squeeze %dma_start3A_149 : memref<1x1x80xi32, #tpu.memory_space<vmem>> -> memref<80xi32, #tpu.memory_space<vmem>>
    %dma_start3A_151 = arith.constant 0 : i32
    %dma_start3A_152 = arith.constant 0 : i32
    %dma_start3A_153 = tpu.memref_slice %arg2[%dma_start3A_151, %dma_start3A_152] : memref<10000x128xf32, #tpu.memory_space<hbm>> -> memref<10000x128xf32, #tpu.memory_space<hbm>>
    tpu.enqueue_indirect_dma source(%dma_start3A_153 : memref<10000x128xf32, #tpu.memory_space<hbm>>) target(%arg8 : memref<80x128xf32, #tpu.memory_space<vmem>>) offsets(%dma_start3A_150 : memref<80xi32, #tpu.memory_space<vmem>>) semaphore(%arg12 : memref<!tpu.dma_semaphore, #tpu.memory_space<semaphore_mem>>)
    %mul3A_154 = arith.constant 1 : i32
    %mul3A_155 = arith.constant 80 : i32
    %mul3A_156 = arith.muli %mul3A_154, %mul3A_155 : i32
    %add3A_157 = arith.constant 0 : i32
    %add3A_158 = arith.addi %mul3A_156, %add3A_157 : i32
    %get3A_159 = arith.index_cast %add3A_158 : i32 to index
    %get3A_160 = tpu.vector_load %arg6[%get3A_159] {strides = array<i32>} : memref<10000xi32, #tpu.memory_space<vmem>>, vector<16xi32>,
    %get3A_161 = vector.shape_cast %get3A_160 : vector<16xi32> to vector<16xi32>
    %and3A_162 = arith.constant 16383 : i32
    %and3A_163 = vector.broadcast %and3A_162 : i32 to vector<16xi32>
    %and3A_164 = arith.andi %get3A_161, %and3A_163 : vector<16xi32>
    %swap3A_165 = arith.constant 1 : i32
    %swap3A_166 = arith.constant 0 : i32
    %swap3A_167 = arith.index_cast %swap3A_165 : i32 to index
    %swap3A_168 = arith.index_cast %swap3A_166 : i32 to index
    %swap3A_169 = arith.constant 0 : index
    %swap3A_170 = tpu.vector_load %arg7[%swap3A_167, %swap3A_168, %swap3A_169] {strides = array<i32>} : memref<3x2x80xi32, #tpu.memory_space<vmem>>, vector<1x1x16xi32>,
    %swap3A_171 = vector.shape_cast %swap3A_170 : vector<1x1x16xi32> to vector<16xi32>
    %swap3A_172 = vector.shape_cast %and3A_164 : vector<16xi32> to vector<1x1x16xi32>
    tpu.vector_store %arg7[%swap3A_167, %swap3A_168, %swap3A_169], %swap3A_172 {strides = array<i32>} : memref<3x2x80xi32, #tpu.memory_space<vmem>>, vector<1x1x16xi32>,
    %shift_right_logical3A_173 = arith.constant 14 : i32
    %shift_right_logical3A_174 = vector.broadcast %shift_right_logical3A_173 : i32 to vector<16xi32>
    %shift_right_logical3A_175 = arith.shrui %get3A_161, %shift_right_logical3A_174 : vector<16xi32>
    %swap3A_176 = arith.constant 1 : i32
    %swap3A_177 = arith.constant 1 : i32
    %swap3A_178 = arith.index_cast %swap3A_176 : i32 to index
    %swap3A_179 = arith.index_cast %swap3A_177 : i32 to index
    %swap3A_180 = arith.constant 0 : index
    %swap3A_181 = tpu.vector_load %arg7[%swap3A_178, %swap3A_179, %swap3A_180] {strides = array<i32>} : memref<3x2x80xi32, #tpu.memory_space<vmem>>, vector<1x1x16xi32>,
    %swap3A_182 = vector.shape_cast %swap3A_181 : vector<1x1x16xi32> to vector<16xi32>
    %swap3A_183 = vector.shape_cast %shift_right_logical3A_175 : vector<16xi32> to vector<1x1x16xi32>
    tpu.vector_store %arg7[%swap3A_178, %swap3A_179, %swap3A_180], %swap3A_183 {strides = array<i32>} : memref<3x2x80xi32, #tpu.memory_space<vmem>>, vector<1x1x16xi32>,
    %mul3A_184 = arith.constant 1 : i32
    %mul3A_185 = arith.constant 80 : i32
    %mul3A_186 = arith.muli %mul3A_184, %mul3A_185 : i32
    %add3A_187 = arith.constant 16 : i32
    %add3A_188 = arith.addi %mul3A_186, %add3A_187 : i32
    %get3A_189 = arith.index_cast %add3A_188 : i32 to index
    %get3A_190 = tpu.vector_load %arg6[%get3A_189] {strides = array<i32>} : memref<10000xi32, #tpu.memory_space<vmem>>, vector<16xi32>,
    %get3A_191 = vector.shape_cast %get3A_190 : vector<16xi32> to vector<16xi32>
    %and3A_192 = arith.constant 16383 : i32
    %and3A_193 = vector.broadcast %and3A_192 : i32 to vector<16xi32>
    %and3A_194 = arith.andi %get3A_191, %and3A_193 : vector<16xi32>
    %swap3A_195 = arith.constant 1 : i32
    %swap3A_196 = arith.constant 0 : i32
    %swap3A_197 = arith.index_cast %swap3A_195 : i32 to index
    %swap3A_198 = arith.index_cast %swap3A_196 : i32 to index
    %swap3A_199 = arith.constant 16 : index
    %swap3A_200 = tpu.vector_load %arg7[%swap3A_197, %swap3A_198, %swap3A_199] {strides = array<i32>} : memref<3x2x80xi32, #tpu.memory_space<vmem>>, vector<1x1x16xi32>,
    %swap3A_201 = vector.shape_cast %swap3A_200 : vector<1x1x16xi32> to vector<16xi32>
    %swap3A_202 = vector.shape_cast %and3A_194 : vector<16xi32> to vector<1x1x16xi32>
    tpu.vector_store %arg7[%swap3A_197, %swap3A_198, %swap3A_199], %swap3A_202 {strides = array<i32>} : memref<3x2x80xi32, #tpu.memory_space<vmem>>, vector<1x1x16xi32>,
    %shift_right_logical3A_203 = arith.constant 14 : i32
    %shift_right_logical3A_204 = vector.broadcast %shift_right_logical3A_203 : i32 to vector<16xi32>
    %shift_right_logical3A_205 = arith.shrui %get3A_191, %shift_right_logical3A_204 : vector<16xi32>
    %swap3A_206 = arith.constant 1 : i32
    %swap3A_207 = arith.constant 1 : i32
    %swap3A_208 = arith.index_cast %swap3A_206 : i32 to index
    %swap3A_209 = arith.index_cast %swap3A_207 : i32 to index
    %swap3A_210 = arith.constant 16 : index
    %swap3A_211 = tpu.vector_load %arg7[%swap3A_208, %swap3A_209, %swap3A_210] {strides = array<i32>} : memref<3x2x80xi32, #tpu.memory_space<vmem>>, vector<1x1x16xi32>,
    %swap3A_212 = vector.shape_cast %swap3A_211 : vector<1x1x16xi32> to vector<16xi32>
    %swap3A_213 = vector.shape_cast %shift_right_logical3A_205 : vector<16xi32> to vector<1x1x16xi32>
    tpu.vector_store %arg7[%swap3A_208, %swap3A_209, %swap3A_210], %swap3A_213 {strides = array<i32>} : memref<3x2x80xi32, #tpu.memory_space<vmem>>, vector<1x1x16xi32>,
    %mul3A_214 = arith.constant 1 : i32
    %mul3A_215 = arith.constant 80 : i32
    %mul3A_216 = arith.muli %mul3A_214, %mul3A_215 : i32
    %add3A_217 = arith.constant 32 : i32
    %add3A_218 = arith.addi %mul3A_216, %add3A_217 : i32
    %get3A_219 = arith.index_cast %add3A_218 : i32 to index
    %get3A_220 = tpu.vector_load %arg6[%get3A_219] {strides = array<i32>} : memref<10000xi32, #tpu.memory_space<vmem>>, vector<16xi32>,
    %get3A_221 = vector.shape_cast %get3A_220 : vector<16xi32> to vector<16xi32>
    %and3A_222 = arith.constant 16383 : i32
    %and3A_223 = vector.broadcast %and3A_222 : i32 to vector<16xi32>
    %and3A_224 = arith.andi %get3A_221, %and3A_223 : vector<16xi32>
    %swap3A_225 = arith.constant 1 : i32
    %swap3A_226 = arith.constant 0 : i32
    %swap3A_227 = arith.index_cast %swap3A_225 : i32 to index
    %swap3A_228 = arith.index_cast %swap3A_226 : i32 to index
    %swap3A_229 = arith.constant 32 : index
    %swap3A_230 = tpu.vector_load %arg7[%swap3A_227, %swap3A_228, %swap3A_229] {strides = array<i32>} : memref<3x2x80xi32, #tpu.memory_space<vmem>>, vector<1x1x16xi32>,
    %swap3A_231 = vector.shape_cast %swap3A_230 : vector<1x1x16xi32> to vector<16xi32>
    %swap3A_232 = vector.shape_cast %and3A_224 : vector<16xi32> to vector<1x1x16xi32>
    tpu.vector_store %arg7[%swap3A_227, %swap3A_228, %swap3A_229], %swap3A_232 {strides = array<i32>} : memref<3x2x80xi32, #tpu.memory_space<vmem>>, vector<1x1x16xi32>,
    %shift_right_logical3A_233 = arith.constant 14 : i32
    %shift_right_logical3A_234 = vector.broadcast %shift_right_logical3A_233 : i32 to vector<16xi32>
    %shift_right_logical3A_235 = arith.shrui %get3A_221, %shift_right_logical3A_234 : vector<16xi32>
    %swap3A_236 = arith.constant 1 : i32
    %swap3A_237 = arith.constant 1 : i32
    %swap3A_238 = arith.index_cast %swap3A_236 : i32 to index
    %swap3A_239 = arith.index_cast %swap3A_237 : i32 to index
    %swap3A_240 = arith.constant 32 : index
    %swap3A_241 = tpu.vector_load %arg7[%swap3A_238, %swap3A_239, %swap3A_240] {strides = array<i32>} : memref<3x2x80xi32, #tpu.memory_space<vmem>>, vector<1x1x16xi32>,
    %swap3A_242 = vector.shape_cast %swap3A_241 : vector<1x1x16xi32> to vector<16xi32>
    %swap3A_243 = vector.shape_cast %shift_right_logical3A_235 : vector<16xi32> to vector<1x1x16xi32>
    tpu.vector_store %arg7[%swap3A_238, %swap3A_239, %swap3A_240], %swap3A_243 {strides = array<i32>} : memref<3x2x80xi32, #tpu.memory_space<vmem>>, vector<1x1x16xi32>,
    %mul3A_244 = arith.constant 1 : i32
    %mul3A_245 = arith.constant 80 : i32
    %mul3A_246 = arith.muli %mul3A_244, %mul3A_245 : i32
    %add3A_247 = arith.constant 48 : i32
    %add3A_248 = arith.addi %mul3A_246, %add3A_247 : i32
    %get3A_249 = arith.index_cast %add3A_248 : i32 to index
    %get3A_250 = tpu.vector_load %arg6[%get3A_249] {strides = array<i32>} : memref<10000xi32, #tpu.memory_space<vmem>>, vector<16xi32>,
    %get3A_251 = vector.shape_cast %get3A_250 : vector<16xi32> to vector<16xi32>
    %and3A_252 = arith.constant 16383 : i32
    %and3A_253 = vector.broadcast %and3A_252 : i32 to vector<16xi32>
    %and3A_254 = arith.andi %get3A_251, %and3A_253 : vector<16xi32>
    %swap3A_255 = arith.constant 1 : i32
    %swap3A_256 = arith.constant 0 : i32
    %swap3A_257 = arith.index_cast %swap3A_255 : i32 to index
    %swap3A_258 = arith.index_cast %swap3A_256 : i32 to index
    %swap3A_259 = arith.constant 48 : index
    %swap3A_260 = tpu.vector_load %arg7[%swap3A_257, %swap3A_258, %swap3A_259] {strides = array<i32>} : memref<3x2x80xi32, #tpu.memory_space<vmem>>, vector<1x1x16xi32>,
    %swap3A_261 = vector.shape_cast %swap3A_260 : vector<1x1x16xi32> to vector<16xi32>
    %swap3A_262 = vector.shape_cast %and3A_254 : vector<16xi32> to vector<1x1x16xi32>
    tpu.vector_store %arg7[%swap3A_257, %swap3A_258, %swap3A_259], %swap3A_262 {strides = array<i32>} : memref<3x2x80xi32, #tpu.memory_space<vmem>>, vector<1x1x16xi32>,
    %shift_right_logical3A_263 = arith.constant 14 : i32
    %shift_right_logical3A_264 = vector.broadcast %shift_right_logical3A_263 : i32 to vector<16xi32>
    %shift_right_logical3A_265 = arith.shrui %get3A_251, %shift_right_logical3A_264 : vector<16xi32>
    %swap3A_266 = arith.constant 1 : i32
    %swap3A_267 = arith.constant 1 : i32
    %swap3A_268 = arith.index_cast %swap3A_266 : i32 to index
    %swap3A_269 = arith.index_cast %swap3A_267 : i32 to index
    %swap3A_270 = arith.constant 48 : index
    %swap3A_271 = tpu.vector_load %arg7[%swap3A_268, %swap3A_269, %swap3A_270] {strides = array<i32>} : memref<3x2x80xi32, #tpu.memory_space<vmem>>, vector<1x1x16xi32>,
    %swap3A_272 = vector.shape_cast %swap3A_271 : vector<1x1x16xi32> to vector<16xi32>
    %swap3A_273 = vector.shape_cast %shift_right_logical3A_265 : vector<16xi32> to vector<1x1x16xi32>
    tpu.vector_store %arg7[%swap3A_268, %swap3A_269, %swap3A_270], %swap3A_273 {strides = array<i32>} : memref<3x2x80xi32, #tpu.memory_space<vmem>>, vector<1x1x16xi32>,
    %mul3A_274 = arith.constant 1 : i32
    %mul3A_275 = arith.constant 80 : i32
    %mul3A_276 = arith.muli %mul3A_274, %mul3A_275 : i32
    %add3A_277 = arith.constant 64 : i32
    %add3A_278 = arith.addi %mul3A_276, %add3A_277 : i32
    %get3A_279 = arith.index_cast %add3A_278 : i32 to index
    %get3A_280 = tpu.vector_load %arg6[%get3A_279] {strides = array<i32>} : memref<10000xi32, #tpu.memory_space<vmem>>, vector<16xi32>,
    %get3A_281 = vector.shape_cast %get3A_280 : vector<16xi32> to vector<16xi32>
    %and3A_282 = arith.constant 16383 : i32
    %and3A_283 = vector.broadcast %and3A_282 : i32 to vector<16xi32>
    %and3A_284 = arith.andi %get3A_281, %and3A_283 : vector<16xi32>
    %swap3A_285 = arith.constant 1 : i32
    %swap3A_286 = arith.constant 0 : i32
    %swap3A_287 = arith.index_cast %swap3A_285 : i32 to index
    %swap3A_288 = arith.index_cast %swap3A_286 : i32 to index
    %swap3A_289 = arith.constant 64 : index
    %swap3A_290 = tpu.vector_load %arg7[%swap3A_287, %swap3A_288, %swap3A_289] {strides = array<i32>} : memref<3x2x80xi32, #tpu.memory_space<vmem>>, vector<1x1x16xi32>,
    %swap3A_291 = vector.shape_cast %swap3A_290 : vector<1x1x16xi32> to vector<16xi32>
    %swap3A_292 = vector.shape_cast %and3A_284 : vector<16xi32> to vector<1x1x16xi32>
    tpu.vector_store %arg7[%swap3A_287, %swap3A_288, %swap3A_289], %swap3A_292 {strides = array<i32>} : memref<3x2x80xi32, #tpu.memory_space<vmem>>, vector<1x1x16xi32>,
    %shift_right_logical3A_293 = arith.constant 14 : i32
    %shift_right_logical3A_294 = vector.broadcast %shift_right_logical3A_293 : i32 to vector<16xi32>
    %shift_right_logical3A_295 = arith.shrui %get3A_281, %shift_right_logical3A_294 : vector<16xi32>
    %swap3A_296 = arith.constant 1 : i32
    %swap3A_297 = arith.constant 1 : i32
    %swap3A_298 = arith.index_cast %swap3A_296 : i32 to index
    %swap3A_299 = arith.index_cast %swap3A_297 : i32 to index
    %swap3A_300 = arith.constant 64 : index
    %swap3A_301 = tpu.vector_load %arg7[%swap3A_298, %swap3A_299, %swap3A_300] {strides = array<i32>} : memref<3x2x80xi32, #tpu.memory_space<vmem>>, vector<1x1x16xi32>,
    %swap3A_302 = vector.shape_cast %swap3A_301 : vector<1x1x16xi32> to vector<16xi32>
    %swap3A_303 = vector.shape_cast %shift_right_logical3A_295 : vector<16xi32> to vector<1x1x16xi32>
    tpu.vector_store %arg7[%swap3A_298, %swap3A_299, %swap3A_300], %swap3A_303 {strides = array<i32>} : memref<3x2x80xi32, #tpu.memory_space<vmem>>, vector<1x1x16xi32>,
    %dma_start3A_304 = arith.constant 1 : i32
    %dma_start3A_305 = arith.constant 0 : i32
    %dma_start3A_306 = arith.constant 0 : i32
    %dma_start3A_307 = tpu.memref_slice %arg7[%dma_start3A_304, %dma_start3A_305, %dma_start3A_306] : memref<3x2x80xi32, #tpu.memory_space<vmem>> -> memref<1x1x80xi32, #tpu.memory_space<vmem>>
    %dma_start3A_308 = tpu.memref_squeeze %dma_start3A_307 : memref<1x1x80xi32, #tpu.memory_space<vmem>> -> memref<80xi32, #tpu.memory_space<vmem>>
    %dma_start3A_309 = arith.constant 0 : i32
    %dma_start3A_310 = arith.constant 0 : i32
    %dma_start3A_311 = tpu.memref_slice %arg2[%dma_start3A_309, %dma_start3A_310] : memref<10000x128xf32, #tpu.memory_space<hbm>> -> memref<10000x128xf32, #tpu.memory_space<hbm>>
    tpu.enqueue_indirect_dma source(%dma_start3A_311 : memref<10000x128xf32, #tpu.memory_space<hbm>>) target(%arg9 : memref<80x128xf32, #tpu.memory_space<vmem>>) offsets(%dma_start3A_308 : memref<80xi32, #tpu.memory_space<vmem>>) semaphore(%arg13 : memref<!tpu.dma_semaphore, #tpu.memory_space<semaphore_mem>>)
    %mul3A_312 = arith.constant 2 : i32
    %mul3A_313 = arith.constant 80 : i32
    %mul3A_314 = arith.muli %mul3A_312, %mul3A_313 : i32
    %add3A_315 = arith.constant 0 : i32
    %add3A_316 = arith.addi %mul3A_314, %add3A_315 : i32
    %get3A_317 = arith.index_cast %add3A_316 : i32 to index
    %get3A_318 = tpu.vector_load %arg6[%get3A_317] {strides = array<i32>} : memref<10000xi32, #tpu.memory_space<vmem>>, vector<16xi32>,
    %get3A_319 = vector.shape_cast %get3A_318 : vector<16xi32> to vector<16xi32>
    %and3A_320 = arith.constant 16383 : i32
    %and3A_321 = vector.broadcast %and3A_320 : i32 to vector<16xi32>
    %and3A_322 = arith.andi %get3A_319, %and3A_321 : vector<16xi32>
    %swap3A_323 = arith.constant 2 : i32
    %swap3A_324 = arith.constant 0 : i32
    %swap3A_325 = arith.index_cast %swap3A_323 : i32 to index
    %swap3A_326 = arith.index_cast %swap3A_324 : i32 to index
    %swap3A_327 = arith.constant 0 : index
    %swap3A_328 = tpu.vector_load %arg7[%swap3A_325, %swap3A_326, %swap3A_327] {strides = array<i32>} : memref<3x2x80xi32, #tpu.memory_space<vmem>>, vector<1x1x16xi32>,
    %swap3A_329 = vector.shape_cast %swap3A_328 : vector<1x1x16xi32> to vector<16xi32>
    %swap3A_330 = vector.shape_cast %and3A_322 : vector<16xi32> to vector<1x1x16xi32>
    tpu.vector_store %arg7[%swap3A_325, %swap3A_326, %swap3A_327], %swap3A_330 {strides = array<i32>} : memref<3x2x80xi32, #tpu.memory_space<vmem>>, vector<1x1x16xi32>,
    %shift_right_logical3A_331 = arith.constant 14 : i32
    %shift_right_logical3A_332 = vector.broadcast %shift_right_logical3A_331 : i32 to vector<16xi32>
    %shift_right_logical3A_333 = arith.shrui %get3A_319, %shift_right_logical3A_332 : vector<16xi32>
    %swap3A_334 = arith.constant 2 : i32
    %swap3A_335 = arith.constant 1 : i32
    %swap3A_336 = arith.index_cast %swap3A_334 : i32 to index
    %swap3A_337 = arith.index_cast %swap3A_335 : i32 to index
    %swap3A_338 = arith.constant 0 : index
    %swap3A_339 = tpu.vector_load %arg7[%swap3A_336, %swap3A_337, %swap3A_338] {strides = array<i32>} : memref<3x2x80xi32, #tpu.memory_space<vmem>>, vector<1x1x16xi32>,
    %swap3A_340 = vector.shape_cast %swap3A_339 : vector<1x1x16xi32> to vector<16xi32>
    %swap3A_341 = vector.shape_cast %shift_right_logical3A_333 : vector<16xi32> to vector<1x1x16xi32>
    tpu.vector_store %arg7[%swap3A_336, %swap3A_337, %swap3A_338], %swap3A_341 {strides = array<i32>} : memref<3x2x80xi32, #tpu.memory_space<vmem>>, vector<1x1x16xi32>,
    %mul3A_342 = arith.constant 2 : i32
    %mul3A_343 = arith.constant 80 : i32
    %mul3A_344 = arith.muli %mul3A_342, %mul3A_343 : i32
    %add3A_345 = arith.constant 16 : i32
    %add3A_346 = arith.addi %mul3A_344, %add3A_345 : i32
    %get3A_347 = arith.index_cast %add3A_346 : i32 to index
    %get3A_348 = tpu.vector_load %arg6[%get3A_347] {strides = array<i32>} : memref<10000xi32, #tpu.memory_space<vmem>>, vector<16xi32>,
    %get3A_349 = vector.shape_cast %get3A_348 : vector<16xi32> to vector<16xi32>
    %and3A_350 = arith.constant 16383 : i32
    %and3A_351 = vector.broadcast %and3A_350 : i32 to vector<16xi32>
    %and3A_352 = arith.andi %get3A_349, %and3A_351 : vector<16xi32>
    %swap3A_353 = arith.constant 2 : i32
    %swap3A_354 = arith.constant 0 : i32
    %swap3A_355 = arith.index_cast %swap3A_353 : i32 to index
    %swap3A_356 = arith.index_cast %swap3A_354 : i32 to index
    %swap3A_357 = arith.constant 16 : index
    %swap3A_358 = tpu.vector_load %arg7[%swap3A_355, %swap3A_356, %swap3A_357] {strides = array<i32>} : memref<3x2x80xi32, #tpu.memory_space<vmem>>, vector<1x1x16xi32>,
    %swap3A_359 = vector.shape_cast %swap3A_358 : vector<1x1x16xi32> to vector<16xi32>
    %swap3A_360 = vector.shape_cast %and3A_352 : vector<16xi32> to vector<1x1x16xi32>
    tpu.vector_store %arg7[%swap3A_355, %swap3A_356, %swap3A_357], %swap3A_360 {strides = array<i32>} : memref<3x2x80xi32, #tpu.memory_space<vmem>>, vector<1x1x16xi32>,
    %shift_right_logical3A_361 = arith.constant 14 : i32
    %shift_right_logical3A_362 = vector.broadcast %shift_right_logical3A_361 : i32 to vector<16xi32>
    %shift_right_logical3A_363 = arith.shrui %get3A_349, %shift_right_logical3A_362 : vector<16xi32>
    %swap3A_364 = arith.constant 2 : i32
    %swap3A_365 = arith.constant 1 : i32
    %swap3A_366 = arith.index_cast %swap3A_364 : i32 to index
    %swap3A_367 = arith.index_cast %swap3A_365 : i32 to index
    %swap3A_368 = arith.constant 16 : index
    %swap3A_369 = tpu.vector_load %arg7[%swap3A_366, %swap3A_367, %swap3A_368] {strides = array<i32>} : memref<3x2x80xi32, #tpu.memory_space<vmem>>, vector<1x1x16xi32>,
    %swap3A_370 = vector.shape_cast %swap3A_369 : vector<1x1x16xi32> to vector<16xi32>
    %swap3A_371 = vector.shape_cast %shift_right_logical3A_363 : vector<16xi32> to vector<1x1x16xi32>
    tpu.vector_store %arg7[%swap3A_366, %swap3A_367, %swap3A_368], %swap3A_371 {strides = array<i32>} : memref<3x2x80xi32, #tpu.memory_space<vmem>>, vector<1x1x16xi32>,
    %mul3A_372 = arith.constant 2 : i32
    %mul3A_373 = arith.constant 80 : i32
    %mul3A_374 = arith.muli %mul3A_372, %mul3A_373 : i32
    %add3A_375 = arith.constant 32 : i32
    %add3A_376 = arith.addi %mul3A_374, %add3A_375 : i32
    %get3A_377 = arith.index_cast %add3A_376 : i32 to index
    %get3A_378 = tpu.vector_load %arg6[%get3A_377] {strides = array<i32>} : memref<10000xi32, #tpu.memory_space<vmem>>, vector<16xi32>,
    %get3A_379 = vector.shape_cast %get3A_378 : vector<16xi32> to vector<16xi32>
    %and3A_380 = arith.constant 16383 : i32
    %and3A_381 = vector.broadcast %and3A_380 : i32 to vector<16xi32>
    %and3A_382 = arith.andi %get3A_379, %and3A_381 : vector<16xi32>
    %swap3A_383 = arith.constant 2 : i32
    %swap3A_384 = arith.constant 0 : i32
    %swap3A_385 = arith.index_cast %swap3A_383 : i32 to index
    %swap3A_386 = arith.index_cast %swap3A_384 : i32 to index
    %swap3A_387 = arith.constant 32 : index
    %swap3A_388 = tpu.vector_load %arg7[%swap3A_385, %swap3A_386, %swap3A_387] {strides = array<i32>} : memref<3x2x80xi32, #tpu.memory_space<vmem>>, vector<1x1x16xi32>,
    %swap3A_389 = vector.shape_cast %swap3A_388 : vector<1x1x16xi32> to vector<16xi32>
    %swap3A_390 = vector.shape_cast %and3A_382 : vector<16xi32> to vector<1x1x16xi32>
    tpu.vector_store %arg7[%swap3A_385, %swap3A_386, %swap3A_387], %swap3A_390 {strides = array<i32>} : memref<3x2x80xi32, #tpu.memory_space<vmem>>, vector<1x1x16xi32>,
    %shift_right_logical3A_391 = arith.constant 14 : i32
    %shift_right_logical3A_392 = vector.broadcast %shift_right_logical3A_391 : i32 to vector<16xi32>
    %shift_right_logical3A_393 = arith.shrui %get3A_379, %shift_right_logical3A_392 : vector<16xi32>
    %swap3A_394 = arith.constant 2 : i32
    %swap3A_395 = arith.constant 1 : i32
    %swap3A_396 = arith.index_cast %swap3A_394 : i32 to index
    %swap3A_397 = arith.index_cast %swap3A_395 : i32 to index
    %swap3A_398 = arith.constant 32 : index
    %swap3A_399 = tpu.vector_load %arg7[%swap3A_396, %swap3A_397, %swap3A_398] {strides = array<i32>} : memref<3x2x80xi32, #tpu.memory_space<vmem>>, vector<1x1x16xi32>,
    %swap3A_400 = vector.shape_cast %swap3A_399 : vector<1x1x16xi32> to vector<16xi32>
    %swap3A_401 = vector.shape_cast %shift_right_logical3A_393 : vector<16xi32> to vector<1x1x16xi32>
    tpu.vector_store %arg7[%swap3A_396, %swap3A_397, %swap3A_398], %swap3A_401 {strides = array<i32>} : memref<3x2x80xi32, #tpu.memory_space<vmem>>, vector<1x1x16xi32>,
    %mul3A_402 = arith.constant 2 : i32
    %mul3A_403 = arith.constant 80 : i32
    %mul3A_404 = arith.muli %mul3A_402, %mul3A_403 : i32
    %add3A_405 = arith.constant 48 : i32
    %add3A_406 = arith.addi %mul3A_404, %add3A_405 : i32
    %get3A_407 = arith.index_cast %add3A_406 : i32 to index
    %get3A_408 = tpu.vector_load %arg6[%get3A_407] {strides = array<i32>} : memref<10000xi32, #tpu.memory_space<vmem>>, vector<16xi32>,
    %get3A_409 = vector.shape_cast %get3A_408 : vector<16xi32> to vector<16xi32>
    %and3A_410 = arith.constant 16383 : i32
    %and3A_411 = vector.broadcast %and3A_410 : i32 to vector<16xi32>
    %and3A_412 = arith.andi %get3A_409, %and3A_411 : vector<16xi32>
    %swap3A_413 = arith.constant 2 : i32
    %swap3A_414 = arith.constant 0 : i32
    %swap3A_415 = arith.index_cast %swap3A_413 : i32 to index
    %swap3A_416 = arith.index_cast %swap3A_414 : i32 to index
    %swap3A_417 = arith.constant 48 : index
    %swap3A_418 = tpu.vector_load %arg7[%swap3A_415, %swap3A_416, %swap3A_417] {strides = array<i32>} : memref<3x2x80xi32, #tpu.memory_space<vmem>>, vector<1x1x16xi32>,
    %swap3A_419 = vector.shape_cast %swap3A_418 : vector<1x1x16xi32> to vector<16xi32>
    %swap3A_420 = vector.shape_cast %and3A_412 : vector<16xi32> to vector<1x1x16xi32>
    tpu.vector_store %arg7[%swap3A_415, %swap3A_416, %swap3A_417], %swap3A_420 {strides = array<i32>} : memref<3x2x80xi32, #tpu.memory_space<vmem>>, vector<1x1x16xi32>,
    %shift_right_logical3A_421 = arith.constant 14 : i32
    %shift_right_logical3A_422 = vector.broadcast %shift_right_logical3A_421 : i32 to vector<16xi32>
    %shift_right_logical3A_423 = arith.shrui %get3A_409, %shift_right_logical3A_422 : vector<16xi32>
    %swap3A_424 = arith.constant 2 : i32
    %swap3A_425 = arith.constant 1 : i32
    %swap3A_426 = arith.index_cast %swap3A_424 : i32 to index
    %swap3A_427 = arith.index_cast %swap3A_425 : i32 to index
    %swap3A_428 = arith.constant 48 : index
    %swap3A_429 = tpu.vector_load %arg7[%swap3A_426, %swap3A_427, %swap3A_428] {strides = array<i32>} : memref<3x2x80xi32, #tpu.memory_space<vmem>>, vector<1x1x16xi32>,
    %swap3A_430 = vector.shape_cast %swap3A_429 : vector<1x1x16xi32> to vector<16xi32>
    %swap3A_431 = vector.shape_cast %shift_right_logical3A_423 : vector<16xi32> to vector<1x1x16xi32>
    tpu.vector_store %arg7[%swap3A_426, %swap3A_427, %swap3A_428], %swap3A_431 {strides = array<i32>} : memref<3x2x80xi32, #tpu.memory_space<vmem>>, vector<1x1x16xi32>,
    %mul3A_432 = arith.constant 2 : i32
    %mul3A_433 = arith.constant 80 : i32
    %mul3A_434 = arith.muli %mul3A_432, %mul3A_433 : i32
    %add3A_435 = arith.constant 64 : i32
    %add3A_436 = arith.addi %mul3A_434, %add3A_435 : i32
    %get3A_437 = arith.index_cast %add3A_436 : i32 to index
    %get3A_438 = tpu.vector_load %arg6[%get3A_437] {strides = array<i32>} : memref<10000xi32, #tpu.memory_space<vmem>>, vector<16xi32>,
    %get3A_439 = vector.shape_cast %get3A_438 : vector<16xi32> to vector<16xi32>
    %and3A_440 = arith.constant 16383 : i32
    %and3A_441 = vector.broadcast %and3A_440 : i32 to vector<16xi32>
    %and3A_442 = arith.andi %get3A_439, %and3A_441 : vector<16xi32>
    %swap3A_443 = arith.constant 2 : i32
    %swap3A_444 = arith.constant 0 : i32
    %swap3A_445 = arith.index_cast %swap3A_443 : i32 to index
    %swap3A_446 = arith.index_cast %swap3A_444 : i32 to index
    %swap3A_447 = arith.constant 64 : index
    %swap3A_448 = tpu.vector_load %arg7[%swap3A_445, %swap3A_446, %swap3A_447] {strides = array<i32>} : memref<3x2x80xi32, #tpu.memory_space<vmem>>, vector<1x1x16xi32>,
    %swap3A_449 = vector.shape_cast %swap3A_448 : vector<1x1x16xi32> to vector<16xi32>
    %swap3A_450 = vector.shape_cast %and3A_442 : vector<16xi32> to vector<1x1x16xi32>
    tpu.vector_store %arg7[%swap3A_445, %swap3A_446, %swap3A_447], %swap3A_450 {strides = array<i32>} : memref<3x2x80xi32, #tpu.memory_space<vmem>>, vector<1x1x16xi32>,
    %shift_right_logical3A_451 = arith.constant 14 : i32
    %shift_right_logical3A_452 = vector.broadcast %shift_right_logical3A_451 : i32 to vector<16xi32>
    %shift_right_logical3A_453 = arith.shrui %get3A_439, %shift_right_logical3A_452 : vector<16xi32>
    %swap3A_454 = arith.constant 2 : i32
    %swap3A_455 = arith.constant 1 : i32
    %swap3A_456 = arith.index_cast %swap3A_454 : i32 to index
    %swap3A_457 = arith.index_cast %swap3A_455 : i32 to index
    %swap3A_458 = arith.constant 64 : index
    %swap3A_459 = tpu.vector_load %arg7[%swap3A_456, %swap3A_457, %swap3A_458] {strides = array<i32>} : memref<3x2x80xi32, #tpu.memory_space<vmem>>, vector<1x1x16xi32>,
    %swap3A_460 = vector.shape_cast %swap3A_459 : vector<1x1x16xi32> to vector<16xi32>
    %swap3A_461 = vector.shape_cast %shift_right_logical3A_453 : vector<16xi32> to vector<1x1x16xi32>
    tpu.vector_store %arg7[%swap3A_456, %swap3A_457, %swap3A_458], %swap3A_461 {strides = array<i32>} : memref<3x2x80xi32, #tpu.memory_space<vmem>>, vector<1x1x16xi32>,
    %dma_start3A_462 = arith.constant 2 : i32
    %dma_start3A_463 = arith.constant 0 : i32
    %dma_start3A_464 = arith.constant 0 : i32
    %dma_start3A_465 = tpu.memref_slice %arg7[%dma_start3A_462, %dma_start3A_463, %dma_start3A_464] : memref<3x2x80xi32, #tpu.memory_space<vmem>> -> memref<1x1x80xi32, #tpu.memory_space<vmem>>
    %dma_start3A_466 = tpu.memref_squeeze %dma_start3A_465 : memref<1x1x80xi32, #tpu.memory_space<vmem>> -> memref<80xi32, #tpu.memory_space<vmem>>
    %dma_start3A_467 = arith.constant 0 : i32
    %dma_start3A_468 = arith.constant 0 : i32
    %dma_start3A_469 = tpu.memref_slice %arg2[%dma_start3A_467, %dma_start3A_468] : memref<10000x128xf32, #tpu.memory_space<hbm>> -> memref<10000x128xf32, #tpu.memory_space<hbm>>
    tpu.enqueue_indirect_dma source(%dma_start3A_469 : memref<10000x128xf32, #tpu.memory_space<hbm>>) target(%arg10 : memref<80x128xf32, #tpu.memory_space<vmem>>) offsets(%dma_start3A_466 : memref<80xi32, #tpu.memory_space<vmem>>) semaphore(%arg14 : memref<!tpu.dma_semaphore, #tpu.memory_space<semaphore_mem>>)
    %mul3A_470 = arith.constant 624 : i32
    %mul3A_471 = arith.muli %arg1, %mul3A_470 : i32
    "tpu.region"() ({
      %run_scoped3A = tpu.sem_alloc : memref<!tpu.dma_semaphore, #tpu.memory_space<semaphore_mem>>
      %dma_start3A_536 = arith.constant 0 : i32
      %dma_start3A_537 = tpu.memref_slice %arg11[%mul3A_471, %dma_start3A_536] : memref<10000x128xf32, #tpu.memory_space<vmem_shared>> -> memref<624x128xf32, #tpu.memory_space<vmem_shared>>
      tpu.enqueue_dma source(%arg4 : memref<624x128xf32, #tpu.memory_space<hbm>>) target(%dma_start3A_537 : memref<624x128xf32, #tpu.memory_space<vmem_shared>>) target_semaphore(%run_scoped3A : memref<!tpu.dma_semaphore, #tpu.memory_space<semaphore_mem>>)
      %dma_wait3A_538 = arith.constant 0 : i32
      %dma_wait3A_539 = tpu.memref_slice %arg11[%mul3A_471, %dma_wait3A_538] : memref<10000x128xf32, #tpu.memory_space<vmem_shared>> -> memref<624x128xf32, #tpu.memory_space<vmem_shared>>
      tpu.wait_dma2 semaphore(%run_scoped3A : memref<!tpu.dma_semaphore, #tpu.memory_space<semaphore_mem>>) src(%arg4 : memref<624x128xf32, #tpu.memory_space<hbm>>) dst(%dma_wait3A_539 : memref<624x128xf32, #tpu.memory_space<vmem_shared>>)
      tpu.yield
    }) : () -> ()
    %eq3A = arith.constant 0 : i32
    %eq3A_472 = arith.cmpi eq, %arg1, %eq3A : i32
    %convert_element_type3A = arith.extui %eq3A_472 : i1 to i32
    %cond3A = arith.constant 0 : i32
    %cond3A_473 = arith.cmpi ne, %convert_element_type3A, %cond3A : i32
    scf.if %cond3A_473 {
      "tpu.region"() ({
        %run_scoped3A = tpu.sem_alloc : memref<!tpu.dma_semaphore, #tpu.memory_space<semaphore_mem>>
        %dma_start3A_536 = arith.constant 9984 : i32
        %dma_start3A_537 = arith.constant 0 : i32
        %dma_start3A_538 = tpu.memref_slice %arg11[%dma_start3A_536, %dma_start3A_537] : memref<10000x128xf32, #tpu.memory_space<vmem_shared>> -> memref<16x128xf32, #tpu.memory_space<vmem_shared>>
        %dma_start3A_539 = arith.constant 0 : i32
        %dma_start3A_540 = arith.constant 0 : i32
        %dma_start3A_541 = tpu.memref_slice %arg4[%dma_start3A_539, %dma_start3A_540] : memref<624x128xf32, #tpu.memory_space<hbm>> -> memref<16x128xf32, #tpu.memory_space<hbm>>
        tpu.enqueue_dma source(%dma_start3A_541 : memref<16x128xf32, #tpu.memory_space<hbm>>) target(%dma_start3A_538 : memref<16x128xf32, #tpu.memory_space<vmem_shared>>) target_semaphore(%run_scoped3A : memref<!tpu.dma_semaphore, #tpu.memory_space<semaphore_mem>>)
        %dma_wait3A_542 = arith.constant 9984 : i32
        %dma_wait3A_543 = arith.constant 0 : i32
        %dma_wait3A_544 = tpu.memref_slice %arg11[%dma_wait3A_542, %dma_wait3A_543] : memref<10000x128xf32, #tpu.memory_space<vmem_shared>> -> memref<16x128xf32, #tpu.memory_space<vmem_shared>>
        %dma_wait3A_545 = arith.constant 0 : i32
        %dma_wait3A_546 = arith.constant 0 : i32
        %dma_wait3A_547 = tpu.memref_slice %arg4[%dma_wait3A_545, %dma_wait3A_546] : memref<624x128xf32, #tpu.memory_space<hbm>> -> memref<16x128xf32, #tpu.memory_space<hbm>>
        tpu.wait_dma2 semaphore(%run_scoped3A : memref<!tpu.dma_semaphore, #tpu.memory_space<semaphore_mem>>) src(%dma_wait3A_547 : memref<16x128xf32, #tpu.memory_space<hbm>>) dst(%dma_wait3A_544 : memref<16x128xf32, #tpu.memory_space<vmem_shared>>)
        tpu.yield
      }) : () -> ()
    } else {
    }
    %barrier3A = arith.constant 0 : index
    tpu.barrier barrier_id(%barrier3A)
    %scan3A = arith.constant 0 : i32
    %scan3A_474 = arith.constant 0 : i32
    %scan3A_475 = arith.constant 41 : i32
    %scan3A_476 = arith.addi %scan3A_474, %scan3A_475 : i32
    %scan3A_477 = arith.constant 1 : i32
    scf.for %scan3A_536 = %scan3A_474 to %scan3A_476 step %scan3A_477  : i32 {
      %mul3A_537 = arith.constant 3 : i32
      %mul3A_538 = arith.muli %scan3A_536, %mul3A_537 : i32
      %add3A_539 = arith.constant 0 : i32
      %add3A_540 = arith.addi %mul3A_538, %add3A_539 : i32
      %dma_wait3A_541 = arith.constant 0 : i32
      %dma_wait3A_542 = arith.constant 0 : i32
      %dma_wait3A_543 = arith.constant 0 : i32
      %dma_wait3A_544 = tpu.memref_slice %arg7[%dma_wait3A_541, %dma_wait3A_542, %dma_wait3A_543] : memref<3x2x80xi32, #tpu.memory_space<vmem>> -> memref<1x1x80xi32, #tpu.memory_space<vmem>>
      %dma_wait3A_545 = tpu.memref_squeeze %dma_wait3A_544 : memref<1x1x80xi32, #tpu.memory_space<vmem>> -> memref<80xi32, #tpu.memory_space<vmem>>
      %dma_wait3A_546 = arith.constant 0 : i32
      %dma_wait3A_547 = arith.constant 0 : i32
      %dma_wait3A_548 = tpu.memref_slice %arg2[%dma_wait3A_546, %dma_wait3A_547] : memref<10000x128xf32, #tpu.memory_space<hbm>> -> memref<10000x128xf32, #tpu.memory_space<hbm>>
      tpu.wait_indirect_dma semaphore(%arg12 : memref<!tpu.dma_semaphore, #tpu.memory_space<semaphore_mem>>) src(%dma_wait3A_548 : memref<10000x128xf32, #tpu.memory_space<hbm>>) dst(%arg8 : memref<80x128xf32, #tpu.memory_space<vmem>>)
      %dma_start3A_549 = arith.constant 0 : i32
      %dma_start3A_550 = arith.constant 1 : i32
      %dma_start3A_551 = arith.constant 0 : i32
      %dma_start3A_552 = tpu.memref_slice %arg7[%dma_start3A_549, %dma_start3A_550, %dma_start3A_551] : memref<3x2x80xi32, #tpu.memory_space<vmem>> -> memref<1x1x80xi32, #tpu.memory_space<vmem>>
      %dma_start3A_553 = tpu.memref_squeeze %dma_start3A_552 : memref<1x1x80xi32, #tpu.memory_space<vmem>> -> memref<80xi32, #tpu.memory_space<vmem>>
      %dma_start3A_554 = arith.constant 0 : i32
      %dma_start3A_555 = arith.constant 0 : i32
      %dma_start3A_556 = tpu.memref_slice %arg11[%dma_start3A_554, %dma_start3A_555] : memref<10000x128xf32, #tpu.memory_space<vmem_shared>> -> memref<10000x128xf32, #tpu.memory_space<vmem_shared>>
      tpu.enqueue_indirect_dma source(%arg8 : memref<80x128xf32, #tpu.memory_space<vmem>>) target(%dma_start3A_556 : memref<10000x128xf32, #tpu.memory_space<vmem_shared>>) offsets(%dma_start3A_553 : memref<80xi32, #tpu.memory_space<vmem>>) semaphore(%arg15 : memref<!tpu.dma_semaphore, #tpu.memory_space<semaphore_mem>>) {add = true}
      %dma_wait3A_557 = arith.constant 0 : i32
      %dma_wait3A_558 = arith.constant 1 : i32
      %dma_wait3A_559 = arith.constant 0 : i32
      %dma_wait3A_560 = tpu.memref_slice %arg7[%dma_wait3A_557, %dma_wait3A_558, %dma_wait3A_559] : memref<3x2x80xi32, #tpu.memory_space<vmem>> -> memref<1x1x80xi32, #tpu.memory_space<vmem>>
      %dma_wait3A_561 = tpu.memref_squeeze %dma_wait3A_560 : memref<1x1x80xi32, #tpu.memory_space<vmem>> -> memref<80xi32, #tpu.memory_space<vmem>>
      %dma_wait3A_562 = arith.constant 0 : i32
      %dma_wait3A_563 = arith.constant 0 : i32
      %dma_wait3A_564 = tpu.memref_slice %arg11[%dma_wait3A_562, %dma_wait3A_563] : memref<10000x128xf32, #tpu.memory_space<vmem_shared>> -> memref<10000x128xf32, #tpu.memory_space<vmem_shared>>
      tpu.wait_indirect_dma semaphore(%arg15 : memref<!tpu.dma_semaphore, #tpu.memory_space<semaphore_mem>>) src(%arg8 : memref<80x128xf32, #tpu.memory_space<vmem>>) dst(%dma_wait3A_564 : memref<10000x128xf32, #tpu.memory_space<vmem_shared>>)
      %add3A_565 = arith.constant 3 : i32
      %add3A_566 = arith.addi %add3A_540, %add3A_565 : i32
      %lt3A = arith.constant 125 : i32
      %lt3A_567 = arith.cmpi slt, %add3A_566, %lt3A : i32
      %convert_element_type3A_568 = arith.extui %lt3A_567 : i1 to i32
      %cond3A_569 = arith.constant 0 : i32
      %cond3A_570 = arith.cmpi ne, %convert_element_type3A_568, %cond3A_569 : i32
      scf.if %cond3A_570 {
        %mul3A_641 = arith.constant 80 : i32
        %mul3A_642 = arith.muli %add3A_566, %mul3A_641 : i32
        %add3A_643 = arith.constant 0 : i32
        %add3A_644 = arith.addi %mul3A_642, %add3A_643 : i32
        %get3A_645 = arith.index_cast %add3A_644 : i32 to index
        %get3A_646 = tpu.vector_load %arg6[%get3A_645] {strides = array<i32>} : memref<10000xi32, #tpu.memory_space<vmem>>, vector<16xi32>,
        %get3A_647 = vector.shape_cast %get3A_646 : vector<16xi32> to vector<16xi32>
        %and3A_648 = arith.constant 16383 : i32
        %and3A_649 = vector.broadcast %and3A_648 : i32 to vector<16xi32>
        %and3A_650 = arith.andi %get3A_647, %and3A_649 : vector<16xi32>
        %swap3A_651 = arith.constant 0 : i32
        %swap3A_652 = arith.constant 0 : i32
        %swap3A_653 = arith.index_cast %swap3A_651 : i32 to index
        %swap3A_654 = arith.index_cast %swap3A_652 : i32 to index
        %swap3A_655 = arith.constant 0 : index
        %swap3A_656 = tpu.vector_load %arg7[%swap3A_653, %swap3A_654, %swap3A_655] {strides = array<i32>} : memref<3x2x80xi32, #tpu.memory_space<vmem>>, vector<1x1x16xi32>,
        %swap3A_657 = vector.shape_cast %swap3A_656 : vector<1x1x16xi32> to vector<16xi32>
        %swap3A_658 = vector.shape_cast %and3A_650 : vector<16xi32> to vector<1x1x16xi32>
        tpu.vector_store %arg7[%swap3A_653, %swap3A_654, %swap3A_655], %swap3A_658 {strides = array<i32>} : memref<3x2x80xi32, #tpu.memory_space<vmem>>, vector<1x1x16xi32>,
        %shift_right_logical3A_659 = arith.constant 14 : i32
        %shift_right_logical3A_660 = vector.broadcast %shift_right_logical3A_659 : i32 to vector<16xi32>
        %shift_right_logical3A_661 = arith.shrui %get3A_647, %shift_right_logical3A_660 : vector<16xi32>
        %swap3A_662 = arith.constant 0 : i32
        %swap3A_663 = arith.constant 1 : i32
        %swap3A_664 = arith.index_cast %swap3A_662 : i32 to index
        %swap3A_665 = arith.index_cast %swap3A_663 : i32 to index
        %swap3A_666 = arith.constant 0 : index
        %swap3A_667 = tpu.vector_load %arg7[%swap3A_664, %swap3A_665, %swap3A_666] {strides = array<i32>} : memref<3x2x80xi32, #tpu.memory_space<vmem>>, vector<1x1x16xi32>,
        %swap3A_668 = vector.shape_cast %swap3A_667 : vector<1x1x16xi32> to vector<16xi32>
        %swap3A_669 = vector.shape_cast %shift_right_logical3A_661 : vector<16xi32> to vector<1x1x16xi32>
        tpu.vector_store %arg7[%swap3A_664, %swap3A_665, %swap3A_666], %swap3A_669 {strides = array<i32>} : memref<3x2x80xi32, #tpu.memory_space<vmem>>, vector<1x1x16xi32>,
        %mul3A_670 = arith.constant 80 : i32
        %mul3A_671 = arith.muli %add3A_566, %mul3A_670 : i32
        %add3A_672 = arith.constant 16 : i32
        %add3A_673 = arith.addi %mul3A_671, %add3A_672 : i32
        %get3A_674 = arith.index_cast %add3A_673 : i32 to index
        %get3A_675 = tpu.vector_load %arg6[%get3A_674] {strides = array<i32>} : memref<10000xi32, #tpu.memory_space<vmem>>, vector<16xi32>,
        %get3A_676 = vector.shape_cast %get3A_675 : vector<16xi32> to vector<16xi32>
        %and3A_677 = arith.constant 16383 : i32
        %and3A_678 = vector.broadcast %and3A_677 : i32 to vector<16xi32>
        %and3A_679 = arith.andi %get3A_676, %and3A_678 : vector<16xi32>
        %swap3A_680 = arith.constant 0 : i32
        %swap3A_681 = arith.constant 0 : i32
        %swap3A_682 = arith.index_cast %swap3A_680 : i32 to index
        %swap3A_683 = arith.index_cast %swap3A_681 : i32 to index
        %swap3A_684 = arith.constant 16 : index
        %swap3A_685 = tpu.vector_load %arg7[%swap3A_682, %swap3A_683, %swap3A_684] {strides = array<i32>} : memref<3x2x80xi32, #tpu.memory_space<vmem>>, vector<1x1x16xi32>,
        %swap3A_686 = vector.shape_cast %swap3A_685 : vector<1x1x16xi32> to vector<16xi32>
        %swap3A_687 = vector.shape_cast %and3A_679 : vector<16xi32> to vector<1x1x16xi32>
        tpu.vector_store %arg7[%swap3A_682, %swap3A_683, %swap3A_684], %swap3A_687 {strides = array<i32>} : memref<3x2x80xi32, #tpu.memory_space<vmem>>, vector<1x1x16xi32>,
        %shift_right_logical3A_688 = arith.constant 14 : i32
        %shift_right_logical3A_689 = vector.broadcast %shift_right_logical3A_688 : i32 to vector<16xi32>
        %shift_right_logical3A_690 = arith.shrui %get3A_676, %shift_right_logical3A_689 : vector<16xi32>
        %swap3A_691 = arith.constant 0 : i32
        %swap3A_692 = arith.constant 1 : i32
        %swap3A_693 = arith.index_cast %swap3A_691 : i32 to index
        %swap3A_694 = arith.index_cast %swap3A_692 : i32 to index
        %swap3A_695 = arith.constant 16 : index
        %swap3A_696 = tpu.vector_load %arg7[%swap3A_693, %swap3A_694, %swap3A_695] {strides = array<i32>} : memref<3x2x80xi32, #tpu.memory_space<vmem>>, vector<1x1x16xi32>,
        %swap3A_697 = vector.shape_cast %swap3A_696 : vector<1x1x16xi32> to vector<16xi32>
        %swap3A_698 = vector.shape_cast %shift_right_logical3A_690 : vector<16xi32> to vector<1x1x16xi32>
        tpu.vector_store %arg7[%swap3A_693, %swap3A_694, %swap3A_695], %swap3A_698 {strides = array<i32>} : memref<3x2x80xi32, #tpu.memory_space<vmem>>, vector<1x1x16xi32>,
        %mul3A_699 = arith.constant 80 : i32
        %mul3A_700 = arith.muli %add3A_566, %mul3A_699 : i32
        %add3A_701 = arith.constant 32 : i32
        %add3A_702 = arith.addi %mul3A_700, %add3A_701 : i32
        %get3A_703 = arith.index_cast %add3A_702 : i32 to index
        %get3A_704 = tpu.vector_load %arg6[%get3A_703] {strides = array<i32>} : memref<10000xi32, #tpu.memory_space<vmem>>, vector<16xi32>,
        %get3A_705 = vector.shape_cast %get3A_704 : vector<16xi32> to vector<16xi32>
        %and3A_706 = arith.constant 16383 : i32
        %and3A_707 = vector.broadcast %and3A_706 : i32 to vector<16xi32>
        %and3A_708 = arith.andi %get3A_705, %and3A_707 : vector<16xi32>
        %swap3A_709 = arith.constant 0 : i32
        %swap3A_710 = arith.constant 0 : i32
        %swap3A_711 = arith.index_cast %swap3A_709 : i32 to index
        %swap3A_712 = arith.index_cast %swap3A_710 : i32 to index
        %swap3A_713 = arith.constant 32 : index
        %swap3A_714 = tpu.vector_load %arg7[%swap3A_711, %swap3A_712, %swap3A_713] {strides = array<i32>} : memref<3x2x80xi32, #tpu.memory_space<vmem>>, vector<1x1x16xi32>,
        %swap3A_715 = vector.shape_cast %swap3A_714 : vector<1x1x16xi32> to vector<16xi32>
        %swap3A_716 = vector.shape_cast %and3A_708 : vector<16xi32> to vector<1x1x16xi32>
        tpu.vector_store %arg7[%swap3A_711, %swap3A_712, %swap3A_713], %swap3A_716 {strides = array<i32>} : memref<3x2x80xi32, #tpu.memory_space<vmem>>, vector<1x1x16xi32>,
        %shift_right_logical3A_717 = arith.constant 14 : i32
        %shift_right_logical3A_718 = vector.broadcast %shift_right_logical3A_717 : i32 to vector<16xi32>
        %shift_right_logical3A_719 = arith.shrui %get3A_705, %shift_right_logical3A_718 : vector<16xi32>
        %swap3A_720 = arith.constant 0 : i32
        %swap3A_721 = arith.constant 1 : i32
        %swap3A_722 = arith.index_cast %swap3A_720 : i32 to index
        %swap3A_723 = arith.index_cast %swap3A_721 : i32 to index
        %swap3A_724 = arith.constant 32 : index
        %swap3A_725 = tpu.vector_load %arg7[%swap3A_722, %swap3A_723, %swap3A_724] {strides = array<i32>} : memref<3x2x80xi32, #tpu.memory_space<vmem>>, vector<1x1x16xi32>,
        %swap3A_726 = vector.shape_cast %swap3A_725 : vector<1x1x16xi32> to vector<16xi32>
        %swap3A_727 = vector.shape_cast %shift_right_logical3A_719 : vector<16xi32> to vector<1x1x16xi32>
        tpu.vector_store %arg7[%swap3A_722, %swap3A_723, %swap3A_724], %swap3A_727 {strides = array<i32>} : memref<3x2x80xi32, #tpu.memory_space<vmem>>, vector<1x1x16xi32>,
        %mul3A_728 = arith.constant 80 : i32
        %mul3A_729 = arith.muli %add3A_566, %mul3A_728 : i32
        %add3A_730 = arith.constant 48 : i32
        %add3A_731 = arith.addi %mul3A_729, %add3A_730 : i32
        %get3A_732 = arith.index_cast %add3A_731 : i32 to index
        %get3A_733 = tpu.vector_load %arg6[%get3A_732] {strides = array<i32>} : memref<10000xi32, #tpu.memory_space<vmem>>, vector<16xi32>,
        %get3A_734 = vector.shape_cast %get3A_733 : vector<16xi32> to vector<16xi32>
        %and3A_735 = arith.constant 16383 : i32
        %and3A_736 = vector.broadcast %and3A_735 : i32 to vector<16xi32>
        %and3A_737 = arith.andi %get3A_734, %and3A_736 : vector<16xi32>
        %swap3A_738 = arith.constant 0 : i32
        %swap3A_739 = arith.constant 0 : i32
        %swap3A_740 = arith.index_cast %swap3A_738 : i32 to index
        %swap3A_741 = arith.index_cast %swap3A_739 : i32 to index
        %swap3A_742 = arith.constant 48 : index
        %swap3A_743 = tpu.vector_load %arg7[%swap3A_740, %swap3A_741, %swap3A_742] {strides = array<i32>} : memref<3x2x80xi32, #tpu.memory_space<vmem>>, vector<1x1x16xi32>,
        %swap3A_744 = vector.shape_cast %swap3A_743 : vector<1x1x16xi32> to vector<16xi32>
        %swap3A_745 = vector.shape_cast %and3A_737 : vector<16xi32> to vector<1x1x16xi32>
        tpu.vector_store %arg7[%swap3A_740, %swap3A_741, %swap3A_742], %swap3A_745 {strides = array<i32>} : memref<3x2x80xi32, #tpu.memory_space<vmem>>, vector<1x1x16xi32>,
        %shift_right_logical3A_746 = arith.constant 14 : i32
        %shift_right_logical3A_747 = vector.broadcast %shift_right_logical3A_746 : i32 to vector<16xi32>
        %shift_right_logical3A_748 = arith.shrui %get3A_734, %shift_right_logical3A_747 : vector<16xi32>
        %swap3A_749 = arith.constant 0 : i32
        %swap3A_750 = arith.constant 1 : i32
        %swap3A_751 = arith.index_cast %swap3A_749 : i32 to index
        %swap3A_752 = arith.index_cast %swap3A_750 : i32 to index
        %swap3A_753 = arith.constant 48 : index
        %swap3A_754 = tpu.vector_load %arg7[%swap3A_751, %swap3A_752, %swap3A_753] {strides = array<i32>} : memref<3x2x80xi32, #tpu.memory_space<vmem>>, vector<1x1x16xi32>,
        %swap3A_755 = vector.shape_cast %swap3A_754 : vector<1x1x16xi32> to vector<16xi32>
        %swap3A_756 = vector.shape_cast %shift_right_logical3A_748 : vector<16xi32> to vector<1x1x16xi32>
        tpu.vector_store %arg7[%swap3A_751, %swap3A_752, %swap3A_753], %swap3A_756 {strides = array<i32>} : memref<3x2x80xi32, #tpu.memory_space<vmem>>, vector<1x1x16xi32>,
        %mul3A_757 = arith.constant 80 : i32
        %mul3A_758 = arith.muli %add3A_566, %mul3A_757 : i32
        %add3A_759 = arith.constant 64 : i32
        %add3A_760 = arith.addi %mul3A_758, %add3A_759 : i32
        %get3A_761 = arith.index_cast %add3A_760 : i32 to index
        %get3A_762 = tpu.vector_load %arg6[%get3A_761] {strides = array<i32>} : memref<10000xi32, #tpu.memory_space<vmem>>, vector<16xi32>,
        %get3A_763 = vector.shape_cast %get3A_762 : vector<16xi32> to vector<16xi32>
        %and3A_764 = arith.constant 16383 : i32
        %and3A_765 = vector.broadcast %and3A_764 : i32 to vector<16xi32>
        %and3A_766 = arith.andi %get3A_763, %and3A_765 : vector<16xi32>
        %swap3A_767 = arith.constant 0 : i32
        %swap3A_768 = arith.constant 0 : i32
        %swap3A_769 = arith.index_cast %swap3A_767 : i32 to index
        %swap3A_770 = arith.index_cast %swap3A_768 : i32 to index
        %swap3A_771 = arith.constant 64 : index
        %swap3A_772 = tpu.vector_load %arg7[%swap3A_769, %swap3A_770, %swap3A_771] {strides = array<i32>} : memref<3x2x80xi32, #tpu.memory_space<vmem>>, vector<1x1x16xi32>,
        %swap3A_773 = vector.shape_cast %swap3A_772 : vector<1x1x16xi32> to vector<16xi32>
        %swap3A_774 = vector.shape_cast %and3A_766 : vector<16xi32> to vector<1x1x16xi32>
        tpu.vector_store %arg7[%swap3A_769, %swap3A_770, %swap3A_771], %swap3A_774 {strides = array<i32>} : memref<3x2x80xi32, #tpu.memory_space<vmem>>, vector<1x1x16xi32>,
        %shift_right_logical3A_775 = arith.constant 14 : i32
        %shift_right_logical3A_776 = vector.broadcast %shift_right_logical3A_775 : i32 to vector<16xi32>
        %shift_right_logical3A_777 = arith.shrui %get3A_763, %shift_right_logical3A_776 : vector<16xi32>
        %swap3A_778 = arith.constant 0 : i32
        %swap3A_779 = arith.constant 1 : i32
        %swap3A_780 = arith.index_cast %swap3A_778 : i32 to index
        %swap3A_781 = arith.index_cast %swap3A_779 : i32 to index
        %swap3A_782 = arith.constant 64 : index
        %swap3A_783 = tpu.vector_load %arg7[%swap3A_780, %swap3A_781, %swap3A_782] {strides = array<i32>} : memref<3x2x80xi32, #tpu.memory_space<vmem>>, vector<1x1x16xi32>,
        %swap3A_784 = vector.shape_cast %swap3A_783 : vector<1x1x16xi32> to vector<16xi32>
        %swap3A_785 = vector.shape_cast %shift_right_logical3A_777 : vector<16xi32> to vector<1x1x16xi32>
        tpu.vector_store %arg7[%swap3A_780, %swap3A_781, %swap3A_782], %swap3A_785 {strides = array<i32>} : memref<3x2x80xi32, #tpu.memory_space<vmem>>, vector<1x1x16xi32>,
        %dma_start3A_786 = arith.constant 0 : i32
        %dma_start3A_787 = arith.constant 0 : i32
        %dma_start3A_788 = arith.constant 0 : i32
        %dma_start3A_789 = tpu.memref_slice %arg7[%dma_start3A_786, %dma_start3A_787, %dma_start3A_788] : memref<3x2x80xi32, #tpu.memory_space<vmem>> -> memref<1x1x80xi32, #tpu.memory_space<vmem>>
        %dma_start3A_790 = tpu.memref_squeeze %dma_start3A_789 : memref<1x1x80xi32, #tpu.memory_space<vmem>> -> memref<80xi32, #tpu.memory_space<vmem>>
        %dma_start3A_791 = arith.constant 0 : i32
        %dma_start3A_792 = arith.constant 0 : i32
        %dma_start3A_793 = tpu.memref_slice %arg2[%dma_start3A_791, %dma_start3A_792] : memref<10000x128xf32, #tpu.memory_space<hbm>> -> memref<10000x128xf32, #tpu.memory_space<hbm>>
        tpu.enqueue_indirect_dma source(%dma_start3A_793 : memref<10000x128xf32, #tpu.memory_space<hbm>>) target(%arg8 : memref<80x128xf32, #tpu.memory_space<vmem>>) offsets(%dma_start3A_790 : memref<80xi32, #tpu.memory_space<vmem>>) semaphore(%arg12 : memref<!tpu.dma_semaphore, #tpu.memory_space<semaphore_mem>>)
      } else {
      }
      %mul3A_571 = arith.constant 3 : i32
      %mul3A_572 = arith.muli %scan3A_536, %mul3A_571 : i32
      %add3A_573 = arith.constant 1 : i32
      %add3A_574 = arith.addi %mul3A_572, %add3A_573 : i32
      %dma_wait3A_575 = arith.constant 1 : i32
      %dma_wait3A_576 = arith.constant 0 : i32
      %dma_wait3A_577 = arith.constant 0 : i32
      %dma_wait3A_578 = tpu.memref_slice %arg7[%dma_wait3A_575, %dma_wait3A_576, %dma_wait3A_577] : memref<3x2x80xi32, #tpu.memory_space<vmem>> -> memref<1x1x80xi32, #tpu.memory_space<vmem>>
      %dma_wait3A_579 = tpu.memref_squeeze %dma_wait3A_578 : memref<1x1x80xi32, #tpu.memory_space<vmem>> -> memref<80xi32, #tpu.memory_space<vmem>>
      %dma_wait3A_580 = arith.constant 0 : i32
      %dma_wait3A_581 = arith.constant 0 : i32
      %dma_wait3A_582 = tpu.memref_slice %arg2[%dma_wait3A_580, %dma_wait3A_581] : memref<10000x128xf32, #tpu.memory_space<hbm>> -> memref<10000x128xf32, #tpu.memory_space<hbm>>
      tpu.wait_indirect_dma semaphore(%arg13 : memref<!tpu.dma_semaphore, #tpu.memory_space<semaphore_mem>>) src(%dma_wait3A_582 : memref<10000x128xf32, #tpu.memory_space<hbm>>) dst(%arg9 : memref<80x128xf32, #tpu.memory_space<vmem>>)
      %dma_start3A_583 = arith.constant 1 : i32
      %dma_start3A_584 = arith.constant 1 : i32
      %dma_start3A_585 = arith.constant 0 : i32
      %dma_start3A_586 = tpu.memref_slice %arg7[%dma_start3A_583, %dma_start3A_584, %dma_start3A_585] : memref<3x2x80xi32, #tpu.memory_space<vmem>> -> memref<1x1x80xi32, #tpu.memory_space<vmem>>
      %dma_start3A_587 = tpu.memref_squeeze %dma_start3A_586 : memref<1x1x80xi32, #tpu.memory_space<vmem>> -> memref<80xi32, #tpu.memory_space<vmem>>
      %dma_start3A_588 = arith.constant 0 : i32
      %dma_start3A_589 = arith.constant 0 : i32
      %dma_start3A_590 = tpu.memref_slice %arg11[%dma_start3A_588, %dma_start3A_589] : memref<10000x128xf32, #tpu.memory_space<vmem_shared>> -> memref<10000x128xf32, #tpu.memory_space<vmem_shared>>
      tpu.enqueue_indirect_dma source(%arg9 : memref<80x128xf32, #tpu.memory_space<vmem>>) target(%dma_start3A_590 : memref<10000x128xf32, #tpu.memory_space<vmem_shared>>) offsets(%dma_start3A_587 : memref<80xi32, #tpu.memory_space<vmem>>) semaphore(%arg16 : memref<!tpu.dma_semaphore, #tpu.memory_space<semaphore_mem>>) {add = true}
      %dma_wait3A_591 = arith.constant 1 : i32
      %dma_wait3A_592 = arith.constant 1 : i32
      %dma_wait3A_593 = arith.constant 0 : i32
      %dma_wait3A_594 = tpu.memref_slice %arg7[%dma_wait3A_591, %dma_wait3A_592, %dma_wait3A_593] : memref<3x2x80xi32, #tpu.memory_space<vmem>> -> memref<1x1x80xi32, #tpu.memory_space<vmem>>
      %dma_wait3A_595 = tpu.memref_squeeze %dma_wait3A_594 : memref<1x1x80xi32, #tpu.memory_space<vmem>> -> memref<80xi32, #tpu.memory_space<vmem>>
      %dma_wait3A_596 = arith.constant 0 : i32
      %dma_wait3A_597 = arith.constant 0 : i32
      %dma_wait3A_598 = tpu.memref_slice %arg11[%dma_wait3A_596, %dma_wait3A_597] : memref<10000x128xf32, #tpu.memory_space<vmem_shared>> -> memref<10000x128xf32, #tpu.memory_space<vmem_shared>>
      tpu.wait_indirect_dma semaphore(%arg16 : memref<!tpu.dma_semaphore, #tpu.memory_space<semaphore_mem>>) src(%arg9 : memref<80x128xf32, #tpu.memory_space<vmem>>) dst(%dma_wait3A_598 : memref<10000x128xf32, #tpu.memory_space<vmem_shared>>)
      %add3A_599 = arith.constant 3 : i32
      %add3A_600 = arith.addi %add3A_574, %add3A_599 : i32
      %lt3A_601 = arith.constant 125 : i32
      %lt3A_602 = arith.cmpi slt, %add3A_600, %lt3A_601 : i32
      %convert_element_type3A_603 = arith.extui %lt3A_602 : i1 to i32
      %cond3A_604 = arith.constant 0 : i32
      %cond3A_605 = arith.cmpi ne, %convert_element_type3A_603, %cond3A_604 : i32
      scf.if %cond3A_605 {
        %mul3A_641 = arith.constant 80 : i32
        %mul3A_642 = arith.muli %add3A_600, %mul3A_641 : i32
        %add3A_643 = arith.constant 0 : i32
        %add3A_644 = arith.addi %mul3A_642, %add3A_643 : i32
        %get3A_645 = arith.index_cast %add3A_644 : i32 to index
        %get3A_646 = tpu.vector_load %arg6[%get3A_645] {strides = array<i32>} : memref<10000xi32, #tpu.memory_space<vmem>>, vector<16xi32>,
        %get3A_647 = vector.shape_cast %get3A_646 : vector<16xi32> to vector<16xi32>
        %and3A_648 = arith.constant 16383 : i32
        %and3A_649 = vector.broadcast %and3A_648 : i32 to vector<16xi32>
        %and3A_650 = arith.andi %get3A_647, %and3A_649 : vector<16xi32>
        %swap3A_651 = arith.constant 1 : i32
        %swap3A_652 = arith.constant 0 : i32
        %swap3A_653 = arith.index_cast %swap3A_651 : i32 to index
        %swap3A_654 = arith.index_cast %swap3A_652 : i32 to index
        %swap3A_655 = arith.constant 0 : index
        %swap3A_656 = tpu.vector_load %arg7[%swap3A_653, %swap3A_654, %swap3A_655] {strides = array<i32>} : memref<3x2x80xi32, #tpu.memory_space<vmem>>, vector<1x1x16xi32>,
        %swap3A_657 = vector.shape_cast %swap3A_656 : vector<1x1x16xi32> to vector<16xi32>
        %swap3A_658 = vector.shape_cast %and3A_650 : vector<16xi32> to vector<1x1x16xi32>
        tpu.vector_store %arg7[%swap3A_653, %swap3A_654, %swap3A_655], %swap3A_658 {strides = array<i32>} : memref<3x2x80xi32, #tpu.memory_space<vmem>>, vector<1x1x16xi32>,
        %shift_right_logical3A_659 = arith.constant 14 : i32
        %shift_right_logical3A_660 = vector.broadcast %shift_right_logical3A_659 : i32 to vector<16xi32>
        %shift_right_logical3A_661 = arith.shrui %get3A_647, %shift_right_logical3A_660 : vector<16xi32>
        %swap3A_662 = arith.constant 1 : i32
        %swap3A_663 = arith.constant 1 : i32
        %swap3A_664 = arith.index_cast %swap3A_662 : i32 to index
        %swap3A_665 = arith.index_cast %swap3A_663 : i32 to index
        %swap3A_666 = arith.constant 0 : index
        %swap3A_667 = tpu.vector_load %arg7[%swap3A_664, %swap3A_665, %swap3A_666] {strides = array<i32>} : memref<3x2x80xi32, #tpu.memory_space<vmem>>, vector<1x1x16xi32>,
        %swap3A_668 = vector.shape_cast %swap3A_667 : vector<1x1x16xi32> to vector<16xi32>
        %swap3A_669 = vector.shape_cast %shift_right_logical3A_661 : vector<16xi32> to vector<1x1x16xi32>
        tpu.vector_store %arg7[%swap3A_664, %swap3A_665, %swap3A_666], %swap3A_669 {strides = array<i32>} : memref<3x2x80xi32, #tpu.memory_space<vmem>>, vector<1x1x16xi32>,
        %mul3A_670 = arith.constant 80 : i32
        %mul3A_671 = arith.muli %add3A_600, %mul3A_670 : i32
        %add3A_672 = arith.constant 16 : i32
        %add3A_673 = arith.addi %mul3A_671, %add3A_672 : i32
        %get3A_674 = arith.index_cast %add3A_673 : i32 to index
        %get3A_675 = tpu.vector_load %arg6[%get3A_674] {strides = array<i32>} : memref<10000xi32, #tpu.memory_space<vmem>>, vector<16xi32>,
        %get3A_676 = vector.shape_cast %get3A_675 : vector<16xi32> to vector<16xi32>
        %and3A_677 = arith.constant 16383 : i32
        %and3A_678 = vector.broadcast %and3A_677 : i32 to vector<16xi32>
        %and3A_679 = arith.andi %get3A_676, %and3A_678 : vector<16xi32>
        %swap3A_680 = arith.constant 1 : i32
        %swap3A_681 = arith.constant 0 : i32
        %swap3A_682 = arith.index_cast %swap3A_680 : i32 to index
        %swap3A_683 = arith.index_cast %swap3A_681 : i32 to index
        %swap3A_684 = arith.constant 16 : index
        %swap3A_685 = tpu.vector_load %arg7[%swap3A_682, %swap3A_683, %swap3A_684] {strides = array<i32>} : memref<3x2x80xi32, #tpu.memory_space<vmem>>, vector<1x1x16xi32>,
        %swap3A_686 = vector.shape_cast %swap3A_685 : vector<1x1x16xi32> to vector<16xi32>
        %swap3A_687 = vector.shape_cast %and3A_679 : vector<16xi32> to vector<1x1x16xi32>
        tpu.vector_store %arg7[%swap3A_682, %swap3A_683, %swap3A_684], %swap3A_687 {strides = array<i32>} : memref<3x2x80xi32, #tpu.memory_space<vmem>>, vector<1x1x16xi32>,
        %shift_right_logical3A_688 = arith.constant 14 : i32
        %shift_right_logical3A_689 = vector.broadcast %shift_right_logical3A_688 : i32 to vector<16xi32>
        %shift_right_logical3A_690 = arith.shrui %get3A_676, %shift_right_logical3A_689 : vector<16xi32>
        %swap3A_691 = arith.constant 1 : i32
        %swap3A_692 = arith.constant 1 : i32
        %swap3A_693 = arith.index_cast %swap3A_691 : i32 to index
        %swap3A_694 = arith.index_cast %swap3A_692 : i32 to index
        %swap3A_695 = arith.constant 16 : index
        %swap3A_696 = tpu.vector_load %arg7[%swap3A_693, %swap3A_694, %swap3A_695] {strides = array<i32>} : memref<3x2x80xi32, #tpu.memory_space<vmem>>, vector<1x1x16xi32>,
        %swap3A_697 = vector.shape_cast %swap3A_696 : vector<1x1x16xi32> to vector<16xi32>
        %swap3A_698 = vector.shape_cast %shift_right_logical3A_690 : vector<16xi32> to vector<1x1x16xi32>
        tpu.vector_store %arg7[%swap3A_693, %swap3A_694, %swap3A_695], %swap3A_698 {strides = array<i32>} : memref<3x2x80xi32, #tpu.memory_space<vmem>>, vector<1x1x16xi32>,
        %mul3A_699 = arith.constant 80 : i32
        %mul3A_700 = arith.muli %add3A_600, %mul3A_699 : i32
        %add3A_701 = arith.constant 32 : i32
        %add3A_702 = arith.addi %mul3A_700, %add3A_701 : i32
        %get3A_703 = arith.index_cast %add3A_702 : i32 to index
        %get3A_704 = tpu.vector_load %arg6[%get3A_703] {strides = array<i32>} : memref<10000xi32, #tpu.memory_space<vmem>>, vector<16xi32>,
        %get3A_705 = vector.shape_cast %get3A_704 : vector<16xi32> to vector<16xi32>
        %and3A_706 = arith.constant 16383 : i32
        %and3A_707 = vector.broadcast %and3A_706 : i32 to vector<16xi32>
        %and3A_708 = arith.andi %get3A_705, %and3A_707 : vector<16xi32>
        %swap3A_709 = arith.constant 1 : i32
        %swap3A_710 = arith.constant 0 : i32
        %swap3A_711 = arith.index_cast %swap3A_709 : i32 to index
        %swap3A_712 = arith.index_cast %swap3A_710 : i32 to index
        %swap3A_713 = arith.constant 32 : index
        %swap3A_714 = tpu.vector_load %arg7[%swap3A_711, %swap3A_712, %swap3A_713] {strides = array<i32>} : memref<3x2x80xi32, #tpu.memory_space<vmem>>, vector<1x1x16xi32>,
        %swap3A_715 = vector.shape_cast %swap3A_714 : vector<1x1x16xi32> to vector<16xi32>
        %swap3A_716 = vector.shape_cast %and3A_708 : vector<16xi32> to vector<1x1x16xi32>
        tpu.vector_store %arg7[%swap3A_711, %swap3A_712, %swap3A_713], %swap3A_716 {strides = array<i32>} : memref<3x2x80xi32, #tpu.memory_space<vmem>>, vector<1x1x16xi32>,
        %shift_right_logical3A_717 = arith.constant 14 : i32
        %shift_right_logical3A_718 = vector.broadcast %shift_right_logical3A_717 : i32 to vector<16xi32>
        %shift_right_logical3A_719 = arith.shrui %get3A_705, %shift_right_logical3A_718 : vector<16xi32>
        %swap3A_720 = arith.constant 1 : i32
        %swap3A_721 = arith.constant 1 : i32
        %swap3A_722 = arith.index_cast %swap3A_720 : i32 to index
        %swap3A_723 = arith.index_cast %swap3A_721 : i32 to index
        %swap3A_724 = arith.constant 32 : index
        %swap3A_725 = tpu.vector_load %arg7[%swap3A_722, %swap3A_723, %swap3A_724] {strides = array<i32>} : memref<3x2x80xi32, #tpu.memory_space<vmem>>, vector<1x1x16xi32>,
        %swap3A_726 = vector.shape_cast %swap3A_725 : vector<1x1x16xi32> to vector<16xi32>
        %swap3A_727 = vector.shape_cast %shift_right_logical3A_719 : vector<16xi32> to vector<1x1x16xi32>
        tpu.vector_store %arg7[%swap3A_722, %swap3A_723, %swap3A_724], %swap3A_727 {strides = array<i32>} : memref<3x2x80xi32, #tpu.memory_space<vmem>>, vector<1x1x16xi32>,
        %mul3A_728 = arith.constant 80 : i32
        %mul3A_729 = arith.muli %add3A_600, %mul3A_728 : i32
        %add3A_730 = arith.constant 48 : i32
        %add3A_731 = arith.addi %mul3A_729, %add3A_730 : i32
        %get3A_732 = arith.index_cast %add3A_731 : i32 to index
        %get3A_733 = tpu.vector_load %arg6[%get3A_732] {strides = array<i32>} : memref<10000xi32, #tpu.memory_space<vmem>>, vector<16xi32>,
        %get3A_734 = vector.shape_cast %get3A_733 : vector<16xi32> to vector<16xi32>
        %and3A_735 = arith.constant 16383 : i32
        %and3A_736 = vector.broadcast %and3A_735 : i32 to vector<16xi32>
        %and3A_737 = arith.andi %get3A_734, %and3A_736 : vector<16xi32>
        %swap3A_738 = arith.constant 1 : i32
        %swap3A_739 = arith.constant 0 : i32
        %swap3A_740 = arith.index_cast %swap3A_738 : i32 to index
        %swap3A_741 = arith.index_cast %swap3A_739 : i32 to index
        %swap3A_742 = arith.constant 48 : index
        %swap3A_743 = tpu.vector_load %arg7[%swap3A_740, %swap3A_741, %swap3A_742] {strides = array<i32>} : memref<3x2x80xi32, #tpu.memory_space<vmem>>, vector<1x1x16xi32>,
        %swap3A_744 = vector.shape_cast %swap3A_743 : vector<1x1x16xi32> to vector<16xi32>
        %swap3A_745 = vector.shape_cast %and3A_737 : vector<16xi32> to vector<1x1x16xi32>
        tpu.vector_store %arg7[%swap3A_740, %swap3A_741, %swap3A_742], %swap3A_745 {strides = array<i32>} : memref<3x2x80xi32, #tpu.memory_space<vmem>>, vector<1x1x16xi32>,
        %shift_right_logical3A_746 = arith.constant 14 : i32
        %shift_right_logical3A_747 = vector.broadcast %shift_right_logical3A_746 : i32 to vector<16xi32>
        %shift_right_logical3A_748 = arith.shrui %get3A_734, %shift_right_logical3A_747 : vector<16xi32>
        %swap3A_749 = arith.constant 1 : i32
        %swap3A_750 = arith.constant 1 : i32
        %swap3A_751 = arith.index_cast %swap3A_749 : i32 to index
        %swap3A_752 = arith.index_cast %swap3A_750 : i32 to index
        %swap3A_753 = arith.constant 48 : index
        %swap3A_754 = tpu.vector_load %arg7[%swap3A_751, %swap3A_752, %swap3A_753] {strides = array<i32>} : memref<3x2x80xi32, #tpu.memory_space<vmem>>, vector<1x1x16xi32>,
        %swap3A_755 = vector.shape_cast %swap3A_754 : vector<1x1x16xi32> to vector<16xi32>
        %swap3A_756 = vector.shape_cast %shift_right_logical3A_748 : vector<16xi32> to vector<1x1x16xi32>
        tpu.vector_store %arg7[%swap3A_751, %swap3A_752, %swap3A_753], %swap3A_756 {strides = array<i32>} : memref<3x2x80xi32, #tpu.memory_space<vmem>>, vector<1x1x16xi32>,
        %mul3A_757 = arith.constant 80 : i32
        %mul3A_758 = arith.muli %add3A_600, %mul3A_757 : i32
        %add3A_759 = arith.constant 64 : i32
        %add3A_760 = arith.addi %mul3A_758, %add3A_759 : i32
        %get3A_761 = arith.index_cast %add3A_760 : i32 to index
        %get3A_762 = tpu.vector_load %arg6[%get3A_761] {strides = array<i32>} : memref<10000xi32, #tpu.memory_space<vmem>>, vector<16xi32>,
        %get3A_763 = vector.shape_cast %get3A_762 : vector<16xi32> to vector<16xi32>
        %and3A_764 = arith.constant 16383 : i32
        %and3A_765 = vector.broadcast %and3A_764 : i32 to vector<16xi32>
        %and3A_766 = arith.andi %get3A_763, %and3A_765 : vector<16xi32>
        %swap3A_767 = arith.constant 1 : i32
        %swap3A_768 = arith.constant 0 : i32
        %swap3A_769 = arith.index_cast %swap3A_767 : i32 to index
        %swap3A_770 = arith.index_cast %swap3A_768 : i32 to index
        %swap3A_771 = arith.constant 64 : index
        %swap3A_772 = tpu.vector_load %arg7[%swap3A_769, %swap3A_770, %swap3A_771] {strides = array<i32>} : memref<3x2x80xi32, #tpu.memory_space<vmem>>, vector<1x1x16xi32>,
        %swap3A_773 = vector.shape_cast %swap3A_772 : vector<1x1x16xi32> to vector<16xi32>
        %swap3A_774 = vector.shape_cast %and3A_766 : vector<16xi32> to vector<1x1x16xi32>
        tpu.vector_store %arg7[%swap3A_769, %swap3A_770, %swap3A_771], %swap3A_774 {strides = array<i32>} : memref<3x2x80xi32, #tpu.memory_space<vmem>>, vector<1x1x16xi32>,
        %shift_right_logical3A_775 = arith.constant 14 : i32
        %shift_right_logical3A_776 = vector.broadcast %shift_right_logical3A_775 : i32 to vector<16xi32>
        %shift_right_logical3A_777 = arith.shrui %get3A_763, %shift_right_logical3A_776 : vector<16xi32>
        %swap3A_778 = arith.constant 1 : i32
        %swap3A_779 = arith.constant 1 : i32
        %swap3A_780 = arith.index_cast %swap3A_778 : i32 to index
        %swap3A_781 = arith.index_cast %swap3A_779 : i32 to index
        %swap3A_782 = arith.constant 64 : index
        %swap3A_783 = tpu.vector_load %arg7[%swap3A_780, %swap3A_781, %swap3A_782] {strides = array<i32>} : memref<3x2x80xi32, #tpu.memory_space<vmem>>, vector<1x1x16xi32>,
        %swap3A_784 = vector.shape_cast %swap3A_783 : vector<1x1x16xi32> to vector<16xi32>
        %swap3A_785 = vector.shape_cast %shift_right_logical3A_777 : vector<16xi32> to vector<1x1x16xi32>
        tpu.vector_store %arg7[%swap3A_780, %swap3A_781, %swap3A_782], %swap3A_785 {strides = array<i32>} : memref<3x2x80xi32, #tpu.memory_space<vmem>>, vector<1x1x16xi32>,
        %dma_start3A_786 = arith.constant 1 : i32
        %dma_start3A_787 = arith.constant 0 : i32
        %dma_start3A_788 = arith.constant 0 : i32
        %dma_start3A_789 = tpu.memref_slice %arg7[%dma_start3A_786, %dma_start3A_787, %dma_start3A_788] : memref<3x2x80xi32, #tpu.memory_space<vmem>> -> memref<1x1x80xi32, #tpu.memory_space<vmem>>
        %dma_start3A_790 = tpu.memref_squeeze %dma_start3A_789 : memref<1x1x80xi32, #tpu.memory_space<vmem>> -> memref<80xi32, #tpu.memory_space<vmem>>
        %dma_start3A_791 = arith.constant 0 : i32
        %dma_start3A_792 = arith.constant 0 : i32
        %dma_start3A_793 = tpu.memref_slice %arg2[%dma_start3A_791, %dma_start3A_792] : memref<10000x128xf32, #tpu.memory_space<hbm>> -> memref<10000x128xf32, #tpu.memory_space<hbm>>
        tpu.enqueue_indirect_dma source(%dma_start3A_793 : memref<10000x128xf32, #tpu.memory_space<hbm>>) target(%arg9 : memref<80x128xf32, #tpu.memory_space<vmem>>) offsets(%dma_start3A_790 : memref<80xi32, #tpu.memory_space<vmem>>) semaphore(%arg13 : memref<!tpu.dma_semaphore, #tpu.memory_space<semaphore_mem>>)
      } else {
      }
      %mul3A_606 = arith.constant 3 : i32
      %mul3A_607 = arith.muli %scan3A_536, %mul3A_606 : i32
      %add3A_608 = arith.constant 2 : i32
      %add3A_609 = arith.addi %mul3A_607, %add3A_608 : i32
      %dma_wait3A_610 = arith.constant 2 : i32
      %dma_wait3A_611 = arith.constant 0 : i32
      %dma_wait3A_612 = arith.constant 0 : i32
      %dma_wait3A_613 = tpu.memref_slice %arg7[%dma_wait3A_610, %dma_wait3A_611, %dma_wait3A_612] : memref<3x2x80xi32, #tpu.memory_space<vmem>> -> memref<1x1x80xi32, #tpu.memory_space<vmem>>
      %dma_wait3A_614 = tpu.memref_squeeze %dma_wait3A_613 : memref<1x1x80xi32, #tpu.memory_space<vmem>> -> memref<80xi32, #tpu.memory_space<vmem>>
      %dma_wait3A_615 = arith.constant 0 : i32
      %dma_wait3A_616 = arith.constant 0 : i32
      %dma_wait3A_617 = tpu.memref_slice %arg2[%dma_wait3A_615, %dma_wait3A_616] : memref<10000x128xf32, #tpu.memory_space<hbm>> -> memref<10000x128xf32, #tpu.memory_space<hbm>>
      tpu.wait_indirect_dma semaphore(%arg14 : memref<!tpu.dma_semaphore, #tpu.memory_space<semaphore_mem>>) src(%dma_wait3A_617 : memref<10000x128xf32, #tpu.memory_space<hbm>>) dst(%arg10 : memref<80x128xf32, #tpu.memory_space<vmem>>)
      %dma_start3A_618 = arith.constant 2 : i32
      %dma_start3A_619 = arith.constant 1 : i32
      %dma_start3A_620 = arith.constant 0 : i32
      %dma_start3A_621 = tpu.memref_slice %arg7[%dma_start3A_618, %dma_start3A_619, %dma_start3A_620] : memref<3x2x80xi32, #tpu.memory_space<vmem>> -> memref<1x1x80xi32, #tpu.memory_space<vmem>>
      %dma_start3A_622 = tpu.memref_squeeze %dma_start3A_621 : memref<1x1x80xi32, #tpu.memory_space<vmem>> -> memref<80xi32, #tpu.memory_space<vmem>>
      %dma_start3A_623 = arith.constant 0 : i32
      %dma_start3A_624 = arith.constant 0 : i32
      %dma_start3A_625 = tpu.memref_slice %arg11[%dma_start3A_623, %dma_start3A_624] : memref<10000x128xf32, #tpu.memory_space<vmem_shared>> -> memref<10000x128xf32, #tpu.memory_space<vmem_shared>>
      tpu.enqueue_indirect_dma source(%arg10 : memref<80x128xf32, #tpu.memory_space<vmem>>) target(%dma_start3A_625 : memref<10000x128xf32, #tpu.memory_space<vmem_shared>>) offsets(%dma_start3A_622 : memref<80xi32, #tpu.memory_space<vmem>>) semaphore(%arg17 : memref<!tpu.dma_semaphore, #tpu.memory_space<semaphore_mem>>) {add = true}
      %dma_wait3A_626 = arith.constant 2 : i32
      %dma_wait3A_627 = arith.constant 1 : i32
      %dma_wait3A_628 = arith.constant 0 : i32
      %dma_wait3A_629 = tpu.memref_slice %arg7[%dma_wait3A_626, %dma_wait3A_627, %dma_wait3A_628] : memref<3x2x80xi32, #tpu.memory_space<vmem>> -> memref<1x1x80xi32, #tpu.memory_space<vmem>>
      %dma_wait3A_630 = tpu.memref_squeeze %dma_wait3A_629 : memref<1x1x80xi32, #tpu.memory_space<vmem>> -> memref<80xi32, #tpu.memory_space<vmem>>
      %dma_wait3A_631 = arith.constant 0 : i32
      %dma_wait3A_632 = arith.constant 0 : i32
      %dma_wait3A_633 = tpu.memref_slice %arg11[%dma_wait3A_631, %dma_wait3A_632] : memref<10000x128xf32, #tpu.memory_space<vmem_shared>> -> memref<10000x128xf32, #tpu.memory_space<vmem_shared>>
      tpu.wait_indirect_dma semaphore(%arg17 : memref<!tpu.dma_semaphore, #tpu.memory_space<semaphore_mem>>) src(%arg10 : memref<80x128xf32, #tpu.memory_space<vmem>>) dst(%dma_wait3A_633 : memref<10000x128xf32, #tpu.memory_space<vmem_shared>>)
      %add3A_634 = arith.constant 3 : i32
      %add3A_635 = arith.addi %add3A_609, %add3A_634 : i32
      %lt3A_636 = arith.constant 125 : i32
      %lt3A_637 = arith.cmpi slt, %add3A_635, %lt3A_636 : i32
      %convert_element_type3A_638 = arith.extui %lt3A_637 : i1 to i32
      %cond3A_639 = arith.constant 0 : i32
      %cond3A_640 = arith.cmpi ne, %convert_element_type3A_638, %cond3A_639 : i32
      scf.if %cond3A_640 {
        %mul3A_641 = arith.constant 80 : i32
        %mul3A_642 = arith.muli %add3A_635, %mul3A_641 : i32
        %add3A_643 = arith.constant 0 : i32
        %add3A_644 = arith.addi %mul3A_642, %add3A_643 : i32
        %get3A_645 = arith.index_cast %add3A_644 : i32 to index
        %get3A_646 = tpu.vector_load %arg6[%get3A_645] {strides = array<i32>} : memref<10000xi32, #tpu.memory_space<vmem>>, vector<16xi32>,
        %get3A_647 = vector.shape_cast %get3A_646 : vector<16xi32> to vector<16xi32>
        %and3A_648 = arith.constant 16383 : i32
        %and3A_649 = vector.broadcast %and3A_648 : i32 to vector<16xi32>
        %and3A_650 = arith.andi %get3A_647, %and3A_649 : vector<16xi32>
        %swap3A_651 = arith.constant 2 : i32
        %swap3A_652 = arith.constant 0 : i32
        %swap3A_653 = arith.index_cast %swap3A_651 : i32 to index
        %swap3A_654 = arith.index_cast %swap3A_652 : i32 to index
        %swap3A_655 = arith.constant 0 : index
        %swap3A_656 = tpu.vector_load %arg7[%swap3A_653, %swap3A_654, %swap3A_655] {strides = array<i32>} : memref<3x2x80xi32, #tpu.memory_space<vmem>>, vector<1x1x16xi32>,
        %swap3A_657 = vector.shape_cast %swap3A_656 : vector<1x1x16xi32> to vector<16xi32>
        %swap3A_658 = vector.shape_cast %and3A_650 : vector<16xi32> to vector<1x1x16xi32>
        tpu.vector_store %arg7[%swap3A_653, %swap3A_654, %swap3A_655], %swap3A_658 {strides = array<i32>} : memref<3x2x80xi32, #tpu.memory_space<vmem>>, vector<1x1x16xi32>,
        %shift_right_logical3A_659 = arith.constant 14 : i32
        %shift_right_logical3A_660 = vector.broadcast %shift_right_logical3A_659 : i32 to vector<16xi32>
        %shift_right_logical3A_661 = arith.shrui %get3A_647, %shift_right_logical3A_660 : vector<16xi32>
        %swap3A_662 = arith.constant 2 : i32
        %swap3A_663 = arith.constant 1 : i32
        %swap3A_664 = arith.index_cast %swap3A_662 : i32 to index
        %swap3A_665 = arith.index_cast %swap3A_663 : i32 to index
        %swap3A_666 = arith.constant 0 : index
        %swap3A_667 = tpu.vector_load %arg7[%swap3A_664, %swap3A_665, %swap3A_666] {strides = array<i32>} : memref<3x2x80xi32, #tpu.memory_space<vmem>>, vector<1x1x16xi32>,
        %swap3A_668 = vector.shape_cast %swap3A_667 : vector<1x1x16xi32> to vector<16xi32>
        %swap3A_669 = vector.shape_cast %shift_right_logical3A_661 : vector<16xi32> to vector<1x1x16xi32>
        tpu.vector_store %arg7[%swap3A_664, %swap3A_665, %swap3A_666], %swap3A_669 {strides = array<i32>} : memref<3x2x80xi32, #tpu.memory_space<vmem>>, vector<1x1x16xi32>,
        %mul3A_670 = arith.constant 80 : i32
        %mul3A_671 = arith.muli %add3A_635, %mul3A_670 : i32
        %add3A_672 = arith.constant 16 : i32
        %add3A_673 = arith.addi %mul3A_671, %add3A_672 : i32
        %get3A_674 = arith.index_cast %add3A_673 : i32 to index
        %get3A_675 = tpu.vector_load %arg6[%get3A_674] {strides = array<i32>} : memref<10000xi32, #tpu.memory_space<vmem>>, vector<16xi32>,
        %get3A_676 = vector.shape_cast %get3A_675 : vector<16xi32> to vector<16xi32>
        %and3A_677 = arith.constant 16383 : i32
        %and3A_678 = vector.broadcast %and3A_677 : i32 to vector<16xi32>
        %and3A_679 = arith.andi %get3A_676, %and3A_678 : vector<16xi32>
        %swap3A_680 = arith.constant 2 : i32
        %swap3A_681 = arith.constant 0 : i32
        %swap3A_682 = arith.index_cast %swap3A_680 : i32 to index
        %swap3A_683 = arith.index_cast %swap3A_681 : i32 to index
        %swap3A_684 = arith.constant 16 : index
        %swap3A_685 = tpu.vector_load %arg7[%swap3A_682, %swap3A_683, %swap3A_684] {strides = array<i32>} : memref<3x2x80xi32, #tpu.memory_space<vmem>>, vector<1x1x16xi32>,
        %swap3A_686 = vector.shape_cast %swap3A_685 : vector<1x1x16xi32> to vector<16xi32>
        %swap3A_687 = vector.shape_cast %and3A_679 : vector<16xi32> to vector<1x1x16xi32>
        tpu.vector_store %arg7[%swap3A_682, %swap3A_683, %swap3A_684], %swap3A_687 {strides = array<i32>} : memref<3x2x80xi32, #tpu.memory_space<vmem>>, vector<1x1x16xi32>,
        %shift_right_logical3A_688 = arith.constant 14 : i32
        %shift_right_logical3A_689 = vector.broadcast %shift_right_logical3A_688 : i32 to vector<16xi32>
        %shift_right_logical3A_690 = arith.shrui %get3A_676, %shift_right_logical3A_689 : vector<16xi32>
        %swap3A_691 = arith.constant 2 : i32
        %swap3A_692 = arith.constant 1 : i32
        %swap3A_693 = arith.index_cast %swap3A_691 : i32 to index
        %swap3A_694 = arith.index_cast %swap3A_692 : i32 to index
        %swap3A_695 = arith.constant 16 : index
        %swap3A_696 = tpu.vector_load %arg7[%swap3A_693, %swap3A_694, %swap3A_695] {strides = array<i32>} : memref<3x2x80xi32, #tpu.memory_space<vmem>>, vector<1x1x16xi32>,
        %swap3A_697 = vector.shape_cast %swap3A_696 : vector<1x1x16xi32> to vector<16xi32>
        %swap3A_698 = vector.shape_cast %shift_right_logical3A_690 : vector<16xi32> to vector<1x1x16xi32>
        tpu.vector_store %arg7[%swap3A_693, %swap3A_694, %swap3A_695], %swap3A_698 {strides = array<i32>} : memref<3x2x80xi32, #tpu.memory_space<vmem>>, vector<1x1x16xi32>,
        %mul3A_699 = arith.constant 80 : i32
        %mul3A_700 = arith.muli %add3A_635, %mul3A_699 : i32
        %add3A_701 = arith.constant 32 : i32
        %add3A_702 = arith.addi %mul3A_700, %add3A_701 : i32
        %get3A_703 = arith.index_cast %add3A_702 : i32 to index
        %get3A_704 = tpu.vector_load %arg6[%get3A_703] {strides = array<i32>} : memref<10000xi32, #tpu.memory_space<vmem>>, vector<16xi32>,
        %get3A_705 = vector.shape_cast %get3A_704 : vector<16xi32> to vector<16xi32>
        %and3A_706 = arith.constant 16383 : i32
        %and3A_707 = vector.broadcast %and3A_706 : i32 to vector<16xi32>
        %and3A_708 = arith.andi %get3A_705, %and3A_707 : vector<16xi32>
        %swap3A_709 = arith.constant 2 : i32
        %swap3A_710 = arith.constant 0 : i32
        %swap3A_711 = arith.index_cast %swap3A_709 : i32 to index
        %swap3A_712 = arith.index_cast %swap3A_710 : i32 to index
        %swap3A_713 = arith.constant 32 : index
        %swap3A_714 = tpu.vector_load %arg7[%swap3A_711, %swap3A_712, %swap3A_713] {strides = array<i32>} : memref<3x2x80xi32, #tpu.memory_space<vmem>>, vector<1x1x16xi32>,
        %swap3A_715 = vector.shape_cast %swap3A_714 : vector<1x1x16xi32> to vector<16xi32>
        %swap3A_716 = vector.shape_cast %and3A_708 : vector<16xi32> to vector<1x1x16xi32>
        tpu.vector_store %arg7[%swap3A_711, %swap3A_712, %swap3A_713], %swap3A_716 {strides = array<i32>} : memref<3x2x80xi32, #tpu.memory_space<vmem>>, vector<1x1x16xi32>,
        %shift_right_logical3A_717 = arith.constant 14 : i32
        %shift_right_logical3A_718 = vector.broadcast %shift_right_logical3A_717 : i32 to vector<16xi32>
        %shift_right_logical3A_719 = arith.shrui %get3A_705, %shift_right_logical3A_718 : vector<16xi32>
        %swap3A_720 = arith.constant 2 : i32
        %swap3A_721 = arith.constant 1 : i32
        %swap3A_722 = arith.index_cast %swap3A_720 : i32 to index
        %swap3A_723 = arith.index_cast %swap3A_721 : i32 to index
        %swap3A_724 = arith.constant 32 : index
        %swap3A_725 = tpu.vector_load %arg7[%swap3A_722, %swap3A_723, %swap3A_724] {strides = array<i32>} : memref<3x2x80xi32, #tpu.memory_space<vmem>>, vector<1x1x16xi32>,
        %swap3A_726 = vector.shape_cast %swap3A_725 : vector<1x1x16xi32> to vector<16xi32>
        %swap3A_727 = vector.shape_cast %shift_right_logical3A_719 : vector<16xi32> to vector<1x1x16xi32>
        tpu.vector_store %arg7[%swap3A_722, %swap3A_723, %swap3A_724], %swap3A_727 {strides = array<i32>} : memref<3x2x80xi32, #tpu.memory_space<vmem>>, vector<1x1x16xi32>,
        %mul3A_728 = arith.constant 80 : i32
        %mul3A_729 = arith.muli %add3A_635, %mul3A_728 : i32
        %add3A_730 = arith.constant 48 : i32
        %add3A_731 = arith.addi %mul3A_729, %add3A_730 : i32
        %get3A_732 = arith.index_cast %add3A_731 : i32 to index
        %get3A_733 = tpu.vector_load %arg6[%get3A_732] {strides = array<i32>} : memref<10000xi32, #tpu.memory_space<vmem>>, vector<16xi32>,
        %get3A_734 = vector.shape_cast %get3A_733 : vector<16xi32> to vector<16xi32>
        %and3A_735 = arith.constant 16383 : i32
        %and3A_736 = vector.broadcast %and3A_735 : i32 to vector<16xi32>
        %and3A_737 = arith.andi %get3A_734, %and3A_736 : vector<16xi32>
        %swap3A_738 = arith.constant 2 : i32
        %swap3A_739 = arith.constant 0 : i32
        %swap3A_740 = arith.index_cast %swap3A_738 : i32 to index
        %swap3A_741 = arith.index_cast %swap3A_739 : i32 to index
        %swap3A_742 = arith.constant 48 : index
        %swap3A_743 = tpu.vector_load %arg7[%swap3A_740, %swap3A_741, %swap3A_742] {strides = array<i32>} : memref<3x2x80xi32, #tpu.memory_space<vmem>>, vector<1x1x16xi32>,
        %swap3A_744 = vector.shape_cast %swap3A_743 : vector<1x1x16xi32> to vector<16xi32>
        %swap3A_745 = vector.shape_cast %and3A_737 : vector<16xi32> to vector<1x1x16xi32>
        tpu.vector_store %arg7[%swap3A_740, %swap3A_741, %swap3A_742], %swap3A_745 {strides = array<i32>} : memref<3x2x80xi32, #tpu.memory_space<vmem>>, vector<1x1x16xi32>,
        %shift_right_logical3A_746 = arith.constant 14 : i32
        %shift_right_logical3A_747 = vector.broadcast %shift_right_logical3A_746 : i32 to vector<16xi32>
        %shift_right_logical3A_748 = arith.shrui %get3A_734, %shift_right_logical3A_747 : vector<16xi32>
        %swap3A_749 = arith.constant 2 : i32
        %swap3A_750 = arith.constant 1 : i32
        %swap3A_751 = arith.index_cast %swap3A_749 : i32 to index
        %swap3A_752 = arith.index_cast %swap3A_750 : i32 to index
        %swap3A_753 = arith.constant 48 : index
        %swap3A_754 = tpu.vector_load %arg7[%swap3A_751, %swap3A_752, %swap3A_753] {strides = array<i32>} : memref<3x2x80xi32, #tpu.memory_space<vmem>>, vector<1x1x16xi32>,
        %swap3A_755 = vector.shape_cast %swap3A_754 : vector<1x1x16xi32> to vector<16xi32>
        %swap3A_756 = vector.shape_cast %shift_right_logical3A_748 : vector<16xi32> to vector<1x1x16xi32>
        tpu.vector_store %arg7[%swap3A_751, %swap3A_752, %swap3A_753], %swap3A_756 {strides = array<i32>} : memref<3x2x80xi32, #tpu.memory_space<vmem>>, vector<1x1x16xi32>,
        %mul3A_757 = arith.constant 80 : i32
        %mul3A_758 = arith.muli %add3A_635, %mul3A_757 : i32
        %add3A_759 = arith.constant 64 : i32
        %add3A_760 = arith.addi %mul3A_758, %add3A_759 : i32
        %get3A_761 = arith.index_cast %add3A_760 : i32 to index
        %get3A_762 = tpu.vector_load %arg6[%get3A_761] {strides = array<i32>} : memref<10000xi32, #tpu.memory_space<vmem>>, vector<16xi32>,
        %get3A_763 = vector.shape_cast %get3A_762 : vector<16xi32> to vector<16xi32>
        %and3A_764 = arith.constant 16383 : i32
        %and3A_765 = vector.broadcast %and3A_764 : i32 to vector<16xi32>
        %and3A_766 = arith.andi %get3A_763, %and3A_765 : vector<16xi32>
        %swap3A_767 = arith.constant 2 : i32
        %swap3A_768 = arith.constant 0 : i32
        %swap3A_769 = arith.index_cast %swap3A_767 : i32 to index
        %swap3A_770 = arith.index_cast %swap3A_768 : i32 to index
        %swap3A_771 = arith.constant 64 : index
        %swap3A_772 = tpu.vector_load %arg7[%swap3A_769, %swap3A_770, %swap3A_771] {strides = array<i32>} : memref<3x2x80xi32, #tpu.memory_space<vmem>>, vector<1x1x16xi32>,
        %swap3A_773 = vector.shape_cast %swap3A_772 : vector<1x1x16xi32> to vector<16xi32>
        %swap3A_774 = vector.shape_cast %and3A_766 : vector<16xi32> to vector<1x1x16xi32>
        tpu.vector_store %arg7[%swap3A_769, %swap3A_770, %swap3A_771], %swap3A_774 {strides = array<i32>} : memref<3x2x80xi32, #tpu.memory_space<vmem>>, vector<1x1x16xi32>,
        %shift_right_logical3A_775 = arith.constant 14 : i32
        %shift_right_logical3A_776 = vector.broadcast %shift_right_logical3A_775 : i32 to vector<16xi32>
        %shift_right_logical3A_777 = arith.shrui %get3A_763, %shift_right_logical3A_776 : vector<16xi32>
        %swap3A_778 = arith.constant 2 : i32
        %swap3A_779 = arith.constant 1 : i32
        %swap3A_780 = arith.index_cast %swap3A_778 : i32 to index
        %swap3A_781 = arith.index_cast %swap3A_779 : i32 to index
        %swap3A_782 = arith.constant 64 : index
        %swap3A_783 = tpu.vector_load %arg7[%swap3A_780, %swap3A_781, %swap3A_782] {strides = array<i32>} : memref<3x2x80xi32, #tpu.memory_space<vmem>>, vector<1x1x16xi32>,
        %swap3A_784 = vector.shape_cast %swap3A_783 : vector<1x1x16xi32> to vector<16xi32>
        %swap3A_785 = vector.shape_cast %shift_right_logical3A_777 : vector<16xi32> to vector<1x1x16xi32>
        tpu.vector_store %arg7[%swap3A_780, %swap3A_781, %swap3A_782], %swap3A_785 {strides = array<i32>} : memref<3x2x80xi32, #tpu.memory_space<vmem>>, vector<1x1x16xi32>,
        %dma_start3A_786 = arith.constant 2 : i32
        %dma_start3A_787 = arith.constant 0 : i32
        %dma_start3A_788 = arith.constant 0 : i32
        %dma_start3A_789 = tpu.memref_slice %arg7[%dma_start3A_786, %dma_start3A_787, %dma_start3A_788] : memref<3x2x80xi32, #tpu.memory_space<vmem>> -> memref<1x1x80xi32, #tpu.memory_space<vmem>>
        %dma_start3A_790 = tpu.memref_squeeze %dma_start3A_789 : memref<1x1x80xi32, #tpu.memory_space<vmem>> -> memref<80xi32, #tpu.memory_space<vmem>>
        %dma_start3A_791 = arith.constant 0 : i32
        %dma_start3A_792 = arith.constant 0 : i32
        %dma_start3A_793 = tpu.memref_slice %arg2[%dma_start3A_791, %dma_start3A_792] : memref<10000x128xf32, #tpu.memory_space<hbm>> -> memref<10000x128xf32, #tpu.memory_space<hbm>>
        tpu.enqueue_indirect_dma source(%dma_start3A_793 : memref<10000x128xf32, #tpu.memory_space<hbm>>) target(%arg10 : memref<80x128xf32, #tpu.memory_space<vmem>>) offsets(%dma_start3A_790 : memref<80xi32, #tpu.memory_space<vmem>>) semaphore(%arg14 : memref<!tpu.dma_semaphore, #tpu.memory_space<semaphore_mem>>)
      } else {
      }
    }
    %scan3A_478 = arith.constant 41 : i32
    %dma_wait3A = arith.constant 0 : i32
    %dma_wait3A_479 = arith.constant 0 : i32
    %dma_wait3A_480 = arith.constant 0 : i32
    %dma_wait3A_481 = tpu.memref_slice %arg7[%dma_wait3A, %dma_wait3A_479, %dma_wait3A_480] : memref<3x2x80xi32, #tpu.memory_space<vmem>> -> memref<1x1x80xi32, #tpu.memory_space<vmem>>
    %dma_wait3A_482 = tpu.memref_squeeze %dma_wait3A_481 : memref<1x1x80xi32, #tpu.memory_space<vmem>> -> memref<80xi32, #tpu.memory_space<vmem>>
    %dma_wait3A_483 = arith.constant 0 : i32
    %dma_wait3A_484 = arith.constant 0 : i32
    %dma_wait3A_485 = tpu.memref_slice %arg2[%dma_wait3A_483, %dma_wait3A_484] : memref<10000x128xf32, #tpu.memory_space<hbm>> -> memref<10000x128xf32, #tpu.memory_space<hbm>>
    tpu.wait_indirect_dma semaphore(%arg12 : memref<!tpu.dma_semaphore, #tpu.memory_space<semaphore_mem>>) src(%dma_wait3A_485 : memref<10000x128xf32, #tpu.memory_space<hbm>>) dst(%arg8 : memref<80x128xf32, #tpu.memory_space<vmem>>)
    %dma_start3A_486 = arith.constant 0 : i32
    %dma_start3A_487 = arith.constant 1 : i32
    %dma_start3A_488 = arith.constant 0 : i32
    %dma_start3A_489 = tpu.memref_slice %arg7[%dma_start3A_486, %dma_start3A_487, %dma_start3A_488] : memref<3x2x80xi32, #tpu.memory_space<vmem>> -> memref<1x1x80xi32, #tpu.memory_space<vmem>>
    %dma_start3A_490 = tpu.memref_squeeze %dma_start3A_489 : memref<1x1x80xi32, #tpu.memory_space<vmem>> -> memref<80xi32, #tpu.memory_space<vmem>>
    %dma_start3A_491 = arith.constant 0 : i32
    %dma_start3A_492 = arith.constant 0 : i32
    %dma_start3A_493 = tpu.memref_slice %arg11[%dma_start3A_491, %dma_start3A_492] : memref<10000x128xf32, #tpu.memory_space<vmem_shared>> -> memref<10000x128xf32, #tpu.memory_space<vmem_shared>>
    tpu.enqueue_indirect_dma source(%arg8 : memref<80x128xf32, #tpu.memory_space<vmem>>) target(%dma_start3A_493 : memref<10000x128xf32, #tpu.memory_space<vmem_shared>>) offsets(%dma_start3A_490 : memref<80xi32, #tpu.memory_space<vmem>>) semaphore(%arg15 : memref<!tpu.dma_semaphore, #tpu.memory_space<semaphore_mem>>) {add = true}
    %dma_wait3A_494 = arith.constant 0 : i32
    %dma_wait3A_495 = arith.constant 1 : i32
    %dma_wait3A_496 = arith.constant 0 : i32
    %dma_wait3A_497 = tpu.memref_slice %arg7[%dma_wait3A_494, %dma_wait3A_495, %dma_wait3A_496] : memref<3x2x80xi32, #tpu.memory_space<vmem>> -> memref<1x1x80xi32, #tpu.memory_space<vmem>>
    %dma_wait3A_498 = tpu.memref_squeeze %dma_wait3A_497 : memref<1x1x80xi32, #tpu.memory_space<vmem>> -> memref<80xi32, #tpu.memory_space<vmem>>
    %dma_wait3A_499 = arith.constant 0 : i32
    %dma_wait3A_500 = arith.constant 0 : i32
    %dma_wait3A_501 = tpu.memref_slice %arg11[%dma_wait3A_499, %dma_wait3A_500] : memref<10000x128xf32, #tpu.memory_space<vmem_shared>> -> memref<10000x128xf32, #tpu.memory_space<vmem_shared>>
    tpu.wait_indirect_dma semaphore(%arg15 : memref<!tpu.dma_semaphore, #tpu.memory_space<semaphore_mem>>) src(%arg8 : memref<80x128xf32, #tpu.memory_space<vmem>>) dst(%dma_wait3A_501 : memref<10000x128xf32, #tpu.memory_space<vmem_shared>>)
    %dma_wait3A_502 = arith.constant 1 : i32
    %dma_wait3A_503 = arith.constant 0 : i32
    %dma_wait3A_504 = arith.constant 0 : i32
    %dma_wait3A_505 = tpu.memref_slice %arg7[%dma_wait3A_502, %dma_wait3A_503, %dma_wait3A_504] : memref<3x2x80xi32, #tpu.memory_space<vmem>> -> memref<1x1x80xi32, #tpu.memory_space<vmem>>
    %dma_wait3A_506 = tpu.memref_squeeze %dma_wait3A_505 : memref<1x1x80xi32, #tpu.memory_space<vmem>> -> memref<80xi32, #tpu.memory_space<vmem>>
    %dma_wait3A_507 = arith.constant 0 : i32
    %dma_wait3A_508 = arith.constant 0 : i32
    %dma_wait3A_509 = tpu.memref_slice %arg2[%dma_wait3A_507, %dma_wait3A_508] : memref<10000x128xf32, #tpu.memory_space<hbm>> -> memref<10000x128xf32, #tpu.memory_space<hbm>>
    tpu.wait_indirect_dma semaphore(%arg13 : memref<!tpu.dma_semaphore, #tpu.memory_space<semaphore_mem>>) src(%dma_wait3A_509 : memref<10000x128xf32, #tpu.memory_space<hbm>>) dst(%arg9 : memref<80x128xf32, #tpu.memory_space<vmem>>)
    %dma_start3A_510 = arith.constant 1 : i32
    %dma_start3A_511 = arith.constant 1 : i32
    %dma_start3A_512 = arith.constant 0 : i32
    %dma_start3A_513 = tpu.memref_slice %arg7[%dma_start3A_510, %dma_start3A_511, %dma_start3A_512] : memref<3x2x80xi32, #tpu.memory_space<vmem>> -> memref<1x1x80xi32, #tpu.memory_space<vmem>>
    %dma_start3A_514 = tpu.memref_squeeze %dma_start3A_513 : memref<1x1x80xi32, #tpu.memory_space<vmem>> -> memref<80xi32, #tpu.memory_space<vmem>>
    %dma_start3A_515 = arith.constant 0 : i32
    %dma_start3A_516 = arith.constant 0 : i32
    %dma_start3A_517 = tpu.memref_slice %arg11[%dma_start3A_515, %dma_start3A_516] : memref<10000x128xf32, #tpu.memory_space<vmem_shared>> -> memref<10000x128xf32, #tpu.memory_space<vmem_shared>>
    tpu.enqueue_indirect_dma source(%arg9 : memref<80x128xf32, #tpu.memory_space<vmem>>) target(%dma_start3A_517 : memref<10000x128xf32, #tpu.memory_space<vmem_shared>>) offsets(%dma_start3A_514 : memref<80xi32, #tpu.memory_space<vmem>>) semaphore(%arg16 : memref<!tpu.dma_semaphore, #tpu.memory_space<semaphore_mem>>) {add = true}
    %dma_wait3A_518 = arith.constant 1 : i32
    %dma_wait3A_519 = arith.constant 1 : i32
    %dma_wait3A_520 = arith.constant 0 : i32
    %dma_wait3A_521 = tpu.memref_slice %arg7[%dma_wait3A_518, %dma_wait3A_519, %dma_wait3A_520] : memref<3x2x80xi32, #tpu.memory_space<vmem>> -> memref<1x1x80xi32, #tpu.memory_space<vmem>>
    %dma_wait3A_522 = tpu.memref_squeeze %dma_wait3A_521 : memref<1x1x80xi32, #tpu.memory_space<vmem>> -> memref<80xi32, #tpu.memory_space<vmem>>
    %dma_wait3A_523 = arith.constant 0 : i32
    %dma_wait3A_524 = arith.constant 0 : i32
    %dma_wait3A_525 = tpu.memref_slice %arg11[%dma_wait3A_523, %dma_wait3A_524] : memref<10000x128xf32, #tpu.memory_space<vmem_shared>> -> memref<10000x128xf32, #tpu.memory_space<vmem_shared>>
    tpu.wait_indirect_dma semaphore(%arg16 : memref<!tpu.dma_semaphore, #tpu.memory_space<semaphore_mem>>) src(%arg9 : memref<80x128xf32, #tpu.memory_space<vmem>>) dst(%dma_wait3A_525 : memref<10000x128xf32, #tpu.memory_space<vmem_shared>>)
    %barrier3A_526 = arith.constant 0 : index
    tpu.barrier barrier_id(%barrier3A_526)
    %mul3A_527 = arith.constant 624 : i32
    %mul3A_528 = arith.muli %arg1, %mul3A_527 : i32
    %mul3A_529 = arith.constant 624 : i32
    %mul3A_530 = arith.muli %arg1, %mul3A_529 : i32
    "tpu.region"() ({
      %run_scoped3A = tpu.sem_alloc : memref<!tpu.dma_semaphore, #tpu.memory_space<semaphore_mem>>
      %dma_start3A_536 = arith.constant 0 : i32
      %dma_start3A_537 = tpu.memref_slice %arg5[%arg0, %mul3A_530, %dma_start3A_536] : memref<2x10000x128xf32, #tpu.memory_space<hbm>> -> memref<1x624x128xf32, #tpu.memory_space<hbm>>
      %dma_start3A_538 = tpu.memref_squeeze %dma_start3A_537 : memref<1x624x128xf32, #tpu.memory_space<hbm>> -> memref<624x128xf32, #tpu.memory_space<hbm>>
      %dma_start3A_539 = arith.constant 0 : i32
      %dma_start3A_540 = tpu.memref_slice %arg11[%mul3A_528, %dma_start3A_539] : memref<10000x128xf32, #tpu.memory_space<vmem_shared>> -> memref<624x128xf32, #tpu.memory_space<vmem_shared>>
      tpu.enqueue_dma source(%dma_start3A_540 : memref<624x128xf32, #tpu.memory_space<vmem_shared>>) target(%dma_start3A_538 : memref<624x128xf32, #tpu.memory_space<hbm>>) target_semaphore(%run_scoped3A : memref<!tpu.dma_semaphore, #tpu.memory_space<semaphore_mem>>)
      %dma_wait3A_541 = arith.constant 0 : i32
      %dma_wait3A_542 = tpu.memref_slice %arg5[%arg0, %mul3A_530, %dma_wait3A_541] : memref<2x10000x128xf32, #tpu.memory_space<hbm>> -> memref<1x624x128xf32, #tpu.memory_space<hbm>>
      %dma_wait3A_543 = tpu.memref_squeeze %dma_wait3A_542 : memref<1x624x128xf32, #tpu.memory_space<hbm>> -> memref<624x128xf32, #tpu.memory_space<hbm>>
      %dma_wait3A_544 = arith.constant 0 : i32
      %dma_wait3A_545 = tpu.memref_slice %arg11[%mul3A_528, %dma_wait3A_544] : memref<10000x128xf32, #tpu.memory_space<vmem_shared>> -> memref<624x128xf32, #tpu.memory_space<vmem_shared>>
      tpu.wait_dma2 semaphore(%run_scoped3A : memref<!tpu.dma_semaphore, #tpu.memory_space<semaphore_mem>>) src(%dma_wait3A_545 : memref<624x128xf32, #tpu.memory_space<vmem_shared>>) dst(%dma_wait3A_543 : memref<624x128xf32, #tpu.memory_space<hbm>>)
      tpu.yield
    }) : () -> ()
    %eq3A_531 = arith.constant 0 : i32
    %eq3A_532 = arith.cmpi eq, %arg1, %eq3A_531 : i32
    %convert_element_type3A_533 = arith.extui %eq3A_532 : i1 to i32
    %cond3A_534 = arith.constant 0 : i32
    %cond3A_535 = arith.cmpi ne, %convert_element_type3A_533, %cond3A_534 : i32
    scf.if %cond3A_535 {
      "tpu.region"() ({
        %run_scoped3A = tpu.sem_alloc : memref<!tpu.dma_semaphore, #tpu.memory_space<semaphore_mem>>
        %dma_start3A_536 = arith.constant 9984 : i32
        %dma_start3A_537 = arith.constant 0 : i32
        %dma_start3A_538 = tpu.memref_slice %arg5[%arg0, %dma_start3A_536, %dma_start3A_537] : memref<2x10000x128xf32, #tpu.memory_space<hbm>> -> memref<1x16x128xf32, #tpu.memory_space<hbm>>
        %dma_start3A_539 = tpu.memref_squeeze %dma_start3A_538 : memref<1x16x128xf32, #tpu.memory_space<hbm>> -> memref<16x128xf32, #tpu.memory_space<hbm>>
        %dma_start3A_540 = arith.constant 9984 : i32
        %dma_start3A_541 = arith.constant 0 : i32
        %dma_start3A_542 = tpu.memref_slice %arg11[%dma_start3A_540, %dma_start3A_541] : memref<10000x128xf32, #tpu.memory_space<vmem_shared>> -> memref<16x128xf32, #tpu.memory_space<vmem_shared>>
        tpu.enqueue_dma source(%dma_start3A_542 : memref<16x128xf32, #tpu.memory_space<vmem_shared>>) target(%dma_start3A_539 : memref<16x128xf32, #tpu.memory_space<hbm>>) target_semaphore(%run_scoped3A : memref<!tpu.dma_semaphore, #tpu.memory_space<semaphore_mem>>)
        %dma_wait3A_543 = arith.constant 9984 : i32
        %dma_wait3A_544 = arith.constant 0 : i32
        %dma_wait3A_545 = tpu.memref_slice %arg5[%arg0, %dma_wait3A_543, %dma_wait3A_544] : memref<2x10000x128xf32, #tpu.memory_space<hbm>> -> memref<1x16x128xf32, #tpu.memory_space<hbm>>
        %dma_wait3A_546 = tpu.memref_squeeze %dma_wait3A_545 : memref<1x16x128xf32, #tpu.memory_space<hbm>> -> memref<16x128xf32, #tpu.memory_space<hbm>>
        %dma_wait3A_547 = arith.constant 9984 : i32
        %dma_wait3A_548 = arith.constant 0 : i32
        %dma_wait3A_549 = tpu.memref_slice %arg11[%dma_wait3A_547, %dma_wait3A_548] : memref<10000x128xf32, #tpu.memory_space<vmem_shared>> -> memref<16x128xf32, #tpu.memory_space<vmem_shared>>
        tpu.wait_dma2 semaphore(%run_scoped3A : memref<!tpu.dma_semaphore, #tpu.memory_space<semaphore_mem>>) src(%dma_wait3A_549 : memref<16x128xf32, #tpu.memory_space<vmem_shared>>) dst(%dma_wait3A_546 : memref<16x128xf32, #tpu.memory_space<hbm>>)
        tpu.yield
      }) : () -> ()
    } else {
    }
    return
  }
}

#map = affine_map<(d0, d1) -> (0, 0)>
#map1 = affine_map<(d0, d1) -> (0, 0, 0)>
module attributes {stable_mosaic.version = 14 : i64} {
  func.func @_agg_body(%arg0: i32, %arg1: i32, %arg2: memref<10000x128xf32, #tpu.memory_space<hbm>>, %arg3: memref<32x10000xi32, #tpu.memory_space<hbm>>, %arg4: memref<624x128xf32, #tpu.memory_space<hbm>>, %arg5: memref<2x10000x128xf32, #tpu.memory_space<hbm>>, %arg6: memref<10000xi32, #tpu.memory_space<vmem>>, %arg7: memref<3x2x80xi32, #tpu.memory_space<vmem>>, %arg8: memref<80x128xf32, #tpu.memory_space<vmem>>, %arg9: memref<80x128xf32, #tpu.memory_space<vmem>>, %arg10: memref<80x128xf32, #tpu.memory_space<vmem>>, %arg11: memref<10000x128xf32, #tpu.memory_space<vmem_shared>>, %arg12: memref<!tpu.dma_semaphore, #tpu.memory_space<semaphore_mem>>, %arg13: memref<!tpu.dma_semaphore, #tpu.memory_space<semaphore_mem>>, %arg14: memref<!tpu.dma_semaphore, #tpu.memory_space<semaphore_mem>>, %arg15: memref<!tpu.dma_semaphore, #tpu.memory_space<semaphore_mem>>, %arg16: memref<!tpu.dma_semaphore, #tpu.memory_space<semaphore_mem>>, %arg17: memref<!tpu.dma_semaphore, #tpu.memory_space<semaphore_mem>>) attributes {dimension_semantics = [#tpu.dimension_semantics<core_parallel>, #tpu.dimension_semantics<subcore_parallel>], iteration_bounds = array<i64: 2, 16>, scalar_prefetch = 0 : i64, scratch_operands = 12 : i64, tpu.core_type = #tpu.core_type<sc_vector_subcore>, window_params = [{transform_indices = #map}, {transform_indices = #map}, {transform_indices = #map}, {transform_indices = #map1}]} {
    %mul3A = arith.constant 16 : i32
    %mul3A_0 = arith.muli %arg0, %mul3A : i32
    %add3A = arith.addi %mul3A_0, %arg1 : i32
    "tpu.region"() ({
      %run_scoped3A = tpu.sem_alloc : memref<!tpu.dma_semaphore, #tpu.memory_space<semaphore_mem>>
      %dma_start3A_536 = arith.constant 0 : i32
      %dma_start3A_537 = tpu.memref_slice %arg3[%add3A, %dma_start3A_536] : memref<32x10000xi32, #tpu.memory_space<hbm>> -> memref<1x10000xi32, #tpu.memory_space<hbm>>
      %dma_start3A_538 = tpu.memref_squeeze %dma_start3A_537 : memref<1x10000xi32, #tpu.memory_space<hbm>> -> memref<10000xi32, #tpu.memory_space<hbm>>
      %dma_start3A_539 = arith.constant 0 : i32
      %dma_start3A_540 = tpu.memref_slice %arg3[%add3A, %dma_start3A_539] : memref<32x10000xi32, #tpu.memory_space<hbm>> -> memref<1x10000xi32, #tpu.memory_space<hbm>>
      %dma_start3A_541 = tpu.memref_squeeze %dma_start3A_540 : memref<1x10000xi32, #tpu.memory_space<hbm>> -> memref<10000xi32, #tpu.memory_space<hbm>>
      tpu.enqueue_dma source(%dma_start3A_541 : memref<10000xi32, #tpu.memory_space<hbm>>) target(%arg6 : memref<10000xi32, #tpu.memory_space<vmem>>) target_semaphore(%run_scoped3A : memref<!tpu.dma_semaphore, #tpu.memory_space<semaphore_mem>>)
      %dma_wait3A_542 = arith.constant 0 : i32
      %dma_wait3A_543 = tpu.memref_slice %arg3[%add3A, %dma_wait3A_542] : memref<32x10000xi32, #tpu.memory_space<hbm>> -> memref<1x10000xi32, #tpu.memory_space<hbm>>
      %dma_wait3A_544 = tpu.memref_squeeze %dma_wait3A_543 : memref<1x10000xi32, #tpu.memory_space<hbm>> -> memref<10000xi32, #tpu.memory_space<hbm>>
      %dma_wait3A_545 = arith.constant 0 : i32
      %dma_wait3A_546 = tpu.memref_slice %arg3[%add3A, %dma_wait3A_545] : memref<32x10000xi32, #tpu.memory_space<hbm>> -> memref<1x10000xi32, #tpu.memory_space<hbm>>
      %dma_wait3A_547 = tpu.memref_squeeze %dma_wait3A_546 : memref<1x10000xi32, #tpu.memory_space<hbm>> -> memref<10000xi32, #tpu.memory_space<hbm>>
      tpu.wait_dma2 semaphore(%run_scoped3A : memref<!tpu.dma_semaphore, #tpu.memory_space<semaphore_mem>>) src(%dma_wait3A_547 : memref<10000xi32, #tpu.memory_space<hbm>>) dst(%arg6 : memref<10000xi32, #tpu.memory_space<vmem>>)
      tpu.yield
    }) : () -> ()
    %mul3A_1 = arith.constant 0 : i32
    %mul3A_2 = arith.constant 80 : i32
    %mul3A_3 = arith.muli %mul3A_1, %mul3A_2 : i32
    %add3A_4 = arith.constant 0 : i32
    %add3A_5 = arith.addi %mul3A_3, %add3A_4 : i32
    %get3A = arith.index_cast %add3A_5 : i32 to index
    %get3A_6 = tpu.vector_load %arg6[%get3A] {strides = array<i32>} : memref<10000xi32, #tpu.memory_space<vmem>>, vector<16xi32>,
    %get3A_7 = vector.shape_cast %get3A_6 : vector<16xi32> to vector<16xi32>
    %and3A = arith.constant 16383 : i32
    %and3A_8 = vector.broadcast %and3A : i32 to vector<16xi32>
    %and3A_9 = arith.andi %get3A_7, %and3A_8 : vector<16xi32>
    %swap3A = arith.constant 0 : i32
    %swap3A_10 = arith.constant 0 : i32
    %swap3A_11 = arith.index_cast %swap3A : i32 to index
    %swap3A_12 = arith.index_cast %swap3A_10 : i32 to index
    %swap3A_13 = arith.constant 0 : index
    %swap3A_14 = tpu.vector_load %arg7[%swap3A_11, %swap3A_12, %swap3A_13] {strides = array<i32>} : memref<3x2x80xi32, #tpu.memory_space<vmem>>, vector<1x1x16xi32>,
    %swap3A_15 = vector.shape_cast %swap3A_14 : vector<1x1x16xi32> to vector<16xi32>
    %swap3A_16 = vector.shape_cast %and3A_9 : vector<16xi32> to vector<1x1x16xi32>
    tpu.vector_store %arg7[%swap3A_11, %swap3A_12, %swap3A_13], %swap3A_16 {strides = array<i32>} : memref<3x2x80xi32, #tpu.memory_space<vmem>>, vector<1x1x16xi32>,
    %shift_right_logical3A = arith.constant 14 : i32
    %shift_right_logical3A_17 = vector.broadcast %shift_right_logical3A : i32 to vector<16xi32>
    %shift_right_logical3A_18 = arith.shrui %get3A_7, %shift_right_logical3A_17 : vector<16xi32>
    %swap3A_19 = arith.constant 0 : i32
    %swap3A_20 = arith.constant 1 : i32
    %swap3A_21 = arith.index_cast %swap3A_19 : i32 to index
    %swap3A_22 = arith.index_cast %swap3A_20 : i32 to index
    %swap3A_23 = arith.constant 0 : index
    %swap3A_24 = tpu.vector_load %arg7[%swap3A_21, %swap3A_22, %swap3A_23] {strides = array<i32>} : memref<3x2x80xi32, #tpu.memory_space<vmem>>, vector<1x1x16xi32>,
    %swap3A_25 = vector.shape_cast %swap3A_24 : vector<1x1x16xi32> to vector<16xi32>
    %swap3A_26 = vector.shape_cast %shift_right_logical3A_18 : vector<16xi32> to vector<1x1x16xi32>
    tpu.vector_store %arg7[%swap3A_21, %swap3A_22, %swap3A_23], %swap3A_26 {strides = array<i32>} : memref<3x2x80xi32, #tpu.memory_space<vmem>>, vector<1x1x16xi32>,
    %mul3A_27 = arith.constant 0 : i32
    %mul3A_28 = arith.constant 80 : i32
    %mul3A_29 = arith.muli %mul3A_27, %mul3A_28 : i32
    %add3A_30 = arith.constant 16 : i32
    %add3A_31 = arith.addi %mul3A_29, %add3A_30 : i32
    %get3A_32 = arith.index_cast %add3A_31 : i32 to index
    %get3A_33 = tpu.vector_load %arg6[%get3A_32] {strides = array<i32>} : memref<10000xi32, #tpu.memory_space<vmem>>, vector<16xi32>,
    %get3A_34 = vector.shape_cast %get3A_33 : vector<16xi32> to vector<16xi32>
    %and3A_35 = arith.constant 16383 : i32
    %and3A_36 = vector.broadcast %and3A_35 : i32 to vector<16xi32>
    %and3A_37 = arith.andi %get3A_34, %and3A_36 : vector<16xi32>
    %swap3A_38 = arith.constant 0 : i32
    %swap3A_39 = arith.constant 0 : i32
    %swap3A_40 = arith.index_cast %swap3A_38 : i32 to index
    %swap3A_41 = arith.index_cast %swap3A_39 : i32 to index
    %swap3A_42 = arith.constant 16 : index
    %swap3A_43 = tpu.vector_load %arg7[%swap3A_40, %swap3A_41, %swap3A_42] {strides = array<i32>} : memref<3x2x80xi32, #tpu.memory_space<vmem>>, vector<1x1x16xi32>,
    %swap3A_44 = vector.shape_cast %swap3A_43 : vector<1x1x16xi32> to vector<16xi32>
    %swap3A_45 = vector.shape_cast %and3A_37 : vector<16xi32> to vector<1x1x16xi32>
    tpu.vector_store %arg7[%swap3A_40, %swap3A_41, %swap3A_42], %swap3A_45 {strides = array<i32>} : memref<3x2x80xi32, #tpu.memory_space<vmem>>, vector<1x1x16xi32>,
    %shift_right_logical3A_46 = arith.constant 14 : i32
    %shift_right_logical3A_47 = vector.broadcast %shift_right_logical3A_46 : i32 to vector<16xi32>
    %shift_right_logical3A_48 = arith.shrui %get3A_34, %shift_right_logical3A_47 : vector<16xi32>
    %swap3A_49 = arith.constant 0 : i32
    %swap3A_50 = arith.constant 1 : i32
    %swap3A_51 = arith.index_cast %swap3A_49 : i32 to index
    %swap3A_52 = arith.index_cast %swap3A_50 : i32 to index
    %swap3A_53 = arith.constant 16 : index
    %swap3A_54 = tpu.vector_load %arg7[%swap3A_51, %swap3A_52, %swap3A_53] {strides = array<i32>} : memref<3x2x80xi32, #tpu.memory_space<vmem>>, vector<1x1x16xi32>,
    %swap3A_55 = vector.shape_cast %swap3A_54 : vector<1x1x16xi32> to vector<16xi32>
    %swap3A_56 = vector.shape_cast %shift_right_logical3A_48 : vector<16xi32> to vector<1x1x16xi32>
    tpu.vector_store %arg7[%swap3A_51, %swap3A_52, %swap3A_53], %swap3A_56 {strides = array<i32>} : memref<3x2x80xi32, #tpu.memory_space<vmem>>, vector<1x1x16xi32>,
    %mul3A_57 = arith.constant 0 : i32
    %mul3A_58 = arith.constant 80 : i32
    %mul3A_59 = arith.muli %mul3A_57, %mul3A_58 : i32
    %add3A_60 = arith.constant 32 : i32
    %add3A_61 = arith.addi %mul3A_59, %add3A_60 : i32
    %get3A_62 = arith.index_cast %add3A_61 : i32 to index
    %get3A_63 = tpu.vector_load %arg6[%get3A_62] {strides = array<i32>} : memref<10000xi32, #tpu.memory_space<vmem>>, vector<16xi32>,
    %get3A_64 = vector.shape_cast %get3A_63 : vector<16xi32> to vector<16xi32>
    %and3A_65 = arith.constant 16383 : i32
    %and3A_66 = vector.broadcast %and3A_65 : i32 to vector<16xi32>
    %and3A_67 = arith.andi %get3A_64, %and3A_66 : vector<16xi32>
    %swap3A_68 = arith.constant 0 : i32
    %swap3A_69 = arith.constant 0 : i32
    %swap3A_70 = arith.index_cast %swap3A_68 : i32 to index
    %swap3A_71 = arith.index_cast %swap3A_69 : i32 to index
    %swap3A_72 = arith.constant 32 : index
    %swap3A_73 = tpu.vector_load %arg7[%swap3A_70, %swap3A_71, %swap3A_72] {strides = array<i32>} : memref<3x2x80xi32, #tpu.memory_space<vmem>>, vector<1x1x16xi32>,
    %swap3A_74 = vector.shape_cast %swap3A_73 : vector<1x1x16xi32> to vector<16xi32>
    %swap3A_75 = vector.shape_cast %and3A_67 : vector<16xi32> to vector<1x1x16xi32>
    tpu.vector_store %arg7[%swap3A_70, %swap3A_71, %swap3A_72], %swap3A_75 {strides = array<i32>} : memref<3x2x80xi32, #tpu.memory_space<vmem>>, vector<1x1x16xi32>,
    %shift_right_logical3A_76 = arith.constant 14 : i32
    %shift_right_logical3A_77 = vector.broadcast %shift_right_logical3A_76 : i32 to vector<16xi32>
    %shift_right_logical3A_78 = arith.shrui %get3A_64, %shift_right_logical3A_77 : vector<16xi32>
    %swap3A_79 = arith.constant 0 : i32
    %swap3A_80 = arith.constant 1 : i32
    %swap3A_81 = arith.index_cast %swap3A_79 : i32 to index
    %swap3A_82 = arith.index_cast %swap3A_80 : i32 to index
    %swap3A_83 = arith.constant 32 : index
    %swap3A_84 = tpu.vector_load %arg7[%swap3A_81, %swap3A_82, %swap3A_83] {strides = array<i32>} : memref<3x2x80xi32, #tpu.memory_space<vmem>>, vector<1x1x16xi32>,
    %swap3A_85 = vector.shape_cast %swap3A_84 : vector<1x1x16xi32> to vector<16xi32>
    %swap3A_86 = vector.shape_cast %shift_right_logical3A_78 : vector<16xi32> to vector<1x1x16xi32>
    tpu.vector_store %arg7[%swap3A_81, %swap3A_82, %swap3A_83], %swap3A_86 {strides = array<i32>} : memref<3x2x80xi32, #tpu.memory_space<vmem>>, vector<1x1x16xi32>,
    %mul3A_87 = arith.constant 0 : i32
    %mul3A_88 = arith.constant 80 : i32
    %mul3A_89 = arith.muli %mul3A_87, %mul3A_88 : i32
    %add3A_90 = arith.constant 48 : i32
    %add3A_91 = arith.addi %mul3A_89, %add3A_90 : i32
    %get3A_92 = arith.index_cast %add3A_91 : i32 to index
    %get3A_93 = tpu.vector_load %arg6[%get3A_92] {strides = array<i32>} : memref<10000xi32, #tpu.memory_space<vmem>>, vector<16xi32>,
    %get3A_94 = vector.shape_cast %get3A_93 : vector<16xi32> to vector<16xi32>
    %and3A_95 = arith.constant 16383 : i32
    %and3A_96 = vector.broadcast %and3A_95 : i32 to vector<16xi32>
    %and3A_97 = arith.andi %get3A_94, %and3A_96 : vector<16xi32>
    %swap3A_98 = arith.constant 0 : i32
    %swap3A_99 = arith.constant 0 : i32
    %swap3A_100 = arith.index_cast %swap3A_98 : i32 to index
    %swap3A_101 = arith.index_cast %swap3A_99 : i32 to index
    %swap3A_102 = arith.constant 48 : index
    %swap3A_103 = tpu.vector_load %arg7[%swap3A_100, %swap3A_101, %swap3A_102] {strides = array<i32>} : memref<3x2x80xi32, #tpu.memory_space<vmem>>, vector<1x1x16xi32>,
    %swap3A_104 = vector.shape_cast %swap3A_103 : vector<1x1x16xi32> to vector<16xi32>
    %swap3A_105 = vector.shape_cast %and3A_97 : vector<16xi32> to vector<1x1x16xi32>
    tpu.vector_store %arg7[%swap3A_100, %swap3A_101, %swap3A_102], %swap3A_105 {strides = array<i32>} : memref<3x2x80xi32, #tpu.memory_space<vmem>>, vector<1x1x16xi32>,
    %shift_right_logical3A_106 = arith.constant 14 : i32
    %shift_right_logical3A_107 = vector.broadcast %shift_right_logical3A_106 : i32 to vector<16xi32>
    %shift_right_logical3A_108 = arith.shrui %get3A_94, %shift_right_logical3A_107 : vector<16xi32>
    %swap3A_109 = arith.constant 0 : i32
    %swap3A_110 = arith.constant 1 : i32
    %swap3A_111 = arith.index_cast %swap3A_109 : i32 to index
    %swap3A_112 = arith.index_cast %swap3A_110 : i32 to index
    %swap3A_113 = arith.constant 48 : index
    %swap3A_114 = tpu.vector_load %arg7[%swap3A_111, %swap3A_112, %swap3A_113] {strides = array<i32>} : memref<3x2x80xi32, #tpu.memory_space<vmem>>, vector<1x1x16xi32>,
    %swap3A_115 = vector.shape_cast %swap3A_114 : vector<1x1x16xi32> to vector<16xi32>
    %swap3A_116 = vector.shape_cast %shift_right_logical3A_108 : vector<16xi32> to vector<1x1x16xi32>
    tpu.vector_store %arg7[%swap3A_111, %swap3A_112, %swap3A_113], %swap3A_116 {strides = array<i32>} : memref<3x2x80xi32, #tpu.memory_space<vmem>>, vector<1x1x16xi32>,
    %mul3A_117 = arith.constant 0 : i32
    %mul3A_118 = arith.constant 80 : i32
    %mul3A_119 = arith.muli %mul3A_117, %mul3A_118 : i32
    %add3A_120 = arith.constant 64 : i32
    %add3A_121 = arith.addi %mul3A_119, %add3A_120 : i32
    %get3A_122 = arith.index_cast %add3A_121 : i32 to index
    %get3A_123 = tpu.vector_load %arg6[%get3A_122] {strides = array<i32>} : memref<10000xi32, #tpu.memory_space<vmem>>, vector<16xi32>,
    %get3A_124 = vector.shape_cast %get3A_123 : vector<16xi32> to vector<16xi32>
    %and3A_125 = arith.constant 16383 : i32
    %and3A_126 = vector.broadcast %and3A_125 : i32 to vector<16xi32>
    %and3A_127 = arith.andi %get3A_124, %and3A_126 : vector<16xi32>
    %swap3A_128 = arith.constant 0 : i32
    %swap3A_129 = arith.constant 0 : i32
    %swap3A_130 = arith.index_cast %swap3A_128 : i32 to index
    %swap3A_131 = arith.index_cast %swap3A_129 : i32 to index
    %swap3A_132 = arith.constant 64 : index
    %swap3A_133 = tpu.vector_load %arg7[%swap3A_130, %swap3A_131, %swap3A_132] {strides = array<i32>} : memref<3x2x80xi32, #tpu.memory_space<vmem>>, vector<1x1x16xi32>,
    %swap3A_134 = vector.shape_cast %swap3A_133 : vector<1x1x16xi32> to vector<16xi32>
    %swap3A_135 = vector.shape_cast %and3A_127 : vector<16xi32> to vector<1x1x16xi32>
    tpu.vector_store %arg7[%swap3A_130, %swap3A_131, %swap3A_132], %swap3A_135 {strides = array<i32>} : memref<3x2x80xi32, #tpu.memory_space<vmem>>, vector<1x1x16xi32>,
    %shift_right_logical3A_136 = arith.constant 14 : i32
    %shift_right_logical3A_137 = vector.broadcast %shift_right_logical3A_136 : i32 to vector<16xi32>
    %shift_right_logical3A_138 = arith.shrui %get3A_124, %shift_right_logical3A_137 : vector<16xi32>
    %swap3A_139 = arith.constant 0 : i32
    %swap3A_140 = arith.constant 1 : i32
    %swap3A_141 = arith.index_cast %swap3A_139 : i32 to index
    %swap3A_142 = arith.index_cast %swap3A_140 : i32 to index
    %swap3A_143 = arith.constant 64 : index
    %swap3A_144 = tpu.vector_load %arg7[%swap3A_141, %swap3A_142, %swap3A_143] {strides = array<i32>} : memref<3x2x80xi32, #tpu.memory_space<vmem>>, vector<1x1x16xi32>,
    %swap3A_145 = vector.shape_cast %swap3A_144 : vector<1x1x16xi32> to vector<16xi32>
    %swap3A_146 = vector.shape_cast %shift_right_logical3A_138 : vector<16xi32> to vector<1x1x16xi32>
    tpu.vector_store %arg7[%swap3A_141, %swap3A_142, %swap3A_143], %swap3A_146 {strides = array<i32>} : memref<3x2x80xi32, #tpu.memory_space<vmem>>, vector<1x1x16xi32>,
    %dma_start3A = arith.constant 0 : i32
    %dma_start3A_147 = arith.constant 0 : i32
    %dma_start3A_148 = arith.constant 0 : i32
    %dma_start3A_149 = tpu.memref_slice %arg7[%dma_start3A, %dma_start3A_147, %dma_start3A_148] : memref<3x2x80xi32, #tpu.memory_space<vmem>> -> memref<1x1x80xi32, #tpu.memory_space<vmem>>
    %dma_start3A_150 = tpu.memref_squeeze %dma_start3A_149 : memref<1x1x80xi32, #tpu.memory_space<vmem>> -> memref<80xi32, #tpu.memory_space<vmem>>
    %dma_start3A_151 = arith.constant 0 : i32
    %dma_start3A_152 = arith.constant 0 : i32
    %dma_start3A_153 = tpu.memref_slice %arg2[%dma_start3A_151, %dma_start3A_152] : memref<10000x128xf32, #tpu.memory_space<hbm>> -> memref<10000x128xf32, #tpu.memory_space<hbm>>
    tpu.enqueue_indirect_dma source(%dma_start3A_153 : memref<10000x128xf32, #tpu.memory_space<hbm>>) target(%arg8 : memref<80x128xf32, #tpu.memory_space<vmem>>) offsets(%dma_start3A_150 : memref<80xi32, #tpu.memory_space<vmem>>) semaphore(%arg12 : memref<!tpu.dma_semaphore, #tpu.memory_space<semaphore_mem>>)
    %mul3A_154 = arith.constant 1 : i32
    %mul3A_155 = arith.constant 80 : i32
    %mul3A_156 = arith.muli %mul3A_154, %mul3A_155 : i32
    %add3A_157 = arith.constant 0 : i32
    %add3A_158 = arith.addi %mul3A_156, %add3A_157 : i32
    %get3A_159 = arith.index_cast %add3A_158 : i32 to index
    %get3A_160 = tpu.vector_load %arg6[%get3A_159] {strides = array<i32>} : memref<10000xi32, #tpu.memory_space<vmem>>, vector<16xi32>,
    %get3A_161 = vector.shape_cast %get3A_160 : vector<16xi32> to vector<16xi32>
    %and3A_162 = arith.constant 16383 : i32
    %and3A_163 = vector.broadcast %and3A_162 : i32 to vector<16xi32>
    %and3A_164 = arith.andi %get3A_161, %and3A_163 : vector<16xi32>
    %swap3A_165 = arith.constant 1 : i32
    %swap3A_166 = arith.constant 0 : i32
    %swap3A_167 = arith.index_cast %swap3A_165 : i32 to index
    %swap3A_168 = arith.index_cast %swap3A_166 : i32 to index
    %swap3A_169 = arith.constant 0 : index
    %swap3A_170 = tpu.vector_load %arg7[%swap3A_167, %swap3A_168, %swap3A_169] {strides = array<i32>} : memref<3x2x80xi32, #tpu.memory_space<vmem>>, vector<1x1x16xi32>,
    %swap3A_171 = vector.shape_cast %swap3A_170 : vector<1x1x16xi32> to vector<16xi32>
    %swap3A_172 = vector.shape_cast %and3A_164 : vector<16xi32> to vector<1x1x16xi32>
    tpu.vector_store %arg7[%swap3A_167, %swap3A_168, %swap3A_169], %swap3A_172 {strides = array<i32>} : memref<3x2x80xi32, #tpu.memory_space<vmem>>, vector<1x1x16xi32>,
    %shift_right_logical3A_173 = arith.constant 14 : i32
    %shift_right_logical3A_174 = vector.broadcast %shift_right_logical3A_173 : i32 to vector<16xi32>
    %shift_right_logical3A_175 = arith.shrui %get3A_161, %shift_right_logical3A_174 : vector<16xi32>
    %swap3A_176 = arith.constant 1 : i32
    %swap3A_177 = arith.constant 1 : i32
    %swap3A_178 = arith.index_cast %swap3A_176 : i32 to index
    %swap3A_179 = arith.index_cast %swap3A_177 : i32 to index
    %swap3A_180 = arith.constant 0 : index
    %swap3A_181 = tpu.vector_load %arg7[%swap3A_178, %swap3A_179, %swap3A_180] {strides = array<i32>} : memref<3x2x80xi32, #tpu.memory_space<vmem>>, vector<1x1x16xi32>,
    %swap3A_182 = vector.shape_cast %swap3A_181 : vector<1x1x16xi32> to vector<16xi32>
    %swap3A_183 = vector.shape_cast %shift_right_logical3A_175 : vector<16xi32> to vector<1x1x16xi32>
    tpu.vector_store %arg7[%swap3A_178, %swap3A_179, %swap3A_180], %swap3A_183 {strides = array<i32>} : memref<3x2x80xi32, #tpu.memory_space<vmem>>, vector<1x1x16xi32>,
    %mul3A_184 = arith.constant 1 : i32
    %mul3A_185 = arith.constant 80 : i32
    %mul3A_186 = arith.muli %mul3A_184, %mul3A_185 : i32
    %add3A_187 = arith.constant 16 : i32
    %add3A_188 = arith.addi %mul3A_186, %add3A_187 : i32
    %get3A_189 = arith.index_cast %add3A_188 : i32 to index
    %get3A_190 = tpu.vector_load %arg6[%get3A_189] {strides = array<i32>} : memref<10000xi32, #tpu.memory_space<vmem>>, vector<16xi32>,
    %get3A_191 = vector.shape_cast %get3A_190 : vector<16xi32> to vector<16xi32>
    %and3A_192 = arith.constant 16383 : i32
    %and3A_193 = vector.broadcast %and3A_192 : i32 to vector<16xi32>
    %and3A_194 = arith.andi %get3A_191, %and3A_193 : vector<16xi32>
    %swap3A_195 = arith.constant 1 : i32
    %swap3A_196 = arith.constant 0 : i32
    %swap3A_197 = arith.index_cast %swap3A_195 : i32 to index
    %swap3A_198 = arith.index_cast %swap3A_196 : i32 to index
    %swap3A_199 = arith.constant 16 : index
    %swap3A_200 = tpu.vector_load %arg7[%swap3A_197, %swap3A_198, %swap3A_199] {strides = array<i32>} : memref<3x2x80xi32, #tpu.memory_space<vmem>>, vector<1x1x16xi32>,
    %swap3A_201 = vector.shape_cast %swap3A_200 : vector<1x1x16xi32> to vector<16xi32>
    %swap3A_202 = vector.shape_cast %and3A_194 : vector<16xi32> to vector<1x1x16xi32>
    tpu.vector_store %arg7[%swap3A_197, %swap3A_198, %swap3A_199], %swap3A_202 {strides = array<i32>} : memref<3x2x80xi32, #tpu.memory_space<vmem>>, vector<1x1x16xi32>,
    %shift_right_logical3A_203 = arith.constant 14 : i32
    %shift_right_logical3A_204 = vector.broadcast %shift_right_logical3A_203 : i32 to vector<16xi32>
    %shift_right_logical3A_205 = arith.shrui %get3A_191, %shift_right_logical3A_204 : vector<16xi32>
    %swap3A_206 = arith.constant 1 : i32
    %swap3A_207 = arith.constant 1 : i32
    %swap3A_208 = arith.index_cast %swap3A_206 : i32 to index
    %swap3A_209 = arith.index_cast %swap3A_207 : i32 to index
    %swap3A_210 = arith.constant 16 : index
    %swap3A_211 = tpu.vector_load %arg7[%swap3A_208, %swap3A_209, %swap3A_210] {strides = array<i32>} : memref<3x2x80xi32, #tpu.memory_space<vmem>>, vector<1x1x16xi32>,
    %swap3A_212 = vector.shape_cast %swap3A_211 : vector<1x1x16xi32> to vector<16xi32>
    %swap3A_213 = vector.shape_cast %shift_right_logical3A_205 : vector<16xi32> to vector<1x1x16xi32>
    tpu.vector_store %arg7[%swap3A_208, %swap3A_209, %swap3A_210], %swap3A_213 {strides = array<i32>} : memref<3x2x80xi32, #tpu.memory_space<vmem>>, vector<1x1x16xi32>,
    %mul3A_214 = arith.constant 1 : i32
    %mul3A_215 = arith.constant 80 : i32
    %mul3A_216 = arith.muli %mul3A_214, %mul3A_215 : i32
    %add3A_217 = arith.constant 32 : i32
    %add3A_218 = arith.addi %mul3A_216, %add3A_217 : i32
    %get3A_219 = arith.index_cast %add3A_218 : i32 to index
    %get3A_220 = tpu.vector_load %arg6[%get3A_219] {strides = array<i32>} : memref<10000xi32, #tpu.memory_space<vmem>>, vector<16xi32>,
    %get3A_221 = vector.shape_cast %get3A_220 : vector<16xi32> to vector<16xi32>
    %and3A_222 = arith.constant 16383 : i32
    %and3A_223 = vector.broadcast %and3A_222 : i32 to vector<16xi32>
    %and3A_224 = arith.andi %get3A_221, %and3A_223 : vector<16xi32>
    %swap3A_225 = arith.constant 1 : i32
    %swap3A_226 = arith.constant 0 : i32
    %swap3A_227 = arith.index_cast %swap3A_225 : i32 to index
    %swap3A_228 = arith.index_cast %swap3A_226 : i32 to index
    %swap3A_229 = arith.constant 32 : index
    %swap3A_230 = tpu.vector_load %arg7[%swap3A_227, %swap3A_228, %swap3A_229] {strides = array<i32>} : memref<3x2x80xi32, #tpu.memory_space<vmem>>, vector<1x1x16xi32>,
    %swap3A_231 = vector.shape_cast %swap3A_230 : vector<1x1x16xi32> to vector<16xi32>
    %swap3A_232 = vector.shape_cast %and3A_224 : vector<16xi32> to vector<1x1x16xi32>
    tpu.vector_store %arg7[%swap3A_227, %swap3A_228, %swap3A_229], %swap3A_232 {strides = array<i32>} : memref<3x2x80xi32, #tpu.memory_space<vmem>>, vector<1x1x16xi32>,
    %shift_right_logical3A_233 = arith.constant 14 : i32
    %shift_right_logical3A_234 = vector.broadcast %shift_right_logical3A_233 : i32 to vector<16xi32>
    %shift_right_logical3A_235 = arith.shrui %get3A_221, %shift_right_logical3A_234 : vector<16xi32>
    %swap3A_236 = arith.constant 1 : i32
    %swap3A_237 = arith.constant 1 : i32
    %swap3A_238 = arith.index_cast %swap3A_236 : i32 to index
    %swap3A_239 = arith.index_cast %swap3A_237 : i32 to index
    %swap3A_240 = arith.constant 32 : index
    %swap3A_241 = tpu.vector_load %arg7[%swap3A_238, %swap3A_239, %swap3A_240] {strides = array<i32>} : memref<3x2x80xi32, #tpu.memory_space<vmem>>, vector<1x1x16xi32>,
    %swap3A_242 = vector.shape_cast %swap3A_241 : vector<1x1x16xi32> to vector<16xi32>
    %swap3A_243 = vector.shape_cast %shift_right_logical3A_235 : vector<16xi32> to vector<1x1x16xi32>
    tpu.vector_store %arg7[%swap3A_238, %swap3A_239, %swap3A_240], %swap3A_243 {strides = array<i32>} : memref<3x2x80xi32, #tpu.memory_space<vmem>>, vector<1x1x16xi32>,
    %mul3A_244 = arith.constant 1 : i32
    %mul3A_245 = arith.constant 80 : i32
    %mul3A_246 = arith.muli %mul3A_244, %mul3A_245 : i32
    %add3A_247 = arith.constant 48 : i32
    %add3A_248 = arith.addi %mul3A_246, %add3A_247 : i32
    %get3A_249 = arith.index_cast %add3A_248 : i32 to index
    %get3A_250 = tpu.vector_load %arg6[%get3A_249] {strides = array<i32>} : memref<10000xi32, #tpu.memory_space<vmem>>, vector<16xi32>,
    %get3A_251 = vector.shape_cast %get3A_250 : vector<16xi32> to vector<16xi32>
    %and3A_252 = arith.constant 16383 : i32
    %and3A_253 = vector.broadcast %and3A_252 : i32 to vector<16xi32>
    %and3A_254 = arith.andi %get3A_251, %and3A_253 : vector<16xi32>
    %swap3A_255 = arith.constant 1 : i32
    %swap3A_256 = arith.constant 0 : i32
    %swap3A_257 = arith.index_cast %swap3A_255 : i32 to index
    %swap3A_258 = arith.index_cast %swap3A_256 : i32 to index
    %swap3A_259 = arith.constant 48 : index
    %swap3A_260 = tpu.vector_load %arg7[%swap3A_257, %swap3A_258, %swap3A_259] {strides = array<i32>} : memref<3x2x80xi32, #tpu.memory_space<vmem>>, vector<1x1x16xi32>,
    %swap3A_261 = vector.shape_cast %swap3A_260 : vector<1x1x16xi32> to vector<16xi32>
    %swap3A_262 = vector.shape_cast %and3A_254 : vector<16xi32> to vector<1x1x16xi32>
    tpu.vector_store %arg7[%swap3A_257, %swap3A_258, %swap3A_259], %swap3A_262 {strides = array<i32>} : memref<3x2x80xi32, #tpu.memory_space<vmem>>, vector<1x1x16xi32>,
    %shift_right_logical3A_263 = arith.constant 14 : i32
    %shift_right_logical3A_264 = vector.broadcast %shift_right_logical3A_263 : i32 to vector<16xi32>
    %shift_right_logical3A_265 = arith.shrui %get3A_251, %shift_right_logical3A_264 : vector<16xi32>
    %swap3A_266 = arith.constant 1 : i32
    %swap3A_267 = arith.constant 1 : i32
    %swap3A_268 = arith.index_cast %swap3A_266 : i32 to index
    %swap3A_269 = arith.index_cast %swap3A_267 : i32 to index
    %swap3A_270 = arith.constant 48 : index
    %swap3A_271 = tpu.vector_load %arg7[%swap3A_268, %swap3A_269, %swap3A_270] {strides = array<i32>} : memref<3x2x80xi32, #tpu.memory_space<vmem>>, vector<1x1x16xi32>,
    %swap3A_272 = vector.shape_cast %swap3A_271 : vector<1x1x16xi32> to vector<16xi32>
    %swap3A_273 = vector.shape_cast %shift_right_logical3A_265 : vector<16xi32> to vector<1x1x16xi32>
    tpu.vector_store %arg7[%swap3A_268, %swap3A_269, %swap3A_270], %swap3A_273 {strides = array<i32>} : memref<3x2x80xi32, #tpu.memory_space<vmem>>, vector<1x1x16xi32>,
    %mul3A_274 = arith.constant 1 : i32
    %mul3A_275 = arith.constant 80 : i32
    %mul3A_276 = arith.muli %mul3A_274, %mul3A_275 : i32
    %add3A_277 = arith.constant 64 : i32
    %add3A_278 = arith.addi %mul3A_276, %add3A_277 : i32
    %get3A_279 = arith.index_cast %add3A_278 : i32 to index
    %get3A_280 = tpu.vector_load %arg6[%get3A_279] {strides = array<i32>} : memref<10000xi32, #tpu.memory_space<vmem>>, vector<16xi32>,
    %get3A_281 = vector.shape_cast %get3A_280 : vector<16xi32> to vector<16xi32>
    %and3A_282 = arith.constant 16383 : i32
    %and3A_283 = vector.broadcast %and3A_282 : i32 to vector<16xi32>
    %and3A_284 = arith.andi %get3A_281, %and3A_283 : vector<16xi32>
    %swap3A_285 = arith.constant 1 : i32
    %swap3A_286 = arith.constant 0 : i32
    %swap3A_287 = arith.index_cast %swap3A_285 : i32 to index
    %swap3A_288 = arith.index_cast %swap3A_286 : i32 to index
    %swap3A_289 = arith.constant 64 : index
    %swap3A_290 = tpu.vector_load %arg7[%swap3A_287, %swap3A_288, %swap3A_289] {strides = array<i32>} : memref<3x2x80xi32, #tpu.memory_space<vmem>>, vector<1x1x16xi32>,
    %swap3A_291 = vector.shape_cast %swap3A_290 : vector<1x1x16xi32> to vector<16xi32>
    %swap3A_292 = vector.shape_cast %and3A_284 : vector<16xi32> to vector<1x1x16xi32>
    tpu.vector_store %arg7[%swap3A_287, %swap3A_288, %swap3A_289], %swap3A_292 {strides = array<i32>} : memref<3x2x80xi32, #tpu.memory_space<vmem>>, vector<1x1x16xi32>,
    %shift_right_logical3A_293 = arith.constant 14 : i32
    %shift_right_logical3A_294 = vector.broadcast %shift_right_logical3A_293 : i32 to vector<16xi32>
    %shift_right_logical3A_295 = arith.shrui %get3A_281, %shift_right_logical3A_294 : vector<16xi32>
    %swap3A_296 = arith.constant 1 : i32
    %swap3A_297 = arith.constant 1 : i32
    %swap3A_298 = arith.index_cast %swap3A_296 : i32 to index
    %swap3A_299 = arith.index_cast %swap3A_297 : i32 to index
    %swap3A_300 = arith.constant 64 : index
    %swap3A_301 = tpu.vector_load %arg7[%swap3A_298, %swap3A_299, %swap3A_300] {strides = array<i32>} : memref<3x2x80xi32, #tpu.memory_space<vmem>>, vector<1x1x16xi32>,
    %swap3A_302 = vector.shape_cast %swap3A_301 : vector<1x1x16xi32> to vector<16xi32>
    %swap3A_303 = vector.shape_cast %shift_right_logical3A_295 : vector<16xi32> to vector<1x1x16xi32>
    tpu.vector_store %arg7[%swap3A_298, %swap3A_299, %swap3A_300], %swap3A_303 {strides = array<i32>} : memref<3x2x80xi32, #tpu.memory_space<vmem>>, vector<1x1x16xi32>,
    %dma_start3A_304 = arith.constant 1 : i32
    %dma_start3A_305 = arith.constant 0 : i32
    %dma_start3A_306 = arith.constant 0 : i32
    %dma_start3A_307 = tpu.memref_slice %arg7[%dma_start3A_304, %dma_start3A_305, %dma_start3A_306] : memref<3x2x80xi32, #tpu.memory_space<vmem>> -> memref<1x1x80xi32, #tpu.memory_space<vmem>>
    %dma_start3A_308 = tpu.memref_squeeze %dma_start3A_307 : memref<1x1x80xi32, #tpu.memory_space<vmem>> -> memref<80xi32, #tpu.memory_space<vmem>>
    %dma_start3A_309 = arith.constant 0 : i32
    %dma_start3A_310 = arith.constant 0 : i32
    %dma_start3A_311 = tpu.memref_slice %arg2[%dma_start3A_309, %dma_start3A_310] : memref<10000x128xf32, #tpu.memory_space<hbm>> -> memref<10000x128xf32, #tpu.memory_space<hbm>>
    tpu.enqueue_indirect_dma source(%dma_start3A_311 : memref<10000x128xf32, #tpu.memory_space<hbm>>) target(%arg9 : memref<80x128xf32, #tpu.memory_space<vmem>>) offsets(%dma_start3A_308 : memref<80xi32, #tpu.memory_space<vmem>>) semaphore(%arg13 : memref<!tpu.dma_semaphore, #tpu.memory_space<semaphore_mem>>)
    %mul3A_312 = arith.constant 2 : i32
    %mul3A_313 = arith.constant 80 : i32
    %mul3A_314 = arith.muli %mul3A_312, %mul3A_313 : i32
    %add3A_315 = arith.constant 0 : i32
    %add3A_316 = arith.addi %mul3A_314, %add3A_315 : i32
    %get3A_317 = arith.index_cast %add3A_316 : i32 to index
    %get3A_318 = tpu.vector_load %arg6[%get3A_317] {strides = array<i32>} : memref<10000xi32, #tpu.memory_space<vmem>>, vector<16xi32>,
    %get3A_319 = vector.shape_cast %get3A_318 : vector<16xi32> to vector<16xi32>
    %and3A_320 = arith.constant 16383 : i32
    %and3A_321 = vector.broadcast %and3A_320 : i32 to vector<16xi32>
    %and3A_322 = arith.andi %get3A_319, %and3A_321 : vector<16xi32>
    %swap3A_323 = arith.constant 2 : i32
    %swap3A_324 = arith.constant 0 : i32
    %swap3A_325 = arith.index_cast %swap3A_323 : i32 to index
    %swap3A_326 = arith.index_cast %swap3A_324 : i32 to index
    %swap3A_327 = arith.constant 0 : index
    %swap3A_328 = tpu.vector_load %arg7[%swap3A_325, %swap3A_326, %swap3A_327] {strides = array<i32>} : memref<3x2x80xi32, #tpu.memory_space<vmem>>, vector<1x1x16xi32>,
    %swap3A_329 = vector.shape_cast %swap3A_328 : vector<1x1x16xi32> to vector<16xi32>
    %swap3A_330 = vector.shape_cast %and3A_322 : vector<16xi32> to vector<1x1x16xi32>
    tpu.vector_store %arg7[%swap3A_325, %swap3A_326, %swap3A_327], %swap3A_330 {strides = array<i32>} : memref<3x2x80xi32, #tpu.memory_space<vmem>>, vector<1x1x16xi32>,
    %shift_right_logical3A_331 = arith.constant 14 : i32
    %shift_right_logical3A_332 = vector.broadcast %shift_right_logical3A_331 : i32 to vector<16xi32>
    %shift_right_logical3A_333 = arith.shrui %get3A_319, %shift_right_logical3A_332 : vector<16xi32>
    %swap3A_334 = arith.constant 2 : i32
    %swap3A_335 = arith.constant 1 : i32
    %swap3A_336 = arith.index_cast %swap3A_334 : i32 to index
    %swap3A_337 = arith.index_cast %swap3A_335 : i32 to index
    %swap3A_338 = arith.constant 0 : index
    %swap3A_339 = tpu.vector_load %arg7[%swap3A_336, %swap3A_337, %swap3A_338] {strides = array<i32>} : memref<3x2x80xi32, #tpu.memory_space<vmem>>, vector<1x1x16xi32>,
    %swap3A_340 = vector.shape_cast %swap3A_339 : vector<1x1x16xi32> to vector<16xi32>
    %swap3A_341 = vector.shape_cast %shift_right_logical3A_333 : vector<16xi32> to vector<1x1x16xi32>
    tpu.vector_store %arg7[%swap3A_336, %swap3A_337, %swap3A_338], %swap3A_341 {strides = array<i32>} : memref<3x2x80xi32, #tpu.memory_space<vmem>>, vector<1x1x16xi32>,
    %mul3A_342 = arith.constant 2 : i32
    %mul3A_343 = arith.constant 80 : i32
    %mul3A_344 = arith.muli %mul3A_342, %mul3A_343 : i32
    %add3A_345 = arith.constant 16 : i32
    %add3A_346 = arith.addi %mul3A_344, %add3A_345 : i32
    %get3A_347 = arith.index_cast %add3A_346 : i32 to index
    %get3A_348 = tpu.vector_load %arg6[%get3A_347] {strides = array<i32>} : memref<10000xi32, #tpu.memory_space<vmem>>, vector<16xi32>,
    %get3A_349 = vector.shape_cast %get3A_348 : vector<16xi32> to vector<16xi32>
    %and3A_350 = arith.constant 16383 : i32
    %and3A_351 = vector.broadcast %and3A_350 : i32 to vector<16xi32>
    %and3A_352 = arith.andi %get3A_349, %and3A_351 : vector<16xi32>
    %swap3A_353 = arith.constant 2 : i32
    %swap3A_354 = arith.constant 0 : i32
    %swap3A_355 = arith.index_cast %swap3A_353 : i32 to index
    %swap3A_356 = arith.index_cast %swap3A_354 : i32 to index
    %swap3A_357 = arith.constant 16 : index
    %swap3A_358 = tpu.vector_load %arg7[%swap3A_355, %swap3A_356, %swap3A_357] {strides = array<i32>} : memref<3x2x80xi32, #tpu.memory_space<vmem>>, vector<1x1x16xi32>,
    %swap3A_359 = vector.shape_cast %swap3A_358 : vector<1x1x16xi32> to vector<16xi32>
    %swap3A_360 = vector.shape_cast %and3A_352 : vector<16xi32> to vector<1x1x16xi32>
    tpu.vector_store %arg7[%swap3A_355, %swap3A_356, %swap3A_357], %swap3A_360 {strides = array<i32>} : memref<3x2x80xi32, #tpu.memory_space<vmem>>, vector<1x1x16xi32>,
    %shift_right_logical3A_361 = arith.constant 14 : i32
    %shift_right_logical3A_362 = vector.broadcast %shift_right_logical3A_361 : i32 to vector<16xi32>
    %shift_right_logical3A_363 = arith.shrui %get3A_349, %shift_right_logical3A_362 : vector<16xi32>
    %swap3A_364 = arith.constant 2 : i32
    %swap3A_365 = arith.constant 1 : i32
    %swap3A_366 = arith.index_cast %swap3A_364 : i32 to index
    %swap3A_367 = arith.index_cast %swap3A_365 : i32 to index
    %swap3A_368 = arith.constant 16 : index
    %swap3A_369 = tpu.vector_load %arg7[%swap3A_366, %swap3A_367, %swap3A_368] {strides = array<i32>} : memref<3x2x80xi32, #tpu.memory_space<vmem>>, vector<1x1x16xi32>,
    %swap3A_370 = vector.shape_cast %swap3A_369 : vector<1x1x16xi32> to vector<16xi32>
    %swap3A_371 = vector.shape_cast %shift_right_logical3A_363 : vector<16xi32> to vector<1x1x16xi32>
    tpu.vector_store %arg7[%swap3A_366, %swap3A_367, %swap3A_368], %swap3A_371 {strides = array<i32>} : memref<3x2x80xi32, #tpu.memory_space<vmem>>, vector<1x1x16xi32>,
    %mul3A_372 = arith.constant 2 : i32
    %mul3A_373 = arith.constant 80 : i32
    %mul3A_374 = arith.muli %mul3A_372, %mul3A_373 : i32
    %add3A_375 = arith.constant 32 : i32
    %add3A_376 = arith.addi %mul3A_374, %add3A_375 : i32
    %get3A_377 = arith.index_cast %add3A_376 : i32 to index
    %get3A_378 = tpu.vector_load %arg6[%get3A_377] {strides = array<i32>} : memref<10000xi32, #tpu.memory_space<vmem>>, vector<16xi32>,
    %get3A_379 = vector.shape_cast %get3A_378 : vector<16xi32> to vector<16xi32>
    %and3A_380 = arith.constant 16383 : i32
    %and3A_381 = vector.broadcast %and3A_380 : i32 to vector<16xi32>
    %and3A_382 = arith.andi %get3A_379, %and3A_381 : vector<16xi32>
    %swap3A_383 = arith.constant 2 : i32
    %swap3A_384 = arith.constant 0 : i32
    %swap3A_385 = arith.index_cast %swap3A_383 : i32 to index
    %swap3A_386 = arith.index_cast %swap3A_384 : i32 to index
    %swap3A_387 = arith.constant 32 : index
    %swap3A_388 = tpu.vector_load %arg7[%swap3A_385, %swap3A_386, %swap3A_387] {strides = array<i32>} : memref<3x2x80xi32, #tpu.memory_space<vmem>>, vector<1x1x16xi32>,
    %swap3A_389 = vector.shape_cast %swap3A_388 : vector<1x1x16xi32> to vector<16xi32>
    %swap3A_390 = vector.shape_cast %and3A_382 : vector<16xi32> to vector<1x1x16xi32>
    tpu.vector_store %arg7[%swap3A_385, %swap3A_386, %swap3A_387], %swap3A_390 {strides = array<i32>} : memref<3x2x80xi32, #tpu.memory_space<vmem>>, vector<1x1x16xi32>,
    %shift_right_logical3A_391 = arith.constant 14 : i32
    %shift_right_logical3A_392 = vector.broadcast %shift_right_logical3A_391 : i32 to vector<16xi32>
    %shift_right_logical3A_393 = arith.shrui %get3A_379, %shift_right_logical3A_392 : vector<16xi32>
    %swap3A_394 = arith.constant 2 : i32
    %swap3A_395 = arith.constant 1 : i32
    %swap3A_396 = arith.index_cast %swap3A_394 : i32 to index
    %swap3A_397 = arith.index_cast %swap3A_395 : i32 to index
    %swap3A_398 = arith.constant 32 : index
    %swap3A_399 = tpu.vector_load %arg7[%swap3A_396, %swap3A_397, %swap3A_398] {strides = array<i32>} : memref<3x2x80xi32, #tpu.memory_space<vmem>>, vector<1x1x16xi32>,
    %swap3A_400 = vector.shape_cast %swap3A_399 : vector<1x1x16xi32> to vector<16xi32>
    %swap3A_401 = vector.shape_cast %shift_right_logical3A_393 : vector<16xi32> to vector<1x1x16xi32>
    tpu.vector_store %arg7[%swap3A_396, %swap3A_397, %swap3A_398], %swap3A_401 {strides = array<i32>} : memref<3x2x80xi32, #tpu.memory_space<vmem>>, vector<1x1x16xi32>,
    %mul3A_402 = arith.constant 2 : i32
    %mul3A_403 = arith.constant 80 : i32
    %mul3A_404 = arith.muli %mul3A_402, %mul3A_403 : i32
    %add3A_405 = arith.constant 48 : i32
    %add3A_406 = arith.addi %mul3A_404, %add3A_405 : i32
    %get3A_407 = arith.index_cast %add3A_406 : i32 to index
    %get3A_408 = tpu.vector_load %arg6[%get3A_407] {strides = array<i32>} : memref<10000xi32, #tpu.memory_space<vmem>>, vector<16xi32>,
    %get3A_409 = vector.shape_cast %get3A_408 : vector<16xi32> to vector<16xi32>
    %and3A_410 = arith.constant 16383 : i32
    %and3A_411 = vector.broadcast %and3A_410 : i32 to vector<16xi32>
    %and3A_412 = arith.andi %get3A_409, %and3A_411 : vector<16xi32>
    %swap3A_413 = arith.constant 2 : i32
    %swap3A_414 = arith.constant 0 : i32
    %swap3A_415 = arith.index_cast %swap3A_413 : i32 to index
    %swap3A_416 = arith.index_cast %swap3A_414 : i32 to index
    %swap3A_417 = arith.constant 48 : index
    %swap3A_418 = tpu.vector_load %arg7[%swap3A_415, %swap3A_416, %swap3A_417] {strides = array<i32>} : memref<3x2x80xi32, #tpu.memory_space<vmem>>, vector<1x1x16xi32>,
    %swap3A_419 = vector.shape_cast %swap3A_418 : vector<1x1x16xi32> to vector<16xi32>
    %swap3A_420 = vector.shape_cast %and3A_412 : vector<16xi32> to vector<1x1x16xi32>
    tpu.vector_store %arg7[%swap3A_415, %swap3A_416, %swap3A_417], %swap3A_420 {strides = array<i32>} : memref<3x2x80xi32, #tpu.memory_space<vmem>>, vector<1x1x16xi32>,
    %shift_right_logical3A_421 = arith.constant 14 : i32
    %shift_right_logical3A_422 = vector.broadcast %shift_right_logical3A_421 : i32 to vector<16xi32>
    %shift_right_logical3A_423 = arith.shrui %get3A_409, %shift_right_logical3A_422 : vector<16xi32>
    %swap3A_424 = arith.constant 2 : i32
    %swap3A_425 = arith.constant 1 : i32
    %swap3A_426 = arith.index_cast %swap3A_424 : i32 to index
    %swap3A_427 = arith.index_cast %swap3A_425 : i32 to index
    %swap3A_428 = arith.constant 48 : index
    %swap3A_429 = tpu.vector_load %arg7[%swap3A_426, %swap3A_427, %swap3A_428] {strides = array<i32>} : memref<3x2x80xi32, #tpu.memory_space<vmem>>, vector<1x1x16xi32>,
    %swap3A_430 = vector.shape_cast %swap3A_429 : vector<1x1x16xi32> to vector<16xi32>
    %swap3A_431 = vector.shape_cast %shift_right_logical3A_423 : vector<16xi32> to vector<1x1x16xi32>
    tpu.vector_store %arg7[%swap3A_426, %swap3A_427, %swap3A_428], %swap3A_431 {strides = array<i32>} : memref<3x2x80xi32, #tpu.memory_space<vmem>>, vector<1x1x16xi32>,
    %mul3A_432 = arith.constant 2 : i32
    %mul3A_433 = arith.constant 80 : i32
    %mul3A_434 = arith.muli %mul3A_432, %mul3A_433 : i32
    %add3A_435 = arith.constant 64 : i32
    %add3A_436 = arith.addi %mul3A_434, %add3A_435 : i32
    %get3A_437 = arith.index_cast %add3A_436 : i32 to index
    %get3A_438 = tpu.vector_load %arg6[%get3A_437] {strides = array<i32>} : memref<10000xi32, #tpu.memory_space<vmem>>, vector<16xi32>,
    %get3A_439 = vector.shape_cast %get3A_438 : vector<16xi32> to vector<16xi32>
    %and3A_440 = arith.constant 16383 : i32
    %and3A_441 = vector.broadcast %and3A_440 : i32 to vector<16xi32>
    %and3A_442 = arith.andi %get3A_439, %and3A_441 : vector<16xi32>
    %swap3A_443 = arith.constant 2 : i32
    %swap3A_444 = arith.constant 0 : i32
    %swap3A_445 = arith.index_cast %swap3A_443 : i32 to index
    %swap3A_446 = arith.index_cast %swap3A_444 : i32 to index
    %swap3A_447 = arith.constant 64 : index
    %swap3A_448 = tpu.vector_load %arg7[%swap3A_445, %swap3A_446, %swap3A_447] {strides = array<i32>} : memref<3x2x80xi32, #tpu.memory_space<vmem>>, vector<1x1x16xi32>,
    %swap3A_449 = vector.shape_cast %swap3A_448 : vector<1x1x16xi32> to vector<16xi32>
    %swap3A_450 = vector.shape_cast %and3A_442 : vector<16xi32> to vector<1x1x16xi32>
    tpu.vector_store %arg7[%swap3A_445, %swap3A_446, %swap3A_447], %swap3A_450 {strides = array<i32>} : memref<3x2x80xi32, #tpu.memory_space<vmem>>, vector<1x1x16xi32>,
    %shift_right_logical3A_451 = arith.constant 14 : i32
    %shift_right_logical3A_452 = vector.broadcast %shift_right_logical3A_451 : i32 to vector<16xi32>
    %shift_right_logical3A_453 = arith.shrui %get3A_439, %shift_right_logical3A_452 : vector<16xi32>
    %swap3A_454 = arith.constant 2 : i32
    %swap3A_455 = arith.constant 1 : i32
    %swap3A_456 = arith.index_cast %swap3A_454 : i32 to index
    %swap3A_457 = arith.index_cast %swap3A_455 : i32 to index
    %swap3A_458 = arith.constant 64 : index
    %swap3A_459 = tpu.vector_load %arg7[%swap3A_456, %swap3A_457, %swap3A_458] {strides = array<i32>} : memref<3x2x80xi32, #tpu.memory_space<vmem>>, vector<1x1x16xi32>,
    %swap3A_460 = vector.shape_cast %swap3A_459 : vector<1x1x16xi32> to vector<16xi32>
    %swap3A_461 = vector.shape_cast %shift_right_logical3A_453 : vector<16xi32> to vector<1x1x16xi32>
    tpu.vector_store %arg7[%swap3A_456, %swap3A_457, %swap3A_458], %swap3A_461 {strides = array<i32>} : memref<3x2x80xi32, #tpu.memory_space<vmem>>, vector<1x1x16xi32>,
    %dma_start3A_462 = arith.constant 2 : i32
    %dma_start3A_463 = arith.constant 0 : i32
    %dma_start3A_464 = arith.constant 0 : i32
    %dma_start3A_465 = tpu.memref_slice %arg7[%dma_start3A_462, %dma_start3A_463, %dma_start3A_464] : memref<3x2x80xi32, #tpu.memory_space<vmem>> -> memref<1x1x80xi32, #tpu.memory_space<vmem>>
    %dma_start3A_466 = tpu.memref_squeeze %dma_start3A_465 : memref<1x1x80xi32, #tpu.memory_space<vmem>> -> memref<80xi32, #tpu.memory_space<vmem>>
    %dma_start3A_467 = arith.constant 0 : i32
    %dma_start3A_468 = arith.constant 0 : i32
    %dma_start3A_469 = tpu.memref_slice %arg2[%dma_start3A_467, %dma_start3A_468] : memref<10000x128xf32, #tpu.memory_space<hbm>> -> memref<10000x128xf32, #tpu.memory_space<hbm>>
    tpu.enqueue_indirect_dma source(%dma_start3A_469 : memref<10000x128xf32, #tpu.memory_space<hbm>>) target(%arg10 : memref<80x128xf32, #tpu.memory_space<vmem>>) offsets(%dma_start3A_466 : memref<80xi32, #tpu.memory_space<vmem>>) semaphore(%arg14 : memref<!tpu.dma_semaphore, #tpu.memory_space<semaphore_mem>>)
    %mul3A_470 = arith.constant 624 : i32
    %mul3A_471 = arith.muli %arg1, %mul3A_470 : i32
    "tpu.region"() ({
      %run_scoped3A = tpu.sem_alloc : memref<!tpu.dma_semaphore, #tpu.memory_space<semaphore_mem>>
      %dma_start3A_536 = arith.constant 0 : i32
      %dma_start3A_537 = tpu.memref_slice %arg11[%mul3A_471, %dma_start3A_536] : memref<10000x128xf32, #tpu.memory_space<vmem_shared>> -> memref<624x128xf32, #tpu.memory_space<vmem_shared>>
      tpu.enqueue_dma source(%arg4 : memref<624x128xf32, #tpu.memory_space<hbm>>) target(%dma_start3A_537 : memref<624x128xf32, #tpu.memory_space<vmem_shared>>) target_semaphore(%run_scoped3A : memref<!tpu.dma_semaphore, #tpu.memory_space<semaphore_mem>>)
      %dma_wait3A_538 = arith.constant 0 : i32
      %dma_wait3A_539 = tpu.memref_slice %arg11[%mul3A_471, %dma_wait3A_538] : memref<10000x128xf32, #tpu.memory_space<vmem_shared>> -> memref<624x128xf32, #tpu.memory_space<vmem_shared>>
      tpu.wait_dma2 semaphore(%run_scoped3A : memref<!tpu.dma_semaphore, #tpu.memory_space<semaphore_mem>>) src(%arg4 : memref<624x128xf32, #tpu.memory_space<hbm>>) dst(%dma_wait3A_539 : memref<624x128xf32, #tpu.memory_space<vmem_shared>>)
      tpu.yield
    }) : () -> ()
    %eq3A = arith.constant 0 : i32
    %eq3A_472 = arith.cmpi eq, %arg1, %eq3A : i32
    %convert_element_type3A = arith.extui %eq3A_472 : i1 to i32
    %cond3A = arith.constant 0 : i32
    %cond3A_473 = arith.cmpi ne, %convert_element_type3A, %cond3A : i32
    scf.if %cond3A_473 {
      "tpu.region"() ({
        %run_scoped3A = tpu.sem_alloc : memref<!tpu.dma_semaphore, #tpu.memory_space<semaphore_mem>>
        %dma_start3A_536 = arith.constant 9984 : i32
        %dma_start3A_537 = arith.constant 0 : i32
        %dma_start3A_538 = tpu.memref_slice %arg11[%dma_start3A_536, %dma_start3A_537] : memref<10000x128xf32, #tpu.memory_space<vmem_shared>> -> memref<16x128xf32, #tpu.memory_space<vmem_shared>>
        %dma_start3A_539 = arith.constant 0 : i32
        %dma_start3A_540 = arith.constant 0 : i32
        %dma_start3A_541 = tpu.memref_slice %arg4[%dma_start3A_539, %dma_start3A_540] : memref<624x128xf32, #tpu.memory_space<hbm>> -> memref<16x128xf32, #tpu.memory_space<hbm>>
        tpu.enqueue_dma source(%dma_start3A_541 : memref<16x128xf32, #tpu.memory_space<hbm>>) target(%dma_start3A_538 : memref<16x128xf32, #tpu.memory_space<vmem_shared>>) target_semaphore(%run_scoped3A : memref<!tpu.dma_semaphore, #tpu.memory_space<semaphore_mem>>)
        %dma_wait3A_542 = arith.constant 9984 : i32
        %dma_wait3A_543 = arith.constant 0 : i32
        %dma_wait3A_544 = tpu.memref_slice %arg11[%dma_wait3A_542, %dma_wait3A_543] : memref<10000x128xf32, #tpu.memory_space<vmem_shared>> -> memref<16x128xf32, #tpu.memory_space<vmem_shared>>
        %dma_wait3A_545 = arith.constant 0 : i32
        %dma_wait3A_546 = arith.constant 0 : i32
        %dma_wait3A_547 = tpu.memref_slice %arg4[%dma_wait3A_545, %dma_wait3A_546] : memref<624x128xf32, #tpu.memory_space<hbm>> -> memref<16x128xf32, #tpu.memory_space<hbm>>
        tpu.wait_dma2 semaphore(%run_scoped3A : memref<!tpu.dma_semaphore, #tpu.memory_space<semaphore_mem>>) src(%dma_wait3A_547 : memref<16x128xf32, #tpu.memory_space<hbm>>) dst(%dma_wait3A_544 : memref<16x128xf32, #tpu.memory_space<vmem_shared>>)
        tpu.yield
      }) : () -> ()
    } else {
    }
    %barrier3A = arith.constant 0 : index
    tpu.barrier barrier_id(%barrier3A)
    %scan3A = arith.constant 0 : i32
    %scan3A_474 = arith.constant 0 : i32
    %scan3A_475 = arith.constant 41 : i32
    %scan3A_476 = arith.addi %scan3A_474, %scan3A_475 : i32
    %scan3A_477 = arith.constant 1 : i32
    scf.for %scan3A_536 = %scan3A_474 to %scan3A_476 step %scan3A_477  : i32 {
      %mul3A_537 = arith.constant 3 : i32
      %mul3A_538 = arith.muli %scan3A_536, %mul3A_537 : i32
      %add3A_539 = arith.constant 0 : i32
      %add3A_540 = arith.addi %mul3A_538, %add3A_539 : i32
      %dma_wait3A_541 = arith.constant 0 : i32
      %dma_wait3A_542 = arith.constant 0 : i32
      %dma_wait3A_543 = arith.constant 0 : i32
      %dma_wait3A_544 = tpu.memref_slice %arg7[%dma_wait3A_541, %dma_wait3A_542, %dma_wait3A_543] : memref<3x2x80xi32, #tpu.memory_space<vmem>> -> memref<1x1x80xi32, #tpu.memory_space<vmem>>
      %dma_wait3A_545 = tpu.memref_squeeze %dma_wait3A_544 : memref<1x1x80xi32, #tpu.memory_space<vmem>> -> memref<80xi32, #tpu.memory_space<vmem>>
      %dma_wait3A_546 = arith.constant 0 : i32
      %dma_wait3A_547 = arith.constant 0 : i32
      %dma_wait3A_548 = tpu.memref_slice %arg2[%dma_wait3A_546, %dma_wait3A_547] : memref<10000x128xf32, #tpu.memory_space<hbm>> -> memref<10000x128xf32, #tpu.memory_space<hbm>>
      tpu.wait_indirect_dma semaphore(%arg12 : memref<!tpu.dma_semaphore, #tpu.memory_space<semaphore_mem>>) src(%dma_wait3A_548 : memref<10000x128xf32, #tpu.memory_space<hbm>>) dst(%arg8 : memref<80x128xf32, #tpu.memory_space<vmem>>)
      %dma_start3A_549 = arith.constant 0 : i32
      %dma_start3A_550 = arith.constant 1 : i32
      %dma_start3A_551 = arith.constant 0 : i32
      %dma_start3A_552 = tpu.memref_slice %arg7[%dma_start3A_549, %dma_start3A_550, %dma_start3A_551] : memref<3x2x80xi32, #tpu.memory_space<vmem>> -> memref<1x1x80xi32, #tpu.memory_space<vmem>>
      %dma_start3A_553 = tpu.memref_squeeze %dma_start3A_552 : memref<1x1x80xi32, #tpu.memory_space<vmem>> -> memref<80xi32, #tpu.memory_space<vmem>>
      %dma_start3A_554 = arith.constant 0 : i32
      %dma_start3A_555 = arith.constant 0 : i32
      %dma_start3A_556 = tpu.memref_slice %arg11[%dma_start3A_554, %dma_start3A_555] : memref<10000x128xf32, #tpu.memory_space<vmem_shared>> -> memref<10000x128xf32, #tpu.memory_space<vmem_shared>>
      tpu.enqueue_indirect_dma source(%arg8 : memref<80x128xf32, #tpu.memory_space<vmem>>) target(%dma_start3A_556 : memref<10000x128xf32, #tpu.memory_space<vmem_shared>>) offsets(%dma_start3A_553 : memref<80xi32, #tpu.memory_space<vmem>>) semaphore(%arg15 : memref<!tpu.dma_semaphore, #tpu.memory_space<semaphore_mem>>) {add = true}
      %dma_wait3A_557 = arith.constant 0 : i32
      %dma_wait3A_558 = arith.constant 1 : i32
      %dma_wait3A_559 = arith.constant 0 : i32
      %dma_wait3A_560 = tpu.memref_slice %arg7[%dma_wait3A_557, %dma_wait3A_558, %dma_wait3A_559] : memref<3x2x80xi32, #tpu.memory_space<vmem>> -> memref<1x1x80xi32, #tpu.memory_space<vmem>>
      %dma_wait3A_561 = tpu.memref_squeeze %dma_wait3A_560 : memref<1x1x80xi32, #tpu.memory_space<vmem>> -> memref<80xi32, #tpu.memory_space<vmem>>
      %dma_wait3A_562 = arith.constant 0 : i32
      %dma_wait3A_563 = arith.constant 0 : i32
      %dma_wait3A_564 = tpu.memref_slice %arg11[%dma_wait3A_562, %dma_wait3A_563] : memref<10000x128xf32, #tpu.memory_space<vmem_shared>> -> memref<10000x128xf32, #tpu.memory_space<vmem_shared>>
      tpu.wait_indirect_dma semaphore(%arg15 : memref<!tpu.dma_semaphore, #tpu.memory_space<semaphore_mem>>) src(%arg8 : memref<80x128xf32, #tpu.memory_space<vmem>>) dst(%dma_wait3A_564 : memref<10000x128xf32, #tpu.memory_space<vmem_shared>>)
      %add3A_565 = arith.constant 3 : i32
      %add3A_566 = arith.addi %add3A_540, %add3A_565 : i32
      %lt3A = arith.constant 125 : i32
      %lt3A_567 = arith.cmpi slt, %add3A_566, %lt3A : i32
      %convert_element_type3A_568 = arith.extui %lt3A_567 : i1 to i32
      %cond3A_569 = arith.constant 0 : i32
      %cond3A_570 = arith.cmpi ne, %convert_element_type3A_568, %cond3A_569 : i32
      scf.if %cond3A_570 {
        %mul3A_641 = arith.constant 80 : i32
        %mul3A_642 = arith.muli %add3A_566, %mul3A_641 : i32
        %add3A_643 = arith.constant 0 : i32
        %add3A_644 = arith.addi %mul3A_642, %add3A_643 : i32
        %get3A_645 = arith.index_cast %add3A_644 : i32 to index
        %get3A_646 = tpu.vector_load %arg6[%get3A_645] {strides = array<i32>} : memref<10000xi32, #tpu.memory_space<vmem>>, vector<16xi32>,
        %get3A_647 = vector.shape_cast %get3A_646 : vector<16xi32> to vector<16xi32>
        %and3A_648 = arith.constant 16383 : i32
        %and3A_649 = vector.broadcast %and3A_648 : i32 to vector<16xi32>
        %and3A_650 = arith.andi %get3A_647, %and3A_649 : vector<16xi32>
        %swap3A_651 = arith.constant 0 : i32
        %swap3A_652 = arith.constant 0 : i32
        %swap3A_653 = arith.index_cast %swap3A_651 : i32 to index
        %swap3A_654 = arith.index_cast %swap3A_652 : i32 to index
        %swap3A_655 = arith.constant 0 : index
        %swap3A_656 = tpu.vector_load %arg7[%swap3A_653, %swap3A_654, %swap3A_655] {strides = array<i32>} : memref<3x2x80xi32, #tpu.memory_space<vmem>>, vector<1x1x16xi32>,
        %swap3A_657 = vector.shape_cast %swap3A_656 : vector<1x1x16xi32> to vector<16xi32>
        %swap3A_658 = vector.shape_cast %and3A_650 : vector<16xi32> to vector<1x1x16xi32>
        tpu.vector_store %arg7[%swap3A_653, %swap3A_654, %swap3A_655], %swap3A_658 {strides = array<i32>} : memref<3x2x80xi32, #tpu.memory_space<vmem>>, vector<1x1x16xi32>,
        %shift_right_logical3A_659 = arith.constant 14 : i32
        %shift_right_logical3A_660 = vector.broadcast %shift_right_logical3A_659 : i32 to vector<16xi32>
        %shift_right_logical3A_661 = arith.shrui %get3A_647, %shift_right_logical3A_660 : vector<16xi32>
        %swap3A_662 = arith.constant 0 : i32
        %swap3A_663 = arith.constant 1 : i32
        %swap3A_664 = arith.index_cast %swap3A_662 : i32 to index
        %swap3A_665 = arith.index_cast %swap3A_663 : i32 to index
        %swap3A_666 = arith.constant 0 : index
        %swap3A_667 = tpu.vector_load %arg7[%swap3A_664, %swap3A_665, %swap3A_666] {strides = array<i32>} : memref<3x2x80xi32, #tpu.memory_space<vmem>>, vector<1x1x16xi32>,
        %swap3A_668 = vector.shape_cast %swap3A_667 : vector<1x1x16xi32> to vector<16xi32>
        %swap3A_669 = vector.shape_cast %shift_right_logical3A_661 : vector<16xi32> to vector<1x1x16xi32>
        tpu.vector_store %arg7[%swap3A_664, %swap3A_665, %swap3A_666], %swap3A_669 {strides = array<i32>} : memref<3x2x80xi32, #tpu.memory_space<vmem>>, vector<1x1x16xi32>,
        %mul3A_670 = arith.constant 80 : i32
        %mul3A_671 = arith.muli %add3A_566, %mul3A_670 : i32
        %add3A_672 = arith.constant 16 : i32
        %add3A_673 = arith.addi %mul3A_671, %add3A_672 : i32
        %get3A_674 = arith.index_cast %add3A_673 : i32 to index
        %get3A_675 = tpu.vector_load %arg6[%get3A_674] {strides = array<i32>} : memref<10000xi32, #tpu.memory_space<vmem>>, vector<16xi32>,
        %get3A_676 = vector.shape_cast %get3A_675 : vector<16xi32> to vector<16xi32>
        %and3A_677 = arith.constant 16383 : i32
        %and3A_678 = vector.broadcast %and3A_677 : i32 to vector<16xi32>
        %and3A_679 = arith.andi %get3A_676, %and3A_678 : vector<16xi32>
        %swap3A_680 = arith.constant 0 : i32
        %swap3A_681 = arith.constant 0 : i32
        %swap3A_682 = arith.index_cast %swap3A_680 : i32 to index
        %swap3A_683 = arith.index_cast %swap3A_681 : i32 to index
        %swap3A_684 = arith.constant 16 : index
        %swap3A_685 = tpu.vector_load %arg7[%swap3A_682, %swap3A_683, %swap3A_684] {strides = array<i32>} : memref<3x2x80xi32, #tpu.memory_space<vmem>>, vector<1x1x16xi32>,
        %swap3A_686 = vector.shape_cast %swap3A_685 : vector<1x1x16xi32> to vector<16xi32>
        %swap3A_687 = vector.shape_cast %and3A_679 : vector<16xi32> to vector<1x1x16xi32>
        tpu.vector_store %arg7[%swap3A_682, %swap3A_683, %swap3A_684], %swap3A_687 {strides = array<i32>} : memref<3x2x80xi32, #tpu.memory_space<vmem>>, vector<1x1x16xi32>,
        %shift_right_logical3A_688 = arith.constant 14 : i32
        %shift_right_logical3A_689 = vector.broadcast %shift_right_logical3A_688 : i32 to vector<16xi32>
        %shift_right_logical3A_690 = arith.shrui %get3A_676, %shift_right_logical3A_689 : vector<16xi32>
        %swap3A_691 = arith.constant 0 : i32
        %swap3A_692 = arith.constant 1 : i32
        %swap3A_693 = arith.index_cast %swap3A_691 : i32 to index
        %swap3A_694 = arith.index_cast %swap3A_692 : i32 to index
        %swap3A_695 = arith.constant 16 : index
        %swap3A_696 = tpu.vector_load %arg7[%swap3A_693, %swap3A_694, %swap3A_695] {strides = array<i32>} : memref<3x2x80xi32, #tpu.memory_space<vmem>>, vector<1x1x16xi32>,
        %swap3A_697 = vector.shape_cast %swap3A_696 : vector<1x1x16xi32> to vector<16xi32>
        %swap3A_698 = vector.shape_cast %shift_right_logical3A_690 : vector<16xi32> to vector<1x1x16xi32>
        tpu.vector_store %arg7[%swap3A_693, %swap3A_694, %swap3A_695], %swap3A_698 {strides = array<i32>} : memref<3x2x80xi32, #tpu.memory_space<vmem>>, vector<1x1x16xi32>,
        %mul3A_699 = arith.constant 80 : i32
        %mul3A_700 = arith.muli %add3A_566, %mul3A_699 : i32
        %add3A_701 = arith.constant 32 : i32
        %add3A_702 = arith.addi %mul3A_700, %add3A_701 : i32
        %get3A_703 = arith.index_cast %add3A_702 : i32 to index
        %get3A_704 = tpu.vector_load %arg6[%get3A_703] {strides = array<i32>} : memref<10000xi32, #tpu.memory_space<vmem>>, vector<16xi32>,
        %get3A_705 = vector.shape_cast %get3A_704 : vector<16xi32> to vector<16xi32>
        %and3A_706 = arith.constant 16383 : i32
        %and3A_707 = vector.broadcast %and3A_706 : i32 to vector<16xi32>
        %and3A_708 = arith.andi %get3A_705, %and3A_707 : vector<16xi32>
        %swap3A_709 = arith.constant 0 : i32
        %swap3A_710 = arith.constant 0 : i32
        %swap3A_711 = arith.index_cast %swap3A_709 : i32 to index
        %swap3A_712 = arith.index_cast %swap3A_710 : i32 to index
        %swap3A_713 = arith.constant 32 : index
        %swap3A_714 = tpu.vector_load %arg7[%swap3A_711, %swap3A_712, %swap3A_713] {strides = array<i32>} : memref<3x2x80xi32, #tpu.memory_space<vmem>>, vector<1x1x16xi32>,
        %swap3A_715 = vector.shape_cast %swap3A_714 : vector<1x1x16xi32> to vector<16xi32>
        %swap3A_716 = vector.shape_cast %and3A_708 : vector<16xi32> to vector<1x1x16xi32>
        tpu.vector_store %arg7[%swap3A_711, %swap3A_712, %swap3A_713], %swap3A_716 {strides = array<i32>} : memref<3x2x80xi32, #tpu.memory_space<vmem>>, vector<1x1x16xi32>,
        %shift_right_logical3A_717 = arith.constant 14 : i32
        %shift_right_logical3A_718 = vector.broadcast %shift_right_logical3A_717 : i32 to vector<16xi32>
        %shift_right_logical3A_719 = arith.shrui %get3A_705, %shift_right_logical3A_718 : vector<16xi32>
        %swap3A_720 = arith.constant 0 : i32
        %swap3A_721 = arith.constant 1 : i32
        %swap3A_722 = arith.index_cast %swap3A_720 : i32 to index
        %swap3A_723 = arith.index_cast %swap3A_721 : i32 to index
        %swap3A_724 = arith.constant 32 : index
        %swap3A_725 = tpu.vector_load %arg7[%swap3A_722, %swap3A_723, %swap3A_724] {strides = array<i32>} : memref<3x2x80xi32, #tpu.memory_space<vmem>>, vector<1x1x16xi32>,
        %swap3A_726 = vector.shape_cast %swap3A_725 : vector<1x1x16xi32> to vector<16xi32>
        %swap3A_727 = vector.shape_cast %shift_right_logical3A_719 : vector<16xi32> to vector<1x1x16xi32>
        tpu.vector_store %arg7[%swap3A_722, %swap3A_723, %swap3A_724], %swap3A_727 {strides = array<i32>} : memref<3x2x80xi32, #tpu.memory_space<vmem>>, vector<1x1x16xi32>,
        %mul3A_728 = arith.constant 80 : i32
        %mul3A_729 = arith.muli %add3A_566, %mul3A_728 : i32
        %add3A_730 = arith.constant 48 : i32
        %add3A_731 = arith.addi %mul3A_729, %add3A_730 : i32
        %get3A_732 = arith.index_cast %add3A_731 : i32 to index
        %get3A_733 = tpu.vector_load %arg6[%get3A_732] {strides = array<i32>} : memref<10000xi32, #tpu.memory_space<vmem>>, vector<16xi32>,
        %get3A_734 = vector.shape_cast %get3A_733 : vector<16xi32> to vector<16xi32>
        %and3A_735 = arith.constant 16383 : i32
        %and3A_736 = vector.broadcast %and3A_735 : i32 to vector<16xi32>
        %and3A_737 = arith.andi %get3A_734, %and3A_736 : vector<16xi32>
        %swap3A_738 = arith.constant 0 : i32
        %swap3A_739 = arith.constant 0 : i32
        %swap3A_740 = arith.index_cast %swap3A_738 : i32 to index
        %swap3A_741 = arith.index_cast %swap3A_739 : i32 to index
        %swap3A_742 = arith.constant 48 : index
        %swap3A_743 = tpu.vector_load %arg7[%swap3A_740, %swap3A_741, %swap3A_742] {strides = array<i32>} : memref<3x2x80xi32, #tpu.memory_space<vmem>>, vector<1x1x16xi32>,
        %swap3A_744 = vector.shape_cast %swap3A_743 : vector<1x1x16xi32> to vector<16xi32>
        %swap3A_745 = vector.shape_cast %and3A_737 : vector<16xi32> to vector<1x1x16xi32>
        tpu.vector_store %arg7[%swap3A_740, %swap3A_741, %swap3A_742], %swap3A_745 {strides = array<i32>} : memref<3x2x80xi32, #tpu.memory_space<vmem>>, vector<1x1x16xi32>,
        %shift_right_logical3A_746 = arith.constant 14 : i32
        %shift_right_logical3A_747 = vector.broadcast %shift_right_logical3A_746 : i32 to vector<16xi32>
        %shift_right_logical3A_748 = arith.shrui %get3A_734, %shift_right_logical3A_747 : vector<16xi32>
        %swap3A_749 = arith.constant 0 : i32
        %swap3A_750 = arith.constant 1 : i32
        %swap3A_751 = arith.index_cast %swap3A_749 : i32 to index
        %swap3A_752 = arith.index_cast %swap3A_750 : i32 to index
        %swap3A_753 = arith.constant 48 : index
        %swap3A_754 = tpu.vector_load %arg7[%swap3A_751, %swap3A_752, %swap3A_753] {strides = array<i32>} : memref<3x2x80xi32, #tpu.memory_space<vmem>>, vector<1x1x16xi32>,
        %swap3A_755 = vector.shape_cast %swap3A_754 : vector<1x1x16xi32> to vector<16xi32>
        %swap3A_756 = vector.shape_cast %shift_right_logical3A_748 : vector<16xi32> to vector<1x1x16xi32>
        tpu.vector_store %arg7[%swap3A_751, %swap3A_752, %swap3A_753], %swap3A_756 {strides = array<i32>} : memref<3x2x80xi32, #tpu.memory_space<vmem>>, vector<1x1x16xi32>,
        %mul3A_757 = arith.constant 80 : i32
        %mul3A_758 = arith.muli %add3A_566, %mul3A_757 : i32
        %add3A_759 = arith.constant 64 : i32
        %add3A_760 = arith.addi %mul3A_758, %add3A_759 : i32
        %get3A_761 = arith.index_cast %add3A_760 : i32 to index
        %get3A_762 = tpu.vector_load %arg6[%get3A_761] {strides = array<i32>} : memref<10000xi32, #tpu.memory_space<vmem>>, vector<16xi32>,
        %get3A_763 = vector.shape_cast %get3A_762 : vector<16xi32> to vector<16xi32>
        %and3A_764 = arith.constant 16383 : i32
        %and3A_765 = vector.broadcast %and3A_764 : i32 to vector<16xi32>
        %and3A_766 = arith.andi %get3A_763, %and3A_765 : vector<16xi32>
        %swap3A_767 = arith.constant 0 : i32
        %swap3A_768 = arith.constant 0 : i32
        %swap3A_769 = arith.index_cast %swap3A_767 : i32 to index
        %swap3A_770 = arith.index_cast %swap3A_768 : i32 to index
        %swap3A_771 = arith.constant 64 : index
        %swap3A_772 = tpu.vector_load %arg7[%swap3A_769, %swap3A_770, %swap3A_771] {strides = array<i32>} : memref<3x2x80xi32, #tpu.memory_space<vmem>>, vector<1x1x16xi32>,
        %swap3A_773 = vector.shape_cast %swap3A_772 : vector<1x1x16xi32> to vector<16xi32>
        %swap3A_774 = vector.shape_cast %and3A_766 : vector<16xi32> to vector<1x1x16xi32>
        tpu.vector_store %arg7[%swap3A_769, %swap3A_770, %swap3A_771], %swap3A_774 {strides = array<i32>} : memref<3x2x80xi32, #tpu.memory_space<vmem>>, vector<1x1x16xi32>,
        %shift_right_logical3A_775 = arith.constant 14 : i32
        %shift_right_logical3A_776 = vector.broadcast %shift_right_logical3A_775 : i32 to vector<16xi32>
        %shift_right_logical3A_777 = arith.shrui %get3A_763, %shift_right_logical3A_776 : vector<16xi32>
        %swap3A_778 = arith.constant 0 : i32
        %swap3A_779 = arith.constant 1 : i32
        %swap3A_780 = arith.index_cast %swap3A_778 : i32 to index
        %swap3A_781 = arith.index_cast %swap3A_779 : i32 to index
        %swap3A_782 = arith.constant 64 : index
        %swap3A_783 = tpu.vector_load %arg7[%swap3A_780, %swap3A_781, %swap3A_782] {strides = array<i32>} : memref<3x2x80xi32, #tpu.memory_space<vmem>>, vector<1x1x16xi32>,
        %swap3A_784 = vector.shape_cast %swap3A_783 : vector<1x1x16xi32> to vector<16xi32>
        %swap3A_785 = vector.shape_cast %shift_right_logical3A_777 : vector<16xi32> to vector<1x1x16xi32>
        tpu.vector_store %arg7[%swap3A_780, %swap3A_781, %swap3A_782], %swap3A_785 {strides = array<i32>} : memref<3x2x80xi32, #tpu.memory_space<vmem>>, vector<1x1x16xi32>,
        %dma_start3A_786 = arith.constant 0 : i32
        %dma_start3A_787 = arith.constant 0 : i32
        %dma_start3A_788 = arith.constant 0 : i32
        %dma_start3A_789 = tpu.memref_slice %arg7[%dma_start3A_786, %dma_start3A_787, %dma_start3A_788] : memref<3x2x80xi32, #tpu.memory_space<vmem>> -> memref<1x1x80xi32, #tpu.memory_space<vmem>>
        %dma_start3A_790 = tpu.memref_squeeze %dma_start3A_789 : memref<1x1x80xi32, #tpu.memory_space<vmem>> -> memref<80xi32, #tpu.memory_space<vmem>>
        %dma_start3A_791 = arith.constant 0 : i32
        %dma_start3A_792 = arith.constant 0 : i32
        %dma_start3A_793 = tpu.memref_slice %arg2[%dma_start3A_791, %dma_start3A_792] : memref<10000x128xf32, #tpu.memory_space<hbm>> -> memref<10000x128xf32, #tpu.memory_space<hbm>>
        tpu.enqueue_indirect_dma source(%dma_start3A_793 : memref<10000x128xf32, #tpu.memory_space<hbm>>) target(%arg8 : memref<80x128xf32, #tpu.memory_space<vmem>>) offsets(%dma_start3A_790 : memref<80xi32, #tpu.memory_space<vmem>>) semaphore(%arg12 : memref<!tpu.dma_semaphore, #tpu.memory_space<semaphore_mem>>)
      } else {
      }
      %mul3A_571 = arith.constant 3 : i32
      %mul3A_572 = arith.muli %scan3A_536, %mul3A_571 : i32
      %add3A_573 = arith.constant 1 : i32
      %add3A_574 = arith.addi %mul3A_572, %add3A_573 : i32
      %dma_wait3A_575 = arith.constant 1 : i32
      %dma_wait3A_576 = arith.constant 0 : i32
      %dma_wait3A_577 = arith.constant 0 : i32
      %dma_wait3A_578 = tpu.memref_slice %arg7[%dma_wait3A_575, %dma_wait3A_576, %dma_wait3A_577] : memref<3x2x80xi32, #tpu.memory_space<vmem>> -> memref<1x1x80xi32, #tpu.memory_space<vmem>>
      %dma_wait3A_579 = tpu.memref_squeeze %dma_wait3A_578 : memref<1x1x80xi32, #tpu.memory_space<vmem>> -> memref<80xi32, #tpu.memory_space<vmem>>
      %dma_wait3A_580 = arith.constant 0 : i32
      %dma_wait3A_581 = arith.constant 0 : i32
      %dma_wait3A_582 = tpu.memref_slice %arg2[%dma_wait3A_580, %dma_wait3A_581] : memref<10000x128xf32, #tpu.memory_space<hbm>> -> memref<10000x128xf32, #tpu.memory_space<hbm>>
      tpu.wait_indirect_dma semaphore(%arg13 : memref<!tpu.dma_semaphore, #tpu.memory_space<semaphore_mem>>) src(%dma_wait3A_582 : memref<10000x128xf32, #tpu.memory_space<hbm>>) dst(%arg9 : memref<80x128xf32, #tpu.memory_space<vmem>>)
      %dma_start3A_583 = arith.constant 1 : i32
      %dma_start3A_584 = arith.constant 1 : i32
      %dma_start3A_585 = arith.constant 0 : i32
      %dma_start3A_586 = tpu.memref_slice %arg7[%dma_start3A_583, %dma_start3A_584, %dma_start3A_585] : memref<3x2x80xi32, #tpu.memory_space<vmem>> -> memref<1x1x80xi32, #tpu.memory_space<vmem>>
      %dma_start3A_587 = tpu.memref_squeeze %dma_start3A_586 : memref<1x1x80xi32, #tpu.memory_space<vmem>> -> memref<80xi32, #tpu.memory_space<vmem>>
      %dma_start3A_588 = arith.constant 0 : i32
      %dma_start3A_589 = arith.constant 0 : i32
      %dma_start3A_590 = tpu.memref_slice %arg11[%dma_start3A_588, %dma_start3A_589] : memref<10000x128xf32, #tpu.memory_space<vmem_shared>> -> memref<10000x128xf32, #tpu.memory_space<vmem_shared>>
      tpu.enqueue_indirect_dma source(%arg9 : memref<80x128xf32, #tpu.memory_space<vmem>>) target(%dma_start3A_590 : memref<10000x128xf32, #tpu.memory_space<vmem_shared>>) offsets(%dma_start3A_587 : memref<80xi32, #tpu.memory_space<vmem>>) semaphore(%arg16 : memref<!tpu.dma_semaphore, #tpu.memory_space<semaphore_mem>>) {add = true}
      %dma_wait3A_591 = arith.constant 1 : i32
      %dma_wait3A_592 = arith.constant 1 : i32
      %dma_wait3A_593 = arith.constant 0 : i32
      %dma_wait3A_594 = tpu.memref_slice %arg7[%dma_wait3A_591, %dma_wait3A_592, %dma_wait3A_593] : memref<3x2x80xi32, #tpu.memory_space<vmem>> -> memref<1x1x80xi32, #tpu.memory_space<vmem>>
      %dma_wait3A_595 = tpu.memref_squeeze %dma_wait3A_594 : memref<1x1x80xi32, #tpu.memory_space<vmem>> -> memref<80xi32, #tpu.memory_space<vmem>>
      %dma_wait3A_596 = arith.constant 0 : i32
      %dma_wait3A_597 = arith.constant 0 : i32
      %dma_wait3A_598 = tpu.memref_slice %arg11[%dma_wait3A_596, %dma_wait3A_597] : memref<10000x128xf32, #tpu.memory_space<vmem_shared>> -> memref<10000x128xf32, #tpu.memory_space<vmem_shared>>
      tpu.wait_indirect_dma semaphore(%arg16 : memref<!tpu.dma_semaphore, #tpu.memory_space<semaphore_mem>>) src(%arg9 : memref<80x128xf32, #tpu.memory_space<vmem>>) dst(%dma_wait3A_598 : memref<10000x128xf32, #tpu.memory_space<vmem_shared>>)
      %add3A_599 = arith.constant 3 : i32
      %add3A_600 = arith.addi %add3A_574, %add3A_599 : i32
      %lt3A_601 = arith.constant 125 : i32
      %lt3A_602 = arith.cmpi slt, %add3A_600, %lt3A_601 : i32
      %convert_element_type3A_603 = arith.extui %lt3A_602 : i1 to i32
      %cond3A_604 = arith.constant 0 : i32
      %cond3A_605 = arith.cmpi ne, %convert_element_type3A_603, %cond3A_604 : i32
      scf.if %cond3A_605 {
        %mul3A_641 = arith.constant 80 : i32
        %mul3A_642 = arith.muli %add3A_600, %mul3A_641 : i32
        %add3A_643 = arith.constant 0 : i32
        %add3A_644 = arith.addi %mul3A_642, %add3A_643 : i32
        %get3A_645 = arith.index_cast %add3A_644 : i32 to index
        %get3A_646 = tpu.vector_load %arg6[%get3A_645] {strides = array<i32>} : memref<10000xi32, #tpu.memory_space<vmem>>, vector<16xi32>,
        %get3A_647 = vector.shape_cast %get3A_646 : vector<16xi32> to vector<16xi32>
        %and3A_648 = arith.constant 16383 : i32
        %and3A_649 = vector.broadcast %and3A_648 : i32 to vector<16xi32>
        %and3A_650 = arith.andi %get3A_647, %and3A_649 : vector<16xi32>
        %swap3A_651 = arith.constant 1 : i32
        %swap3A_652 = arith.constant 0 : i32
        %swap3A_653 = arith.index_cast %swap3A_651 : i32 to index
        %swap3A_654 = arith.index_cast %swap3A_652 : i32 to index
        %swap3A_655 = arith.constant 0 : index
        %swap3A_656 = tpu.vector_load %arg7[%swap3A_653, %swap3A_654, %swap3A_655] {strides = array<i32>} : memref<3x2x80xi32, #tpu.memory_space<vmem>>, vector<1x1x16xi32>,
        %swap3A_657 = vector.shape_cast %swap3A_656 : vector<1x1x16xi32> to vector<16xi32>
        %swap3A_658 = vector.shape_cast %and3A_650 : vector<16xi32> to vector<1x1x16xi32>
        tpu.vector_store %arg7[%swap3A_653, %swap3A_654, %swap3A_655], %swap3A_658 {strides = array<i32>} : memref<3x2x80xi32, #tpu.memory_space<vmem>>, vector<1x1x16xi32>,
        %shift_right_logical3A_659 = arith.constant 14 : i32
        %shift_right_logical3A_660 = vector.broadcast %shift_right_logical3A_659 : i32 to vector<16xi32>
        %shift_right_logical3A_661 = arith.shrui %get3A_647, %shift_right_logical3A_660 : vector<16xi32>
        %swap3A_662 = arith.constant 1 : i32
        %swap3A_663 = arith.constant 1 : i32
        %swap3A_664 = arith.index_cast %swap3A_662 : i32 to index
        %swap3A_665 = arith.index_cast %swap3A_663 : i32 to index
        %swap3A_666 = arith.constant 0 : index
        %swap3A_667 = tpu.vector_load %arg7[%swap3A_664, %swap3A_665, %swap3A_666] {strides = array<i32>} : memref<3x2x80xi32, #tpu.memory_space<vmem>>, vector<1x1x16xi32>,
        %swap3A_668 = vector.shape_cast %swap3A_667 : vector<1x1x16xi32> to vector<16xi32>
        %swap3A_669 = vector.shape_cast %shift_right_logical3A_661 : vector<16xi32> to vector<1x1x16xi32>
        tpu.vector_store %arg7[%swap3A_664, %swap3A_665, %swap3A_666], %swap3A_669 {strides = array<i32>} : memref<3x2x80xi32, #tpu.memory_space<vmem>>, vector<1x1x16xi32>,
        %mul3A_670 = arith.constant 80 : i32
        %mul3A_671 = arith.muli %add3A_600, %mul3A_670 : i32
        %add3A_672 = arith.constant 16 : i32
        %add3A_673 = arith.addi %mul3A_671, %add3A_672 : i32
        %get3A_674 = arith.index_cast %add3A_673 : i32 to index
        %get3A_675 = tpu.vector_load %arg6[%get3A_674] {strides = array<i32>} : memref<10000xi32, #tpu.memory_space<vmem>>, vector<16xi32>,
        %get3A_676 = vector.shape_cast %get3A_675 : vector<16xi32> to vector<16xi32>
        %and3A_677 = arith.constant 16383 : i32
        %and3A_678 = vector.broadcast %and3A_677 : i32 to vector<16xi32>
        %and3A_679 = arith.andi %get3A_676, %and3A_678 : vector<16xi32>
        %swap3A_680 = arith.constant 1 : i32
        %swap3A_681 = arith.constant 0 : i32
        %swap3A_682 = arith.index_cast %swap3A_680 : i32 to index
        %swap3A_683 = arith.index_cast %swap3A_681 : i32 to index
        %swap3A_684 = arith.constant 16 : index
        %swap3A_685 = tpu.vector_load %arg7[%swap3A_682, %swap3A_683, %swap3A_684] {strides = array<i32>} : memref<3x2x80xi32, #tpu.memory_space<vmem>>, vector<1x1x16xi32>,
        %swap3A_686 = vector.shape_cast %swap3A_685 : vector<1x1x16xi32> to vector<16xi32>
        %swap3A_687 = vector.shape_cast %and3A_679 : vector<16xi32> to vector<1x1x16xi32>
        tpu.vector_store %arg7[%swap3A_682, %swap3A_683, %swap3A_684], %swap3A_687 {strides = array<i32>} : memref<3x2x80xi32, #tpu.memory_space<vmem>>, vector<1x1x16xi32>,
        %shift_right_logical3A_688 = arith.constant 14 : i32
        %shift_right_logical3A_689 = vector.broadcast %shift_right_logical3A_688 : i32 to vector<16xi32>
        %shift_right_logical3A_690 = arith.shrui %get3A_676, %shift_right_logical3A_689 : vector<16xi32>
        %swap3A_691 = arith.constant 1 : i32
        %swap3A_692 = arith.constant 1 : i32
        %swap3A_693 = arith.index_cast %swap3A_691 : i32 to index
        %swap3A_694 = arith.index_cast %swap3A_692 : i32 to index
        %swap3A_695 = arith.constant 16 : index
        %swap3A_696 = tpu.vector_load %arg7[%swap3A_693, %swap3A_694, %swap3A_695] {strides = array<i32>} : memref<3x2x80xi32, #tpu.memory_space<vmem>>, vector<1x1x16xi32>,
        %swap3A_697 = vector.shape_cast %swap3A_696 : vector<1x1x16xi32> to vector<16xi32>
        %swap3A_698 = vector.shape_cast %shift_right_logical3A_690 : vector<16xi32> to vector<1x1x16xi32>
        tpu.vector_store %arg7[%swap3A_693, %swap3A_694, %swap3A_695], %swap3A_698 {strides = array<i32>} : memref<3x2x80xi32, #tpu.memory_space<vmem>>, vector<1x1x16xi32>,
        %mul3A_699 = arith.constant 80 : i32
        %mul3A_700 = arith.muli %add3A_600, %mul3A_699 : i32
        %add3A_701 = arith.constant 32 : i32
        %add3A_702 = arith.addi %mul3A_700, %add3A_701 : i32
        %get3A_703 = arith.index_cast %add3A_702 : i32 to index
        %get3A_704 = tpu.vector_load %arg6[%get3A_703] {strides = array<i32>} : memref<10000xi32, #tpu.memory_space<vmem>>, vector<16xi32>,
        %get3A_705 = vector.shape_cast %get3A_704 : vector<16xi32> to vector<16xi32>
        %and3A_706 = arith.constant 16383 : i32
        %and3A_707 = vector.broadcast %and3A_706 : i32 to vector<16xi32>
        %and3A_708 = arith.andi %get3A_705, %and3A_707 : vector<16xi32>
        %swap3A_709 = arith.constant 1 : i32
        %swap3A_710 = arith.constant 0 : i32
        %swap3A_711 = arith.index_cast %swap3A_709 : i32 to index
        %swap3A_712 = arith.index_cast %swap3A_710 : i32 to index
        %swap3A_713 = arith.constant 32 : index
        %swap3A_714 = tpu.vector_load %arg7[%swap3A_711, %swap3A_712, %swap3A_713] {strides = array<i32>} : memref<3x2x80xi32, #tpu.memory_space<vmem>>, vector<1x1x16xi32>,
        %swap3A_715 = vector.shape_cast %swap3A_714 : vector<1x1x16xi32> to vector<16xi32>
        %swap3A_716 = vector.shape_cast %and3A_708 : vector<16xi32> to vector<1x1x16xi32>
        tpu.vector_store %arg7[%swap3A_711, %swap3A_712, %swap3A_713], %swap3A_716 {strides = array<i32>} : memref<3x2x80xi32, #tpu.memory_space<vmem>>, vector<1x1x16xi32>,
        %shift_right_logical3A_717 = arith.constant 14 : i32
        %shift_right_logical3A_718 = vector.broadcast %shift_right_logical3A_717 : i32 to vector<16xi32>
        %shift_right_logical3A_719 = arith.shrui %get3A_705, %shift_right_logical3A_718 : vector<16xi32>
        %swap3A_720 = arith.constant 1 : i32
        %swap3A_721 = arith.constant 1 : i32
        %swap3A_722 = arith.index_cast %swap3A_720 : i32 to index
        %swap3A_723 = arith.index_cast %swap3A_721 : i32 to index
        %swap3A_724 = arith.constant 32 : index
        %swap3A_725 = tpu.vector_load %arg7[%swap3A_722, %swap3A_723, %swap3A_724] {strides = array<i32>} : memref<3x2x80xi32, #tpu.memory_space<vmem>>, vector<1x1x16xi32>,
        %swap3A_726 = vector.shape_cast %swap3A_725 : vector<1x1x16xi32> to vector<16xi32>
        %swap3A_727 = vector.shape_cast %shift_right_logical3A_719 : vector<16xi32> to vector<1x1x16xi32>
        tpu.vector_store %arg7[%swap3A_722, %swap3A_723, %swap3A_724], %swap3A_727 {strides = array<i32>} : memref<3x2x80xi32, #tpu.memory_space<vmem>>, vector<1x1x16xi32>,
        %mul3A_728 = arith.constant 80 : i32
        %mul3A_729 = arith.muli %add3A_600, %mul3A_728 : i32
        %add3A_730 = arith.constant 48 : i32
        %add3A_731 = arith.addi %mul3A_729, %add3A_730 : i32
        %get3A_732 = arith.index_cast %add3A_731 : i32 to index
        %get3A_733 = tpu.vector_load %arg6[%get3A_732] {strides = array<i32>} : memref<10000xi32, #tpu.memory_space<vmem>>, vector<16xi32>,
        %get3A_734 = vector.shape_cast %get3A_733 : vector<16xi32> to vector<16xi32>
        %and3A_735 = arith.constant 16383 : i32
        %and3A_736 = vector.broadcast %and3A_735 : i32 to vector<16xi32>
        %and3A_737 = arith.andi %get3A_734, %and3A_736 : vector<16xi32>
        %swap3A_738 = arith.constant 1 : i32
        %swap3A_739 = arith.constant 0 : i32
        %swap3A_740 = arith.index_cast %swap3A_738 : i32 to index
        %swap3A_741 = arith.index_cast %swap3A_739 : i32 to index
        %swap3A_742 = arith.constant 48 : index
        %swap3A_743 = tpu.vector_load %arg7[%swap3A_740, %swap3A_741, %swap3A_742] {strides = array<i32>} : memref<3x2x80xi32, #tpu.memory_space<vmem>>, vector<1x1x16xi32>,
        %swap3A_744 = vector.shape_cast %swap3A_743 : vector<1x1x16xi32> to vector<16xi32>
        %swap3A_745 = vector.shape_cast %and3A_737 : vector<16xi32> to vector<1x1x16xi32>
        tpu.vector_store %arg7[%swap3A_740, %swap3A_741, %swap3A_742], %swap3A_745 {strides = array<i32>} : memref<3x2x80xi32, #tpu.memory_space<vmem>>, vector<1x1x16xi32>,
        %shift_right_logical3A_746 = arith.constant 14 : i32
        %shift_right_logical3A_747 = vector.broadcast %shift_right_logical3A_746 : i32 to vector<16xi32>
        %shift_right_logical3A_748 = arith.shrui %get3A_734, %shift_right_logical3A_747 : vector<16xi32>
        %swap3A_749 = arith.constant 1 : i32
        %swap3A_750 = arith.constant 1 : i32
        %swap3A_751 = arith.index_cast %swap3A_749 : i32 to index
        %swap3A_752 = arith.index_cast %swap3A_750 : i32 to index
        %swap3A_753 = arith.constant 48 : index
        %swap3A_754 = tpu.vector_load %arg7[%swap3A_751, %swap3A_752, %swap3A_753] {strides = array<i32>} : memref<3x2x80xi32, #tpu.memory_space<vmem>>, vector<1x1x16xi32>,
        %swap3A_755 = vector.shape_cast %swap3A_754 : vector<1x1x16xi32> to vector<16xi32>
        %swap3A_756 = vector.shape_cast %shift_right_logical3A_748 : vector<16xi32> to vector<1x1x16xi32>
        tpu.vector_store %arg7[%swap3A_751, %swap3A_752, %swap3A_753], %swap3A_756 {strides = array<i32>} : memref<3x2x80xi32, #tpu.memory_space<vmem>>, vector<1x1x16xi32>,
        %mul3A_757 = arith.constant 80 : i32
        %mul3A_758 = arith.muli %add3A_600, %mul3A_757 : i32
        %add3A_759 = arith.constant 64 : i32
        %add3A_760 = arith.addi %mul3A_758, %add3A_759 : i32
        %get3A_761 = arith.index_cast %add3A_760 : i32 to index
        %get3A_762 = tpu.vector_load %arg6[%get3A_761] {strides = array<i32>} : memref<10000xi32, #tpu.memory_space<vmem>>, vector<16xi32>,
        %get3A_763 = vector.shape_cast %get3A_762 : vector<16xi32> to vector<16xi32>
        %and3A_764 = arith.constant 16383 : i32
        %and3A_765 = vector.broadcast %and3A_764 : i32 to vector<16xi32>
        %and3A_766 = arith.andi %get3A_763, %and3A_765 : vector<16xi32>
        %swap3A_767 = arith.constant 1 : i32
        %swap3A_768 = arith.constant 0 : i32
        %swap3A_769 = arith.index_cast %swap3A_767 : i32 to index
        %swap3A_770 = arith.index_cast %swap3A_768 : i32 to index
        %swap3A_771 = arith.constant 64 : index
        %swap3A_772 = tpu.vector_load %arg7[%swap3A_769, %swap3A_770, %swap3A_771] {strides = array<i32>} : memref<3x2x80xi32, #tpu.memory_space<vmem>>, vector<1x1x16xi32>,
        %swap3A_773 = vector.shape_cast %swap3A_772 : vector<1x1x16xi32> to vector<16xi32>
        %swap3A_774 = vector.shape_cast %and3A_766 : vector<16xi32> to vector<1x1x16xi32>
        tpu.vector_store %arg7[%swap3A_769, %swap3A_770, %swap3A_771], %swap3A_774 {strides = array<i32>} : memref<3x2x80xi32, #tpu.memory_space<vmem>>, vector<1x1x16xi32>,
        %shift_right_logical3A_775 = arith.constant 14 : i32
        %shift_right_logical3A_776 = vector.broadcast %shift_right_logical3A_775 : i32 to vector<16xi32>
        %shift_right_logical3A_777 = arith.shrui %get3A_763, %shift_right_logical3A_776 : vector<16xi32>
        %swap3A_778 = arith.constant 1 : i32
        %swap3A_779 = arith.constant 1 : i32
        %swap3A_780 = arith.index_cast %swap3A_778 : i32 to index
        %swap3A_781 = arith.index_cast %swap3A_779 : i32 to index
        %swap3A_782 = arith.constant 64 : index
        %swap3A_783 = tpu.vector_load %arg7[%swap3A_780, %swap3A_781, %swap3A_782] {strides = array<i32>} : memref<3x2x80xi32, #tpu.memory_space<vmem>>, vector<1x1x16xi32>,
        %swap3A_784 = vector.shape_cast %swap3A_783 : vector<1x1x16xi32> to vector<16xi32>
        %swap3A_785 = vector.shape_cast %shift_right_logical3A_777 : vector<16xi32> to vector<1x1x16xi32>
        tpu.vector_store %arg7[%swap3A_780, %swap3A_781, %swap3A_782], %swap3A_785 {strides = array<i32>} : memref<3x2x80xi32, #tpu.memory_space<vmem>>, vector<1x1x16xi32>,
        %dma_start3A_786 = arith.constant 1 : i32
        %dma_start3A_787 = arith.constant 0 : i32
        %dma_start3A_788 = arith.constant 0 : i32
        %dma_start3A_789 = tpu.memref_slice %arg7[%dma_start3A_786, %dma_start3A_787, %dma_start3A_788] : memref<3x2x80xi32, #tpu.memory_space<vmem>> -> memref<1x1x80xi32, #tpu.memory_space<vmem>>
        %dma_start3A_790 = tpu.memref_squeeze %dma_start3A_789 : memref<1x1x80xi32, #tpu.memory_space<vmem>> -> memref<80xi32, #tpu.memory_space<vmem>>
        %dma_start3A_791 = arith.constant 0 : i32
        %dma_start3A_792 = arith.constant 0 : i32
        %dma_start3A_793 = tpu.memref_slice %arg2[%dma_start3A_791, %dma_start3A_792] : memref<10000x128xf32, #tpu.memory_space<hbm>> -> memref<10000x128xf32, #tpu.memory_space<hbm>>
        tpu.enqueue_indirect_dma source(%dma_start3A_793 : memref<10000x128xf32, #tpu.memory_space<hbm>>) target(%arg9 : memref<80x128xf32, #tpu.memory_space<vmem>>) offsets(%dma_start3A_790 : memref<80xi32, #tpu.memory_space<vmem>>) semaphore(%arg13 : memref<!tpu.dma_semaphore, #tpu.memory_space<semaphore_mem>>)
      } else {
      }
      %mul3A_606 = arith.constant 3 : i32
      %mul3A_607 = arith.muli %scan3A_536, %mul3A_606 : i32
      %add3A_608 = arith.constant 2 : i32
      %add3A_609 = arith.addi %mul3A_607, %add3A_608 : i32
      %dma_wait3A_610 = arith.constant 2 : i32
      %dma_wait3A_611 = arith.constant 0 : i32
      %dma_wait3A_612 = arith.constant 0 : i32
      %dma_wait3A_613 = tpu.memref_slice %arg7[%dma_wait3A_610, %dma_wait3A_611, %dma_wait3A_612] : memref<3x2x80xi32, #tpu.memory_space<vmem>> -> memref<1x1x80xi32, #tpu.memory_space<vmem>>
      %dma_wait3A_614 = tpu.memref_squeeze %dma_wait3A_613 : memref<1x1x80xi32, #tpu.memory_space<vmem>> -> memref<80xi32, #tpu.memory_space<vmem>>
      %dma_wait3A_615 = arith.constant 0 : i32
      %dma_wait3A_616 = arith.constant 0 : i32
      %dma_wait3A_617 = tpu.memref_slice %arg2[%dma_wait3A_615, %dma_wait3A_616] : memref<10000x128xf32, #tpu.memory_space<hbm>> -> memref<10000x128xf32, #tpu.memory_space<hbm>>
      tpu.wait_indirect_dma semaphore(%arg14 : memref<!tpu.dma_semaphore, #tpu.memory_space<semaphore_mem>>) src(%dma_wait3A_617 : memref<10000x128xf32, #tpu.memory_space<hbm>>) dst(%arg10 : memref<80x128xf32, #tpu.memory_space<vmem>>)
      %dma_start3A_618 = arith.constant 2 : i32
      %dma_start3A_619 = arith.constant 1 : i32
      %dma_start3A_620 = arith.constant 0 : i32
      %dma_start3A_621 = tpu.memref_slice %arg7[%dma_start3A_618, %dma_start3A_619, %dma_start3A_620] : memref<3x2x80xi32, #tpu.memory_space<vmem>> -> memref<1x1x80xi32, #tpu.memory_space<vmem>>
      %dma_start3A_622 = tpu.memref_squeeze %dma_start3A_621 : memref<1x1x80xi32, #tpu.memory_space<vmem>> -> memref<80xi32, #tpu.memory_space<vmem>>
      %dma_start3A_623 = arith.constant 0 : i32
      %dma_start3A_624 = arith.constant 0 : i32
      %dma_start3A_625 = tpu.memref_slice %arg11[%dma_start3A_623, %dma_start3A_624] : memref<10000x128xf32, #tpu.memory_space<vmem_shared>> -> memref<10000x128xf32, #tpu.memory_space<vmem_shared>>
      tpu.enqueue_indirect_dma source(%arg10 : memref<80x128xf32, #tpu.memory_space<vmem>>) target(%dma_start3A_625 : memref<10000x128xf32, #tpu.memory_space<vmem_shared>>) offsets(%dma_start3A_622 : memref<80xi32, #tpu.memory_space<vmem>>) semaphore(%arg17 : memref<!tpu.dma_semaphore, #tpu.memory_space<semaphore_mem>>) {add = true}
      %dma_wait3A_626 = arith.constant 2 : i32
      %dma_wait3A_627 = arith.constant 1 : i32
      %dma_wait3A_628 = arith.constant 0 : i32
      %dma_wait3A_629 = tpu.memref_slice %arg7[%dma_wait3A_626, %dma_wait3A_627, %dma_wait3A_628] : memref<3x2x80xi32, #tpu.memory_space<vmem>> -> memref<1x1x80xi32, #tpu.memory_space<vmem>>
      %dma_wait3A_630 = tpu.memref_squeeze %dma_wait3A_629 : memref<1x1x80xi32, #tpu.memory_space<vmem>> -> memref<80xi32, #tpu.memory_space<vmem>>
      %dma_wait3A_631 = arith.constant 0 : i32
      %dma_wait3A_632 = arith.constant 0 : i32
      %dma_wait3A_633 = tpu.memref_slice %arg11[%dma_wait3A_631, %dma_wait3A_632] : memref<10000x128xf32, #tpu.memory_space<vmem_shared>> -> memref<10000x128xf32, #tpu.memory_space<vmem_shared>>
      tpu.wait_indirect_dma semaphore(%arg17 : memref<!tpu.dma_semaphore, #tpu.memory_space<semaphore_mem>>) src(%arg10 : memref<80x128xf32, #tpu.memory_space<vmem>>) dst(%dma_wait3A_633 : memref<10000x128xf32, #tpu.memory_space<vmem_shared>>)
      %add3A_634 = arith.constant 3 : i32
      %add3A_635 = arith.addi %add3A_609, %add3A_634 : i32
      %lt3A_636 = arith.constant 125 : i32
      %lt3A_637 = arith.cmpi slt, %add3A_635, %lt3A_636 : i32
      %convert_element_type3A_638 = arith.extui %lt3A_637 : i1 to i32
      %cond3A_639 = arith.constant 0 : i32
      %cond3A_640 = arith.cmpi ne, %convert_element_type3A_638, %cond3A_639 : i32
      scf.if %cond3A_640 {
        %mul3A_641 = arith.constant 80 : i32
        %mul3A_642 = arith.muli %add3A_635, %mul3A_641 : i32
        %add3A_643 = arith.constant 0 : i32
        %add3A_644 = arith.addi %mul3A_642, %add3A_643 : i32
        %get3A_645 = arith.index_cast %add3A_644 : i32 to index
        %get3A_646 = tpu.vector_load %arg6[%get3A_645] {strides = array<i32>} : memref<10000xi32, #tpu.memory_space<vmem>>, vector<16xi32>,
        %get3A_647 = vector.shape_cast %get3A_646 : vector<16xi32> to vector<16xi32>
        %and3A_648 = arith.constant 16383 : i32
        %and3A_649 = vector.broadcast %and3A_648 : i32 to vector<16xi32>
        %and3A_650 = arith.andi %get3A_647, %and3A_649 : vector<16xi32>
        %swap3A_651 = arith.constant 2 : i32
        %swap3A_652 = arith.constant 0 : i32
        %swap3A_653 = arith.index_cast %swap3A_651 : i32 to index
        %swap3A_654 = arith.index_cast %swap3A_652 : i32 to index
        %swap3A_655 = arith.constant 0 : index
        %swap3A_656 = tpu.vector_load %arg7[%swap3A_653, %swap3A_654, %swap3A_655] {strides = array<i32>} : memref<3x2x80xi32, #tpu.memory_space<vmem>>, vector<1x1x16xi32>,
        %swap3A_657 = vector.shape_cast %swap3A_656 : vector<1x1x16xi32> to vector<16xi32>
        %swap3A_658 = vector.shape_cast %and3A_650 : vector<16xi32> to vector<1x1x16xi32>
        tpu.vector_store %arg7[%swap3A_653, %swap3A_654, %swap3A_655], %swap3A_658 {strides = array<i32>} : memref<3x2x80xi32, #tpu.memory_space<vmem>>, vector<1x1x16xi32>,
        %shift_right_logical3A_659 = arith.constant 14 : i32
        %shift_right_logical3A_660 = vector.broadcast %shift_right_logical3A_659 : i32 to vector<16xi32>
        %shift_right_logical3A_661 = arith.shrui %get3A_647, %shift_right_logical3A_660 : vector<16xi32>
        %swap3A_662 = arith.constant 2 : i32
        %swap3A_663 = arith.constant 1 : i32
        %swap3A_664 = arith.index_cast %swap3A_662 : i32 to index
        %swap3A_665 = arith.index_cast %swap3A_663 : i32 to index
        %swap3A_666 = arith.constant 0 : index
        %swap3A_667 = tpu.vector_load %arg7[%swap3A_664, %swap3A_665, %swap3A_666] {strides = array<i32>} : memref<3x2x80xi32, #tpu.memory_space<vmem>>, vector<1x1x16xi32>,
        %swap3A_668 = vector.shape_cast %swap3A_667 : vector<1x1x16xi32> to vector<16xi32>
        %swap3A_669 = vector.shape_cast %shift_right_logical3A_661 : vector<16xi32> to vector<1x1x16xi32>
        tpu.vector_store %arg7[%swap3A_664, %swap3A_665, %swap3A_666], %swap3A_669 {strides = array<i32>} : memref<3x2x80xi32, #tpu.memory_space<vmem>>, vector<1x1x16xi32>,
        %mul3A_670 = arith.constant 80 : i32
        %mul3A_671 = arith.muli %add3A_635, %mul3A_670 : i32
        %add3A_672 = arith.constant 16 : i32
        %add3A_673 = arith.addi %mul3A_671, %add3A_672 : i32
        %get3A_674 = arith.index_cast %add3A_673 : i32 to index
        %get3A_675 = tpu.vector_load %arg6[%get3A_674] {strides = array<i32>} : memref<10000xi32, #tpu.memory_space<vmem>>, vector<16xi32>,
        %get3A_676 = vector.shape_cast %get3A_675 : vector<16xi32> to vector<16xi32>
        %and3A_677 = arith.constant 16383 : i32
        %and3A_678 = vector.broadcast %and3A_677 : i32 to vector<16xi32>
        %and3A_679 = arith.andi %get3A_676, %and3A_678 : vector<16xi32>
        %swap3A_680 = arith.constant 2 : i32
        %swap3A_681 = arith.constant 0 : i32
        %swap3A_682 = arith.index_cast %swap3A_680 : i32 to index
        %swap3A_683 = arith.index_cast %swap3A_681 : i32 to index
        %swap3A_684 = arith.constant 16 : index
        %swap3A_685 = tpu.vector_load %arg7[%swap3A_682, %swap3A_683, %swap3A_684] {strides = array<i32>} : memref<3x2x80xi32, #tpu.memory_space<vmem>>, vector<1x1x16xi32>,
        %swap3A_686 = vector.shape_cast %swap3A_685 : vector<1x1x16xi32> to vector<16xi32>
        %swap3A_687 = vector.shape_cast %and3A_679 : vector<16xi32> to vector<1x1x16xi32>
        tpu.vector_store %arg7[%swap3A_682, %swap3A_683, %swap3A_684], %swap3A_687 {strides = array<i32>} : memref<3x2x80xi32, #tpu.memory_space<vmem>>, vector<1x1x16xi32>,
        %shift_right_logical3A_688 = arith.constant 14 : i32
        %shift_right_logical3A_689 = vector.broadcast %shift_right_logical3A_688 : i32 to vector<16xi32>
        %shift_right_logical3A_690 = arith.shrui %get3A_676, %shift_right_logical3A_689 : vector<16xi32>
        %swap3A_691 = arith.constant 2 : i32
        %swap3A_692 = arith.constant 1 : i32
        %swap3A_693 = arith.index_cast %swap3A_691 : i32 to index
        %swap3A_694 = arith.index_cast %swap3A_692 : i32 to index
        %swap3A_695 = arith.constant 16 : index
        %swap3A_696 = tpu.vector_load %arg7[%swap3A_693, %swap3A_694, %swap3A_695] {strides = array<i32>} : memref<3x2x80xi32, #tpu.memory_space<vmem>>, vector<1x1x16xi32>,
        %swap3A_697 = vector.shape_cast %swap3A_696 : vector<1x1x16xi32> to vector<16xi32>
        %swap3A_698 = vector.shape_cast %shift_right_logical3A_690 : vector<16xi32> to vector<1x1x16xi32>
        tpu.vector_store %arg7[%swap3A_693, %swap3A_694, %swap3A_695], %swap3A_698 {strides = array<i32>} : memref<3x2x80xi32, #tpu.memory_space<vmem>>, vector<1x1x16xi32>,
        %mul3A_699 = arith.constant 80 : i32
        %mul3A_700 = arith.muli %add3A_635, %mul3A_699 : i32
        %add3A_701 = arith.constant 32 : i32
        %add3A_702 = arith.addi %mul3A_700, %add3A_701 : i32
        %get3A_703 = arith.index_cast %add3A_702 : i32 to index
        %get3A_704 = tpu.vector_load %arg6[%get3A_703] {strides = array<i32>} : memref<10000xi32, #tpu.memory_space<vmem>>, vector<16xi32>,
        %get3A_705 = vector.shape_cast %get3A_704 : vector<16xi32> to vector<16xi32>
        %and3A_706 = arith.constant 16383 : i32
        %and3A_707 = vector.broadcast %and3A_706 : i32 to vector<16xi32>
        %and3A_708 = arith.andi %get3A_705, %and3A_707 : vector<16xi32>
        %swap3A_709 = arith.constant 2 : i32
        %swap3A_710 = arith.constant 0 : i32
        %swap3A_711 = arith.index_cast %swap3A_709 : i32 to index
        %swap3A_712 = arith.index_cast %swap3A_710 : i32 to index
        %swap3A_713 = arith.constant 32 : index
        %swap3A_714 = tpu.vector_load %arg7[%swap3A_711, %swap3A_712, %swap3A_713] {strides = array<i32>} : memref<3x2x80xi32, #tpu.memory_space<vmem>>, vector<1x1x16xi32>,
        %swap3A_715 = vector.shape_cast %swap3A_714 : vector<1x1x16xi32> to vector<16xi32>
        %swap3A_716 = vector.shape_cast %and3A_708 : vector<16xi32> to vector<1x1x16xi32>
        tpu.vector_store %arg7[%swap3A_711, %swap3A_712, %swap3A_713], %swap3A_716 {strides = array<i32>} : memref<3x2x80xi32, #tpu.memory_space<vmem>>, vector<1x1x16xi32>,
        %shift_right_logical3A_717 = arith.constant 14 : i32
        %shift_right_logical3A_718 = vector.broadcast %shift_right_logical3A_717 : i32 to vector<16xi32>
        %shift_right_logical3A_719 = arith.shrui %get3A_705, %shift_right_logical3A_718 : vector<16xi32>
        %swap3A_720 = arith.constant 2 : i32
        %swap3A_721 = arith.constant 1 : i32
        %swap3A_722 = arith.index_cast %swap3A_720 : i32 to index
        %swap3A_723 = arith.index_cast %swap3A_721 : i32 to index
        %swap3A_724 = arith.constant 32 : index
        %swap3A_725 = tpu.vector_load %arg7[%swap3A_722, %swap3A_723, %swap3A_724] {strides = array<i32>} : memref<3x2x80xi32, #tpu.memory_space<vmem>>, vector<1x1x16xi32>,
        %swap3A_726 = vector.shape_cast %swap3A_725 : vector<1x1x16xi32> to vector<16xi32>
        %swap3A_727 = vector.shape_cast %shift_right_logical3A_719 : vector<16xi32> to vector<1x1x16xi32>
        tpu.vector_store %arg7[%swap3A_722, %swap3A_723, %swap3A_724], %swap3A_727 {strides = array<i32>} : memref<3x2x80xi32, #tpu.memory_space<vmem>>, vector<1x1x16xi32>,
        %mul3A_728 = arith.constant 80 : i32
        %mul3A_729 = arith.muli %add3A_635, %mul3A_728 : i32
        %add3A_730 = arith.constant 48 : i32
        %add3A_731 = arith.addi %mul3A_729, %add3A_730 : i32
        %get3A_732 = arith.index_cast %add3A_731 : i32 to index
        %get3A_733 = tpu.vector_load %arg6[%get3A_732] {strides = array<i32>} : memref<10000xi32, #tpu.memory_space<vmem>>, vector<16xi32>,
        %get3A_734 = vector.shape_cast %get3A_733 : vector<16xi32> to vector<16xi32>
        %and3A_735 = arith.constant 16383 : i32
        %and3A_736 = vector.broadcast %and3A_735 : i32 to vector<16xi32>
        %and3A_737 = arith.andi %get3A_734, %and3A_736 : vector<16xi32>
        %swap3A_738 = arith.constant 2 : i32
        %swap3A_739 = arith.constant 0 : i32
        %swap3A_740 = arith.index_cast %swap3A_738 : i32 to index
        %swap3A_741 = arith.index_cast %swap3A_739 : i32 to index
        %swap3A_742 = arith.constant 48 : index
        %swap3A_743 = tpu.vector_load %arg7[%swap3A_740, %swap3A_741, %swap3A_742] {strides = array<i32>} : memref<3x2x80xi32, #tpu.memory_space<vmem>>, vector<1x1x16xi32>,
        %swap3A_744 = vector.shape_cast %swap3A_743 : vector<1x1x16xi32> to vector<16xi32>
        %swap3A_745 = vector.shape_cast %and3A_737 : vector<16xi32> to vector<1x1x16xi32>
        tpu.vector_store %arg7[%swap3A_740, %swap3A_741, %swap3A_742], %swap3A_745 {strides = array<i32>} : memref<3x2x80xi32, #tpu.memory_space<vmem>>, vector<1x1x16xi32>,
        %shift_right_logical3A_746 = arith.constant 14 : i32
        %shift_right_logical3A_747 = vector.broadcast %shift_right_logical3A_746 : i32 to vector<16xi32>
        %shift_right_logical3A_748 = arith.shrui %get3A_734, %shift_right_logical3A_747 : vector<16xi32>
        %swap3A_749 = arith.constant 2 : i32
        %swap3A_750 = arith.constant 1 : i32
        %swap3A_751 = arith.index_cast %swap3A_749 : i32 to index
        %swap3A_752 = arith.index_cast %swap3A_750 : i32 to index
        %swap3A_753 = arith.constant 48 : index
        %swap3A_754 = tpu.vector_load %arg7[%swap3A_751, %swap3A_752, %swap3A_753] {strides = array<i32>} : memref<3x2x80xi32, #tpu.memory_space<vmem>>, vector<1x1x16xi32>,
        %swap3A_755 = vector.shape_cast %swap3A_754 : vector<1x1x16xi32> to vector<16xi32>
        %swap3A_756 = vector.shape_cast %shift_right_logical3A_748 : vector<16xi32> to vector<1x1x16xi32>
        tpu.vector_store %arg7[%swap3A_751, %swap3A_752, %swap3A_753], %swap3A_756 {strides = array<i32>} : memref<3x2x80xi32, #tpu.memory_space<vmem>>, vector<1x1x16xi32>,
        %mul3A_757 = arith.constant 80 : i32
        %mul3A_758 = arith.muli %add3A_635, %mul3A_757 : i32
        %add3A_759 = arith.constant 64 : i32
        %add3A_760 = arith.addi %mul3A_758, %add3A_759 : i32
        %get3A_761 = arith.index_cast %add3A_760 : i32 to index
        %get3A_762 = tpu.vector_load %arg6[%get3A_761] {strides = array<i32>} : memref<10000xi32, #tpu.memory_space<vmem>>, vector<16xi32>,
        %get3A_763 = vector.shape_cast %get3A_762 : vector<16xi32> to vector<16xi32>
        %and3A_764 = arith.constant 16383 : i32
        %and3A_765 = vector.broadcast %and3A_764 : i32 to vector<16xi32>
        %and3A_766 = arith.andi %get3A_763, %and3A_765 : vector<16xi32>
        %swap3A_767 = arith.constant 2 : i32
        %swap3A_768 = arith.constant 0 : i32
        %swap3A_769 = arith.index_cast %swap3A_767 : i32 to index
        %swap3A_770 = arith.index_cast %swap3A_768 : i32 to index
        %swap3A_771 = arith.constant 64 : index
        %swap3A_772 = tpu.vector_load %arg7[%swap3A_769, %swap3A_770, %swap3A_771] {strides = array<i32>} : memref<3x2x80xi32, #tpu.memory_space<vmem>>, vector<1x1x16xi32>,
        %swap3A_773 = vector.shape_cast %swap3A_772 : vector<1x1x16xi32> to vector<16xi32>
        %swap3A_774 = vector.shape_cast %and3A_766 : vector<16xi32> to vector<1x1x16xi32>
        tpu.vector_store %arg7[%swap3A_769, %swap3A_770, %swap3A_771], %swap3A_774 {strides = array<i32>} : memref<3x2x80xi32, #tpu.memory_space<vmem>>, vector<1x1x16xi32>,
        %shift_right_logical3A_775 = arith.constant 14 : i32
        %shift_right_logical3A_776 = vector.broadcast %shift_right_logical3A_775 : i32 to vector<16xi32>
        %shift_right_logical3A_777 = arith.shrui %get3A_763, %shift_right_logical3A_776 : vector<16xi32>
        %swap3A_778 = arith.constant 2 : i32
        %swap3A_779 = arith.constant 1 : i32
        %swap3A_780 = arith.index_cast %swap3A_778 : i32 to index
        %swap3A_781 = arith.index_cast %swap3A_779 : i32 to index
        %swap3A_782 = arith.constant 64 : index
        %swap3A_783 = tpu.vector_load %arg7[%swap3A_780, %swap3A_781, %swap3A_782] {strides = array<i32>} : memref<3x2x80xi32, #tpu.memory_space<vmem>>, vector<1x1x16xi32>,
        %swap3A_784 = vector.shape_cast %swap3A_783 : vector<1x1x16xi32> to vector<16xi32>
        %swap3A_785 = vector.shape_cast %shift_right_logical3A_777 : vector<16xi32> to vector<1x1x16xi32>
        tpu.vector_store %arg7[%swap3A_780, %swap3A_781, %swap3A_782], %swap3A_785 {strides = array<i32>} : memref<3x2x80xi32, #tpu.memory_space<vmem>>, vector<1x1x16xi32>,
        %dma_start3A_786 = arith.constant 2 : i32
        %dma_start3A_787 = arith.constant 0 : i32
        %dma_start3A_788 = arith.constant 0 : i32
        %dma_start3A_789 = tpu.memref_slice %arg7[%dma_start3A_786, %dma_start3A_787, %dma_start3A_788] : memref<3x2x80xi32, #tpu.memory_space<vmem>> -> memref<1x1x80xi32, #tpu.memory_space<vmem>>
        %dma_start3A_790 = tpu.memref_squeeze %dma_start3A_789 : memref<1x1x80xi32, #tpu.memory_space<vmem>> -> memref<80xi32, #tpu.memory_space<vmem>>
        %dma_start3A_791 = arith.constant 0 : i32
        %dma_start3A_792 = arith.constant 0 : i32
        %dma_start3A_793 = tpu.memref_slice %arg2[%dma_start3A_791, %dma_start3A_792] : memref<10000x128xf32, #tpu.memory_space<hbm>> -> memref<10000x128xf32, #tpu.memory_space<hbm>>
        tpu.enqueue_indirect_dma source(%dma_start3A_793 : memref<10000x128xf32, #tpu.memory_space<hbm>>) target(%arg10 : memref<80x128xf32, #tpu.memory_space<vmem>>) offsets(%dma_start3A_790 : memref<80xi32, #tpu.memory_space<vmem>>) semaphore(%arg14 : memref<!tpu.dma_semaphore, #tpu.memory_space<semaphore_mem>>)
      } else {
      }
    }
    %scan3A_478 = arith.constant 41 : i32
    %dma_wait3A = arith.constant 0 : i32
    %dma_wait3A_479 = arith.constant 0 : i32
    %dma_wait3A_480 = arith.constant 0 : i32
    %dma_wait3A_481 = tpu.memref_slice %arg7[%dma_wait3A, %dma_wait3A_479, %dma_wait3A_480] : memref<3x2x80xi32, #tpu.memory_space<vmem>> -> memref<1x1x80xi32, #tpu.memory_space<vmem>>
    %dma_wait3A_482 = tpu.memref_squeeze %dma_wait3A_481 : memref<1x1x80xi32, #tpu.memory_space<vmem>> -> memref<80xi32, #tpu.memory_space<vmem>>
    %dma_wait3A_483 = arith.constant 0 : i32
    %dma_wait3A_484 = arith.constant 0 : i32
    %dma_wait3A_485 = tpu.memref_slice %arg2[%dma_wait3A_483, %dma_wait3A_484] : memref<10000x128xf32, #tpu.memory_space<hbm>> -> memref<10000x128xf32, #tpu.memory_space<hbm>>
    tpu.wait_indirect_dma semaphore(%arg12 : memref<!tpu.dma_semaphore, #tpu.memory_space<semaphore_mem>>) src(%dma_wait3A_485 : memref<10000x128xf32, #tpu.memory_space<hbm>>) dst(%arg8 : memref<80x128xf32, #tpu.memory_space<vmem>>)
    %dma_start3A_486 = arith.constant 0 : i32
    %dma_start3A_487 = arith.constant 1 : i32
    %dma_start3A_488 = arith.constant 0 : i32
    %dma_start3A_489 = tpu.memref_slice %arg7[%dma_start3A_486, %dma_start3A_487, %dma_start3A_488] : memref<3x2x80xi32, #tpu.memory_space<vmem>> -> memref<1x1x80xi32, #tpu.memory_space<vmem>>
    %dma_start3A_490 = tpu.memref_squeeze %dma_start3A_489 : memref<1x1x80xi32, #tpu.memory_space<vmem>> -> memref<80xi32, #tpu.memory_space<vmem>>
    %dma_start3A_491 = arith.constant 0 : i32
    %dma_start3A_492 = arith.constant 0 : i32
    %dma_start3A_493 = tpu.memref_slice %arg11[%dma_start3A_491, %dma_start3A_492] : memref<10000x128xf32, #tpu.memory_space<vmem_shared>> -> memref<10000x128xf32, #tpu.memory_space<vmem_shared>>
    tpu.enqueue_indirect_dma source(%arg8 : memref<80x128xf32, #tpu.memory_space<vmem>>) target(%dma_start3A_493 : memref<10000x128xf32, #tpu.memory_space<vmem_shared>>) offsets(%dma_start3A_490 : memref<80xi32, #tpu.memory_space<vmem>>) semaphore(%arg15 : memref<!tpu.dma_semaphore, #tpu.memory_space<semaphore_mem>>) {add = true}
    %dma_wait3A_494 = arith.constant 0 : i32
    %dma_wait3A_495 = arith.constant 1 : i32
    %dma_wait3A_496 = arith.constant 0 : i32
    %dma_wait3A_497 = tpu.memref_slice %arg7[%dma_wait3A_494, %dma_wait3A_495, %dma_wait3A_496] : memref<3x2x80xi32, #tpu.memory_space<vmem>> -> memref<1x1x80xi32, #tpu.memory_space<vmem>>
    %dma_wait3A_498 = tpu.memref_squeeze %dma_wait3A_497 : memref<1x1x80xi32, #tpu.memory_space<vmem>> -> memref<80xi32, #tpu.memory_space<vmem>>
    %dma_wait3A_499 = arith.constant 0 : i32
    %dma_wait3A_500 = arith.constant 0 : i32
    %dma_wait3A_501 = tpu.memref_slice %arg11[%dma_wait3A_499, %dma_wait3A_500] : memref<10000x128xf32, #tpu.memory_space<vmem_shared>> -> memref<10000x128xf32, #tpu.memory_space<vmem_shared>>
    tpu.wait_indirect_dma semaphore(%arg15 : memref<!tpu.dma_semaphore, #tpu.memory_space<semaphore_mem>>) src(%arg8 : memref<80x128xf32, #tpu.memory_space<vmem>>) dst(%dma_wait3A_501 : memref<10000x128xf32, #tpu.memory_space<vmem_shared>>)
    %dma_wait3A_502 = arith.constant 1 : i32
    %dma_wait3A_503 = arith.constant 0 : i32
    %dma_wait3A_504 = arith.constant 0 : i32
    %dma_wait3A_505 = tpu.memref_slice %arg7[%dma_wait3A_502, %dma_wait3A_503, %dma_wait3A_504] : memref<3x2x80xi32, #tpu.memory_space<vmem>> -> memref<1x1x80xi32, #tpu.memory_space<vmem>>
    %dma_wait3A_506 = tpu.memref_squeeze %dma_wait3A_505 : memref<1x1x80xi32, #tpu.memory_space<vmem>> -> memref<80xi32, #tpu.memory_space<vmem>>
    %dma_wait3A_507 = arith.constant 0 : i32
    %dma_wait3A_508 = arith.constant 0 : i32
    %dma_wait3A_509 = tpu.memref_slice %arg2[%dma_wait3A_507, %dma_wait3A_508] : memref<10000x128xf32, #tpu.memory_space<hbm>> -> memref<10000x128xf32, #tpu.memory_space<hbm>>
    tpu.wait_indirect_dma semaphore(%arg13 : memref<!tpu.dma_semaphore, #tpu.memory_space<semaphore_mem>>) src(%dma_wait3A_509 : memref<10000x128xf32, #tpu.memory_space<hbm>>) dst(%arg9 : memref<80x128xf32, #tpu.memory_space<vmem>>)
    %dma_start3A_510 = arith.constant 1 : i32
    %dma_start3A_511 = arith.constant 1 : i32
    %dma_start3A_512 = arith.constant 0 : i32
    %dma_start3A_513 = tpu.memref_slice %arg7[%dma_start3A_510, %dma_start3A_511, %dma_start3A_512] : memref<3x2x80xi32, #tpu.memory_space<vmem>> -> memref<1x1x80xi32, #tpu.memory_space<vmem>>
    %dma_start3A_514 = tpu.memref_squeeze %dma_start3A_513 : memref<1x1x80xi32, #tpu.memory_space<vmem>> -> memref<80xi32, #tpu.memory_space<vmem>>
    %dma_start3A_515 = arith.constant 0 : i32
    %dma_start3A_516 = arith.constant 0 : i32
    %dma_start3A_517 = tpu.memref_slice %arg11[%dma_start3A_515, %dma_start3A_516] : memref<10000x128xf32, #tpu.memory_space<vmem_shared>> -> memref<10000x128xf32, #tpu.memory_space<vmem_shared>>
    tpu.enqueue_indirect_dma source(%arg9 : memref<80x128xf32, #tpu.memory_space<vmem>>) target(%dma_start3A_517 : memref<10000x128xf32, #tpu.memory_space<vmem_shared>>) offsets(%dma_start3A_514 : memref<80xi32, #tpu.memory_space<vmem>>) semaphore(%arg16 : memref<!tpu.dma_semaphore, #tpu.memory_space<semaphore_mem>>) {add = true}
    %dma_wait3A_518 = arith.constant 1 : i32
    %dma_wait3A_519 = arith.constant 1 : i32
    %dma_wait3A_520 = arith.constant 0 : i32
    %dma_wait3A_521 = tpu.memref_slice %arg7[%dma_wait3A_518, %dma_wait3A_519, %dma_wait3A_520] : memref<3x2x80xi32, #tpu.memory_space<vmem>> -> memref<1x1x80xi32, #tpu.memory_space<vmem>>
    %dma_wait3A_522 = tpu.memref_squeeze %dma_wait3A_521 : memref<1x1x80xi32, #tpu.memory_space<vmem>> -> memref<80xi32, #tpu.memory_space<vmem>>
    %dma_wait3A_523 = arith.constant 0 : i32
    %dma_wait3A_524 = arith.constant 0 : i32
    %dma_wait3A_525 = tpu.memref_slice %arg11[%dma_wait3A_523, %dma_wait3A_524] : memref<10000x128xf32, #tpu.memory_space<vmem_shared>> -> memref<10000x128xf32, #tpu.memory_space<vmem_shared>>
    tpu.wait_indirect_dma semaphore(%arg16 : memref<!tpu.dma_semaphore, #tpu.memory_space<semaphore_mem>>) src(%arg9 : memref<80x128xf32, #tpu.memory_space<vmem>>) dst(%dma_wait3A_525 : memref<10000x128xf32, #tpu.memory_space<vmem_shared>>)
    %barrier3A_526 = arith.constant 0 : index
    tpu.barrier barrier_id(%barrier3A_526)
    %mul3A_527 = arith.constant 624 : i32
    %mul3A_528 = arith.muli %arg1, %mul3A_527 : i32
    %mul3A_529 = arith.constant 624 : i32
    %mul3A_530 = arith.muli %arg1, %mul3A_529 : i32
    "tpu.region"() ({
      %run_scoped3A = tpu.sem_alloc : memref<!tpu.dma_semaphore, #tpu.memory_space<semaphore_mem>>
      %dma_start3A_536 = arith.constant 0 : i32
      %dma_start3A_537 = tpu.memref_slice %arg5[%arg0, %mul3A_530, %dma_start3A_536] : memref<2x10000x128xf32, #tpu.memory_space<hbm>> -> memref<1x624x128xf32, #tpu.memory_space<hbm>>
      %dma_start3A_538 = tpu.memref_squeeze %dma_start3A_537 : memref<1x624x128xf32, #tpu.memory_space<hbm>> -> memref<624x128xf32, #tpu.memory_space<hbm>>
      %dma_start3A_539 = arith.constant 0 : i32
      %dma_start3A_540 = tpu.memref_slice %arg11[%mul3A_528, %dma_start3A_539] : memref<10000x128xf32, #tpu.memory_space<vmem_shared>> -> memref<624x128xf32, #tpu.memory_space<vmem_shared>>
      tpu.enqueue_dma source(%dma_start3A_540 : memref<624x128xf32, #tpu.memory_space<vmem_shared>>) target(%dma_start3A_538 : memref<624x128xf32, #tpu.memory_space<hbm>>) target_semaphore(%run_scoped3A : memref<!tpu.dma_semaphore, #tpu.memory_space<semaphore_mem>>)
      %dma_wait3A_541 = arith.constant 0 : i32
      %dma_wait3A_542 = tpu.memref_slice %arg5[%arg0, %mul3A_530, %dma_wait3A_541] : memref<2x10000x128xf32, #tpu.memory_space<hbm>> -> memref<1x624x128xf32, #tpu.memory_space<hbm>>
      %dma_wait3A_543 = tpu.memref_squeeze %dma_wait3A_542 : memref<1x624x128xf32, #tpu.memory_space<hbm>> -> memref<624x128xf32, #tpu.memory_space<hbm>>
      %dma_wait3A_544 = arith.constant 0 : i32
      %dma_wait3A_545 = tpu.memref_slice %arg11[%mul3A_528, %dma_wait3A_544] : memref<10000x128xf32, #tpu.memory_space<vmem_shared>> -> memref<624x128xf32, #tpu.memory_space<vmem_shared>>
      tpu.wait_dma2 semaphore(%run_scoped3A : memref<!tpu.dma_semaphore, #tpu.memory_space<semaphore_mem>>) src(%dma_wait3A_545 : memref<624x128xf32, #tpu.memory_space<vmem_shared>>) dst(%dma_wait3A_543 : memref<624x128xf32, #tpu.memory_space<hbm>>)
      tpu.yield
    }) : () -> ()
    %eq3A_531 = arith.constant 0 : i32
    %eq3A_532 = arith.cmpi eq, %arg1, %eq3A_531 : i32
    %convert_element_type3A_533 = arith.extui %eq3A_532 : i1 to i32
    %cond3A_534 = arith.constant 0 : i32
    %cond3A_535 = arith.cmpi ne, %convert_element_type3A_533, %cond3A_534 : i32
    scf.if %cond3A_535 {
      "tpu.region"() ({
        %run_scoped3A = tpu.sem_alloc : memref<!tpu.dma_semaphore, #tpu.memory_space<semaphore_mem>>
        %dma_start3A_536 = arith.constant 9984 : i32
        %dma_start3A_537 = arith.constant 0 : i32
        %dma_start3A_538 = tpu.memref_slice %arg5[%arg0, %dma_start3A_536, %dma_start3A_537] : memref<2x10000x128xf32, #tpu.memory_space<hbm>> -> memref<1x16x128xf32, #tpu.memory_space<hbm>>
        %dma_start3A_539 = tpu.memref_squeeze %dma_start3A_538 : memref<1x16x128xf32, #tpu.memory_space<hbm>> -> memref<16x128xf32, #tpu.memory_space<hbm>>
        %dma_start3A_540 = arith.constant 9984 : i32
        %dma_start3A_541 = arith.constant 0 : i32
        %dma_start3A_542 = tpu.memref_slice %arg11[%dma_start3A_540, %dma_start3A_541] : memref<10000x128xf32, #tpu.memory_space<vmem_shared>> -> memref<16x128xf32, #tpu.memory_space<vmem_shared>>
        tpu.enqueue_dma source(%dma_start3A_542 : memref<16x128xf32, #tpu.memory_space<vmem_shared>>) target(%dma_start3A_539 : memref<16x128xf32, #tpu.memory_space<hbm>>) target_semaphore(%run_scoped3A : memref<!tpu.dma_semaphore, #tpu.memory_space<semaphore_mem>>)
        %dma_wait3A_543 = arith.constant 9984 : i32
        %dma_wait3A_544 = arith.constant 0 : i32
        %dma_wait3A_545 = tpu.memref_slice %arg5[%arg0, %dma_wait3A_543, %dma_wait3A_544] : memref<2x10000x128xf32, #tpu.memory_space<hbm>> -> memref<1x16x128xf32, #tpu.memory_space<hbm>>
        %dma_wait3A_546 = tpu.memref_squeeze %dma_wait3A_545 : memref<1x16x128xf32, #tpu.memory_space<hbm>> -> memref<16x128xf32, #tpu.memory_space<hbm>>
        %dma_wait3A_547 = arith.constant 9984 : i32
        %dma_wait3A_548 = arith.constant 0 : i32
        %dma_wait3A_549 = tpu.memref_slice %arg11[%dma_wait3A_547, %dma_wait3A_548] : memref<10000x128xf32, #tpu.memory_space<vmem_shared>> -> memref<16x128xf32, #tpu.memory_space<vmem_shared>>
        tpu.wait_dma2 semaphore(%run_scoped3A : memref<!tpu.dma_semaphore, #tpu.memory_space<semaphore_mem>>) src(%dma_wait3A_549 : memref<16x128xf32, #tpu.memory_space<vmem_shared>>) dst(%dma_wait3A_546 : memref<16x128xf32, #tpu.memory_space<hbm>>)
        tpu.yield
      }) : () -> ()
    } else {
    }
    return
  }
}

#map = affine_map<(d0, d1) -> (0, 0)>
#map1 = affine_map<(d0, d1) -> (0, 0, 0)>
module attributes {stable_mosaic.version = 14 : i64} {
  func.func @_agg_body(%arg0: i32, %arg1: i32, %arg2: memref<10000x128xf32, #tpu.memory_space<hbm>>, %arg3: memref<32x10000xi32, #tpu.memory_space<hbm>>, %arg4: memref<624x128xf32, #tpu.memory_space<hbm>>, %arg5: memref<2x10000x128xf32, #tpu.memory_space<hbm>>, %arg6: memref<10000xi32, #tpu.memory_space<vmem>>, %arg7: memref<3x2x80xi32, #tpu.memory_space<vmem>>, %arg8: memref<80x128xf32, #tpu.memory_space<vmem>>, %arg9: memref<80x128xf32, #tpu.memory_space<vmem>>, %arg10: memref<80x128xf32, #tpu.memory_space<vmem>>, %arg11: memref<10000x128xf32, #tpu.memory_space<vmem_shared>>, %arg12: memref<!tpu.dma_semaphore, #tpu.memory_space<semaphore_mem>>, %arg13: memref<!tpu.dma_semaphore, #tpu.memory_space<semaphore_mem>>, %arg14: memref<!tpu.dma_semaphore, #tpu.memory_space<semaphore_mem>>, %arg15: memref<!tpu.dma_semaphore, #tpu.memory_space<semaphore_mem>>, %arg16: memref<!tpu.dma_semaphore, #tpu.memory_space<semaphore_mem>>, %arg17: memref<!tpu.dma_semaphore, #tpu.memory_space<semaphore_mem>>) attributes {dimension_semantics = [#tpu.dimension_semantics<core_parallel>, #tpu.dimension_semantics<subcore_parallel>], iteration_bounds = array<i64: 2, 16>, scalar_prefetch = 0 : i64, scratch_operands = 12 : i64, tpu.core_type = #tpu.core_type<sc_vector_subcore>, window_params = [{transform_indices = #map}, {transform_indices = #map}, {transform_indices = #map}, {transform_indices = #map1}]} {
    %mul3A = arith.constant 16 : i32
    %mul3A_0 = arith.muli %arg0, %mul3A : i32
    %add3A = arith.addi %mul3A_0, %arg1 : i32
    "tpu.region"() ({
      %run_scoped3A = tpu.sem_alloc : memref<!tpu.dma_semaphore, #tpu.memory_space<semaphore_mem>>
      %dma_start3A_536 = arith.constant 0 : i32
      %dma_start3A_537 = tpu.memref_slice %arg3[%add3A, %dma_start3A_536] : memref<32x10000xi32, #tpu.memory_space<hbm>> -> memref<1x10000xi32, #tpu.memory_space<hbm>>
      %dma_start3A_538 = tpu.memref_squeeze %dma_start3A_537 : memref<1x10000xi32, #tpu.memory_space<hbm>> -> memref<10000xi32, #tpu.memory_space<hbm>>
      %dma_start3A_539 = arith.constant 0 : i32
      %dma_start3A_540 = tpu.memref_slice %arg3[%add3A, %dma_start3A_539] : memref<32x10000xi32, #tpu.memory_space<hbm>> -> memref<1x10000xi32, #tpu.memory_space<hbm>>
      %dma_start3A_541 = tpu.memref_squeeze %dma_start3A_540 : memref<1x10000xi32, #tpu.memory_space<hbm>> -> memref<10000xi32, #tpu.memory_space<hbm>>
      tpu.enqueue_dma source(%dma_start3A_541 : memref<10000xi32, #tpu.memory_space<hbm>>) target(%arg6 : memref<10000xi32, #tpu.memory_space<vmem>>) target_semaphore(%run_scoped3A : memref<!tpu.dma_semaphore, #tpu.memory_space<semaphore_mem>>)
      %dma_wait3A_542 = arith.constant 0 : i32
      %dma_wait3A_543 = tpu.memref_slice %arg3[%add3A, %dma_wait3A_542] : memref<32x10000xi32, #tpu.memory_space<hbm>> -> memref<1x10000xi32, #tpu.memory_space<hbm>>
      %dma_wait3A_544 = tpu.memref_squeeze %dma_wait3A_543 : memref<1x10000xi32, #tpu.memory_space<hbm>> -> memref<10000xi32, #tpu.memory_space<hbm>>
      %dma_wait3A_545 = arith.constant 0 : i32
      %dma_wait3A_546 = tpu.memref_slice %arg3[%add3A, %dma_wait3A_545] : memref<32x10000xi32, #tpu.memory_space<hbm>> -> memref<1x10000xi32, #tpu.memory_space<hbm>>
      %dma_wait3A_547 = tpu.memref_squeeze %dma_wait3A_546 : memref<1x10000xi32, #tpu.memory_space<hbm>> -> memref<10000xi32, #tpu.memory_space<hbm>>
      tpu.wait_dma2 semaphore(%run_scoped3A : memref<!tpu.dma_semaphore, #tpu.memory_space<semaphore_mem>>) src(%dma_wait3A_547 : memref<10000xi32, #tpu.memory_space<hbm>>) dst(%arg6 : memref<10000xi32, #tpu.memory_space<vmem>>)
      tpu.yield
    }) : () -> ()
    %mul3A_1 = arith.constant 0 : i32
    %mul3A_2 = arith.constant 80 : i32
    %mul3A_3 = arith.muli %mul3A_1, %mul3A_2 : i32
    %add3A_4 = arith.constant 0 : i32
    %add3A_5 = arith.addi %mul3A_3, %add3A_4 : i32
    %get3A = arith.index_cast %add3A_5 : i32 to index
    %get3A_6 = tpu.vector_load %arg6[%get3A] {strides = array<i32>} : memref<10000xi32, #tpu.memory_space<vmem>>, vector<16xi32>,
    %get3A_7 = vector.shape_cast %get3A_6 : vector<16xi32> to vector<16xi32>
    %and3A = arith.constant 16383 : i32
    %and3A_8 = vector.broadcast %and3A : i32 to vector<16xi32>
    %and3A_9 = arith.andi %get3A_7, %and3A_8 : vector<16xi32>
    %swap3A = arith.constant 0 : i32
    %swap3A_10 = arith.constant 0 : i32
    %swap3A_11 = arith.index_cast %swap3A : i32 to index
    %swap3A_12 = arith.index_cast %swap3A_10 : i32 to index
    %swap3A_13 = arith.constant 0 : index
    %swap3A_14 = tpu.vector_load %arg7[%swap3A_11, %swap3A_12, %swap3A_13] {strides = array<i32>} : memref<3x2x80xi32, #tpu.memory_space<vmem>>, vector<1x1x16xi32>,
    %swap3A_15 = vector.shape_cast %swap3A_14 : vector<1x1x16xi32> to vector<16xi32>
    %swap3A_16 = vector.shape_cast %and3A_9 : vector<16xi32> to vector<1x1x16xi32>
    tpu.vector_store %arg7[%swap3A_11, %swap3A_12, %swap3A_13], %swap3A_16 {strides = array<i32>} : memref<3x2x80xi32, #tpu.memory_space<vmem>>, vector<1x1x16xi32>,
    %shift_right_logical3A = arith.constant 14 : i32
    %shift_right_logical3A_17 = vector.broadcast %shift_right_logical3A : i32 to vector<16xi32>
    %shift_right_logical3A_18 = arith.shrui %get3A_7, %shift_right_logical3A_17 : vector<16xi32>
    %swap3A_19 = arith.constant 0 : i32
    %swap3A_20 = arith.constant 1 : i32
    %swap3A_21 = arith.index_cast %swap3A_19 : i32 to index
    %swap3A_22 = arith.index_cast %swap3A_20 : i32 to index
    %swap3A_23 = arith.constant 0 : index
    %swap3A_24 = tpu.vector_load %arg7[%swap3A_21, %swap3A_22, %swap3A_23] {strides = array<i32>} : memref<3x2x80xi32, #tpu.memory_space<vmem>>, vector<1x1x16xi32>,
    %swap3A_25 = vector.shape_cast %swap3A_24 : vector<1x1x16xi32> to vector<16xi32>
    %swap3A_26 = vector.shape_cast %shift_right_logical3A_18 : vector<16xi32> to vector<1x1x16xi32>
    tpu.vector_store %arg7[%swap3A_21, %swap3A_22, %swap3A_23], %swap3A_26 {strides = array<i32>} : memref<3x2x80xi32, #tpu.memory_space<vmem>>, vector<1x1x16xi32>,
    %mul3A_27 = arith.constant 0 : i32
    %mul3A_28 = arith.constant 80 : i32
    %mul3A_29 = arith.muli %mul3A_27, %mul3A_28 : i32
    %add3A_30 = arith.constant 16 : i32
    %add3A_31 = arith.addi %mul3A_29, %add3A_30 : i32
    %get3A_32 = arith.index_cast %add3A_31 : i32 to index
    %get3A_33 = tpu.vector_load %arg6[%get3A_32] {strides = array<i32>} : memref<10000xi32, #tpu.memory_space<vmem>>, vector<16xi32>,
    %get3A_34 = vector.shape_cast %get3A_33 : vector<16xi32> to vector<16xi32>
    %and3A_35 = arith.constant 16383 : i32
    %and3A_36 = vector.broadcast %and3A_35 : i32 to vector<16xi32>
    %and3A_37 = arith.andi %get3A_34, %and3A_36 : vector<16xi32>
    %swap3A_38 = arith.constant 0 : i32
    %swap3A_39 = arith.constant 0 : i32
    %swap3A_40 = arith.index_cast %swap3A_38 : i32 to index
    %swap3A_41 = arith.index_cast %swap3A_39 : i32 to index
    %swap3A_42 = arith.constant 16 : index
    %swap3A_43 = tpu.vector_load %arg7[%swap3A_40, %swap3A_41, %swap3A_42] {strides = array<i32>} : memref<3x2x80xi32, #tpu.memory_space<vmem>>, vector<1x1x16xi32>,
    %swap3A_44 = vector.shape_cast %swap3A_43 : vector<1x1x16xi32> to vector<16xi32>
    %swap3A_45 = vector.shape_cast %and3A_37 : vector<16xi32> to vector<1x1x16xi32>
    tpu.vector_store %arg7[%swap3A_40, %swap3A_41, %swap3A_42], %swap3A_45 {strides = array<i32>} : memref<3x2x80xi32, #tpu.memory_space<vmem>>, vector<1x1x16xi32>,
    %shift_right_logical3A_46 = arith.constant 14 : i32
    %shift_right_logical3A_47 = vector.broadcast %shift_right_logical3A_46 : i32 to vector<16xi32>
    %shift_right_logical3A_48 = arith.shrui %get3A_34, %shift_right_logical3A_47 : vector<16xi32>
    %swap3A_49 = arith.constant 0 : i32
    %swap3A_50 = arith.constant 1 : i32
    %swap3A_51 = arith.index_cast %swap3A_49 : i32 to index
    %swap3A_52 = arith.index_cast %swap3A_50 : i32 to index
    %swap3A_53 = arith.constant 16 : index
    %swap3A_54 = tpu.vector_load %arg7[%swap3A_51, %swap3A_52, %swap3A_53] {strides = array<i32>} : memref<3x2x80xi32, #tpu.memory_space<vmem>>, vector<1x1x16xi32>,
    %swap3A_55 = vector.shape_cast %swap3A_54 : vector<1x1x16xi32> to vector<16xi32>
    %swap3A_56 = vector.shape_cast %shift_right_logical3A_48 : vector<16xi32> to vector<1x1x16xi32>
    tpu.vector_store %arg7[%swap3A_51, %swap3A_52, %swap3A_53], %swap3A_56 {strides = array<i32>} : memref<3x2x80xi32, #tpu.memory_space<vmem>>, vector<1x1x16xi32>,
    %mul3A_57 = arith.constant 0 : i32
    %mul3A_58 = arith.constant 80 : i32
    %mul3A_59 = arith.muli %mul3A_57, %mul3A_58 : i32
    %add3A_60 = arith.constant 32 : i32
    %add3A_61 = arith.addi %mul3A_59, %add3A_60 : i32
    %get3A_62 = arith.index_cast %add3A_61 : i32 to index
    %get3A_63 = tpu.vector_load %arg6[%get3A_62] {strides = array<i32>} : memref<10000xi32, #tpu.memory_space<vmem>>, vector<16xi32>,
    %get3A_64 = vector.shape_cast %get3A_63 : vector<16xi32> to vector<16xi32>
    %and3A_65 = arith.constant 16383 : i32
    %and3A_66 = vector.broadcast %and3A_65 : i32 to vector<16xi32>
    %and3A_67 = arith.andi %get3A_64, %and3A_66 : vector<16xi32>
    %swap3A_68 = arith.constant 0 : i32
    %swap3A_69 = arith.constant 0 : i32
    %swap3A_70 = arith.index_cast %swap3A_68 : i32 to index
    %swap3A_71 = arith.index_cast %swap3A_69 : i32 to index
    %swap3A_72 = arith.constant 32 : index
    %swap3A_73 = tpu.vector_load %arg7[%swap3A_70, %swap3A_71, %swap3A_72] {strides = array<i32>} : memref<3x2x80xi32, #tpu.memory_space<vmem>>, vector<1x1x16xi32>,
    %swap3A_74 = vector.shape_cast %swap3A_73 : vector<1x1x16xi32> to vector<16xi32>
    %swap3A_75 = vector.shape_cast %and3A_67 : vector<16xi32> to vector<1x1x16xi32>
    tpu.vector_store %arg7[%swap3A_70, %swap3A_71, %swap3A_72], %swap3A_75 {strides = array<i32>} : memref<3x2x80xi32, #tpu.memory_space<vmem>>, vector<1x1x16xi32>,
    %shift_right_logical3A_76 = arith.constant 14 : i32
    %shift_right_logical3A_77 = vector.broadcast %shift_right_logical3A_76 : i32 to vector<16xi32>
    %shift_right_logical3A_78 = arith.shrui %get3A_64, %shift_right_logical3A_77 : vector<16xi32>
    %swap3A_79 = arith.constant 0 : i32
    %swap3A_80 = arith.constant 1 : i32
    %swap3A_81 = arith.index_cast %swap3A_79 : i32 to index
    %swap3A_82 = arith.index_cast %swap3A_80 : i32 to index
    %swap3A_83 = arith.constant 32 : index
    %swap3A_84 = tpu.vector_load %arg7[%swap3A_81, %swap3A_82, %swap3A_83] {strides = array<i32>} : memref<3x2x80xi32, #tpu.memory_space<vmem>>, vector<1x1x16xi32>,
    %swap3A_85 = vector.shape_cast %swap3A_84 : vector<1x1x16xi32> to vector<16xi32>
    %swap3A_86 = vector.shape_cast %shift_right_logical3A_78 : vector<16xi32> to vector<1x1x16xi32>
    tpu.vector_store %arg7[%swap3A_81, %swap3A_82, %swap3A_83], %swap3A_86 {strides = array<i32>} : memref<3x2x80xi32, #tpu.memory_space<vmem>>, vector<1x1x16xi32>,
    %mul3A_87 = arith.constant 0 : i32
    %mul3A_88 = arith.constant 80 : i32
    %mul3A_89 = arith.muli %mul3A_87, %mul3A_88 : i32
    %add3A_90 = arith.constant 48 : i32
    %add3A_91 = arith.addi %mul3A_89, %add3A_90 : i32
    %get3A_92 = arith.index_cast %add3A_91 : i32 to index
    %get3A_93 = tpu.vector_load %arg6[%get3A_92] {strides = array<i32>} : memref<10000xi32, #tpu.memory_space<vmem>>, vector<16xi32>,
    %get3A_94 = vector.shape_cast %get3A_93 : vector<16xi32> to vector<16xi32>
    %and3A_95 = arith.constant 16383 : i32
    %and3A_96 = vector.broadcast %and3A_95 : i32 to vector<16xi32>
    %and3A_97 = arith.andi %get3A_94, %and3A_96 : vector<16xi32>
    %swap3A_98 = arith.constant 0 : i32
    %swap3A_99 = arith.constant 0 : i32
    %swap3A_100 = arith.index_cast %swap3A_98 : i32 to index
    %swap3A_101 = arith.index_cast %swap3A_99 : i32 to index
    %swap3A_102 = arith.constant 48 : index
    %swap3A_103 = tpu.vector_load %arg7[%swap3A_100, %swap3A_101, %swap3A_102] {strides = array<i32>} : memref<3x2x80xi32, #tpu.memory_space<vmem>>, vector<1x1x16xi32>,
    %swap3A_104 = vector.shape_cast %swap3A_103 : vector<1x1x16xi32> to vector<16xi32>
    %swap3A_105 = vector.shape_cast %and3A_97 : vector<16xi32> to vector<1x1x16xi32>
    tpu.vector_store %arg7[%swap3A_100, %swap3A_101, %swap3A_102], %swap3A_105 {strides = array<i32>} : memref<3x2x80xi32, #tpu.memory_space<vmem>>, vector<1x1x16xi32>,
    %shift_right_logical3A_106 = arith.constant 14 : i32
    %shift_right_logical3A_107 = vector.broadcast %shift_right_logical3A_106 : i32 to vector<16xi32>
    %shift_right_logical3A_108 = arith.shrui %get3A_94, %shift_right_logical3A_107 : vector<16xi32>
    %swap3A_109 = arith.constant 0 : i32
    %swap3A_110 = arith.constant 1 : i32
    %swap3A_111 = arith.index_cast %swap3A_109 : i32 to index
    %swap3A_112 = arith.index_cast %swap3A_110 : i32 to index
    %swap3A_113 = arith.constant 48 : index
    %swap3A_114 = tpu.vector_load %arg7[%swap3A_111, %swap3A_112, %swap3A_113] {strides = array<i32>} : memref<3x2x80xi32, #tpu.memory_space<vmem>>, vector<1x1x16xi32>,
    %swap3A_115 = vector.shape_cast %swap3A_114 : vector<1x1x16xi32> to vector<16xi32>
    %swap3A_116 = vector.shape_cast %shift_right_logical3A_108 : vector<16xi32> to vector<1x1x16xi32>
    tpu.vector_store %arg7[%swap3A_111, %swap3A_112, %swap3A_113], %swap3A_116 {strides = array<i32>} : memref<3x2x80xi32, #tpu.memory_space<vmem>>, vector<1x1x16xi32>,
    %mul3A_117 = arith.constant 0 : i32
    %mul3A_118 = arith.constant 80 : i32
    %mul3A_119 = arith.muli %mul3A_117, %mul3A_118 : i32
    %add3A_120 = arith.constant 64 : i32
    %add3A_121 = arith.addi %mul3A_119, %add3A_120 : i32
    %get3A_122 = arith.index_cast %add3A_121 : i32 to index
    %get3A_123 = tpu.vector_load %arg6[%get3A_122] {strides = array<i32>} : memref<10000xi32, #tpu.memory_space<vmem>>, vector<16xi32>,
    %get3A_124 = vector.shape_cast %get3A_123 : vector<16xi32> to vector<16xi32>
    %and3A_125 = arith.constant 16383 : i32
    %and3A_126 = vector.broadcast %and3A_125 : i32 to vector<16xi32>
    %and3A_127 = arith.andi %get3A_124, %and3A_126 : vector<16xi32>
    %swap3A_128 = arith.constant 0 : i32
    %swap3A_129 = arith.constant 0 : i32
    %swap3A_130 = arith.index_cast %swap3A_128 : i32 to index
    %swap3A_131 = arith.index_cast %swap3A_129 : i32 to index
    %swap3A_132 = arith.constant 64 : index
    %swap3A_133 = tpu.vector_load %arg7[%swap3A_130, %swap3A_131, %swap3A_132] {strides = array<i32>} : memref<3x2x80xi32, #tpu.memory_space<vmem>>, vector<1x1x16xi32>,
    %swap3A_134 = vector.shape_cast %swap3A_133 : vector<1x1x16xi32> to vector<16xi32>
    %swap3A_135 = vector.shape_cast %and3A_127 : vector<16xi32> to vector<1x1x16xi32>
    tpu.vector_store %arg7[%swap3A_130, %swap3A_131, %swap3A_132], %swap3A_135 {strides = array<i32>} : memref<3x2x80xi32, #tpu.memory_space<vmem>>, vector<1x1x16xi32>,
    %shift_right_logical3A_136 = arith.constant 14 : i32
    %shift_right_logical3A_137 = vector.broadcast %shift_right_logical3A_136 : i32 to vector<16xi32>
    %shift_right_logical3A_138 = arith.shrui %get3A_124, %shift_right_logical3A_137 : vector<16xi32>
    %swap3A_139 = arith.constant 0 : i32
    %swap3A_140 = arith.constant 1 : i32
    %swap3A_141 = arith.index_cast %swap3A_139 : i32 to index
    %swap3A_142 = arith.index_cast %swap3A_140 : i32 to index
    %swap3A_143 = arith.constant 64 : index
    %swap3A_144 = tpu.vector_load %arg7[%swap3A_141, %swap3A_142, %swap3A_143] {strides = array<i32>} : memref<3x2x80xi32, #tpu.memory_space<vmem>>, vector<1x1x16xi32>,
    %swap3A_145 = vector.shape_cast %swap3A_144 : vector<1x1x16xi32> to vector<16xi32>
    %swap3A_146 = vector.shape_cast %shift_right_logical3A_138 : vector<16xi32> to vector<1x1x16xi32>
    tpu.vector_store %arg7[%swap3A_141, %swap3A_142, %swap3A_143], %swap3A_146 {strides = array<i32>} : memref<3x2x80xi32, #tpu.memory_space<vmem>>, vector<1x1x16xi32>,
    %dma_start3A = arith.constant 0 : i32
    %dma_start3A_147 = arith.constant 0 : i32
    %dma_start3A_148 = arith.constant 0 : i32
    %dma_start3A_149 = tpu.memref_slice %arg7[%dma_start3A, %dma_start3A_147, %dma_start3A_148] : memref<3x2x80xi32, #tpu.memory_space<vmem>> -> memref<1x1x80xi32, #tpu.memory_space<vmem>>
    %dma_start3A_150 = tpu.memref_squeeze %dma_start3A_149 : memref<1x1x80xi32, #tpu.memory_space<vmem>> -> memref<80xi32, #tpu.memory_space<vmem>>
    %dma_start3A_151 = arith.constant 0 : i32
    %dma_start3A_152 = arith.constant 0 : i32
    %dma_start3A_153 = tpu.memref_slice %arg2[%dma_start3A_151, %dma_start3A_152] : memref<10000x128xf32, #tpu.memory_space<hbm>> -> memref<10000x128xf32, #tpu.memory_space<hbm>>
    tpu.enqueue_indirect_dma source(%dma_start3A_153 : memref<10000x128xf32, #tpu.memory_space<hbm>>) target(%arg8 : memref<80x128xf32, #tpu.memory_space<vmem>>) offsets(%dma_start3A_150 : memref<80xi32, #tpu.memory_space<vmem>>) semaphore(%arg12 : memref<!tpu.dma_semaphore, #tpu.memory_space<semaphore_mem>>)
    %mul3A_154 = arith.constant 1 : i32
    %mul3A_155 = arith.constant 80 : i32
    %mul3A_156 = arith.muli %mul3A_154, %mul3A_155 : i32
    %add3A_157 = arith.constant 0 : i32
    %add3A_158 = arith.addi %mul3A_156, %add3A_157 : i32
    %get3A_159 = arith.index_cast %add3A_158 : i32 to index
    %get3A_160 = tpu.vector_load %arg6[%get3A_159] {strides = array<i32>} : memref<10000xi32, #tpu.memory_space<vmem>>, vector<16xi32>,
    %get3A_161 = vector.shape_cast %get3A_160 : vector<16xi32> to vector<16xi32>
    %and3A_162 = arith.constant 16383 : i32
    %and3A_163 = vector.broadcast %and3A_162 : i32 to vector<16xi32>
    %and3A_164 = arith.andi %get3A_161, %and3A_163 : vector<16xi32>
    %swap3A_165 = arith.constant 1 : i32
    %swap3A_166 = arith.constant 0 : i32
    %swap3A_167 = arith.index_cast %swap3A_165 : i32 to index
    %swap3A_168 = arith.index_cast %swap3A_166 : i32 to index
    %swap3A_169 = arith.constant 0 : index
    %swap3A_170 = tpu.vector_load %arg7[%swap3A_167, %swap3A_168, %swap3A_169] {strides = array<i32>} : memref<3x2x80xi32, #tpu.memory_space<vmem>>, vector<1x1x16xi32>,
    %swap3A_171 = vector.shape_cast %swap3A_170 : vector<1x1x16xi32> to vector<16xi32>
    %swap3A_172 = vector.shape_cast %and3A_164 : vector<16xi32> to vector<1x1x16xi32>
    tpu.vector_store %arg7[%swap3A_167, %swap3A_168, %swap3A_169], %swap3A_172 {strides = array<i32>} : memref<3x2x80xi32, #tpu.memory_space<vmem>>, vector<1x1x16xi32>,
    %shift_right_logical3A_173 = arith.constant 14 : i32
    %shift_right_logical3A_174 = vector.broadcast %shift_right_logical3A_173 : i32 to vector<16xi32>
    %shift_right_logical3A_175 = arith.shrui %get3A_161, %shift_right_logical3A_174 : vector<16xi32>
    %swap3A_176 = arith.constant 1 : i32
    %swap3A_177 = arith.constant 1 : i32
    %swap3A_178 = arith.index_cast %swap3A_176 : i32 to index
    %swap3A_179 = arith.index_cast %swap3A_177 : i32 to index
    %swap3A_180 = arith.constant 0 : index
    %swap3A_181 = tpu.vector_load %arg7[%swap3A_178, %swap3A_179, %swap3A_180] {strides = array<i32>} : memref<3x2x80xi32, #tpu.memory_space<vmem>>, vector<1x1x16xi32>,
    %swap3A_182 = vector.shape_cast %swap3A_181 : vector<1x1x16xi32> to vector<16xi32>
    %swap3A_183 = vector.shape_cast %shift_right_logical3A_175 : vector<16xi32> to vector<1x1x16xi32>
    tpu.vector_store %arg7[%swap3A_178, %swap3A_179, %swap3A_180], %swap3A_183 {strides = array<i32>} : memref<3x2x80xi32, #tpu.memory_space<vmem>>, vector<1x1x16xi32>,
    %mul3A_184 = arith.constant 1 : i32
    %mul3A_185 = arith.constant 80 : i32
    %mul3A_186 = arith.muli %mul3A_184, %mul3A_185 : i32
    %add3A_187 = arith.constant 16 : i32
    %add3A_188 = arith.addi %mul3A_186, %add3A_187 : i32
    %get3A_189 = arith.index_cast %add3A_188 : i32 to index
    %get3A_190 = tpu.vector_load %arg6[%get3A_189] {strides = array<i32>} : memref<10000xi32, #tpu.memory_space<vmem>>, vector<16xi32>,
    %get3A_191 = vector.shape_cast %get3A_190 : vector<16xi32> to vector<16xi32>
    %and3A_192 = arith.constant 16383 : i32
    %and3A_193 = vector.broadcast %and3A_192 : i32 to vector<16xi32>
    %and3A_194 = arith.andi %get3A_191, %and3A_193 : vector<16xi32>
    %swap3A_195 = arith.constant 1 : i32
    %swap3A_196 = arith.constant 0 : i32
    %swap3A_197 = arith.index_cast %swap3A_195 : i32 to index
    %swap3A_198 = arith.index_cast %swap3A_196 : i32 to index
    %swap3A_199 = arith.constant 16 : index
    %swap3A_200 = tpu.vector_load %arg7[%swap3A_197, %swap3A_198, %swap3A_199] {strides = array<i32>} : memref<3x2x80xi32, #tpu.memory_space<vmem>>, vector<1x1x16xi32>,
    %swap3A_201 = vector.shape_cast %swap3A_200 : vector<1x1x16xi32> to vector<16xi32>
    %swap3A_202 = vector.shape_cast %and3A_194 : vector<16xi32> to vector<1x1x16xi32>
    tpu.vector_store %arg7[%swap3A_197, %swap3A_198, %swap3A_199], %swap3A_202 {strides = array<i32>} : memref<3x2x80xi32, #tpu.memory_space<vmem>>, vector<1x1x16xi32>,
    %shift_right_logical3A_203 = arith.constant 14 : i32
    %shift_right_logical3A_204 = vector.broadcast %shift_right_logical3A_203 : i32 to vector<16xi32>
    %shift_right_logical3A_205 = arith.shrui %get3A_191, %shift_right_logical3A_204 : vector<16xi32>
    %swap3A_206 = arith.constant 1 : i32
    %swap3A_207 = arith.constant 1 : i32
    %swap3A_208 = arith.index_cast %swap3A_206 : i32 to index
    %swap3A_209 = arith.index_cast %swap3A_207 : i32 to index
    %swap3A_210 = arith.constant 16 : index
    %swap3A_211 = tpu.vector_load %arg7[%swap3A_208, %swap3A_209, %swap3A_210] {strides = array<i32>} : memref<3x2x80xi32, #tpu.memory_space<vmem>>, vector<1x1x16xi32>,
    %swap3A_212 = vector.shape_cast %swap3A_211 : vector<1x1x16xi32> to vector<16xi32>
    %swap3A_213 = vector.shape_cast %shift_right_logical3A_205 : vector<16xi32> to vector<1x1x16xi32>
    tpu.vector_store %arg7[%swap3A_208, %swap3A_209, %swap3A_210], %swap3A_213 {strides = array<i32>} : memref<3x2x80xi32, #tpu.memory_space<vmem>>, vector<1x1x16xi32>,
    %mul3A_214 = arith.constant 1 : i32
    %mul3A_215 = arith.constant 80 : i32
    %mul3A_216 = arith.muli %mul3A_214, %mul3A_215 : i32
    %add3A_217 = arith.constant 32 : i32
    %add3A_218 = arith.addi %mul3A_216, %add3A_217 : i32
    %get3A_219 = arith.index_cast %add3A_218 : i32 to index
    %get3A_220 = tpu.vector_load %arg6[%get3A_219] {strides = array<i32>} : memref<10000xi32, #tpu.memory_space<vmem>>, vector<16xi32>,
    %get3A_221 = vector.shape_cast %get3A_220 : vector<16xi32> to vector<16xi32>
    %and3A_222 = arith.constant 16383 : i32
    %and3A_223 = vector.broadcast %and3A_222 : i32 to vector<16xi32>
    %and3A_224 = arith.andi %get3A_221, %and3A_223 : vector<16xi32>
    %swap3A_225 = arith.constant 1 : i32
    %swap3A_226 = arith.constant 0 : i32
    %swap3A_227 = arith.index_cast %swap3A_225 : i32 to index
    %swap3A_228 = arith.index_cast %swap3A_226 : i32 to index
    %swap3A_229 = arith.constant 32 : index
    %swap3A_230 = tpu.vector_load %arg7[%swap3A_227, %swap3A_228, %swap3A_229] {strides = array<i32>} : memref<3x2x80xi32, #tpu.memory_space<vmem>>, vector<1x1x16xi32>,
    %swap3A_231 = vector.shape_cast %swap3A_230 : vector<1x1x16xi32> to vector<16xi32>
    %swap3A_232 = vector.shape_cast %and3A_224 : vector<16xi32> to vector<1x1x16xi32>
    tpu.vector_store %arg7[%swap3A_227, %swap3A_228, %swap3A_229], %swap3A_232 {strides = array<i32>} : memref<3x2x80xi32, #tpu.memory_space<vmem>>, vector<1x1x16xi32>,
    %shift_right_logical3A_233 = arith.constant 14 : i32
    %shift_right_logical3A_234 = vector.broadcast %shift_right_logical3A_233 : i32 to vector<16xi32>
    %shift_right_logical3A_235 = arith.shrui %get3A_221, %shift_right_logical3A_234 : vector<16xi32>
    %swap3A_236 = arith.constant 1 : i32
    %swap3A_237 = arith.constant 1 : i32
    %swap3A_238 = arith.index_cast %swap3A_236 : i32 to index
    %swap3A_239 = arith.index_cast %swap3A_237 : i32 to index
    %swap3A_240 = arith.constant 32 : index
    %swap3A_241 = tpu.vector_load %arg7[%swap3A_238, %swap3A_239, %swap3A_240] {strides = array<i32>} : memref<3x2x80xi32, #tpu.memory_space<vmem>>, vector<1x1x16xi32>,
    %swap3A_242 = vector.shape_cast %swap3A_241 : vector<1x1x16xi32> to vector<16xi32>
    %swap3A_243 = vector.shape_cast %shift_right_logical3A_235 : vector<16xi32> to vector<1x1x16xi32>
    tpu.vector_store %arg7[%swap3A_238, %swap3A_239, %swap3A_240], %swap3A_243 {strides = array<i32>} : memref<3x2x80xi32, #tpu.memory_space<vmem>>, vector<1x1x16xi32>,
    %mul3A_244 = arith.constant 1 : i32
    %mul3A_245 = arith.constant 80 : i32
    %mul3A_246 = arith.muli %mul3A_244, %mul3A_245 : i32
    %add3A_247 = arith.constant 48 : i32
    %add3A_248 = arith.addi %mul3A_246, %add3A_247 : i32
    %get3A_249 = arith.index_cast %add3A_248 : i32 to index
    %get3A_250 = tpu.vector_load %arg6[%get3A_249] {strides = array<i32>} : memref<10000xi32, #tpu.memory_space<vmem>>, vector<16xi32>,
    %get3A_251 = vector.shape_cast %get3A_250 : vector<16xi32> to vector<16xi32>
    %and3A_252 = arith.constant 16383 : i32
    %and3A_253 = vector.broadcast %and3A_252 : i32 to vector<16xi32>
    %and3A_254 = arith.andi %get3A_251, %and3A_253 : vector<16xi32>
    %swap3A_255 = arith.constant 1 : i32
    %swap3A_256 = arith.constant 0 : i32
    %swap3A_257 = arith.index_cast %swap3A_255 : i32 to index
    %swap3A_258 = arith.index_cast %swap3A_256 : i32 to index
    %swap3A_259 = arith.constant 48 : index
    %swap3A_260 = tpu.vector_load %arg7[%swap3A_257, %swap3A_258, %swap3A_259] {strides = array<i32>} : memref<3x2x80xi32, #tpu.memory_space<vmem>>, vector<1x1x16xi32>,
    %swap3A_261 = vector.shape_cast %swap3A_260 : vector<1x1x16xi32> to vector<16xi32>
    %swap3A_262 = vector.shape_cast %and3A_254 : vector<16xi32> to vector<1x1x16xi32>
    tpu.vector_store %arg7[%swap3A_257, %swap3A_258, %swap3A_259], %swap3A_262 {strides = array<i32>} : memref<3x2x80xi32, #tpu.memory_space<vmem>>, vector<1x1x16xi32>,
    %shift_right_logical3A_263 = arith.constant 14 : i32
    %shift_right_logical3A_264 = vector.broadcast %shift_right_logical3A_263 : i32 to vector<16xi32>
    %shift_right_logical3A_265 = arith.shrui %get3A_251, %shift_right_logical3A_264 : vector<16xi32>
    %swap3A_266 = arith.constant 1 : i32
    %swap3A_267 = arith.constant 1 : i32
    %swap3A_268 = arith.index_cast %swap3A_266 : i32 to index
    %swap3A_269 = arith.index_cast %swap3A_267 : i32 to index
    %swap3A_270 = arith.constant 48 : index
    %swap3A_271 = tpu.vector_load %arg7[%swap3A_268, %swap3A_269, %swap3A_270] {strides = array<i32>} : memref<3x2x80xi32, #tpu.memory_space<vmem>>, vector<1x1x16xi32>,
    %swap3A_272 = vector.shape_cast %swap3A_271 : vector<1x1x16xi32> to vector<16xi32>
    %swap3A_273 = vector.shape_cast %shift_right_logical3A_265 : vector<16xi32> to vector<1x1x16xi32>
    tpu.vector_store %arg7[%swap3A_268, %swap3A_269, %swap3A_270], %swap3A_273 {strides = array<i32>} : memref<3x2x80xi32, #tpu.memory_space<vmem>>, vector<1x1x16xi32>,
    %mul3A_274 = arith.constant 1 : i32
    %mul3A_275 = arith.constant 80 : i32
    %mul3A_276 = arith.muli %mul3A_274, %mul3A_275 : i32
    %add3A_277 = arith.constant 64 : i32
    %add3A_278 = arith.addi %mul3A_276, %add3A_277 : i32
    %get3A_279 = arith.index_cast %add3A_278 : i32 to index
    %get3A_280 = tpu.vector_load %arg6[%get3A_279] {strides = array<i32>} : memref<10000xi32, #tpu.memory_space<vmem>>, vector<16xi32>,
    %get3A_281 = vector.shape_cast %get3A_280 : vector<16xi32> to vector<16xi32>
    %and3A_282 = arith.constant 16383 : i32
    %and3A_283 = vector.broadcast %and3A_282 : i32 to vector<16xi32>
    %and3A_284 = arith.andi %get3A_281, %and3A_283 : vector<16xi32>
    %swap3A_285 = arith.constant 1 : i32
    %swap3A_286 = arith.constant 0 : i32
    %swap3A_287 = arith.index_cast %swap3A_285 : i32 to index
    %swap3A_288 = arith.index_cast %swap3A_286 : i32 to index
    %swap3A_289 = arith.constant 64 : index
    %swap3A_290 = tpu.vector_load %arg7[%swap3A_287, %swap3A_288, %swap3A_289] {strides = array<i32>} : memref<3x2x80xi32, #tpu.memory_space<vmem>>, vector<1x1x16xi32>,
    %swap3A_291 = vector.shape_cast %swap3A_290 : vector<1x1x16xi32> to vector<16xi32>
    %swap3A_292 = vector.shape_cast %and3A_284 : vector<16xi32> to vector<1x1x16xi32>
    tpu.vector_store %arg7[%swap3A_287, %swap3A_288, %swap3A_289], %swap3A_292 {strides = array<i32>} : memref<3x2x80xi32, #tpu.memory_space<vmem>>, vector<1x1x16xi32>,
    %shift_right_logical3A_293 = arith.constant 14 : i32
    %shift_right_logical3A_294 = vector.broadcast %shift_right_logical3A_293 : i32 to vector<16xi32>
    %shift_right_logical3A_295 = arith.shrui %get3A_281, %shift_right_logical3A_294 : vector<16xi32>
    %swap3A_296 = arith.constant 1 : i32
    %swap3A_297 = arith.constant 1 : i32
    %swap3A_298 = arith.index_cast %swap3A_296 : i32 to index
    %swap3A_299 = arith.index_cast %swap3A_297 : i32 to index
    %swap3A_300 = arith.constant 64 : index
    %swap3A_301 = tpu.vector_load %arg7[%swap3A_298, %swap3A_299, %swap3A_300] {strides = array<i32>} : memref<3x2x80xi32, #tpu.memory_space<vmem>>, vector<1x1x16xi32>,
    %swap3A_302 = vector.shape_cast %swap3A_301 : vector<1x1x16xi32> to vector<16xi32>
    %swap3A_303 = vector.shape_cast %shift_right_logical3A_295 : vector<16xi32> to vector<1x1x16xi32>
    tpu.vector_store %arg7[%swap3A_298, %swap3A_299, %swap3A_300], %swap3A_303 {strides = array<i32>} : memref<3x2x80xi32, #tpu.memory_space<vmem>>, vector<1x1x16xi32>,
    %dma_start3A_304 = arith.constant 1 : i32
    %dma_start3A_305 = arith.constant 0 : i32
    %dma_start3A_306 = arith.constant 0 : i32
    %dma_start3A_307 = tpu.memref_slice %arg7[%dma_start3A_304, %dma_start3A_305, %dma_start3A_306] : memref<3x2x80xi32, #tpu.memory_space<vmem>> -> memref<1x1x80xi32, #tpu.memory_space<vmem>>
    %dma_start3A_308 = tpu.memref_squeeze %dma_start3A_307 : memref<1x1x80xi32, #tpu.memory_space<vmem>> -> memref<80xi32, #tpu.memory_space<vmem>>
    %dma_start3A_309 = arith.constant 0 : i32
    %dma_start3A_310 = arith.constant 0 : i32
    %dma_start3A_311 = tpu.memref_slice %arg2[%dma_start3A_309, %dma_start3A_310] : memref<10000x128xf32, #tpu.memory_space<hbm>> -> memref<10000x128xf32, #tpu.memory_space<hbm>>
    tpu.enqueue_indirect_dma source(%dma_start3A_311 : memref<10000x128xf32, #tpu.memory_space<hbm>>) target(%arg9 : memref<80x128xf32, #tpu.memory_space<vmem>>) offsets(%dma_start3A_308 : memref<80xi32, #tpu.memory_space<vmem>>) semaphore(%arg13 : memref<!tpu.dma_semaphore, #tpu.memory_space<semaphore_mem>>)
    %mul3A_312 = arith.constant 2 : i32
    %mul3A_313 = arith.constant 80 : i32
    %mul3A_314 = arith.muli %mul3A_312, %mul3A_313 : i32
    %add3A_315 = arith.constant 0 : i32
    %add3A_316 = arith.addi %mul3A_314, %add3A_315 : i32
    %get3A_317 = arith.index_cast %add3A_316 : i32 to index
    %get3A_318 = tpu.vector_load %arg6[%get3A_317] {strides = array<i32>} : memref<10000xi32, #tpu.memory_space<vmem>>, vector<16xi32>,
    %get3A_319 = vector.shape_cast %get3A_318 : vector<16xi32> to vector<16xi32>
    %and3A_320 = arith.constant 16383 : i32
    %and3A_321 = vector.broadcast %and3A_320 : i32 to vector<16xi32>
    %and3A_322 = arith.andi %get3A_319, %and3A_321 : vector<16xi32>
    %swap3A_323 = arith.constant 2 : i32
    %swap3A_324 = arith.constant 0 : i32
    %swap3A_325 = arith.index_cast %swap3A_323 : i32 to index
    %swap3A_326 = arith.index_cast %swap3A_324 : i32 to index
    %swap3A_327 = arith.constant 0 : index
    %swap3A_328 = tpu.vector_load %arg7[%swap3A_325, %swap3A_326, %swap3A_327] {strides = array<i32>} : memref<3x2x80xi32, #tpu.memory_space<vmem>>, vector<1x1x16xi32>,
    %swap3A_329 = vector.shape_cast %swap3A_328 : vector<1x1x16xi32> to vector<16xi32>
    %swap3A_330 = vector.shape_cast %and3A_322 : vector<16xi32> to vector<1x1x16xi32>
    tpu.vector_store %arg7[%swap3A_325, %swap3A_326, %swap3A_327], %swap3A_330 {strides = array<i32>} : memref<3x2x80xi32, #tpu.memory_space<vmem>>, vector<1x1x16xi32>,
    %shift_right_logical3A_331 = arith.constant 14 : i32
    %shift_right_logical3A_332 = vector.broadcast %shift_right_logical3A_331 : i32 to vector<16xi32>
    %shift_right_logical3A_333 = arith.shrui %get3A_319, %shift_right_logical3A_332 : vector<16xi32>
    %swap3A_334 = arith.constant 2 : i32
    %swap3A_335 = arith.constant 1 : i32
    %swap3A_336 = arith.index_cast %swap3A_334 : i32 to index
    %swap3A_337 = arith.index_cast %swap3A_335 : i32 to index
    %swap3A_338 = arith.constant 0 : index
    %swap3A_339 = tpu.vector_load %arg7[%swap3A_336, %swap3A_337, %swap3A_338] {strides = array<i32>} : memref<3x2x80xi32, #tpu.memory_space<vmem>>, vector<1x1x16xi32>,
    %swap3A_340 = vector.shape_cast %swap3A_339 : vector<1x1x16xi32> to vector<16xi32>
    %swap3A_341 = vector.shape_cast %shift_right_logical3A_333 : vector<16xi32> to vector<1x1x16xi32>
    tpu.vector_store %arg7[%swap3A_336, %swap3A_337, %swap3A_338], %swap3A_341 {strides = array<i32>} : memref<3x2x80xi32, #tpu.memory_space<vmem>>, vector<1x1x16xi32>,
    %mul3A_342 = arith.constant 2 : i32
    %mul3A_343 = arith.constant 80 : i32
    %mul3A_344 = arith.muli %mul3A_342, %mul3A_343 : i32
    %add3A_345 = arith.constant 16 : i32
    %add3A_346 = arith.addi %mul3A_344, %add3A_345 : i32
    %get3A_347 = arith.index_cast %add3A_346 : i32 to index
    %get3A_348 = tpu.vector_load %arg6[%get3A_347] {strides = array<i32>} : memref<10000xi32, #tpu.memory_space<vmem>>, vector<16xi32>,
    %get3A_349 = vector.shape_cast %get3A_348 : vector<16xi32> to vector<16xi32>
    %and3A_350 = arith.constant 16383 : i32
    %and3A_351 = vector.broadcast %and3A_350 : i32 to vector<16xi32>
    %and3A_352 = arith.andi %get3A_349, %and3A_351 : vector<16xi32>
    %swap3A_353 = arith.constant 2 : i32
    %swap3A_354 = arith.constant 0 : i32
    %swap3A_355 = arith.index_cast %swap3A_353 : i32 to index
    %swap3A_356 = arith.index_cast %swap3A_354 : i32 to index
    %swap3A_357 = arith.constant 16 : index
    %swap3A_358 = tpu.vector_load %arg7[%swap3A_355, %swap3A_356, %swap3A_357] {strides = array<i32>} : memref<3x2x80xi32, #tpu.memory_space<vmem>>, vector<1x1x16xi32>,
    %swap3A_359 = vector.shape_cast %swap3A_358 : vector<1x1x16xi32> to vector<16xi32>
    %swap3A_360 = vector.shape_cast %and3A_352 : vector<16xi32> to vector<1x1x16xi32>
    tpu.vector_store %arg7[%swap3A_355, %swap3A_356, %swap3A_357], %swap3A_360 {strides = array<i32>} : memref<3x2x80xi32, #tpu.memory_space<vmem>>, vector<1x1x16xi32>,
    %shift_right_logical3A_361 = arith.constant 14 : i32
    %shift_right_logical3A_362 = vector.broadcast %shift_right_logical3A_361 : i32 to vector<16xi32>
    %shift_right_logical3A_363 = arith.shrui %get3A_349, %shift_right_logical3A_362 : vector<16xi32>
    %swap3A_364 = arith.constant 2 : i32
    %swap3A_365 = arith.constant 1 : i32
    %swap3A_366 = arith.index_cast %swap3A_364 : i32 to index
    %swap3A_367 = arith.index_cast %swap3A_365 : i32 to index
    %swap3A_368 = arith.constant 16 : index
    %swap3A_369 = tpu.vector_load %arg7[%swap3A_366, %swap3A_367, %swap3A_368] {strides = array<i32>} : memref<3x2x80xi32, #tpu.memory_space<vmem>>, vector<1x1x16xi32>,
    %swap3A_370 = vector.shape_cast %swap3A_369 : vector<1x1x16xi32> to vector<16xi32>
    %swap3A_371 = vector.shape_cast %shift_right_logical3A_363 : vector<16xi32> to vector<1x1x16xi32>
    tpu.vector_store %arg7[%swap3A_366, %swap3A_367, %swap3A_368], %swap3A_371 {strides = array<i32>} : memref<3x2x80xi32, #tpu.memory_space<vmem>>, vector<1x1x16xi32>,
    %mul3A_372 = arith.constant 2 : i32
    %mul3A_373 = arith.constant 80 : i32
    %mul3A_374 = arith.muli %mul3A_372, %mul3A_373 : i32
    %add3A_375 = arith.constant 32 : i32
    %add3A_376 = arith.addi %mul3A_374, %add3A_375 : i32
    %get3A_377 = arith.index_cast %add3A_376 : i32 to index
    %get3A_378 = tpu.vector_load %arg6[%get3A_377] {strides = array<i32>} : memref<10000xi32, #tpu.memory_space<vmem>>, vector<16xi32>,
    %get3A_379 = vector.shape_cast %get3A_378 : vector<16xi32> to vector<16xi32>
    %and3A_380 = arith.constant 16383 : i32
    %and3A_381 = vector.broadcast %and3A_380 : i32 to vector<16xi32>
    %and3A_382 = arith.andi %get3A_379, %and3A_381 : vector<16xi32>
    %swap3A_383 = arith.constant 2 : i32
    %swap3A_384 = arith.constant 0 : i32
    %swap3A_385 = arith.index_cast %swap3A_383 : i32 to index
    %swap3A_386 = arith.index_cast %swap3A_384 : i32 to index
    %swap3A_387 = arith.constant 32 : index
    %swap3A_388 = tpu.vector_load %arg7[%swap3A_385, %swap3A_386, %swap3A_387] {strides = array<i32>} : memref<3x2x80xi32, #tpu.memory_space<vmem>>, vector<1x1x16xi32>,
    %swap3A_389 = vector.shape_cast %swap3A_388 : vector<1x1x16xi32> to vector<16xi32>
    %swap3A_390 = vector.shape_cast %and3A_382 : vector<16xi32> to vector<1x1x16xi32>
    tpu.vector_store %arg7[%swap3A_385, %swap3A_386, %swap3A_387], %swap3A_390 {strides = array<i32>} : memref<3x2x80xi32, #tpu.memory_space<vmem>>, vector<1x1x16xi32>,
    %shift_right_logical3A_391 = arith.constant 14 : i32
    %shift_right_logical3A_392 = vector.broadcast %shift_right_logical3A_391 : i32 to vector<16xi32>
    %shift_right_logical3A_393 = arith.shrui %get3A_379, %shift_right_logical3A_392 : vector<16xi32>
    %swap3A_394 = arith.constant 2 : i32
    %swap3A_395 = arith.constant 1 : i32
    %swap3A_396 = arith.index_cast %swap3A_394 : i32 to index
    %swap3A_397 = arith.index_cast %swap3A_395 : i32 to index
    %swap3A_398 = arith.constant 32 : index
    %swap3A_399 = tpu.vector_load %arg7[%swap3A_396, %swap3A_397, %swap3A_398] {strides = array<i32>} : memref<3x2x80xi32, #tpu.memory_space<vmem>>, vector<1x1x16xi32>,
    %swap3A_400 = vector.shape_cast %swap3A_399 : vector<1x1x16xi32> to vector<16xi32>
    %swap3A_401 = vector.shape_cast %shift_right_logical3A_393 : vector<16xi32> to vector<1x1x16xi32>
    tpu.vector_store %arg7[%swap3A_396, %swap3A_397, %swap3A_398], %swap3A_401 {strides = array<i32>} : memref<3x2x80xi32, #tpu.memory_space<vmem>>, vector<1x1x16xi32>,
    %mul3A_402 = arith.constant 2 : i32
    %mul3A_403 = arith.constant 80 : i32
    %mul3A_404 = arith.muli %mul3A_402, %mul3A_403 : i32
    %add3A_405 = arith.constant 48 : i32
    %add3A_406 = arith.addi %mul3A_404, %add3A_405 : i32
    %get3A_407 = arith.index_cast %add3A_406 : i32 to index
    %get3A_408 = tpu.vector_load %arg6[%get3A_407] {strides = array<i32>} : memref<10000xi32, #tpu.memory_space<vmem>>, vector<16xi32>,
    %get3A_409 = vector.shape_cast %get3A_408 : vector<16xi32> to vector<16xi32>
    %and3A_410 = arith.constant 16383 : i32
    %and3A_411 = vector.broadcast %and3A_410 : i32 to vector<16xi32>
    %and3A_412 = arith.andi %get3A_409, %and3A_411 : vector<16xi32>
    %swap3A_413 = arith.constant 2 : i32
    %swap3A_414 = arith.constant 0 : i32
    %swap3A_415 = arith.index_cast %swap3A_413 : i32 to index
    %swap3A_416 = arith.index_cast %swap3A_414 : i32 to index
    %swap3A_417 = arith.constant 48 : index
    %swap3A_418 = tpu.vector_load %arg7[%swap3A_415, %swap3A_416, %swap3A_417] {strides = array<i32>} : memref<3x2x80xi32, #tpu.memory_space<vmem>>, vector<1x1x16xi32>,
    %swap3A_419 = vector.shape_cast %swap3A_418 : vector<1x1x16xi32> to vector<16xi32>
    %swap3A_420 = vector.shape_cast %and3A_412 : vector<16xi32> to vector<1x1x16xi32>
    tpu.vector_store %arg7[%swap3A_415, %swap3A_416, %swap3A_417], %swap3A_420 {strides = array<i32>} : memref<3x2x80xi32, #tpu.memory_space<vmem>>, vector<1x1x16xi32>,
    %shift_right_logical3A_421 = arith.constant 14 : i32
    %shift_right_logical3A_422 = vector.broadcast %shift_right_logical3A_421 : i32 to vector<16xi32>
    %shift_right_logical3A_423 = arith.shrui %get3A_409, %shift_right_logical3A_422 : vector<16xi32>
    %swap3A_424 = arith.constant 2 : i32
    %swap3A_425 = arith.constant 1 : i32
    %swap3A_426 = arith.index_cast %swap3A_424 : i32 to index
    %swap3A_427 = arith.index_cast %swap3A_425 : i32 to index
    %swap3A_428 = arith.constant 48 : index
    %swap3A_429 = tpu.vector_load %arg7[%swap3A_426, %swap3A_427, %swap3A_428] {strides = array<i32>} : memref<3x2x80xi32, #tpu.memory_space<vmem>>, vector<1x1x16xi32>,
    %swap3A_430 = vector.shape_cast %swap3A_429 : vector<1x1x16xi32> to vector<16xi32>
    %swap3A_431 = vector.shape_cast %shift_right_logical3A_423 : vector<16xi32> to vector<1x1x16xi32>
    tpu.vector_store %arg7[%swap3A_426, %swap3A_427, %swap3A_428], %swap3A_431 {strides = array<i32>} : memref<3x2x80xi32, #tpu.memory_space<vmem>>, vector<1x1x16xi32>,
    %mul3A_432 = arith.constant 2 : i32
    %mul3A_433 = arith.constant 80 : i32
    %mul3A_434 = arith.muli %mul3A_432, %mul3A_433 : i32
    %add3A_435 = arith.constant 64 : i32
    %add3A_436 = arith.addi %mul3A_434, %add3A_435 : i32
    %get3A_437 = arith.index_cast %add3A_436 : i32 to index
    %get3A_438 = tpu.vector_load %arg6[%get3A_437] {strides = array<i32>} : memref<10000xi32, #tpu.memory_space<vmem>>, vector<16xi32>,
    %get3A_439 = vector.shape_cast %get3A_438 : vector<16xi32> to vector<16xi32>
    %and3A_440 = arith.constant 16383 : i32
    %and3A_441 = vector.broadcast %and3A_440 : i32 to vector<16xi32>
    %and3A_442 = arith.andi %get3A_439, %and3A_441 : vector<16xi32>
    %swap3A_443 = arith.constant 2 : i32
    %swap3A_444 = arith.constant 0 : i32
    %swap3A_445 = arith.index_cast %swap3A_443 : i32 to index
    %swap3A_446 = arith.index_cast %swap3A_444 : i32 to index
    %swap3A_447 = arith.constant 64 : index
    %swap3A_448 = tpu.vector_load %arg7[%swap3A_445, %swap3A_446, %swap3A_447] {strides = array<i32>} : memref<3x2x80xi32, #tpu.memory_space<vmem>>, vector<1x1x16xi32>,
    %swap3A_449 = vector.shape_cast %swap3A_448 : vector<1x1x16xi32> to vector<16xi32>
    %swap3A_450 = vector.shape_cast %and3A_442 : vector<16xi32> to vector<1x1x16xi32>
    tpu.vector_store %arg7[%swap3A_445, %swap3A_446, %swap3A_447], %swap3A_450 {strides = array<i32>} : memref<3x2x80xi32, #tpu.memory_space<vmem>>, vector<1x1x16xi32>,
    %shift_right_logical3A_451 = arith.constant 14 : i32
    %shift_right_logical3A_452 = vector.broadcast %shift_right_logical3A_451 : i32 to vector<16xi32>
    %shift_right_logical3A_453 = arith.shrui %get3A_439, %shift_right_logical3A_452 : vector<16xi32>
    %swap3A_454 = arith.constant 2 : i32
    %swap3A_455 = arith.constant 1 : i32
    %swap3A_456 = arith.index_cast %swap3A_454 : i32 to index
    %swap3A_457 = arith.index_cast %swap3A_455 : i32 to index
    %swap3A_458 = arith.constant 64 : index
    %swap3A_459 = tpu.vector_load %arg7[%swap3A_456, %swap3A_457, %swap3A_458] {strides = array<i32>} : memref<3x2x80xi32, #tpu.memory_space<vmem>>, vector<1x1x16xi32>,
    %swap3A_460 = vector.shape_cast %swap3A_459 : vector<1x1x16xi32> to vector<16xi32>
    %swap3A_461 = vector.shape_cast %shift_right_logical3A_453 : vector<16xi32> to vector<1x1x16xi32>
    tpu.vector_store %arg7[%swap3A_456, %swap3A_457, %swap3A_458], %swap3A_461 {strides = array<i32>} : memref<3x2x80xi32, #tpu.memory_space<vmem>>, vector<1x1x16xi32>,
    %dma_start3A_462 = arith.constant 2 : i32
    %dma_start3A_463 = arith.constant 0 : i32
    %dma_start3A_464 = arith.constant 0 : i32
    %dma_start3A_465 = tpu.memref_slice %arg7[%dma_start3A_462, %dma_start3A_463, %dma_start3A_464] : memref<3x2x80xi32, #tpu.memory_space<vmem>> -> memref<1x1x80xi32, #tpu.memory_space<vmem>>
    %dma_start3A_466 = tpu.memref_squeeze %dma_start3A_465 : memref<1x1x80xi32, #tpu.memory_space<vmem>> -> memref<80xi32, #tpu.memory_space<vmem>>
    %dma_start3A_467 = arith.constant 0 : i32
    %dma_start3A_468 = arith.constant 0 : i32
    %dma_start3A_469 = tpu.memref_slice %arg2[%dma_start3A_467, %dma_start3A_468] : memref<10000x128xf32, #tpu.memory_space<hbm>> -> memref<10000x128xf32, #tpu.memory_space<hbm>>
    tpu.enqueue_indirect_dma source(%dma_start3A_469 : memref<10000x128xf32, #tpu.memory_space<hbm>>) target(%arg10 : memref<80x128xf32, #tpu.memory_space<vmem>>) offsets(%dma_start3A_466 : memref<80xi32, #tpu.memory_space<vmem>>) semaphore(%arg14 : memref<!tpu.dma_semaphore, #tpu.memory_space<semaphore_mem>>)
    %mul3A_470 = arith.constant 624 : i32
    %mul3A_471 = arith.muli %arg1, %mul3A_470 : i32
    "tpu.region"() ({
      %run_scoped3A = tpu.sem_alloc : memref<!tpu.dma_semaphore, #tpu.memory_space<semaphore_mem>>
      %dma_start3A_536 = arith.constant 0 : i32
      %dma_start3A_537 = tpu.memref_slice %arg11[%mul3A_471, %dma_start3A_536] : memref<10000x128xf32, #tpu.memory_space<vmem_shared>> -> memref<624x128xf32, #tpu.memory_space<vmem_shared>>
      tpu.enqueue_dma source(%arg4 : memref<624x128xf32, #tpu.memory_space<hbm>>) target(%dma_start3A_537 : memref<624x128xf32, #tpu.memory_space<vmem_shared>>) target_semaphore(%run_scoped3A : memref<!tpu.dma_semaphore, #tpu.memory_space<semaphore_mem>>)
      %dma_wait3A_538 = arith.constant 0 : i32
      %dma_wait3A_539 = tpu.memref_slice %arg11[%mul3A_471, %dma_wait3A_538] : memref<10000x128xf32, #tpu.memory_space<vmem_shared>> -> memref<624x128xf32, #tpu.memory_space<vmem_shared>>
      tpu.wait_dma2 semaphore(%run_scoped3A : memref<!tpu.dma_semaphore, #tpu.memory_space<semaphore_mem>>) src(%arg4 : memref<624x128xf32, #tpu.memory_space<hbm>>) dst(%dma_wait3A_539 : memref<624x128xf32, #tpu.memory_space<vmem_shared>>)
      tpu.yield
    }) : () -> ()
    %eq3A = arith.constant 0 : i32
    %eq3A_472 = arith.cmpi eq, %arg1, %eq3A : i32
    %convert_element_type3A = arith.extui %eq3A_472 : i1 to i32
    %cond3A = arith.constant 0 : i32
    %cond3A_473 = arith.cmpi ne, %convert_element_type3A, %cond3A : i32
    scf.if %cond3A_473 {
      "tpu.region"() ({
        %run_scoped3A = tpu.sem_alloc : memref<!tpu.dma_semaphore, #tpu.memory_space<semaphore_mem>>
        %dma_start3A_536 = arith.constant 9984 : i32
        %dma_start3A_537 = arith.constant 0 : i32
        %dma_start3A_538 = tpu.memref_slice %arg11[%dma_start3A_536, %dma_start3A_537] : memref<10000x128xf32, #tpu.memory_space<vmem_shared>> -> memref<16x128xf32, #tpu.memory_space<vmem_shared>>
        %dma_start3A_539 = arith.constant 0 : i32
        %dma_start3A_540 = arith.constant 0 : i32
        %dma_start3A_541 = tpu.memref_slice %arg4[%dma_start3A_539, %dma_start3A_540] : memref<624x128xf32, #tpu.memory_space<hbm>> -> memref<16x128xf32, #tpu.memory_space<hbm>>
        tpu.enqueue_dma source(%dma_start3A_541 : memref<16x128xf32, #tpu.memory_space<hbm>>) target(%dma_start3A_538 : memref<16x128xf32, #tpu.memory_space<vmem_shared>>) target_semaphore(%run_scoped3A : memref<!tpu.dma_semaphore, #tpu.memory_space<semaphore_mem>>)
        %dma_wait3A_542 = arith.constant 9984 : i32
        %dma_wait3A_543 = arith.constant 0 : i32
        %dma_wait3A_544 = tpu.memref_slice %arg11[%dma_wait3A_542, %dma_wait3A_543] : memref<10000x128xf32, #tpu.memory_space<vmem_shared>> -> memref<16x128xf32, #tpu.memory_space<vmem_shared>>
        %dma_wait3A_545 = arith.constant 0 : i32
        %dma_wait3A_546 = arith.constant 0 : i32
        %dma_wait3A_547 = tpu.memref_slice %arg4[%dma_wait3A_545, %dma_wait3A_546] : memref<624x128xf32, #tpu.memory_space<hbm>> -> memref<16x128xf32, #tpu.memory_space<hbm>>
        tpu.wait_dma2 semaphore(%run_scoped3A : memref<!tpu.dma_semaphore, #tpu.memory_space<semaphore_mem>>) src(%dma_wait3A_547 : memref<16x128xf32, #tpu.memory_space<hbm>>) dst(%dma_wait3A_544 : memref<16x128xf32, #tpu.memory_space<vmem_shared>>)
        tpu.yield
      }) : () -> ()
    } else {
    }
    %barrier3A = arith.constant 0 : index
    tpu.barrier barrier_id(%barrier3A)
    %scan3A = arith.constant 0 : i32
    %scan3A_474 = arith.constant 0 : i32
    %scan3A_475 = arith.constant 41 : i32
    %scan3A_476 = arith.addi %scan3A_474, %scan3A_475 : i32
    %scan3A_477 = arith.constant 1 : i32
    scf.for %scan3A_536 = %scan3A_474 to %scan3A_476 step %scan3A_477  : i32 {
      %mul3A_537 = arith.constant 3 : i32
      %mul3A_538 = arith.muli %scan3A_536, %mul3A_537 : i32
      %add3A_539 = arith.constant 0 : i32
      %add3A_540 = arith.addi %mul3A_538, %add3A_539 : i32
      %dma_wait3A_541 = arith.constant 0 : i32
      %dma_wait3A_542 = arith.constant 0 : i32
      %dma_wait3A_543 = arith.constant 0 : i32
      %dma_wait3A_544 = tpu.memref_slice %arg7[%dma_wait3A_541, %dma_wait3A_542, %dma_wait3A_543] : memref<3x2x80xi32, #tpu.memory_space<vmem>> -> memref<1x1x80xi32, #tpu.memory_space<vmem>>
      %dma_wait3A_545 = tpu.memref_squeeze %dma_wait3A_544 : memref<1x1x80xi32, #tpu.memory_space<vmem>> -> memref<80xi32, #tpu.memory_space<vmem>>
      %dma_wait3A_546 = arith.constant 0 : i32
      %dma_wait3A_547 = arith.constant 0 : i32
      %dma_wait3A_548 = tpu.memref_slice %arg2[%dma_wait3A_546, %dma_wait3A_547] : memref<10000x128xf32, #tpu.memory_space<hbm>> -> memref<10000x128xf32, #tpu.memory_space<hbm>>
      tpu.wait_indirect_dma semaphore(%arg12 : memref<!tpu.dma_semaphore, #tpu.memory_space<semaphore_mem>>) src(%dma_wait3A_548 : memref<10000x128xf32, #tpu.memory_space<hbm>>) dst(%arg8 : memref<80x128xf32, #tpu.memory_space<vmem>>)
      %dma_start3A_549 = arith.constant 0 : i32
      %dma_start3A_550 = arith.constant 1 : i32
      %dma_start3A_551 = arith.constant 0 : i32
      %dma_start3A_552 = tpu.memref_slice %arg7[%dma_start3A_549, %dma_start3A_550, %dma_start3A_551] : memref<3x2x80xi32, #tpu.memory_space<vmem>> -> memref<1x1x80xi32, #tpu.memory_space<vmem>>
      %dma_start3A_553 = tpu.memref_squeeze %dma_start3A_552 : memref<1x1x80xi32, #tpu.memory_space<vmem>> -> memref<80xi32, #tpu.memory_space<vmem>>
      %dma_start3A_554 = arith.constant 0 : i32
      %dma_start3A_555 = arith.constant 0 : i32
      %dma_start3A_556 = tpu.memref_slice %arg11[%dma_start3A_554, %dma_start3A_555] : memref<10000x128xf32, #tpu.memory_space<vmem_shared>> -> memref<10000x128xf32, #tpu.memory_space<vmem_shared>>
      tpu.enqueue_indirect_dma source(%arg8 : memref<80x128xf32, #tpu.memory_space<vmem>>) target(%dma_start3A_556 : memref<10000x128xf32, #tpu.memory_space<vmem_shared>>) offsets(%dma_start3A_553 : memref<80xi32, #tpu.memory_space<vmem>>) semaphore(%arg15 : memref<!tpu.dma_semaphore, #tpu.memory_space<semaphore_mem>>) {add = true}
      %dma_wait3A_557 = arith.constant 0 : i32
      %dma_wait3A_558 = arith.constant 1 : i32
      %dma_wait3A_559 = arith.constant 0 : i32
      %dma_wait3A_560 = tpu.memref_slice %arg7[%dma_wait3A_557, %dma_wait3A_558, %dma_wait3A_559] : memref<3x2x80xi32, #tpu.memory_space<vmem>> -> memref<1x1x80xi32, #tpu.memory_space<vmem>>
      %dma_wait3A_561 = tpu.memref_squeeze %dma_wait3A_560 : memref<1x1x80xi32, #tpu.memory_space<vmem>> -> memref<80xi32, #tpu.memory_space<vmem>>
      %dma_wait3A_562 = arith.constant 0 : i32
      %dma_wait3A_563 = arith.constant 0 : i32
      %dma_wait3A_564 = tpu.memref_slice %arg11[%dma_wait3A_562, %dma_wait3A_563] : memref<10000x128xf32, #tpu.memory_space<vmem_shared>> -> memref<10000x128xf32, #tpu.memory_space<vmem_shared>>
      tpu.wait_indirect_dma semaphore(%arg15 : memref<!tpu.dma_semaphore, #tpu.memory_space<semaphore_mem>>) src(%arg8 : memref<80x128xf32, #tpu.memory_space<vmem>>) dst(%dma_wait3A_564 : memref<10000x128xf32, #tpu.memory_space<vmem_shared>>)
      %add3A_565 = arith.constant 3 : i32
      %add3A_566 = arith.addi %add3A_540, %add3A_565 : i32
      %lt3A = arith.constant 125 : i32
      %lt3A_567 = arith.cmpi slt, %add3A_566, %lt3A : i32
      %convert_element_type3A_568 = arith.extui %lt3A_567 : i1 to i32
      %cond3A_569 = arith.constant 0 : i32
      %cond3A_570 = arith.cmpi ne, %convert_element_type3A_568, %cond3A_569 : i32
      scf.if %cond3A_570 {
        %mul3A_641 = arith.constant 80 : i32
        %mul3A_642 = arith.muli %add3A_566, %mul3A_641 : i32
        %add3A_643 = arith.constant 0 : i32
        %add3A_644 = arith.addi %mul3A_642, %add3A_643 : i32
        %get3A_645 = arith.index_cast %add3A_644 : i32 to index
        %get3A_646 = tpu.vector_load %arg6[%get3A_645] {strides = array<i32>} : memref<10000xi32, #tpu.memory_space<vmem>>, vector<16xi32>,
        %get3A_647 = vector.shape_cast %get3A_646 : vector<16xi32> to vector<16xi32>
        %and3A_648 = arith.constant 16383 : i32
        %and3A_649 = vector.broadcast %and3A_648 : i32 to vector<16xi32>
        %and3A_650 = arith.andi %get3A_647, %and3A_649 : vector<16xi32>
        %swap3A_651 = arith.constant 0 : i32
        %swap3A_652 = arith.constant 0 : i32
        %swap3A_653 = arith.index_cast %swap3A_651 : i32 to index
        %swap3A_654 = arith.index_cast %swap3A_652 : i32 to index
        %swap3A_655 = arith.constant 0 : index
        %swap3A_656 = tpu.vector_load %arg7[%swap3A_653, %swap3A_654, %swap3A_655] {strides = array<i32>} : memref<3x2x80xi32, #tpu.memory_space<vmem>>, vector<1x1x16xi32>,
        %swap3A_657 = vector.shape_cast %swap3A_656 : vector<1x1x16xi32> to vector<16xi32>
        %swap3A_658 = vector.shape_cast %and3A_650 : vector<16xi32> to vector<1x1x16xi32>
        tpu.vector_store %arg7[%swap3A_653, %swap3A_654, %swap3A_655], %swap3A_658 {strides = array<i32>} : memref<3x2x80xi32, #tpu.memory_space<vmem>>, vector<1x1x16xi32>,
        %shift_right_logical3A_659 = arith.constant 14 : i32
        %shift_right_logical3A_660 = vector.broadcast %shift_right_logical3A_659 : i32 to vector<16xi32>
        %shift_right_logical3A_661 = arith.shrui %get3A_647, %shift_right_logical3A_660 : vector<16xi32>
        %swap3A_662 = arith.constant 0 : i32
        %swap3A_663 = arith.constant 1 : i32
        %swap3A_664 = arith.index_cast %swap3A_662 : i32 to index
        %swap3A_665 = arith.index_cast %swap3A_663 : i32 to index
        %swap3A_666 = arith.constant 0 : index
        %swap3A_667 = tpu.vector_load %arg7[%swap3A_664, %swap3A_665, %swap3A_666] {strides = array<i32>} : memref<3x2x80xi32, #tpu.memory_space<vmem>>, vector<1x1x16xi32>,
        %swap3A_668 = vector.shape_cast %swap3A_667 : vector<1x1x16xi32> to vector<16xi32>
        %swap3A_669 = vector.shape_cast %shift_right_logical3A_661 : vector<16xi32> to vector<1x1x16xi32>
        tpu.vector_store %arg7[%swap3A_664, %swap3A_665, %swap3A_666], %swap3A_669 {strides = array<i32>} : memref<3x2x80xi32, #tpu.memory_space<vmem>>, vector<1x1x16xi32>,
        %mul3A_670 = arith.constant 80 : i32
        %mul3A_671 = arith.muli %add3A_566, %mul3A_670 : i32
        %add3A_672 = arith.constant 16 : i32
        %add3A_673 = arith.addi %mul3A_671, %add3A_672 : i32
        %get3A_674 = arith.index_cast %add3A_673 : i32 to index
        %get3A_675 = tpu.vector_load %arg6[%get3A_674] {strides = array<i32>} : memref<10000xi32, #tpu.memory_space<vmem>>, vector<16xi32>,
        %get3A_676 = vector.shape_cast %get3A_675 : vector<16xi32> to vector<16xi32>
        %and3A_677 = arith.constant 16383 : i32
        %and3A_678 = vector.broadcast %and3A_677 : i32 to vector<16xi32>
        %and3A_679 = arith.andi %get3A_676, %and3A_678 : vector<16xi32>
        %swap3A_680 = arith.constant 0 : i32
        %swap3A_681 = arith.constant 0 : i32
        %swap3A_682 = arith.index_cast %swap3A_680 : i32 to index
        %swap3A_683 = arith.index_cast %swap3A_681 : i32 to index
        %swap3A_684 = arith.constant 16 : index
        %swap3A_685 = tpu.vector_load %arg7[%swap3A_682, %swap3A_683, %swap3A_684] {strides = array<i32>} : memref<3x2x80xi32, #tpu.memory_space<vmem>>, vector<1x1x16xi32>,
        %swap3A_686 = vector.shape_cast %swap3A_685 : vector<1x1x16xi32> to vector<16xi32>
        %swap3A_687 = vector.shape_cast %and3A_679 : vector<16xi32> to vector<1x1x16xi32>
        tpu.vector_store %arg7[%swap3A_682, %swap3A_683, %swap3A_684], %swap3A_687 {strides = array<i32>} : memref<3x2x80xi32, #tpu.memory_space<vmem>>, vector<1x1x16xi32>,
        %shift_right_logical3A_688 = arith.constant 14 : i32
        %shift_right_logical3A_689 = vector.broadcast %shift_right_logical3A_688 : i32 to vector<16xi32>
        %shift_right_logical3A_690 = arith.shrui %get3A_676, %shift_right_logical3A_689 : vector<16xi32>
        %swap3A_691 = arith.constant 0 : i32
        %swap3A_692 = arith.constant 1 : i32
        %swap3A_693 = arith.index_cast %swap3A_691 : i32 to index
        %swap3A_694 = arith.index_cast %swap3A_692 : i32 to index
        %swap3A_695 = arith.constant 16 : index
        %swap3A_696 = tpu.vector_load %arg7[%swap3A_693, %swap3A_694, %swap3A_695] {strides = array<i32>} : memref<3x2x80xi32, #tpu.memory_space<vmem>>, vector<1x1x16xi32>,
        %swap3A_697 = vector.shape_cast %swap3A_696 : vector<1x1x16xi32> to vector<16xi32>
        %swap3A_698 = vector.shape_cast %shift_right_logical3A_690 : vector<16xi32> to vector<1x1x16xi32>
        tpu.vector_store %arg7[%swap3A_693, %swap3A_694, %swap3A_695], %swap3A_698 {strides = array<i32>} : memref<3x2x80xi32, #tpu.memory_space<vmem>>, vector<1x1x16xi32>,
        %mul3A_699 = arith.constant 80 : i32
        %mul3A_700 = arith.muli %add3A_566, %mul3A_699 : i32
        %add3A_701 = arith.constant 32 : i32
        %add3A_702 = arith.addi %mul3A_700, %add3A_701 : i32
        %get3A_703 = arith.index_cast %add3A_702 : i32 to index
        %get3A_704 = tpu.vector_load %arg6[%get3A_703] {strides = array<i32>} : memref<10000xi32, #tpu.memory_space<vmem>>, vector<16xi32>,
        %get3A_705 = vector.shape_cast %get3A_704 : vector<16xi32> to vector<16xi32>
        %and3A_706 = arith.constant 16383 : i32
        %and3A_707 = vector.broadcast %and3A_706 : i32 to vector<16xi32>
        %and3A_708 = arith.andi %get3A_705, %and3A_707 : vector<16xi32>
        %swap3A_709 = arith.constant 0 : i32
        %swap3A_710 = arith.constant 0 : i32
        %swap3A_711 = arith.index_cast %swap3A_709 : i32 to index
        %swap3A_712 = arith.index_cast %swap3A_710 : i32 to index
        %swap3A_713 = arith.constant 32 : index
        %swap3A_714 = tpu.vector_load %arg7[%swap3A_711, %swap3A_712, %swap3A_713] {strides = array<i32>} : memref<3x2x80xi32, #tpu.memory_space<vmem>>, vector<1x1x16xi32>,
        %swap3A_715 = vector.shape_cast %swap3A_714 : vector<1x1x16xi32> to vector<16xi32>
        %swap3A_716 = vector.shape_cast %and3A_708 : vector<16xi32> to vector<1x1x16xi32>
        tpu.vector_store %arg7[%swap3A_711, %swap3A_712, %swap3A_713], %swap3A_716 {strides = array<i32>} : memref<3x2x80xi32, #tpu.memory_space<vmem>>, vector<1x1x16xi32>,
        %shift_right_logical3A_717 = arith.constant 14 : i32
        %shift_right_logical3A_718 = vector.broadcast %shift_right_logical3A_717 : i32 to vector<16xi32>
        %shift_right_logical3A_719 = arith.shrui %get3A_705, %shift_right_logical3A_718 : vector<16xi32>
        %swap3A_720 = arith.constant 0 : i32
        %swap3A_721 = arith.constant 1 : i32
        %swap3A_722 = arith.index_cast %swap3A_720 : i32 to index
        %swap3A_723 = arith.index_cast %swap3A_721 : i32 to index
        %swap3A_724 = arith.constant 32 : index
        %swap3A_725 = tpu.vector_load %arg7[%swap3A_722, %swap3A_723, %swap3A_724] {strides = array<i32>} : memref<3x2x80xi32, #tpu.memory_space<vmem>>, vector<1x1x16xi32>,
        %swap3A_726 = vector.shape_cast %swap3A_725 : vector<1x1x16xi32> to vector<16xi32>
        %swap3A_727 = vector.shape_cast %shift_right_logical3A_719 : vector<16xi32> to vector<1x1x16xi32>
        tpu.vector_store %arg7[%swap3A_722, %swap3A_723, %swap3A_724], %swap3A_727 {strides = array<i32>} : memref<3x2x80xi32, #tpu.memory_space<vmem>>, vector<1x1x16xi32>,
        %mul3A_728 = arith.constant 80 : i32
        %mul3A_729 = arith.muli %add3A_566, %mul3A_728 : i32
        %add3A_730 = arith.constant 48 : i32
        %add3A_731 = arith.addi %mul3A_729, %add3A_730 : i32
        %get3A_732 = arith.index_cast %add3A_731 : i32 to index
        %get3A_733 = tpu.vector_load %arg6[%get3A_732] {strides = array<i32>} : memref<10000xi32, #tpu.memory_space<vmem>>, vector<16xi32>,
        %get3A_734 = vector.shape_cast %get3A_733 : vector<16xi32> to vector<16xi32>
        %and3A_735 = arith.constant 16383 : i32
        %and3A_736 = vector.broadcast %and3A_735 : i32 to vector<16xi32>
        %and3A_737 = arith.andi %get3A_734, %and3A_736 : vector<16xi32>
        %swap3A_738 = arith.constant 0 : i32
        %swap3A_739 = arith.constant 0 : i32
        %swap3A_740 = arith.index_cast %swap3A_738 : i32 to index
        %swap3A_741 = arith.index_cast %swap3A_739 : i32 to index
        %swap3A_742 = arith.constant 48 : index
        %swap3A_743 = tpu.vector_load %arg7[%swap3A_740, %swap3A_741, %swap3A_742] {strides = array<i32>} : memref<3x2x80xi32, #tpu.memory_space<vmem>>, vector<1x1x16xi32>,
        %swap3A_744 = vector.shape_cast %swap3A_743 : vector<1x1x16xi32> to vector<16xi32>
        %swap3A_745 = vector.shape_cast %and3A_737 : vector<16xi32> to vector<1x1x16xi32>
        tpu.vector_store %arg7[%swap3A_740, %swap3A_741, %swap3A_742], %swap3A_745 {strides = array<i32>} : memref<3x2x80xi32, #tpu.memory_space<vmem>>, vector<1x1x16xi32>,
        %shift_right_logical3A_746 = arith.constant 14 : i32
        %shift_right_logical3A_747 = vector.broadcast %shift_right_logical3A_746 : i32 to vector<16xi32>
        %shift_right_logical3A_748 = arith.shrui %get3A_734, %shift_right_logical3A_747 : vector<16xi32>
        %swap3A_749 = arith.constant 0 : i32
        %swap3A_750 = arith.constant 1 : i32
        %swap3A_751 = arith.index_cast %swap3A_749 : i32 to index
        %swap3A_752 = arith.index_cast %swap3A_750 : i32 to index
        %swap3A_753 = arith.constant 48 : index
        %swap3A_754 = tpu.vector_load %arg7[%swap3A_751, %swap3A_752, %swap3A_753] {strides = array<i32>} : memref<3x2x80xi32, #tpu.memory_space<vmem>>, vector<1x1x16xi32>,
        %swap3A_755 = vector.shape_cast %swap3A_754 : vector<1x1x16xi32> to vector<16xi32>
        %swap3A_756 = vector.shape_cast %shift_right_logical3A_748 : vector<16xi32> to vector<1x1x16xi32>
        tpu.vector_store %arg7[%swap3A_751, %swap3A_752, %swap3A_753], %swap3A_756 {strides = array<i32>} : memref<3x2x80xi32, #tpu.memory_space<vmem>>, vector<1x1x16xi32>,
        %mul3A_757 = arith.constant 80 : i32
        %mul3A_758 = arith.muli %add3A_566, %mul3A_757 : i32
        %add3A_759 = arith.constant 64 : i32
        %add3A_760 = arith.addi %mul3A_758, %add3A_759 : i32
        %get3A_761 = arith.index_cast %add3A_760 : i32 to index
        %get3A_762 = tpu.vector_load %arg6[%get3A_761] {strides = array<i32>} : memref<10000xi32, #tpu.memory_space<vmem>>, vector<16xi32>,
        %get3A_763 = vector.shape_cast %get3A_762 : vector<16xi32> to vector<16xi32>
        %and3A_764 = arith.constant 16383 : i32
        %and3A_765 = vector.broadcast %and3A_764 : i32 to vector<16xi32>
        %and3A_766 = arith.andi %get3A_763, %and3A_765 : vector<16xi32>
        %swap3A_767 = arith.constant 0 : i32
        %swap3A_768 = arith.constant 0 : i32
        %swap3A_769 = arith.index_cast %swap3A_767 : i32 to index
        %swap3A_770 = arith.index_cast %swap3A_768 : i32 to index
        %swap3A_771 = arith.constant 64 : index
        %swap3A_772 = tpu.vector_load %arg7[%swap3A_769, %swap3A_770, %swap3A_771] {strides = array<i32>} : memref<3x2x80xi32, #tpu.memory_space<vmem>>, vector<1x1x16xi32>,
        %swap3A_773 = vector.shape_cast %swap3A_772 : vector<1x1x16xi32> to vector<16xi32>
        %swap3A_774 = vector.shape_cast %and3A_766 : vector<16xi32> to vector<1x1x16xi32>
        tpu.vector_store %arg7[%swap3A_769, %swap3A_770, %swap3A_771], %swap3A_774 {strides = array<i32>} : memref<3x2x80xi32, #tpu.memory_space<vmem>>, vector<1x1x16xi32>,
        %shift_right_logical3A_775 = arith.constant 14 : i32
        %shift_right_logical3A_776 = vector.broadcast %shift_right_logical3A_775 : i32 to vector<16xi32>
        %shift_right_logical3A_777 = arith.shrui %get3A_763, %shift_right_logical3A_776 : vector<16xi32>
        %swap3A_778 = arith.constant 0 : i32
        %swap3A_779 = arith.constant 1 : i32
        %swap3A_780 = arith.index_cast %swap3A_778 : i32 to index
        %swap3A_781 = arith.index_cast %swap3A_779 : i32 to index
        %swap3A_782 = arith.constant 64 : index
        %swap3A_783 = tpu.vector_load %arg7[%swap3A_780, %swap3A_781, %swap3A_782] {strides = array<i32>} : memref<3x2x80xi32, #tpu.memory_space<vmem>>, vector<1x1x16xi32>,
        %swap3A_784 = vector.shape_cast %swap3A_783 : vector<1x1x16xi32> to vector<16xi32>
        %swap3A_785 = vector.shape_cast %shift_right_logical3A_777 : vector<16xi32> to vector<1x1x16xi32>
        tpu.vector_store %arg7[%swap3A_780, %swap3A_781, %swap3A_782], %swap3A_785 {strides = array<i32>} : memref<3x2x80xi32, #tpu.memory_space<vmem>>, vector<1x1x16xi32>,
        %dma_start3A_786 = arith.constant 0 : i32
        %dma_start3A_787 = arith.constant 0 : i32
        %dma_start3A_788 = arith.constant 0 : i32
        %dma_start3A_789 = tpu.memref_slice %arg7[%dma_start3A_786, %dma_start3A_787, %dma_start3A_788] : memref<3x2x80xi32, #tpu.memory_space<vmem>> -> memref<1x1x80xi32, #tpu.memory_space<vmem>>
        %dma_start3A_790 = tpu.memref_squeeze %dma_start3A_789 : memref<1x1x80xi32, #tpu.memory_space<vmem>> -> memref<80xi32, #tpu.memory_space<vmem>>
        %dma_start3A_791 = arith.constant 0 : i32
        %dma_start3A_792 = arith.constant 0 : i32
        %dma_start3A_793 = tpu.memref_slice %arg2[%dma_start3A_791, %dma_start3A_792] : memref<10000x128xf32, #tpu.memory_space<hbm>> -> memref<10000x128xf32, #tpu.memory_space<hbm>>
        tpu.enqueue_indirect_dma source(%dma_start3A_793 : memref<10000x128xf32, #tpu.memory_space<hbm>>) target(%arg8 : memref<80x128xf32, #tpu.memory_space<vmem>>) offsets(%dma_start3A_790 : memref<80xi32, #tpu.memory_space<vmem>>) semaphore(%arg12 : memref<!tpu.dma_semaphore, #tpu.memory_space<semaphore_mem>>)
      } else {
      }
      %mul3A_571 = arith.constant 3 : i32
      %mul3A_572 = arith.muli %scan3A_536, %mul3A_571 : i32
      %add3A_573 = arith.constant 1 : i32
      %add3A_574 = arith.addi %mul3A_572, %add3A_573 : i32
      %dma_wait3A_575 = arith.constant 1 : i32
      %dma_wait3A_576 = arith.constant 0 : i32
      %dma_wait3A_577 = arith.constant 0 : i32
      %dma_wait3A_578 = tpu.memref_slice %arg7[%dma_wait3A_575, %dma_wait3A_576, %dma_wait3A_577] : memref<3x2x80xi32, #tpu.memory_space<vmem>> -> memref<1x1x80xi32, #tpu.memory_space<vmem>>
      %dma_wait3A_579 = tpu.memref_squeeze %dma_wait3A_578 : memref<1x1x80xi32, #tpu.memory_space<vmem>> -> memref<80xi32, #tpu.memory_space<vmem>>
      %dma_wait3A_580 = arith.constant 0 : i32
      %dma_wait3A_581 = arith.constant 0 : i32
      %dma_wait3A_582 = tpu.memref_slice %arg2[%dma_wait3A_580, %dma_wait3A_581] : memref<10000x128xf32, #tpu.memory_space<hbm>> -> memref<10000x128xf32, #tpu.memory_space<hbm>>
      tpu.wait_indirect_dma semaphore(%arg13 : memref<!tpu.dma_semaphore, #tpu.memory_space<semaphore_mem>>) src(%dma_wait3A_582 : memref<10000x128xf32, #tpu.memory_space<hbm>>) dst(%arg9 : memref<80x128xf32, #tpu.memory_space<vmem>>)
      %dma_start3A_583 = arith.constant 1 : i32
      %dma_start3A_584 = arith.constant 1 : i32
      %dma_start3A_585 = arith.constant 0 : i32
      %dma_start3A_586 = tpu.memref_slice %arg7[%dma_start3A_583, %dma_start3A_584, %dma_start3A_585] : memref<3x2x80xi32, #tpu.memory_space<vmem>> -> memref<1x1x80xi32, #tpu.memory_space<vmem>>
      %dma_start3A_587 = tpu.memref_squeeze %dma_start3A_586 : memref<1x1x80xi32, #tpu.memory_space<vmem>> -> memref<80xi32, #tpu.memory_space<vmem>>
      %dma_start3A_588 = arith.constant 0 : i32
      %dma_start3A_589 = arith.constant 0 : i32
      %dma_start3A_590 = tpu.memref_slice %arg11[%dma_start3A_588, %dma_start3A_589] : memref<10000x128xf32, #tpu.memory_space<vmem_shared>> -> memref<10000x128xf32, #tpu.memory_space<vmem_shared>>
      tpu.enqueue_indirect_dma source(%arg9 : memref<80x128xf32, #tpu.memory_space<vmem>>) target(%dma_start3A_590 : memref<10000x128xf32, #tpu.memory_space<vmem_shared>>) offsets(%dma_start3A_587 : memref<80xi32, #tpu.memory_space<vmem>>) semaphore(%arg16 : memref<!tpu.dma_semaphore, #tpu.memory_space<semaphore_mem>>) {add = true}
      %dma_wait3A_591 = arith.constant 1 : i32
      %dma_wait3A_592 = arith.constant 1 : i32
      %dma_wait3A_593 = arith.constant 0 : i32
      %dma_wait3A_594 = tpu.memref_slice %arg7[%dma_wait3A_591, %dma_wait3A_592, %dma_wait3A_593] : memref<3x2x80xi32, #tpu.memory_space<vmem>> -> memref<1x1x80xi32, #tpu.memory_space<vmem>>
      %dma_wait3A_595 = tpu.memref_squeeze %dma_wait3A_594 : memref<1x1x80xi32, #tpu.memory_space<vmem>> -> memref<80xi32, #tpu.memory_space<vmem>>
      %dma_wait3A_596 = arith.constant 0 : i32
      %dma_wait3A_597 = arith.constant 0 : i32
      %dma_wait3A_598 = tpu.memref_slice %arg11[%dma_wait3A_596, %dma_wait3A_597] : memref<10000x128xf32, #tpu.memory_space<vmem_shared>> -> memref<10000x128xf32, #tpu.memory_space<vmem_shared>>
      tpu.wait_indirect_dma semaphore(%arg16 : memref<!tpu.dma_semaphore, #tpu.memory_space<semaphore_mem>>) src(%arg9 : memref<80x128xf32, #tpu.memory_space<vmem>>) dst(%dma_wait3A_598 : memref<10000x128xf32, #tpu.memory_space<vmem_shared>>)
      %add3A_599 = arith.constant 3 : i32
      %add3A_600 = arith.addi %add3A_574, %add3A_599 : i32
      %lt3A_601 = arith.constant 125 : i32
      %lt3A_602 = arith.cmpi slt, %add3A_600, %lt3A_601 : i32
      %convert_element_type3A_603 = arith.extui %lt3A_602 : i1 to i32
      %cond3A_604 = arith.constant 0 : i32
      %cond3A_605 = arith.cmpi ne, %convert_element_type3A_603, %cond3A_604 : i32
      scf.if %cond3A_605 {
        %mul3A_641 = arith.constant 80 : i32
        %mul3A_642 = arith.muli %add3A_600, %mul3A_641 : i32
        %add3A_643 = arith.constant 0 : i32
        %add3A_644 = arith.addi %mul3A_642, %add3A_643 : i32
        %get3A_645 = arith.index_cast %add3A_644 : i32 to index
        %get3A_646 = tpu.vector_load %arg6[%get3A_645] {strides = array<i32>} : memref<10000xi32, #tpu.memory_space<vmem>>, vector<16xi32>,
        %get3A_647 = vector.shape_cast %get3A_646 : vector<16xi32> to vector<16xi32>
        %and3A_648 = arith.constant 16383 : i32
        %and3A_649 = vector.broadcast %and3A_648 : i32 to vector<16xi32>
        %and3A_650 = arith.andi %get3A_647, %and3A_649 : vector<16xi32>
        %swap3A_651 = arith.constant 1 : i32
        %swap3A_652 = arith.constant 0 : i32
        %swap3A_653 = arith.index_cast %swap3A_651 : i32 to index
        %swap3A_654 = arith.index_cast %swap3A_652 : i32 to index
        %swap3A_655 = arith.constant 0 : index
        %swap3A_656 = tpu.vector_load %arg7[%swap3A_653, %swap3A_654, %swap3A_655] {strides = array<i32>} : memref<3x2x80xi32, #tpu.memory_space<vmem>>, vector<1x1x16xi32>,
        %swap3A_657 = vector.shape_cast %swap3A_656 : vector<1x1x16xi32> to vector<16xi32>
        %swap3A_658 = vector.shape_cast %and3A_650 : vector<16xi32> to vector<1x1x16xi32>
        tpu.vector_store %arg7[%swap3A_653, %swap3A_654, %swap3A_655], %swap3A_658 {strides = array<i32>} : memref<3x2x80xi32, #tpu.memory_space<vmem>>, vector<1x1x16xi32>,
        %shift_right_logical3A_659 = arith.constant 14 : i32
        %shift_right_logical3A_660 = vector.broadcast %shift_right_logical3A_659 : i32 to vector<16xi32>
        %shift_right_logical3A_661 = arith.shrui %get3A_647, %shift_right_logical3A_660 : vector<16xi32>
        %swap3A_662 = arith.constant 1 : i32
        %swap3A_663 = arith.constant 1 : i32
        %swap3A_664 = arith.index_cast %swap3A_662 : i32 to index
        %swap3A_665 = arith.index_cast %swap3A_663 : i32 to index
        %swap3A_666 = arith.constant 0 : index
        %swap3A_667 = tpu.vector_load %arg7[%swap3A_664, %swap3A_665, %swap3A_666] {strides = array<i32>} : memref<3x2x80xi32, #tpu.memory_space<vmem>>, vector<1x1x16xi32>,
        %swap3A_668 = vector.shape_cast %swap3A_667 : vector<1x1x16xi32> to vector<16xi32>
        %swap3A_669 = vector.shape_cast %shift_right_logical3A_661 : vector<16xi32> to vector<1x1x16xi32>
        tpu.vector_store %arg7[%swap3A_664, %swap3A_665, %swap3A_666], %swap3A_669 {strides = array<i32>} : memref<3x2x80xi32, #tpu.memory_space<vmem>>, vector<1x1x16xi32>,
        %mul3A_670 = arith.constant 80 : i32
        %mul3A_671 = arith.muli %add3A_600, %mul3A_670 : i32
        %add3A_672 = arith.constant 16 : i32
        %add3A_673 = arith.addi %mul3A_671, %add3A_672 : i32
        %get3A_674 = arith.index_cast %add3A_673 : i32 to index
        %get3A_675 = tpu.vector_load %arg6[%get3A_674] {strides = array<i32>} : memref<10000xi32, #tpu.memory_space<vmem>>, vector<16xi32>,
        %get3A_676 = vector.shape_cast %get3A_675 : vector<16xi32> to vector<16xi32>
        %and3A_677 = arith.constant 16383 : i32
        %and3A_678 = vector.broadcast %and3A_677 : i32 to vector<16xi32>
        %and3A_679 = arith.andi %get3A_676, %and3A_678 : vector<16xi32>
        %swap3A_680 = arith.constant 1 : i32
        %swap3A_681 = arith.constant 0 : i32
        %swap3A_682 = arith.index_cast %swap3A_680 : i32 to index
        %swap3A_683 = arith.index_cast %swap3A_681 : i32 to index
        %swap3A_684 = arith.constant 16 : index
        %swap3A_685 = tpu.vector_load %arg7[%swap3A_682, %swap3A_683, %swap3A_684] {strides = array<i32>} : memref<3x2x80xi32, #tpu.memory_space<vmem>>, vector<1x1x16xi32>,
        %swap3A_686 = vector.shape_cast %swap3A_685 : vector<1x1x16xi32> to vector<16xi32>
        %swap3A_687 = vector.shape_cast %and3A_679 : vector<16xi32> to vector<1x1x16xi32>
        tpu.vector_store %arg7[%swap3A_682, %swap3A_683, %swap3A_684], %swap3A_687 {strides = array<i32>} : memref<3x2x80xi32, #tpu.memory_space<vmem>>, vector<1x1x16xi32>,
        %shift_right_logical3A_688 = arith.constant 14 : i32
        %shift_right_logical3A_689 = vector.broadcast %shift_right_logical3A_688 : i32 to vector<16xi32>
        %shift_right_logical3A_690 = arith.shrui %get3A_676, %shift_right_logical3A_689 : vector<16xi32>
        %swap3A_691 = arith.constant 1 : i32
        %swap3A_692 = arith.constant 1 : i32
        %swap3A_693 = arith.index_cast %swap3A_691 : i32 to index
        %swap3A_694 = arith.index_cast %swap3A_692 : i32 to index
        %swap3A_695 = arith.constant 16 : index
        %swap3A_696 = tpu.vector_load %arg7[%swap3A_693, %swap3A_694, %swap3A_695] {strides = array<i32>} : memref<3x2x80xi32, #tpu.memory_space<vmem>>, vector<1x1x16xi32>,
        %swap3A_697 = vector.shape_cast %swap3A_696 : vector<1x1x16xi32> to vector<16xi32>
        %swap3A_698 = vector.shape_cast %shift_right_logical3A_690 : vector<16xi32> to vector<1x1x16xi32>
        tpu.vector_store %arg7[%swap3A_693, %swap3A_694, %swap3A_695], %swap3A_698 {strides = array<i32>} : memref<3x2x80xi32, #tpu.memory_space<vmem>>, vector<1x1x16xi32>,
        %mul3A_699 = arith.constant 80 : i32
        %mul3A_700 = arith.muli %add3A_600, %mul3A_699 : i32
        %add3A_701 = arith.constant 32 : i32
        %add3A_702 = arith.addi %mul3A_700, %add3A_701 : i32
        %get3A_703 = arith.index_cast %add3A_702 : i32 to index
        %get3A_704 = tpu.vector_load %arg6[%get3A_703] {strides = array<i32>} : memref<10000xi32, #tpu.memory_space<vmem>>, vector<16xi32>,
        %get3A_705 = vector.shape_cast %get3A_704 : vector<16xi32> to vector<16xi32>
        %and3A_706 = arith.constant 16383 : i32
        %and3A_707 = vector.broadcast %and3A_706 : i32 to vector<16xi32>
        %and3A_708 = arith.andi %get3A_705, %and3A_707 : vector<16xi32>
        %swap3A_709 = arith.constant 1 : i32
        %swap3A_710 = arith.constant 0 : i32
        %swap3A_711 = arith.index_cast %swap3A_709 : i32 to index
        %swap3A_712 = arith.index_cast %swap3A_710 : i32 to index
        %swap3A_713 = arith.constant 32 : index
        %swap3A_714 = tpu.vector_load %arg7[%swap3A_711, %swap3A_712, %swap3A_713] {strides = array<i32>} : memref<3x2x80xi32, #tpu.memory_space<vmem>>, vector<1x1x16xi32>,
        %swap3A_715 = vector.shape_cast %swap3A_714 : vector<1x1x16xi32> to vector<16xi32>
        %swap3A_716 = vector.shape_cast %and3A_708 : vector<16xi32> to vector<1x1x16xi32>
        tpu.vector_store %arg7[%swap3A_711, %swap3A_712, %swap3A_713], %swap3A_716 {strides = array<i32>} : memref<3x2x80xi32, #tpu.memory_space<vmem>>, vector<1x1x16xi32>,
        %shift_right_logical3A_717 = arith.constant 14 : i32
        %shift_right_logical3A_718 = vector.broadcast %shift_right_logical3A_717 : i32 to vector<16xi32>
        %shift_right_logical3A_719 = arith.shrui %get3A_705, %shift_right_logical3A_718 : vector<16xi32>
        %swap3A_720 = arith.constant 1 : i32
        %swap3A_721 = arith.constant 1 : i32
        %swap3A_722 = arith.index_cast %swap3A_720 : i32 to index
        %swap3A_723 = arith.index_cast %swap3A_721 : i32 to index
        %swap3A_724 = arith.constant 32 : index
        %swap3A_725 = tpu.vector_load %arg7[%swap3A_722, %swap3A_723, %swap3A_724] {strides = array<i32>} : memref<3x2x80xi32, #tpu.memory_space<vmem>>, vector<1x1x16xi32>,
        %swap3A_726 = vector.shape_cast %swap3A_725 : vector<1x1x16xi32> to vector<16xi32>
        %swap3A_727 = vector.shape_cast %shift_right_logical3A_719 : vector<16xi32> to vector<1x1x16xi32>
        tpu.vector_store %arg7[%swap3A_722, %swap3A_723, %swap3A_724], %swap3A_727 {strides = array<i32>} : memref<3x2x80xi32, #tpu.memory_space<vmem>>, vector<1x1x16xi32>,
        %mul3A_728 = arith.constant 80 : i32
        %mul3A_729 = arith.muli %add3A_600, %mul3A_728 : i32
        %add3A_730 = arith.constant 48 : i32
        %add3A_731 = arith.addi %mul3A_729, %add3A_730 : i32
        %get3A_732 = arith.index_cast %add3A_731 : i32 to index
        %get3A_733 = tpu.vector_load %arg6[%get3A_732] {strides = array<i32>} : memref<10000xi32, #tpu.memory_space<vmem>>, vector<16xi32>,
        %get3A_734 = vector.shape_cast %get3A_733 : vector<16xi32> to vector<16xi32>
        %and3A_735 = arith.constant 16383 : i32
        %and3A_736 = vector.broadcast %and3A_735 : i32 to vector<16xi32>
        %and3A_737 = arith.andi %get3A_734, %and3A_736 : vector<16xi32>
        %swap3A_738 = arith.constant 1 : i32
        %swap3A_739 = arith.constant 0 : i32
        %swap3A_740 = arith.index_cast %swap3A_738 : i32 to index
        %swap3A_741 = arith.index_cast %swap3A_739 : i32 to index
        %swap3A_742 = arith.constant 48 : index
        %swap3A_743 = tpu.vector_load %arg7[%swap3A_740, %swap3A_741, %swap3A_742] {strides = array<i32>} : memref<3x2x80xi32, #tpu.memory_space<vmem>>, vector<1x1x16xi32>,
        %swap3A_744 = vector.shape_cast %swap3A_743 : vector<1x1x16xi32> to vector<16xi32>
        %swap3A_745 = vector.shape_cast %and3A_737 : vector<16xi32> to vector<1x1x16xi32>
        tpu.vector_store %arg7[%swap3A_740, %swap3A_741, %swap3A_742], %swap3A_745 {strides = array<i32>} : memref<3x2x80xi32, #tpu.memory_space<vmem>>, vector<1x1x16xi32>,
        %shift_right_logical3A_746 = arith.constant 14 : i32
        %shift_right_logical3A_747 = vector.broadcast %shift_right_logical3A_746 : i32 to vector<16xi32>
        %shift_right_logical3A_748 = arith.shrui %get3A_734, %shift_right_logical3A_747 : vector<16xi32>
        %swap3A_749 = arith.constant 1 : i32
        %swap3A_750 = arith.constant 1 : i32
        %swap3A_751 = arith.index_cast %swap3A_749 : i32 to index
        %swap3A_752 = arith.index_cast %swap3A_750 : i32 to index
        %swap3A_753 = arith.constant 48 : index
        %swap3A_754 = tpu.vector_load %arg7[%swap3A_751, %swap3A_752, %swap3A_753] {strides = array<i32>} : memref<3x2x80xi32, #tpu.memory_space<vmem>>, vector<1x1x16xi32>,
        %swap3A_755 = vector.shape_cast %swap3A_754 : vector<1x1x16xi32> to vector<16xi32>
        %swap3A_756 = vector.shape_cast %shift_right_logical3A_748 : vector<16xi32> to vector<1x1x16xi32>
        tpu.vector_store %arg7[%swap3A_751, %swap3A_752, %swap3A_753], %swap3A_756 {strides = array<i32>} : memref<3x2x80xi32, #tpu.memory_space<vmem>>, vector<1x1x16xi32>,
        %mul3A_757 = arith.constant 80 : i32
        %mul3A_758 = arith.muli %add3A_600, %mul3A_757 : i32
        %add3A_759 = arith.constant 64 : i32
        %add3A_760 = arith.addi %mul3A_758, %add3A_759 : i32
        %get3A_761 = arith.index_cast %add3A_760 : i32 to index
        %get3A_762 = tpu.vector_load %arg6[%get3A_761] {strides = array<i32>} : memref<10000xi32, #tpu.memory_space<vmem>>, vector<16xi32>,
        %get3A_763 = vector.shape_cast %get3A_762 : vector<16xi32> to vector<16xi32>
        %and3A_764 = arith.constant 16383 : i32
        %and3A_765 = vector.broadcast %and3A_764 : i32 to vector<16xi32>
        %and3A_766 = arith.andi %get3A_763, %and3A_765 : vector<16xi32>
        %swap3A_767 = arith.constant 1 : i32
        %swap3A_768 = arith.constant 0 : i32
        %swap3A_769 = arith.index_cast %swap3A_767 : i32 to index
        %swap3A_770 = arith.index_cast %swap3A_768 : i32 to index
        %swap3A_771 = arith.constant 64 : index
        %swap3A_772 = tpu.vector_load %arg7[%swap3A_769, %swap3A_770, %swap3A_771] {strides = array<i32>} : memref<3x2x80xi32, #tpu.memory_space<vmem>>, vector<1x1x16xi32>,
        %swap3A_773 = vector.shape_cast %swap3A_772 : vector<1x1x16xi32> to vector<16xi32>
        %swap3A_774 = vector.shape_cast %and3A_766 : vector<16xi32> to vector<1x1x16xi32>
        tpu.vector_store %arg7[%swap3A_769, %swap3A_770, %swap3A_771], %swap3A_774 {strides = array<i32>} : memref<3x2x80xi32, #tpu.memory_space<vmem>>, vector<1x1x16xi32>,
        %shift_right_logical3A_775 = arith.constant 14 : i32
        %shift_right_logical3A_776 = vector.broadcast %shift_right_logical3A_775 : i32 to vector<16xi32>
        %shift_right_logical3A_777 = arith.shrui %get3A_763, %shift_right_logical3A_776 : vector<16xi32>
        %swap3A_778 = arith.constant 1 : i32
        %swap3A_779 = arith.constant 1 : i32
        %swap3A_780 = arith.index_cast %swap3A_778 : i32 to index
        %swap3A_781 = arith.index_cast %swap3A_779 : i32 to index
        %swap3A_782 = arith.constant 64 : index
        %swap3A_783 = tpu.vector_load %arg7[%swap3A_780, %swap3A_781, %swap3A_782] {strides = array<i32>} : memref<3x2x80xi32, #tpu.memory_space<vmem>>, vector<1x1x16xi32>,
        %swap3A_784 = vector.shape_cast %swap3A_783 : vector<1x1x16xi32> to vector<16xi32>
        %swap3A_785 = vector.shape_cast %shift_right_logical3A_777 : vector<16xi32> to vector<1x1x16xi32>
        tpu.vector_store %arg7[%swap3A_780, %swap3A_781, %swap3A_782], %swap3A_785 {strides = array<i32>} : memref<3x2x80xi32, #tpu.memory_space<vmem>>, vector<1x1x16xi32>,
        %dma_start3A_786 = arith.constant 1 : i32
        %dma_start3A_787 = arith.constant 0 : i32
        %dma_start3A_788 = arith.constant 0 : i32
        %dma_start3A_789 = tpu.memref_slice %arg7[%dma_start3A_786, %dma_start3A_787, %dma_start3A_788] : memref<3x2x80xi32, #tpu.memory_space<vmem>> -> memref<1x1x80xi32, #tpu.memory_space<vmem>>
        %dma_start3A_790 = tpu.memref_squeeze %dma_start3A_789 : memref<1x1x80xi32, #tpu.memory_space<vmem>> -> memref<80xi32, #tpu.memory_space<vmem>>
        %dma_start3A_791 = arith.constant 0 : i32
        %dma_start3A_792 = arith.constant 0 : i32
        %dma_start3A_793 = tpu.memref_slice %arg2[%dma_start3A_791, %dma_start3A_792] : memref<10000x128xf32, #tpu.memory_space<hbm>> -> memref<10000x128xf32, #tpu.memory_space<hbm>>
        tpu.enqueue_indirect_dma source(%dma_start3A_793 : memref<10000x128xf32, #tpu.memory_space<hbm>>) target(%arg9 : memref<80x128xf32, #tpu.memory_space<vmem>>) offsets(%dma_start3A_790 : memref<80xi32, #tpu.memory_space<vmem>>) semaphore(%arg13 : memref<!tpu.dma_semaphore, #tpu.memory_space<semaphore_mem>>)
      } else {
      }
      %mul3A_606 = arith.constant 3 : i32
      %mul3A_607 = arith.muli %scan3A_536, %mul3A_606 : i32
      %add3A_608 = arith.constant 2 : i32
      %add3A_609 = arith.addi %mul3A_607, %add3A_608 : i32
      %dma_wait3A_610 = arith.constant 2 : i32
      %dma_wait3A_611 = arith.constant 0 : i32
      %dma_wait3A_612 = arith.constant 0 : i32
      %dma_wait3A_613 = tpu.memref_slice %arg7[%dma_wait3A_610, %dma_wait3A_611, %dma_wait3A_612] : memref<3x2x80xi32, #tpu.memory_space<vmem>> -> memref<1x1x80xi32, #tpu.memory_space<vmem>>
      %dma_wait3A_614 = tpu.memref_squeeze %dma_wait3A_613 : memref<1x1x80xi32, #tpu.memory_space<vmem>> -> memref<80xi32, #tpu.memory_space<vmem>>
      %dma_wait3A_615 = arith.constant 0 : i32
      %dma_wait3A_616 = arith.constant 0 : i32
      %dma_wait3A_617 = tpu.memref_slice %arg2[%dma_wait3A_615, %dma_wait3A_616] : memref<10000x128xf32, #tpu.memory_space<hbm>> -> memref<10000x128xf32, #tpu.memory_space<hbm>>
      tpu.wait_indirect_dma semaphore(%arg14 : memref<!tpu.dma_semaphore, #tpu.memory_space<semaphore_mem>>) src(%dma_wait3A_617 : memref<10000x128xf32, #tpu.memory_space<hbm>>) dst(%arg10 : memref<80x128xf32, #tpu.memory_space<vmem>>)
      %dma_start3A_618 = arith.constant 2 : i32
      %dma_start3A_619 = arith.constant 1 : i32
      %dma_start3A_620 = arith.constant 0 : i32
      %dma_start3A_621 = tpu.memref_slice %arg7[%dma_start3A_618, %dma_start3A_619, %dma_start3A_620] : memref<3x2x80xi32, #tpu.memory_space<vmem>> -> memref<1x1x80xi32, #tpu.memory_space<vmem>>
      %dma_start3A_622 = tpu.memref_squeeze %dma_start3A_621 : memref<1x1x80xi32, #tpu.memory_space<vmem>> -> memref<80xi32, #tpu.memory_space<vmem>>
      %dma_start3A_623 = arith.constant 0 : i32
      %dma_start3A_624 = arith.constant 0 : i32
      %dma_start3A_625 = tpu.memref_slice %arg11[%dma_start3A_623, %dma_start3A_624] : memref<10000x128xf32, #tpu.memory_space<vmem_shared>> -> memref<10000x128xf32, #tpu.memory_space<vmem_shared>>
      tpu.enqueue_indirect_dma source(%arg10 : memref<80x128xf32, #tpu.memory_space<vmem>>) target(%dma_start3A_625 : memref<10000x128xf32, #tpu.memory_space<vmem_shared>>) offsets(%dma_start3A_622 : memref<80xi32, #tpu.memory_space<vmem>>) semaphore(%arg17 : memref<!tpu.dma_semaphore, #tpu.memory_space<semaphore_mem>>) {add = true}
      %dma_wait3A_626 = arith.constant 2 : i32
      %dma_wait3A_627 = arith.constant 1 : i32
      %dma_wait3A_628 = arith.constant 0 : i32
      %dma_wait3A_629 = tpu.memref_slice %arg7[%dma_wait3A_626, %dma_wait3A_627, %dma_wait3A_628] : memref<3x2x80xi32, #tpu.memory_space<vmem>> -> memref<1x1x80xi32, #tpu.memory_space<vmem>>
      %dma_wait3A_630 = tpu.memref_squeeze %dma_wait3A_629 : memref<1x1x80xi32, #tpu.memory_space<vmem>> -> memref<80xi32, #tpu.memory_space<vmem>>
      %dma_wait3A_631 = arith.constant 0 : i32
      %dma_wait3A_632 = arith.constant 0 : i32
      %dma_wait3A_633 = tpu.memref_slice %arg11[%dma_wait3A_631, %dma_wait3A_632] : memref<10000x128xf32, #tpu.memory_space<vmem_shared>> -> memref<10000x128xf32, #tpu.memory_space<vmem_shared>>
      tpu.wait_indirect_dma semaphore(%arg17 : memref<!tpu.dma_semaphore, #tpu.memory_space<semaphore_mem>>) src(%arg10 : memref<80x128xf32, #tpu.memory_space<vmem>>) dst(%dma_wait3A_633 : memref<10000x128xf32, #tpu.memory_space<vmem_shared>>)
      %add3A_634 = arith.constant 3 : i32
      %add3A_635 = arith.addi %add3A_609, %add3A_634 : i32
      %lt3A_636 = arith.constant 125 : i32
      %lt3A_637 = arith.cmpi slt, %add3A_635, %lt3A_636 : i32
      %convert_element_type3A_638 = arith.extui %lt3A_637 : i1 to i32
      %cond3A_639 = arith.constant 0 : i32
      %cond3A_640 = arith.cmpi ne, %convert_element_type3A_638, %cond3A_639 : i32
      scf.if %cond3A_640 {
        %mul3A_641 = arith.constant 80 : i32
        %mul3A_642 = arith.muli %add3A_635, %mul3A_641 : i32
        %add3A_643 = arith.constant 0 : i32
        %add3A_644 = arith.addi %mul3A_642, %add3A_643 : i32
        %get3A_645 = arith.index_cast %add3A_644 : i32 to index
        %get3A_646 = tpu.vector_load %arg6[%get3A_645] {strides = array<i32>} : memref<10000xi32, #tpu.memory_space<vmem>>, vector<16xi32>,
        %get3A_647 = vector.shape_cast %get3A_646 : vector<16xi32> to vector<16xi32>
        %and3A_648 = arith.constant 16383 : i32
        %and3A_649 = vector.broadcast %and3A_648 : i32 to vector<16xi32>
        %and3A_650 = arith.andi %get3A_647, %and3A_649 : vector<16xi32>
        %swap3A_651 = arith.constant 2 : i32
        %swap3A_652 = arith.constant 0 : i32
        %swap3A_653 = arith.index_cast %swap3A_651 : i32 to index
        %swap3A_654 = arith.index_cast %swap3A_652 : i32 to index
        %swap3A_655 = arith.constant 0 : index
        %swap3A_656 = tpu.vector_load %arg7[%swap3A_653, %swap3A_654, %swap3A_655] {strides = array<i32>} : memref<3x2x80xi32, #tpu.memory_space<vmem>>, vector<1x1x16xi32>,
        %swap3A_657 = vector.shape_cast %swap3A_656 : vector<1x1x16xi32> to vector<16xi32>
        %swap3A_658 = vector.shape_cast %and3A_650 : vector<16xi32> to vector<1x1x16xi32>
        tpu.vector_store %arg7[%swap3A_653, %swap3A_654, %swap3A_655], %swap3A_658 {strides = array<i32>} : memref<3x2x80xi32, #tpu.memory_space<vmem>>, vector<1x1x16xi32>,
        %shift_right_logical3A_659 = arith.constant 14 : i32
        %shift_right_logical3A_660 = vector.broadcast %shift_right_logical3A_659 : i32 to vector<16xi32>
        %shift_right_logical3A_661 = arith.shrui %get3A_647, %shift_right_logical3A_660 : vector<16xi32>
        %swap3A_662 = arith.constant 2 : i32
        %swap3A_663 = arith.constant 1 : i32
        %swap3A_664 = arith.index_cast %swap3A_662 : i32 to index
        %swap3A_665 = arith.index_cast %swap3A_663 : i32 to index
        %swap3A_666 = arith.constant 0 : index
        %swap3A_667 = tpu.vector_load %arg7[%swap3A_664, %swap3A_665, %swap3A_666] {strides = array<i32>} : memref<3x2x80xi32, #tpu.memory_space<vmem>>, vector<1x1x16xi32>,
        %swap3A_668 = vector.shape_cast %swap3A_667 : vector<1x1x16xi32> to vector<16xi32>
        %swap3A_669 = vector.shape_cast %shift_right_logical3A_661 : vector<16xi32> to vector<1x1x16xi32>
        tpu.vector_store %arg7[%swap3A_664, %swap3A_665, %swap3A_666], %swap3A_669 {strides = array<i32>} : memref<3x2x80xi32, #tpu.memory_space<vmem>>, vector<1x1x16xi32>,
        %mul3A_670 = arith.constant 80 : i32
        %mul3A_671 = arith.muli %add3A_635, %mul3A_670 : i32
        %add3A_672 = arith.constant 16 : i32
        %add3A_673 = arith.addi %mul3A_671, %add3A_672 : i32
        %get3A_674 = arith.index_cast %add3A_673 : i32 to index
        %get3A_675 = tpu.vector_load %arg6[%get3A_674] {strides = array<i32>} : memref<10000xi32, #tpu.memory_space<vmem>>, vector<16xi32>,
        %get3A_676 = vector.shape_cast %get3A_675 : vector<16xi32> to vector<16xi32>
        %and3A_677 = arith.constant 16383 : i32
        %and3A_678 = vector.broadcast %and3A_677 : i32 to vector<16xi32>
        %and3A_679 = arith.andi %get3A_676, %and3A_678 : vector<16xi32>
        %swap3A_680 = arith.constant 2 : i32
        %swap3A_681 = arith.constant 0 : i32
        %swap3A_682 = arith.index_cast %swap3A_680 : i32 to index
        %swap3A_683 = arith.index_cast %swap3A_681 : i32 to index
        %swap3A_684 = arith.constant 16 : index
        %swap3A_685 = tpu.vector_load %arg7[%swap3A_682, %swap3A_683, %swap3A_684] {strides = array<i32>} : memref<3x2x80xi32, #tpu.memory_space<vmem>>, vector<1x1x16xi32>,
        %swap3A_686 = vector.shape_cast %swap3A_685 : vector<1x1x16xi32> to vector<16xi32>
        %swap3A_687 = vector.shape_cast %and3A_679 : vector<16xi32> to vector<1x1x16xi32>
        tpu.vector_store %arg7[%swap3A_682, %swap3A_683, %swap3A_684], %swap3A_687 {strides = array<i32>} : memref<3x2x80xi32, #tpu.memory_space<vmem>>, vector<1x1x16xi32>,
        %shift_right_logical3A_688 = arith.constant 14 : i32
        %shift_right_logical3A_689 = vector.broadcast %shift_right_logical3A_688 : i32 to vector<16xi32>
        %shift_right_logical3A_690 = arith.shrui %get3A_676, %shift_right_logical3A_689 : vector<16xi32>
        %swap3A_691 = arith.constant 2 : i32
        %swap3A_692 = arith.constant 1 : i32
        %swap3A_693 = arith.index_cast %swap3A_691 : i32 to index
        %swap3A_694 = arith.index_cast %swap3A_692 : i32 to index
        %swap3A_695 = arith.constant 16 : index
        %swap3A_696 = tpu.vector_load %arg7[%swap3A_693, %swap3A_694, %swap3A_695] {strides = array<i32>} : memref<3x2x80xi32, #tpu.memory_space<vmem>>, vector<1x1x16xi32>,
        %swap3A_697 = vector.shape_cast %swap3A_696 : vector<1x1x16xi32> to vector<16xi32>
        %swap3A_698 = vector.shape_cast %shift_right_logical3A_690 : vector<16xi32> to vector<1x1x16xi32>
        tpu.vector_store %arg7[%swap3A_693, %swap3A_694, %swap3A_695], %swap3A_698 {strides = array<i32>} : memref<3x2x80xi32, #tpu.memory_space<vmem>>, vector<1x1x16xi32>,
        %mul3A_699 = arith.constant 80 : i32
        %mul3A_700 = arith.muli %add3A_635, %mul3A_699 : i32
        %add3A_701 = arith.constant 32 : i32
        %add3A_702 = arith.addi %mul3A_700, %add3A_701 : i32
        %get3A_703 = arith.index_cast %add3A_702 : i32 to index
        %get3A_704 = tpu.vector_load %arg6[%get3A_703] {strides = array<i32>} : memref<10000xi32, #tpu.memory_space<vmem>>, vector<16xi32>,
        %get3A_705 = vector.shape_cast %get3A_704 : vector<16xi32> to vector<16xi32>
        %and3A_706 = arith.constant 16383 : i32
        %and3A_707 = vector.broadcast %and3A_706 : i32 to vector<16xi32>
        %and3A_708 = arith.andi %get3A_705, %and3A_707 : vector<16xi32>
        %swap3A_709 = arith.constant 2 : i32
        %swap3A_710 = arith.constant 0 : i32
        %swap3A_711 = arith.index_cast %swap3A_709 : i32 to index
        %swap3A_712 = arith.index_cast %swap3A_710 : i32 to index
        %swap3A_713 = arith.constant 32 : index
        %swap3A_714 = tpu.vector_load %arg7[%swap3A_711, %swap3A_712, %swap3A_713] {strides = array<i32>} : memref<3x2x80xi32, #tpu.memory_space<vmem>>, vector<1x1x16xi32>,
        %swap3A_715 = vector.shape_cast %swap3A_714 : vector<1x1x16xi32> to vector<16xi32>
        %swap3A_716 = vector.shape_cast %and3A_708 : vector<16xi32> to vector<1x1x16xi32>
        tpu.vector_store %arg7[%swap3A_711, %swap3A_712, %swap3A_713], %swap3A_716 {strides = array<i32>} : memref<3x2x80xi32, #tpu.memory_space<vmem>>, vector<1x1x16xi32>,
        %shift_right_logical3A_717 = arith.constant 14 : i32
        %shift_right_logical3A_718 = vector.broadcast %shift_right_logical3A_717 : i32 to vector<16xi32>
        %shift_right_logical3A_719 = arith.shrui %get3A_705, %shift_right_logical3A_718 : vector<16xi32>
        %swap3A_720 = arith.constant 2 : i32
        %swap3A_721 = arith.constant 1 : i32
        %swap3A_722 = arith.index_cast %swap3A_720 : i32 to index
        %swap3A_723 = arith.index_cast %swap3A_721 : i32 to index
        %swap3A_724 = arith.constant 32 : index
        %swap3A_725 = tpu.vector_load %arg7[%swap3A_722, %swap3A_723, %swap3A_724] {strides = array<i32>} : memref<3x2x80xi32, #tpu.memory_space<vmem>>, vector<1x1x16xi32>,
        %swap3A_726 = vector.shape_cast %swap3A_725 : vector<1x1x16xi32> to vector<16xi32>
        %swap3A_727 = vector.shape_cast %shift_right_logical3A_719 : vector<16xi32> to vector<1x1x16xi32>
        tpu.vector_store %arg7[%swap3A_722, %swap3A_723, %swap3A_724], %swap3A_727 {strides = array<i32>} : memref<3x2x80xi32, #tpu.memory_space<vmem>>, vector<1x1x16xi32>,
        %mul3A_728 = arith.constant 80 : i32
        %mul3A_729 = arith.muli %add3A_635, %mul3A_728 : i32
        %add3A_730 = arith.constant 48 : i32
        %add3A_731 = arith.addi %mul3A_729, %add3A_730 : i32
        %get3A_732 = arith.index_cast %add3A_731 : i32 to index
        %get3A_733 = tpu.vector_load %arg6[%get3A_732] {strides = array<i32>} : memref<10000xi32, #tpu.memory_space<vmem>>, vector<16xi32>,
        %get3A_734 = vector.shape_cast %get3A_733 : vector<16xi32> to vector<16xi32>
        %and3A_735 = arith.constant 16383 : i32
        %and3A_736 = vector.broadcast %and3A_735 : i32 to vector<16xi32>
        %and3A_737 = arith.andi %get3A_734, %and3A_736 : vector<16xi32>
        %swap3A_738 = arith.constant 2 : i32
        %swap3A_739 = arith.constant 0 : i32
        %swap3A_740 = arith.index_cast %swap3A_738 : i32 to index
        %swap3A_741 = arith.index_cast %swap3A_739 : i32 to index
        %swap3A_742 = arith.constant 48 : index
        %swap3A_743 = tpu.vector_load %arg7[%swap3A_740, %swap3A_741, %swap3A_742] {strides = array<i32>} : memref<3x2x80xi32, #tpu.memory_space<vmem>>, vector<1x1x16xi32>,
        %swap3A_744 = vector.shape_cast %swap3A_743 : vector<1x1x16xi32> to vector<16xi32>
        %swap3A_745 = vector.shape_cast %and3A_737 : vector<16xi32> to vector<1x1x16xi32>
        tpu.vector_store %arg7[%swap3A_740, %swap3A_741, %swap3A_742], %swap3A_745 {strides = array<i32>} : memref<3x2x80xi32, #tpu.memory_space<vmem>>, vector<1x1x16xi32>,
        %shift_right_logical3A_746 = arith.constant 14 : i32
        %shift_right_logical3A_747 = vector.broadcast %shift_right_logical3A_746 : i32 to vector<16xi32>
        %shift_right_logical3A_748 = arith.shrui %get3A_734, %shift_right_logical3A_747 : vector<16xi32>
        %swap3A_749 = arith.constant 2 : i32
        %swap3A_750 = arith.constant 1 : i32
        %swap3A_751 = arith.index_cast %swap3A_749 : i32 to index
        %swap3A_752 = arith.index_cast %swap3A_750 : i32 to index
        %swap3A_753 = arith.constant 48 : index
        %swap3A_754 = tpu.vector_load %arg7[%swap3A_751, %swap3A_752, %swap3A_753] {strides = array<i32>} : memref<3x2x80xi32, #tpu.memory_space<vmem>>, vector<1x1x16xi32>,
        %swap3A_755 = vector.shape_cast %swap3A_754 : vector<1x1x16xi32> to vector<16xi32>
        %swap3A_756 = vector.shape_cast %shift_right_logical3A_748 : vector<16xi32> to vector<1x1x16xi32>
        tpu.vector_store %arg7[%swap3A_751, %swap3A_752, %swap3A_753], %swap3A_756 {strides = array<i32>} : memref<3x2x80xi32, #tpu.memory_space<vmem>>, vector<1x1x16xi32>,
        %mul3A_757 = arith.constant 80 : i32
        %mul3A_758 = arith.muli %add3A_635, %mul3A_757 : i32
        %add3A_759 = arith.constant 64 : i32
        %add3A_760 = arith.addi %mul3A_758, %add3A_759 : i32
        %get3A_761 = arith.index_cast %add3A_760 : i32 to index
        %get3A_762 = tpu.vector_load %arg6[%get3A_761] {strides = array<i32>} : memref<10000xi32, #tpu.memory_space<vmem>>, vector<16xi32>,
        %get3A_763 = vector.shape_cast %get3A_762 : vector<16xi32> to vector<16xi32>
        %and3A_764 = arith.constant 16383 : i32
        %and3A_765 = vector.broadcast %and3A_764 : i32 to vector<16xi32>
        %and3A_766 = arith.andi %get3A_763, %and3A_765 : vector<16xi32>
        %swap3A_767 = arith.constant 2 : i32
        %swap3A_768 = arith.constant 0 : i32
        %swap3A_769 = arith.index_cast %swap3A_767 : i32 to index
        %swap3A_770 = arith.index_cast %swap3A_768 : i32 to index
        %swap3A_771 = arith.constant 64 : index
        %swap3A_772 = tpu.vector_load %arg7[%swap3A_769, %swap3A_770, %swap3A_771] {strides = array<i32>} : memref<3x2x80xi32, #tpu.memory_space<vmem>>, vector<1x1x16xi32>,
        %swap3A_773 = vector.shape_cast %swap3A_772 : vector<1x1x16xi32> to vector<16xi32>
        %swap3A_774 = vector.shape_cast %and3A_766 : vector<16xi32> to vector<1x1x16xi32>
        tpu.vector_store %arg7[%swap3A_769, %swap3A_770, %swap3A_771], %swap3A_774 {strides = array<i32>} : memref<3x2x80xi32, #tpu.memory_space<vmem>>, vector<1x1x16xi32>,
        %shift_right_logical3A_775 = arith.constant 14 : i32
        %shift_right_logical3A_776 = vector.broadcast %shift_right_logical3A_775 : i32 to vector<16xi32>
        %shift_right_logical3A_777 = arith.shrui %get3A_763, %shift_right_logical3A_776 : vector<16xi32>
        %swap3A_778 = arith.constant 2 : i32
        %swap3A_779 = arith.constant 1 : i32
        %swap3A_780 = arith.index_cast %swap3A_778 : i32 to index
        %swap3A_781 = arith.index_cast %swap3A_779 : i32 to index
        %swap3A_782 = arith.constant 64 : index
        %swap3A_783 = tpu.vector_load %arg7[%swap3A_780, %swap3A_781, %swap3A_782] {strides = array<i32>} : memref<3x2x80xi32, #tpu.memory_space<vmem>>, vector<1x1x16xi32>,
        %swap3A_784 = vector.shape_cast %swap3A_783 : vector<1x1x16xi32> to vector<16xi32>
        %swap3A_785 = vector.shape_cast %shift_right_logical3A_777 : vector<16xi32> to vector<1x1x16xi32>
        tpu.vector_store %arg7[%swap3A_780, %swap3A_781, %swap3A_782], %swap3A_785 {strides = array<i32>} : memref<3x2x80xi32, #tpu.memory_space<vmem>>, vector<1x1x16xi32>,
        %dma_start3A_786 = arith.constant 2 : i32
        %dma_start3A_787 = arith.constant 0 : i32
        %dma_start3A_788 = arith.constant 0 : i32
        %dma_start3A_789 = tpu.memref_slice %arg7[%dma_start3A_786, %dma_start3A_787, %dma_start3A_788] : memref<3x2x80xi32, #tpu.memory_space<vmem>> -> memref<1x1x80xi32, #tpu.memory_space<vmem>>
        %dma_start3A_790 = tpu.memref_squeeze %dma_start3A_789 : memref<1x1x80xi32, #tpu.memory_space<vmem>> -> memref<80xi32, #tpu.memory_space<vmem>>
        %dma_start3A_791 = arith.constant 0 : i32
        %dma_start3A_792 = arith.constant 0 : i32
        %dma_start3A_793 = tpu.memref_slice %arg2[%dma_start3A_791, %dma_start3A_792] : memref<10000x128xf32, #tpu.memory_space<hbm>> -> memref<10000x128xf32, #tpu.memory_space<hbm>>
        tpu.enqueue_indirect_dma source(%dma_start3A_793 : memref<10000x128xf32, #tpu.memory_space<hbm>>) target(%arg10 : memref<80x128xf32, #tpu.memory_space<vmem>>) offsets(%dma_start3A_790 : memref<80xi32, #tpu.memory_space<vmem>>) semaphore(%arg14 : memref<!tpu.dma_semaphore, #tpu.memory_space<semaphore_mem>>)
      } else {
      }
    }
    %scan3A_478 = arith.constant 41 : i32
    %dma_wait3A = arith.constant 0 : i32
    %dma_wait3A_479 = arith.constant 0 : i32
    %dma_wait3A_480 = arith.constant 0 : i32
    %dma_wait3A_481 = tpu.memref_slice %arg7[%dma_wait3A, %dma_wait3A_479, %dma_wait3A_480] : memref<3x2x80xi32, #tpu.memory_space<vmem>> -> memref<1x1x80xi32, #tpu.memory_space<vmem>>
    %dma_wait3A_482 = tpu.memref_squeeze %dma_wait3A_481 : memref<1x1x80xi32, #tpu.memory_space<vmem>> -> memref<80xi32, #tpu.memory_space<vmem>>
    %dma_wait3A_483 = arith.constant 0 : i32
    %dma_wait3A_484 = arith.constant 0 : i32
    %dma_wait3A_485 = tpu.memref_slice %arg2[%dma_wait3A_483, %dma_wait3A_484] : memref<10000x128xf32, #tpu.memory_space<hbm>> -> memref<10000x128xf32, #tpu.memory_space<hbm>>
    tpu.wait_indirect_dma semaphore(%arg12 : memref<!tpu.dma_semaphore, #tpu.memory_space<semaphore_mem>>) src(%dma_wait3A_485 : memref<10000x128xf32, #tpu.memory_space<hbm>>) dst(%arg8 : memref<80x128xf32, #tpu.memory_space<vmem>>)
    %dma_start3A_486 = arith.constant 0 : i32
    %dma_start3A_487 = arith.constant 1 : i32
    %dma_start3A_488 = arith.constant 0 : i32
    %dma_start3A_489 = tpu.memref_slice %arg7[%dma_start3A_486, %dma_start3A_487, %dma_start3A_488] : memref<3x2x80xi32, #tpu.memory_space<vmem>> -> memref<1x1x80xi32, #tpu.memory_space<vmem>>
    %dma_start3A_490 = tpu.memref_squeeze %dma_start3A_489 : memref<1x1x80xi32, #tpu.memory_space<vmem>> -> memref<80xi32, #tpu.memory_space<vmem>>
    %dma_start3A_491 = arith.constant 0 : i32
    %dma_start3A_492 = arith.constant 0 : i32
    %dma_start3A_493 = tpu.memref_slice %arg11[%dma_start3A_491, %dma_start3A_492] : memref<10000x128xf32, #tpu.memory_space<vmem_shared>> -> memref<10000x128xf32, #tpu.memory_space<vmem_shared>>
    tpu.enqueue_indirect_dma source(%arg8 : memref<80x128xf32, #tpu.memory_space<vmem>>) target(%dma_start3A_493 : memref<10000x128xf32, #tpu.memory_space<vmem_shared>>) offsets(%dma_start3A_490 : memref<80xi32, #tpu.memory_space<vmem>>) semaphore(%arg15 : memref<!tpu.dma_semaphore, #tpu.memory_space<semaphore_mem>>) {add = true}
    %dma_wait3A_494 = arith.constant 0 : i32
    %dma_wait3A_495 = arith.constant 1 : i32
    %dma_wait3A_496 = arith.constant 0 : i32
    %dma_wait3A_497 = tpu.memref_slice %arg7[%dma_wait3A_494, %dma_wait3A_495, %dma_wait3A_496] : memref<3x2x80xi32, #tpu.memory_space<vmem>> -> memref<1x1x80xi32, #tpu.memory_space<vmem>>
    %dma_wait3A_498 = tpu.memref_squeeze %dma_wait3A_497 : memref<1x1x80xi32, #tpu.memory_space<vmem>> -> memref<80xi32, #tpu.memory_space<vmem>>
    %dma_wait3A_499 = arith.constant 0 : i32
    %dma_wait3A_500 = arith.constant 0 : i32
    %dma_wait3A_501 = tpu.memref_slice %arg11[%dma_wait3A_499, %dma_wait3A_500] : memref<10000x128xf32, #tpu.memory_space<vmem_shared>> -> memref<10000x128xf32, #tpu.memory_space<vmem_shared>>
    tpu.wait_indirect_dma semaphore(%arg15 : memref<!tpu.dma_semaphore, #tpu.memory_space<semaphore_mem>>) src(%arg8 : memref<80x128xf32, #tpu.memory_space<vmem>>) dst(%dma_wait3A_501 : memref<10000x128xf32, #tpu.memory_space<vmem_shared>>)
    %dma_wait3A_502 = arith.constant 1 : i32
    %dma_wait3A_503 = arith.constant 0 : i32
    %dma_wait3A_504 = arith.constant 0 : i32
    %dma_wait3A_505 = tpu.memref_slice %arg7[%dma_wait3A_502, %dma_wait3A_503, %dma_wait3A_504] : memref<3x2x80xi32, #tpu.memory_space<vmem>> -> memref<1x1x80xi32, #tpu.memory_space<vmem>>
    %dma_wait3A_506 = tpu.memref_squeeze %dma_wait3A_505 : memref<1x1x80xi32, #tpu.memory_space<vmem>> -> memref<80xi32, #tpu.memory_space<vmem>>
    %dma_wait3A_507 = arith.constant 0 : i32
    %dma_wait3A_508 = arith.constant 0 : i32
    %dma_wait3A_509 = tpu.memref_slice %arg2[%dma_wait3A_507, %dma_wait3A_508] : memref<10000x128xf32, #tpu.memory_space<hbm>> -> memref<10000x128xf32, #tpu.memory_space<hbm>>
    tpu.wait_indirect_dma semaphore(%arg13 : memref<!tpu.dma_semaphore, #tpu.memory_space<semaphore_mem>>) src(%dma_wait3A_509 : memref<10000x128xf32, #tpu.memory_space<hbm>>) dst(%arg9 : memref<80x128xf32, #tpu.memory_space<vmem>>)
    %dma_start3A_510 = arith.constant 1 : i32
    %dma_start3A_511 = arith.constant 1 : i32
    %dma_start3A_512 = arith.constant 0 : i32
    %dma_start3A_513 = tpu.memref_slice %arg7[%dma_start3A_510, %dma_start3A_511, %dma_start3A_512] : memref<3x2x80xi32, #tpu.memory_space<vmem>> -> memref<1x1x80xi32, #tpu.memory_space<vmem>>
    %dma_start3A_514 = tpu.memref_squeeze %dma_start3A_513 : memref<1x1x80xi32, #tpu.memory_space<vmem>> -> memref<80xi32, #tpu.memory_space<vmem>>
    %dma_start3A_515 = arith.constant 0 : i32
    %dma_start3A_516 = arith.constant 0 : i32
    %dma_start3A_517 = tpu.memref_slice %arg11[%dma_start3A_515, %dma_start3A_516] : memref<10000x128xf32, #tpu.memory_space<vmem_shared>> -> memref<10000x128xf32, #tpu.memory_space<vmem_shared>>
    tpu.enqueue_indirect_dma source(%arg9 : memref<80x128xf32, #tpu.memory_space<vmem>>) target(%dma_start3A_517 : memref<10000x128xf32, #tpu.memory_space<vmem_shared>>) offsets(%dma_start3A_514 : memref<80xi32, #tpu.memory_space<vmem>>) semaphore(%arg16 : memref<!tpu.dma_semaphore, #tpu.memory_space<semaphore_mem>>) {add = true}
    %dma_wait3A_518 = arith.constant 1 : i32
    %dma_wait3A_519 = arith.constant 1 : i32
    %dma_wait3A_520 = arith.constant 0 : i32
    %dma_wait3A_521 = tpu.memref_slice %arg7[%dma_wait3A_518, %dma_wait3A_519, %dma_wait3A_520] : memref<3x2x80xi32, #tpu.memory_space<vmem>> -> memref<1x1x80xi32, #tpu.memory_space<vmem>>
    %dma_wait3A_522 = tpu.memref_squeeze %dma_wait3A_521 : memref<1x1x80xi32, #tpu.memory_space<vmem>> -> memref<80xi32, #tpu.memory_space<vmem>>
    %dma_wait3A_523 = arith.constant 0 : i32
    %dma_wait3A_524 = arith.constant 0 : i32
    %dma_wait3A_525 = tpu.memref_slice %arg11[%dma_wait3A_523, %dma_wait3A_524] : memref<10000x128xf32, #tpu.memory_space<vmem_shared>> -> memref<10000x128xf32, #tpu.memory_space<vmem_shared>>
    tpu.wait_indirect_dma semaphore(%arg16 : memref<!tpu.dma_semaphore, #tpu.memory_space<semaphore_mem>>) src(%arg9 : memref<80x128xf32, #tpu.memory_space<vmem>>) dst(%dma_wait3A_525 : memref<10000x128xf32, #tpu.memory_space<vmem_shared>>)
    %barrier3A_526 = arith.constant 0 : index
    tpu.barrier barrier_id(%barrier3A_526)
    %mul3A_527 = arith.constant 624 : i32
    %mul3A_528 = arith.muli %arg1, %mul3A_527 : i32
    %mul3A_529 = arith.constant 624 : i32
    %mul3A_530 = arith.muli %arg1, %mul3A_529 : i32
    "tpu.region"() ({
      %run_scoped3A = tpu.sem_alloc : memref<!tpu.dma_semaphore, #tpu.memory_space<semaphore_mem>>
      %dma_start3A_536 = arith.constant 0 : i32
      %dma_start3A_537 = tpu.memref_slice %arg5[%arg0, %mul3A_530, %dma_start3A_536] : memref<2x10000x128xf32, #tpu.memory_space<hbm>> -> memref<1x624x128xf32, #tpu.memory_space<hbm>>
      %dma_start3A_538 = tpu.memref_squeeze %dma_start3A_537 : memref<1x624x128xf32, #tpu.memory_space<hbm>> -> memref<624x128xf32, #tpu.memory_space<hbm>>
      %dma_start3A_539 = arith.constant 0 : i32
      %dma_start3A_540 = tpu.memref_slice %arg11[%mul3A_528, %dma_start3A_539] : memref<10000x128xf32, #tpu.memory_space<vmem_shared>> -> memref<624x128xf32, #tpu.memory_space<vmem_shared>>
      tpu.enqueue_dma source(%dma_start3A_540 : memref<624x128xf32, #tpu.memory_space<vmem_shared>>) target(%dma_start3A_538 : memref<624x128xf32, #tpu.memory_space<hbm>>) target_semaphore(%run_scoped3A : memref<!tpu.dma_semaphore, #tpu.memory_space<semaphore_mem>>)
      %dma_wait3A_541 = arith.constant 0 : i32
      %dma_wait3A_542 = tpu.memref_slice %arg5[%arg0, %mul3A_530, %dma_wait3A_541] : memref<2x10000x128xf32, #tpu.memory_space<hbm>> -> memref<1x624x128xf32, #tpu.memory_space<hbm>>
      %dma_wait3A_543 = tpu.memref_squeeze %dma_wait3A_542 : memref<1x624x128xf32, #tpu.memory_space<hbm>> -> memref<624x128xf32, #tpu.memory_space<hbm>>
      %dma_wait3A_544 = arith.constant 0 : i32
      %dma_wait3A_545 = tpu.memref_slice %arg11[%mul3A_528, %dma_wait3A_544] : memref<10000x128xf32, #tpu.memory_space<vmem_shared>> -> memref<624x128xf32, #tpu.memory_space<vmem_shared>>
      tpu.wait_dma2 semaphore(%run_scoped3A : memref<!tpu.dma_semaphore, #tpu.memory_space<semaphore_mem>>) src(%dma_wait3A_545 : memref<624x128xf32, #tpu.memory_space<vmem_shared>>) dst(%dma_wait3A_543 : memref<624x128xf32, #tpu.memory_space<hbm>>)
      tpu.yield
    }) : () -> ()
    %eq3A_531 = arith.constant 0 : i32
    %eq3A_532 = arith.cmpi eq, %arg1, %eq3A_531 : i32
    %convert_element_type3A_533 = arith.extui %eq3A_532 : i1 to i32
    %cond3A_534 = arith.constant 0 : i32
    %cond3A_535 = arith.cmpi ne, %convert_element_type3A_533, %cond3A_534 : i32
    scf.if %cond3A_535 {
      "tpu.region"() ({
        %run_scoped3A = tpu.sem_alloc : memref<!tpu.dma_semaphore, #tpu.memory_space<semaphore_mem>>
        %dma_start3A_536 = arith.constant 9984 : i32
        %dma_start3A_537 = arith.constant 0 : i32
        %dma_start3A_538 = tpu.memref_slice %arg5[%arg0, %dma_start3A_536, %dma_start3A_537] : memref<2x10000x128xf32, #tpu.memory_space<hbm>> -> memref<1x16x128xf32, #tpu.memory_space<hbm>>
        %dma_start3A_539 = tpu.memref_squeeze %dma_start3A_538 : memref<1x16x128xf32, #tpu.memory_space<hbm>> -> memref<16x128xf32, #tpu.memory_space<hbm>>
        %dma_start3A_540 = arith.constant 9984 : i32
        %dma_start3A_541 = arith.constant 0 : i32
        %dma_start3A_542 = tpu.memref_slice %arg11[%dma_start3A_540, %dma_start3A_541] : memref<10000x128xf32, #tpu.memory_space<vmem_shared>> -> memref<16x128xf32, #tpu.memory_space<vmem_shared>>
        tpu.enqueue_dma source(%dma_start3A_542 : memref<16x128xf32, #tpu.memory_space<vmem_shared>>) target(%dma_start3A_539 : memref<16x128xf32, #tpu.memory_space<hbm>>) target_semaphore(%run_scoped3A : memref<!tpu.dma_semaphore, #tpu.memory_space<semaphore_mem>>)
        %dma_wait3A_543 = arith.constant 9984 : i32
        %dma_wait3A_544 = arith.constant 0 : i32
        %dma_wait3A_545 = tpu.memref_slice %arg5[%arg0, %dma_wait3A_543, %dma_wait3A_544] : memref<2x10000x128xf32, #tpu.memory_space<hbm>> -> memref<1x16x128xf32, #tpu.memory_space<hbm>>
        %dma_wait3A_546 = tpu.memref_squeeze %dma_wait3A_545 : memref<1x16x128xf32, #tpu.memory_space<hbm>> -> memref<16x128xf32, #tpu.memory_space<hbm>>
        %dma_wait3A_547 = arith.constant 9984 : i32
        %dma_wait3A_548 = arith.constant 0 : i32
        %dma_wait3A_549 = tpu.memref_slice %arg11[%dma_wait3A_547, %dma_wait3A_548] : memref<10000x128xf32, #tpu.memory_space<vmem_shared>> -> memref<16x128xf32, #tpu.memory_space<vmem_shared>>
        tpu.wait_dma2 semaphore(%run_scoped3A : memref<!tpu.dma_semaphore, #tpu.memory_space<semaphore_mem>>) src(%dma_wait3A_549 : memref<16x128xf32, #tpu.memory_space<vmem_shared>>) dst(%dma_wait3A_546 : memref<16x128xf32, #tpu.memory_space<hbm>>)
        tpu.yield
      }) : () -> ()
    } else {
    }
    return
  }
}

module attributes {stable_mosaic.version = 14 : i64} {
  func.func @_mlp_body(%arg0: memref<10000x128xf32, #tpu.memory_space<vmem>>, %arg1: memref<2x10000x128xf32, #tpu.memory_space<vmem>>, %arg2: memref<1x1xf32, #tpu.memory_space<vmem>>, %arg3: memref<128x128xf32, #tpu.memory_space<vmem>>, %arg4: memref<1x128xf32, #tpu.memory_space<vmem>>, %arg5: memref<128x128xf32, #tpu.memory_space<vmem>>, %arg6: memref<1x128xf32, #tpu.memory_space<vmem>>, %arg7: memref<1x128xf32, #tpu.memory_space<vmem>>, %arg8: memref<1x128xf32, #tpu.memory_space<vmem>>, %arg9: memref<10000x128xf32, #tpu.memory_space<vmem>>) attributes {dimension_semantics = [], scalar_prefetch = 0 : i64, scratch_operands = 0 : i64, tpu.core_type = #tpu.core_type<tc>} {
    %get3A = arith.constant 0 : index
    %get3A_0 = arith.constant 0 : index
    %get3A_1 = vector.load %arg0[%get3A, %get3A_0] : memref<10000x128xf32, #tpu.memory_space<vmem>>, vector<10000x128xf32>
    %get3A_2 = arith.constant 0 : index
    %get3A_3 = arith.constant 0 : index
    %get3A_4 = vector.load %arg2[%get3A_2, %get3A_3] : memref<1x1xf32, #tpu.memory_space<vmem>>, vector<1x1xf32>
    %mul3A = vector.broadcast %get3A_4 : vector<1x1xf32> to vector<10000x128xf32>
    %mul3A_5 = arith.mulf %get3A_1, %mul3A : vector<10000x128xf32>
    %get3A_6 = arith.constant 0 : index
    %get3A_7 = arith.constant 0 : index
    %get3A_8 = arith.constant 0 : index
    %get3A_9 = vector.load %arg1[%get3A_6, %get3A_7, %get3A_8] : memref<2x10000x128xf32, #tpu.memory_space<vmem>>, vector<1x10000x128xf32>
    %get3A_10 = vector.shape_cast %get3A_9 : vector<1x10000x128xf32> to vector<10000x128xf32>
    %add3A = arith.addf %mul3A_5, %get3A_10 : vector<10000x128xf32>
    %get3A_11 = arith.constant 1 : index
    %get3A_12 = arith.constant 0 : index
    %get3A_13 = arith.constant 0 : index
    %get3A_14 = vector.load %arg1[%get3A_11, %get3A_12, %get3A_13] : memref<2x10000x128xf32, #tpu.memory_space<vmem>>, vector<1x10000x128xf32>
    %get3A_15 = vector.shape_cast %get3A_14 : vector<1x10000x128xf32> to vector<10000x128xf32>
    %add3A_16 = arith.addf %add3A, %get3A_15 : vector<10000x128xf32>
    %get3A_17 = arith.constant 0 : index
    %get3A_18 = arith.constant 0 : index
    %get3A_19 = vector.load %arg3[%get3A_17, %get3A_18] : memref<128x128xf32, #tpu.memory_space<vmem>>, vector<128x128xf32>
    %dot_general3A = arith.constant dense<0.000000e+00> : vector<10000x128xf32>
    %dot_general3A_20 = tpu.matmul %add3A_16, %get3A_19, %dot_general3A {dimension_numbers = #tpu.dot_dimension_numbers<[1], [0], [0], [1], [0, 0, 1, 1], [], []>, transpose_lhs_hint = false} : vector<10000x128xf32>, vector<128x128xf32>, vector<10000x128xf32> -> vector<10000x128xf32>
    %get3A_21 = arith.constant 0 : index
    %get3A_22 = arith.constant 0 : index
    %get3A_23 = vector.load %arg4[%get3A_21, %get3A_22] : memref<1x128xf32, #tpu.memory_space<vmem>>, vector<1x128xf32>
    %add3A_24 = vector.broadcast %get3A_23 : vector<1x128xf32> to vector<10000x128xf32>
    %add3A_25 = arith.addf %dot_general3A_20, %add3A_24 : vector<10000x128xf32>
    %max3A = arith.constant 0.000000e+00 : f32
    %max3A_26 = vector.broadcast %max3A : f32 to vector<10000x128xf32>
    %max3A_27 = arith.maximumf %add3A_25, %max3A_26 : vector<10000x128xf32>
    %get3A_28 = arith.constant 0 : index
    %get3A_29 = arith.constant 0 : index
    %get3A_30 = vector.load %arg5[%get3A_28, %get3A_29] : memref<128x128xf32, #tpu.memory_space<vmem>>, vector<128x128xf32>
    %dot_general3A_31 = arith.constant dense<0.000000e+00> : vector<10000x128xf32>
    %dot_general3A_32 = tpu.matmul %max3A_27, %get3A_30, %dot_general3A_31 {dimension_numbers = #tpu.dot_dimension_numbers<[1], [0], [0], [1], [0, 0, 1, 1], [], []>, transpose_lhs_hint = false} : vector<10000x128xf32>, vector<128x128xf32>, vector<10000x128xf32> -> vector<10000x128xf32>
    %get3A_33 = arith.constant 0 : index
    %get3A_34 = arith.constant 0 : index
    %get3A_35 = vector.load %arg6[%get3A_33, %get3A_34] : memref<1x128xf32, #tpu.memory_space<vmem>>, vector<1x128xf32>
    %add3A_36 = vector.broadcast %get3A_35 : vector<1x128xf32> to vector<10000x128xf32>
    %add3A_37 = arith.addf %dot_general3A_32, %add3A_36 : vector<10000x128xf32>
    %reduce_sum3A = arith.constant dense<0.000000e+00> : vector<128xf32>
    %reduce_sum3A_38 = vector.multi_reduction <add>, %add3A_37, %reduce_sum3A [0] : vector<10000x128xf32> to vector<128xf32>
    %broadcast_in_dim3A = vector.shape_cast %reduce_sum3A_38 : vector<128xf32> to vector<1x128xf32>
    %div3A = arith.constant 1.000000e+04 : f32
    %div3A_39 = vector.broadcast %div3A : f32 to vector<1x128xf32>
    %div3A_40 = arith.divf %broadcast_in_dim3A, %div3A_39 : vector<1x128xf32>
    %sub3A = vector.broadcast %div3A_40 : vector<1x128xf32> to vector<10000x128xf32>
    %sub3A_41 = arith.subf %add3A_37, %sub3A : vector<10000x128xf32>
    %sub3A_42 = vector.broadcast %div3A_40 : vector<1x128xf32> to vector<10000x128xf32>
    %sub3A_43 = arith.subf %add3A_37, %sub3A_42 : vector<10000x128xf32>
    %mul3A_44 = arith.mulf %sub3A_41, %sub3A_43 : vector<10000x128xf32>
    %reduce_sum3A_45 = arith.constant dense<0.000000e+00> : vector<128xf32>
    %reduce_sum3A_46 = vector.multi_reduction <add>, %mul3A_44, %reduce_sum3A_45 [0] : vector<10000x128xf32> to vector<128xf32>
    %broadcast_in_dim3A_47 = vector.shape_cast %reduce_sum3A_46 : vector<128xf32> to vector<1x128xf32>
    %div3A_48 = arith.constant 1.000000e+04 : f32
    %div3A_49 = vector.broadcast %div3A_48 : f32 to vector<1x128xf32>
    %div3A_50 = arith.divf %broadcast_in_dim3A_47, %div3A_49 : vector<1x128xf32>
    %sub3A_51 = vector.broadcast %div3A_40 : vector<1x128xf32> to vector<10000x128xf32>
    %sub3A_52 = arith.subf %add3A_37, %sub3A_51 : vector<10000x128xf32>
    %add3A_53 = arith.constant 9.99999974E-6 : f32
    %add3A_54 = vector.broadcast %add3A_53 : f32 to vector<1x128xf32>
    %add3A_55 = arith.addf %div3A_50, %add3A_54 : vector<1x128xf32>
    %rsqrt3A = math.rsqrt %add3A_55 : vector<1x128xf32>
    %mul3A_56 = vector.broadcast %rsqrt3A : vector<1x128xf32> to vector<10000x128xf32>
    %mul3A_57 = arith.mulf %sub3A_52, %mul3A_56 : vector<10000x128xf32>
    %get3A_58 = arith.constant 0 : index
    %get3A_59 = arith.constant 0 : index
    %get3A_60 = vector.load %arg7[%get3A_58, %get3A_59] : memref<1x128xf32, #tpu.memory_space<vmem>>, vector<1x128xf32>
    %mul3A_61 = vector.broadcast %get3A_60 : vector<1x128xf32> to vector<10000x128xf32>
    %mul3A_62 = arith.mulf %mul3A_57, %mul3A_61 : vector<10000x128xf32>
    %get3A_63 = arith.constant 0 : index
    %get3A_64 = arith.constant 0 : index
    %get3A_65 = vector.load %arg8[%get3A_63, %get3A_64] : memref<1x128xf32, #tpu.memory_space<vmem>>, vector<1x128xf32>
    %add3A_66 = vector.broadcast %get3A_65 : vector<1x128xf32> to vector<10000x128xf32>
    %add3A_67 = arith.addf %mul3A_62, %add3A_66 : vector<10000x128xf32>
    %max3A_68 = arith.constant 0.000000e+00 : f32
    %max3A_69 = vector.broadcast %max3A_68 : f32 to vector<10000x128xf32>
    %max3A_70 = arith.maximumf %add3A_67, %max3A_69 : vector<10000x128xf32>
    %swap3A = arith.constant 0 : index
    %swap3A_71 = arith.constant 0 : index
    %swap3A_72 = vector.load %arg9[%swap3A, %swap3A_71] : memref<10000x128xf32, #tpu.memory_space<vmem>>, vector<10000x128xf32>
    tpu.vector_store %arg9[%swap3A, %swap3A_71], %max3A_70 {strides = array<i32>} : memref<10000x128xf32, #tpu.memory_space<vmem>>, vector<10000x128xf32>,
    return
  }
}

module attributes {stable_mosaic.version = 14 : i64} {
  func.func @_final_body(%arg0: memref<10000x128xf32, #tpu.memory_space<vmem>>, %arg1: memref<2x10000x128xf32, #tpu.memory_space<vmem>>, %arg2: memref<1x1xf32, #tpu.memory_space<vmem>>, %arg3: memref<128x128xf32, #tpu.memory_space<vmem>>, %arg4: memref<1x128xf32, #tpu.memory_space<vmem>>, %arg5: memref<128x128xf32, #tpu.memory_space<vmem>>, %arg6: memref<1x128xf32, #tpu.memory_space<vmem>>, %arg7: memref<1x128xf32, #tpu.memory_space<vmem>>, %arg8: memref<1x128xf32, #tpu.memory_space<vmem>>, %arg9: memref<1x10000xi32, #tpu.memory_space<vmem>>, %arg10: memref<128x128xf32, #tpu.memory_space<vmem>>, %arg11: memref<1x128xf32, #tpu.memory_space<vmem>>, %arg12: memref<128x128xf32, #tpu.memory_space<vmem>>, %arg13: memref<1x128xf32, #tpu.memory_space<vmem>>, %arg14: memref<64x128xf32, #tpu.memory_space<vmem>>) attributes {dimension_semantics = [], scalar_prefetch = 0 : i64, scratch_operands = 0 : i64, tpu.core_type = #tpu.core_type<tc>} {
    %get3A = arith.constant 0 : index
    %get3A_0 = arith.constant 0 : index
    %get3A_1 = vector.load %arg0[%get3A, %get3A_0] : memref<10000x128xf32, #tpu.memory_space<vmem>>, vector<10000x128xf32>
    %get3A_2 = arith.constant 0 : index
    %get3A_3 = arith.constant 0 : index
    %get3A_4 = vector.load %arg2[%get3A_2, %get3A_3] : memref<1x1xf32, #tpu.memory_space<vmem>>, vector<1x1xf32>
    %mul3A = vector.broadcast %get3A_4 : vector<1x1xf32> to vector<10000x128xf32>
    %mul3A_5 = arith.mulf %get3A_1, %mul3A : vector<10000x128xf32>
    %get3A_6 = arith.constant 0 : index
    %get3A_7 = arith.constant 0 : index
    %get3A_8 = arith.constant 0 : index
    %get3A_9 = vector.load %arg1[%get3A_6, %get3A_7, %get3A_8] : memref<2x10000x128xf32, #tpu.memory_space<vmem>>, vector<1x10000x128xf32>
    %get3A_10 = vector.shape_cast %get3A_9 : vector<1x10000x128xf32> to vector<10000x128xf32>
    %add3A = arith.addf %mul3A_5, %get3A_10 : vector<10000x128xf32>
    %get3A_11 = arith.constant 1 : index
    %get3A_12 = arith.constant 0 : index
    %get3A_13 = arith.constant 0 : index
    %get3A_14 = vector.load %arg1[%get3A_11, %get3A_12, %get3A_13] : memref<2x10000x128xf32, #tpu.memory_space<vmem>>, vector<1x10000x128xf32>
    %get3A_15 = vector.shape_cast %get3A_14 : vector<1x10000x128xf32> to vector<10000x128xf32>
    %add3A_16 = arith.addf %add3A, %get3A_15 : vector<10000x128xf32>
    %get3A_17 = arith.constant 0 : index
    %get3A_18 = arith.constant 0 : index
    %get3A_19 = vector.load %arg3[%get3A_17, %get3A_18] : memref<128x128xf32, #tpu.memory_space<vmem>>, vector<128x128xf32>
    %dot_general3A = arith.constant dense<0.000000e+00> : vector<10000x128xf32>
    %dot_general3A_20 = tpu.matmul %add3A_16, %get3A_19, %dot_general3A {dimension_numbers = #tpu.dot_dimension_numbers<[1], [0], [0], [1], [0, 0, 1, 1], [], []>, transpose_lhs_hint = false} : vector<10000x128xf32>, vector<128x128xf32>, vector<10000x128xf32> -> vector<10000x128xf32>
    %get3A_21 = arith.constant 0 : index
    %get3A_22 = arith.constant 0 : index
    %get3A_23 = vector.load %arg4[%get3A_21, %get3A_22] : memref<1x128xf32, #tpu.memory_space<vmem>>, vector<1x128xf32>
    %add3A_24 = vector.broadcast %get3A_23 : vector<1x128xf32> to vector<10000x128xf32>
    %add3A_25 = arith.addf %dot_general3A_20, %add3A_24 : vector<10000x128xf32>
    %max3A = arith.constant 0.000000e+00 : f32
    %max3A_26 = vector.broadcast %max3A : f32 to vector<10000x128xf32>
    %max3A_27 = arith.maximumf %add3A_25, %max3A_26 : vector<10000x128xf32>
    %get3A_28 = arith.constant 0 : index
    %get3A_29 = arith.constant 0 : index
    %get3A_30 = vector.load %arg5[%get3A_28, %get3A_29] : memref<128x128xf32, #tpu.memory_space<vmem>>, vector<128x128xf32>
    %dot_general3A_31 = arith.constant dense<0.000000e+00> : vector<10000x128xf32>
    %dot_general3A_32 = tpu.matmul %max3A_27, %get3A_30, %dot_general3A_31 {dimension_numbers = #tpu.dot_dimension_numbers<[1], [0], [0], [1], [0, 0, 1, 1], [], []>, transpose_lhs_hint = false} : vector<10000x128xf32>, vector<128x128xf32>, vector<10000x128xf32> -> vector<10000x128xf32>
    %get3A_33 = arith.constant 0 : index
    %get3A_34 = arith.constant 0 : index
    %get3A_35 = vector.load %arg6[%get3A_33, %get3A_34] : memref<1x128xf32, #tpu.memory_space<vmem>>, vector<1x128xf32>
    %add3A_36 = vector.broadcast %get3A_35 : vector<1x128xf32> to vector<10000x128xf32>
    %add3A_37 = arith.addf %dot_general3A_32, %add3A_36 : vector<10000x128xf32>
    %reduce_sum3A = arith.constant dense<0.000000e+00> : vector<128xf32>
    %reduce_sum3A_38 = vector.multi_reduction <add>, %add3A_37, %reduce_sum3A [0] : vector<10000x128xf32> to vector<128xf32>
    %broadcast_in_dim3A = vector.shape_cast %reduce_sum3A_38 : vector<128xf32> to vector<1x128xf32>
    %div3A = arith.constant 1.000000e+04 : f32
    %div3A_39 = vector.broadcast %div3A : f32 to vector<1x128xf32>
    %div3A_40 = arith.divf %broadcast_in_dim3A, %div3A_39 : vector<1x128xf32>
    %sub3A = vector.broadcast %div3A_40 : vector<1x128xf32> to vector<10000x128xf32>
    %sub3A_41 = arith.subf %add3A_37, %sub3A : vector<10000x128xf32>
    %sub3A_42 = vector.broadcast %div3A_40 : vector<1x128xf32> to vector<10000x128xf32>
    %sub3A_43 = arith.subf %add3A_37, %sub3A_42 : vector<10000x128xf32>
    %mul3A_44 = arith.mulf %sub3A_41, %sub3A_43 : vector<10000x128xf32>
    %reduce_sum3A_45 = arith.constant dense<0.000000e+00> : vector<128xf32>
    %reduce_sum3A_46 = vector.multi_reduction <add>, %mul3A_44, %reduce_sum3A_45 [0] : vector<10000x128xf32> to vector<128xf32>
    %broadcast_in_dim3A_47 = vector.shape_cast %reduce_sum3A_46 : vector<128xf32> to vector<1x128xf32>
    %div3A_48 = arith.constant 1.000000e+04 : f32
    %div3A_49 = vector.broadcast %div3A_48 : f32 to vector<1x128xf32>
    %div3A_50 = arith.divf %broadcast_in_dim3A_47, %div3A_49 : vector<1x128xf32>
    %sub3A_51 = vector.broadcast %div3A_40 : vector<1x128xf32> to vector<10000x128xf32>
    %sub3A_52 = arith.subf %add3A_37, %sub3A_51 : vector<10000x128xf32>
    %add3A_53 = arith.constant 9.99999974E-6 : f32
    %add3A_54 = vector.broadcast %add3A_53 : f32 to vector<1x128xf32>
    %add3A_55 = arith.addf %div3A_50, %add3A_54 : vector<1x128xf32>
    %rsqrt3A = math.rsqrt %add3A_55 : vector<1x128xf32>
    %mul3A_56 = vector.broadcast %rsqrt3A : vector<1x128xf32> to vector<10000x128xf32>
    %mul3A_57 = arith.mulf %sub3A_52, %mul3A_56 : vector<10000x128xf32>
    %get3A_58 = arith.constant 0 : index
    %get3A_59 = arith.constant 0 : index
    %get3A_60 = vector.load %arg7[%get3A_58, %get3A_59] : memref<1x128xf32, #tpu.memory_space<vmem>>, vector<1x128xf32>
    %mul3A_61 = vector.broadcast %get3A_60 : vector<1x128xf32> to vector<10000x128xf32>
    %mul3A_62 = arith.mulf %mul3A_57, %mul3A_61 : vector<10000x128xf32>
    %get3A_63 = arith.constant 0 : index
    %get3A_64 = arith.constant 0 : index
    %get3A_65 = vector.load %arg8[%get3A_63, %get3A_64] : memref<1x128xf32, #tpu.memory_space<vmem>>, vector<1x128xf32>
    %add3A_66 = vector.broadcast %get3A_65 : vector<1x128xf32> to vector<10000x128xf32>
    %add3A_67 = arith.addf %mul3A_62, %add3A_66 : vector<10000x128xf32>
    %max3A_68 = arith.constant 0.000000e+00 : f32
    %max3A_69 = vector.broadcast %max3A_68 : f32 to vector<10000x128xf32>
    %max3A_70 = arith.maximumf %add3A_67, %max3A_69 : vector<10000x128xf32>
    %iota3A = tpu.iota {dimensions = array<i32: 0>} : vector<64x10000xi32>
    %get3A_71 = arith.constant 0 : index
    %get3A_72 = arith.constant 0 : index
    %get3A_73 = vector.load %arg9[%get3A_71, %get3A_72] : memref<1x10000xi32, #tpu.memory_space<vmem>>, vector<1x10000xi32>
    %eq3A = vector.broadcast %get3A_73 : vector<1x10000xi32> to vector<64x10000xi32>
    %eq3A_74 = arith.cmpi eq, %eq3A, %iota3A : vector<64x10000xi32>
    %convert_element_type3A = arith.extui %eq3A_74 : vector<64x10000xi1> to vector<64x10000xi32>
    %convert_element_type3A_75 = arith.sitofp %convert_element_type3A : vector<64x10000xi32> to vector<64x10000xf32>
    %dot_general3A_76 = arith.constant dense<0.000000e+00> : vector<64x128xf32>
    %dot_general3A_77 = tpu.matmul %convert_element_type3A_75, %max3A_70, %dot_general3A_76 {dimension_numbers = #tpu.dot_dimension_numbers<[1], [0], [0], [1], [0, 0, 1, 1], [], []>, transpose_lhs_hint = false} : vector<64x10000xf32>, vector<10000x128xf32>, vector<64x128xf32> -> vector<64x128xf32>
    %broadcast_in_dim3A_78 = arith.constant 1.000000e+00 : f32
    %broadcast_in_dim3A_79 = vector.broadcast %broadcast_in_dim3A_78 : f32 to vector<10000x1xf32>
    %dot_general3A_80 = arith.constant dense<0.000000e+00> : vector<64x1xf32>
    %dot_general3A_81 = tpu.matmul %convert_element_type3A_75, %broadcast_in_dim3A_79, %dot_general3A_80 {dimension_numbers = #tpu.dot_dimension_numbers<[1], [0], [0], [1], [0, 0, 1, 1], [], []>, transpose_lhs_hint = false} : vector<64x10000xf32>, vector<10000x1xf32>, vector<64x1xf32> -> vector<64x1xf32>
    %max3A_82 = arith.constant 1.000000e+00 : f32
    %max3A_83 = vector.broadcast %max3A_82 : f32 to vector<64x1xf32>
    %max3A_84 = arith.maximumf %dot_general3A_81, %max3A_83 : vector<64x1xf32>
    %div3A_85 = vector.broadcast %max3A_84 : vector<64x1xf32> to vector<64x128xf32>
    %div3A_86 = arith.divf %dot_general3A_77, %div3A_85 : vector<64x128xf32>
    %get3A_87 = arith.constant 0 : index
    %get3A_88 = arith.constant 0 : index
    %get3A_89 = vector.load %arg10[%get3A_87, %get3A_88] : memref<128x128xf32, #tpu.memory_space<vmem>>, vector<128x128xf32>
    %dot_general3A_90 = arith.constant dense<0.000000e+00> : vector<64x128xf32>
    %dot_general3A_91 = tpu.matmul %div3A_86, %get3A_89, %dot_general3A_90 {dimension_numbers = #tpu.dot_dimension_numbers<[1], [0], [0], [1], [0, 0, 1, 1], [], []>, transpose_lhs_hint = false} : vector<64x128xf32>, vector<128x128xf32>, vector<64x128xf32> -> vector<64x128xf32>
    %get3A_92 = arith.constant 0 : index
    %get3A_93 = arith.constant 0 : index
    %get3A_94 = vector.load %arg11[%get3A_92, %get3A_93] : memref<1x128xf32, #tpu.memory_space<vmem>>, vector<1x128xf32>
    %add3A_95 = vector.broadcast %get3A_94 : vector<1x128xf32> to vector<64x128xf32>
    %add3A_96 = arith.addf %dot_general3A_91, %add3A_95 : vector<64x128xf32>
    %max3A_97 = arith.constant 0.000000e+00 : f32
    %max3A_98 = vector.broadcast %max3A_97 : f32 to vector<64x128xf32>
    %max3A_99 = arith.maximumf %add3A_96, %max3A_98 : vector<64x128xf32>
    %get3A_100 = arith.constant 0 : index
    %get3A_101 = arith.constant 0 : index
    %get3A_102 = vector.load %arg12[%get3A_100, %get3A_101] : memref<128x128xf32, #tpu.memory_space<vmem>>, vector<128x128xf32>
    %dot_general3A_103 = arith.constant dense<0.000000e+00> : vector<64x128xf32>
    %dot_general3A_104 = tpu.matmul %max3A_99, %get3A_102, %dot_general3A_103 {dimension_numbers = #tpu.dot_dimension_numbers<[1], [0], [0], [1], [0, 0, 1, 1], [], []>, transpose_lhs_hint = false} : vector<64x128xf32>, vector<128x128xf32>, vector<64x128xf32> -> vector<64x128xf32>
    %get3A_105 = arith.constant 0 : index
    %get3A_106 = arith.constant 0 : index
    %get3A_107 = vector.load %arg13[%get3A_105, %get3A_106] : memref<1x128xf32, #tpu.memory_space<vmem>>, vector<1x128xf32>
    %add3A_108 = vector.broadcast %get3A_107 : vector<1x128xf32> to vector<64x128xf32>
    %add3A_109 = arith.addf %dot_general3A_104, %add3A_108 : vector<64x128xf32>
    %swap3A = arith.constant 0 : index
    %swap3A_110 = arith.constant 0 : index
    %swap3A_111 = vector.load %arg14[%swap3A, %swap3A_110] : memref<64x128xf32, #tpu.memory_space<vmem>>, vector<64x128xf32>
    tpu.vector_store %arg14[%swap3A, %swap3A_110], %add3A_109 {strides = array<i32>} : memref<64x128xf32, #tpu.memory_space<vmem>>, vector<64x128xf32>,
    return
  }
}

</mosaic_0001>

<sc_bundles>
// kernel: kernel.11.cloned.1.call-start
scs
__scs_entry_jumppad:
0x0: {  	(pc) =	sbr.rel $0x88, $3  }
0x1: {  	(tag) =	ssettag $0x0;
	lr =	simm.s32 $0x1  }
0x2: {  	[smem:$0x3F85] =	sst lr;
	_ =	strace $0xD0000000  }
0x3: {  	_ = 	snop  }
0x4: {  	_ = 	snop  }
0x5: {  	_ = 	snop  }
0x6: {  	_ = 	snop  }
0x7: {  	_ = 	snop  }
__scs_overlays_trampoline_lowered:
0x8: {  	[smem:$0x3F94] =	sst s0  }
0x9: {  	[smem:$0x3F95] =	sst s1  }
0xa: {  	[smem:$0x3F96] =	sst s2  }
0xb: {  	[smem:$0x3F97] =	sst s3  }
0xc: {  	[smem:$0x3F98] =	sst s4  }
0xd: {  	[smem:$0x3F99] =	sst s5  }
0xe: {  	[smem:$0x3F9A] =	sst s6  }
0xf: {  	[smem:$0x3F9B] =	sst s7  }
0x10: {  	[smem:$0x3F9C] =	sst s8  }
0x11: {  	[smem:$0x3F9D] =	sst s9;
	s0 =	simm.s32 @!p0 $0x0  }
0x12: {  	s1 =	sld [smem:$0x3F83];
	s0 =	simm.s32 @p0 $0x1  }
0x13: {  	[smem:$0x3F9E] =	sst s0;
	s0 =	simm.s32 @!p1 $0x0  }
0x14: {  	s2 =	sld [smem:$0x3F82];
	s0 =	simm.s32 @p1 $0x1  }
0x15: {  	[smem:$0x3F9F] =	sst s0;
	s0 =	simm.s32 @!p2 $0x0  }
0x16: {  	s3 =	sld [smem:$0x3FDB];
	s0 =	simm.s32 @p2 $0x1  }
0x17: {  	s4 =	simm.s32 $0x1BF5;
	[smem:$0x3FA1] =	sst s0  }
0x18: {  	s0 =	sld [smem:$0x3F84];
	_ =	swait.ge [sflag:s4], $0x0  }
0x19: {  	s7 =	sld [smem:$0x3F85]  }
0x1a: {  	s8 =	sadd.s32 $0xFFFFE003, lr  }
0x1b: {  	s9 =	sadd.s32 $0xFFFFFEF7, lr;
	s5 =	simm.s32 $0xFFFFFFFF;
	p2 =	slt.u32 s8, $0xFFFFF086  }
0x1c: {  	p1 =	slt.u32 s9, $0xF7A;
	s5 =	simm.s32 @!p2 $0x0  }
0x1d: {  	s5 =	simm.s32 @p1 $0x1;
	p0 =	seq.s32 s7, s2  }
0x1e: {  	s7 =	smul.u32 @!p0 $0xF7A, s2;
	p2 =	seq.s32 @!p0 s5, $0x0  }
0x1f: {  	s9 =	smul.u32 $0xF7A, s1;
	s8 =	simm.s32 @!p0 $0x1BF5;
	p2 =	por !p2, p0  }
0x20: {  	[sflag:s8] =	ssyncset.s32 @!p0 $0xFFFFF086;
	s6 =	sadd.s32 @!p0 s3, s7;
	s7 =	simm.s32 @!p0 $0x108  }
0x21: {  	s3 =	sadd.s32 s3, s9;
	s6 =	sadd.s32 @!p0 $0x88, s6;
	s7 =	simm.s32 @p2 $0x1082  }
0x22: {  	[simem:s7], [sflag:s8] =	dma.local @!p0 [hbm:s6], $0xF7A  }
0x23: {  	s9 =	sor.u32 $0xD0000000, s2;
	s6 =	simm.s32 $0x108;
	_ =	swait.ge @!p0 [sflag:s8], $0x0  }
0x24: {  	s3 =	sadd.s32 $0x88, s3;
	s6 =	simm.s32 @!p1 $0x1082;
	[sflag:s4] =	ssyncset.s32 $0xFFFFF086  }
0x25: {  	[simem:s6], [sflag:s4] =	dma.local [hbm:s3], $0xF7A  }
0x26: {  	[smem:$0x3F85] =	sst s1;
	(tag) =	ssettag s2;
	_ =	strace s9  }
0x27: {  	s1 =	sld [smem:$0x3F95]  }
0x28: {  	s2 =	sld [smem:$0x3F96]  }
0x29: {  	s4 =	sld [smem:$0x3F98]  }
0x2a: {  	p0 =	seq.s32 s5, $0x0;
	s5 =	sld [smem:$0x3F99]  }
0x2b: {  	s6 =	sld [smem:$0x3F9A]  }
0x2c: {  	s7 =	sld [smem:$0x3F9B]  }
0x2d: {  	s3 =	simm.s32 $0x108;
	s8 =	sld [smem:$0x3F9C]  }
0x2e: {  	s3 =	simm.s32 @!p0 $0x1082;
	s9 =	sld [smem:$0x3F9D]  }
0x2f: {  	lr =	sadd.s32 s0, s3;
	s0 =	sld [smem:$0x3F94]  }
0x30: {  	s3 =	sld [smem:$0x3F97]  }
0x31: {  	[smem:$0x3FA0] =	sst s10  }
0x32: {  	s10 =	sld [smem:$0x3F9E];
	_ =	sdelay $0x3  }
0x33: {  	p0 =	seq.s32 s10, $0x1;
	s10 =	sld [smem:$0x3FA0];
	_ =	sdelay $0x3  }
0x34: {  	[smem:$0x3FA0] =	sst s10  }
0x35: {  	s10 =	sld [smem:$0x3F9F];
	_ =	sdelay $0x3  }
0x36: {  	p1 =	seq.s32 s10, $0x1;
	s10 =	sld [smem:$0x3FA0];
	_ =	sdelay $0x3  }
0x37: {  	[smem:$0x3FA0] =	sst s10  }
0x38: {  	s10 =	sld [smem:$0x3FA1]  }
0x39: {  	_ = 	snop;
	(pc) =	sbr.ind lr, $3  }
0x3a: {  	_ = 	snop  }
0x3b: {  	_ = 	snop  }
0x3c: {  	p2 =	seq.s32 s10, $0x1;
	s10 =	sld [smem:$0x3FA0]  }
0x3d: {  	_ =	shalt  }
0x3e: {  	_ =	shalt  }
0x3f: {  	_ =	shalt  }
0x40: {  	_ =	shalt  }
0x41: {  	_ =	shalt  }
0x42: {  	_ =	shalt  }
0x43: {  	_ =	shalt  }
0x44: {  	_ =	shalt  }
0x45: {  	_ =	shalt  }
0x46: {  	_ =	shalt  }
0x47: {  	_ =	shalt  }
0x48: {  	_ =	shalt  }
0x49: {  	_ =	shalt  }
0x4a: {  	_ =	shalt  }
0x4b: {  	_ =	shalt  }
0x4c: {  	_ =	shalt  }
0x4d: {  	_ =	shalt  }
0x4e: {  	_ =	shalt  }
0x4f: {  	_ =	shalt  }
0x50: {  	_ =	shalt  }
0x51: {  	_ =	shalt  }
0x52: {  	_ =	shalt  }
0x53: {  	_ =	shalt  }
0x54: {  	_ =	shalt  }
0x55: {  	_ =	shalt  }
0x56: {  	_ =	shalt  }
0x57: {  	_ =	shalt  }
0x58: {  	_ =	shalt  }
0x59: {  	_ =	shalt  }
0x5a: {  	_ =	shalt  }
0x5b: {  	_ =	shalt  }
0x5c: {  	_ =	shalt  }
0x5d: {  	_ =	shalt  }
0x5e: {  	_ =	shalt  }
0x5f: {  	_ =	shalt  }
0x60: {  	_ =	shalt  }
0x61: {  	_ =	shalt  }
0x62: {  	_ =	shalt  }
0x63: {  	_ =	shalt  }
0x64: {  	_ =	shalt  }
0x65: {  	_ =	shalt  }
0x66: {  	_ =	shalt  }
0x67: {  	_ =	shalt  }
0x68: {  	_ =	shalt  }
0x69: {  	_ =	shalt  }
0x6a: {  	_ =	shalt  }
0x6b: {  	_ =	shalt  }
0x6c: {  	_ =	shalt  }
0x6d: {  	_ =	shalt  }
0x6e: {  	_ =	shalt  }
0x6f: {  	_ =	shalt  }
0x70: {  	_ =	shalt  }
0x71: {  	_ =	shalt  }
0x72: {  	_ =	shalt  }
0x73: {  	_ =	shalt  }
0x74: {  	_ =	shalt  }
0x75: {  	_ =	shalt  }
0x76: {  	_ =	shalt  }
0x77: {  	_ =	shalt  }
0x78: {  	_ =	shalt  }
0x79: {  	_ =	shalt  }
0x7a: {  	_ =	shalt  }
0x7b: {  	_ =	shalt  }
0x7c: {  	_ =	shalt  }
0x7d: {  	_ =	shalt  }
0x7e: {  	_ =	shalt  }
0x7f: {  	_ =	shalt  }
0x80: {  	_ =	shalt  }
0x81: {  	_ =	shalt  }
0x82: {  	_ =	shalt  }
0x83: {  	_ =	shalt  }
0x84: {  	_ =	shalt  }
0x85: {  	_ =	shalt  }
0x86: {  	_ =	shalt  }
0x87: {  	_ =	shalt  }
.Lfunc_end0:
.L_simem_size_0:
called_computation.1_lowered:
.L_overlay_start_0:
0x88: {  	s2 =	sld [smem:$0x3FD9]  }
0x89: {  	s3 =	sld [smem:$0x3FFE];
	_ =	sdelay $0x1  }
0x8a: {  	s1 =	srdreg.scid  }
0x8b: {  	s0 =	sand.u32 $0x1, s1  }
0x8c: {  	s16 =	sshll.u32 s0, $0xA;
	s2 =	sadd.s32 s3, s2  }
0x8d: {  	s2 =	sadd.s32 s2, s16  }
0x8e: {  	[smem:$0x3FAC] =	sst s2  }
0x8f: {  	_ = 	snop  }
0x90: {  	(tm) =	ssettm $0x1  }
0x91: {  	s17 =	sld [smem:$0x3FFB];
	_ =	sdelay $0x3  }
0x92: {  	_ =	strace s17  }
0x93: {  	s2 =	sld [smem:$0x3FFC];
	_ =	sdelay $0x3  }
0x94: {  	_ =	strace s2  }
0x95: {  	s2 =	sld [smem:$0x3FFD];
	_ =	sdelay $0x3  }
0x96: {  	_ =	strace s2  }
0x97: {  	_ =	strace $0x8FFFFFFF  }
0x98: {  	s18 =	sld [smem:$0x3FDB];
	_ =	sdelay $0x1  }
0x99: {  	s19 =	simm.s32 $_scs_section_size  }
0x9a: {  	s4 =	simm.s32 $_size__tile_overlayer_lowered;
	s5 =	simm.s32 $_tile_overlayer_lowered  }
0x9b: {  	s22 =	simm.s32 $0x1BFF;
	s21 =	sshll.u32 s5, $0x1;
	s2 =	sadd.s32 s19, s18  }
0x9c: {  	s6 =	simm.s32 $0x0;
	s20 =	sshll.u32 s4, $0x1;
	s4 =	sadd.s32 s21, s2  }
0x9d: {  	[timem:s6], [sflag:s22] =	dma.local [hbm:s4], s20  }
0x9e: {  	_ =	swait.ge [sflag:s22], s20  }
0x9f: {  	s3 =	ssub.s32 $0x0, s20;
	[sflag:s22] =	ssyncset.done $0x0  }
0xa0: {  	[sflag:s22] =	ssyncadd.s32 s3;
	_ =	sdelay $0x1  }
0xa1: {  	s23 =	simm.s32 $0x1B8B  }
0xa2: {  	_ =	swait.ge [sflag:s23], $0x1  }
0xa3: {  	[sflag:s23] =	ssyncset.done $0x0  }
0xa4: {  	s25 =	simm.s32 $0x1B8E;
	s24 =	sld [smem:$0x3FFE];
	[sflag:s23] =	ssyncadd.s32 $0xFFFFFFFF  }
0xa5: {  	s26 =	simm.s32 $execute0_lowered;
	[smem:$0x3FD2] =	sst s25  }
0xa6: {  	s4 =	sshll.u32 s26, $0x1;
	_ =	strace $0x80000049;
	[dreg:$0x1] =	wrdreg $0xFFFFFFFF  }
0xa7: {  	s28 =	simm.s32 $_size_execute0_lowered;
	s2 =	sadd.s32 s2, s4;
	[dreg:$0x0] =	wrdreg $0x0  }
0xa8: {  	s4 =	sshll.u32 s28, $0x1;
	[dreg:$0x2] =	wrdreg s2  }
0xa9: {  	[dreg:$0x3] =	wrdreg s4  }
0xaa: {  	[dreg:$0x4] =	wrdreg $0xC0  }
0xab: {  	_ =	task [dreg:s6], $0x5FFFF  }
0xac: {  	[dreg:$0x1] =	wrdreg $0xFFFFFFFF  }
0xad: {  	[dreg:$0x0] =	wrdreg $0x60  }
0xae: {  	[dreg:$0x2] =	wrdreg s24  }
0xaf: {  	[dreg:$0x3] =	wrdreg $0xA2800  }
0xb0: {  	[dreg:$0x4] =	wrdreg $0x9  }
0xb1: {  	_ =	task.clear_ibuf [dreg:s6], $0x5FFFF;
	_ =	strace $0x90000049  }
0xb2: {  	s29 =	simm.s32 $0x9;
	_ =	strace $0x8000004B  }
0xb3: {  	_ =	swait.ge [sflag:s29], $0x1  }
0xb4: {  	[sflag:s29] =	ssyncadd.s32 $0xFFFFFFFF  }
0xb5: {  	_ =	strace $0x9000004B  }
0xb6: {  	_ =	sfence  }
0xb7: {  	s30 =	sld [smem:$0x0];
	_ =	sdelay $0x2  }
0xb8: {  	s31 =	sshll.u32 s1, $0xD;
	s1 =	sshrl.u32 s1, $0x2  }
0xb9: {  	s3 =	sand.u32 $0x4000, s31;
	s1 =	sadd.s32 s1, s30  }
0xba: {  	s0 =	sor.u32 s3, s0;
	s1 =	sshll.u32 s1, $0x11  }
0xbb: {  	s0 =	sor.u32 s1, s0  }
0xbc: {  	s0 =	sadd.s32 $0x8F2B, s0  }
0xbd: {  	[sflag:s0] =	ssyncadd.remote.s32 $0x1  }
0xbe: {  	_ =	sfence.sel $0xFFFF  }
0xbf: {  	[dreg:$0x0] =	wrdreg $0xFFFFFFFF;
	(pc) =	sbr.abs _section_cstart, $3  }
0xc0: {  	[dreg:$0x1] =	wrdreg $0xFFFFFFFF  }
0xc1: {  	_ =	task.clear_ibuf [dreg:s6], $0x2FFFF;
	_ =	strace $0x9FFFFFFF  }
0xc2: {  	(tm) =	ssettm $0x7FFFFFFF  }
0xc3: {  	_ =	shalt  }
tec
execute0_lowered:
.L_overlay_start_1:
0x0: {  	(tag) =	ssettag $0x1  }
0x1: {  	s0 =	srdreg.scid;
	s2 =	rddreg [dreg:$0x0]  }
0x2: {  	s9 =	stileid.u32;
	s1 =	rddreg [dreg:$0x1];
	s4 =	simm.s32 $0x0  }
0x3: {  	s11 =	simm.s32 $0x7;
	s12 =	simm.s32 $0x50;
	s13 =	simm.s32 $0x2780  }
0x4: {  	s14 =	simm.s32 $0x2A80;
	s15 =	simm.s32 $0x2880;
	s16 =	simm.s32 $0x5280  }
0x5: {  	s17 =	simm.s32 $0x2980;
	s18 =	simm.s32 $0x7A80;
	s28 =	simm.s32 $0x5  }
0x6: {  	s29 =	simm.s32 $0x3;
	s30 =	simm.s32 $0x2A00;
	s31 =	simm.s32 $0x6  }
0x7: {  	s0 =	sand.u32 $0x1, s0;
	[smem:$0x7FF] =	sst s4;
	s6 =	smul.u32 $0x4E000, s9  }
0x8: {  	s22 =	sshll.u32 s9, $0x7;
	s10 =	smul.u32 $0x13800, s9;
	p0 =	sne.s32 s9, $0x0  }
0x9: {  	s26 =	sshll.u32 s9, $0x6;
	s3 =	sshll.u32 s0, $0x4;
	_ =	strace $0x8000004A  }
0xa: {  	s5 =	sand.u32 $0x380, s22;
	s23 =	ssub.s32 $0x2, s0;
	s0 =	smul.u32 $0x138800, s0  }
0xb: {  	s19 =	sor.u32 $0x1C07, s26;
	s22 =	simm.s32 $0x1;
	s26 =	simm.s32 $0x2900  }
0xc: {  	s3 =	sor.u32 s9, s3;
	s8 =	sshrl.u32 s23, $0x1;
	s6 =	sshrl.u32 s6, $0x2  }
0xd: {  	s3 =	sshrl.u32 s3, $0x3;
	s8 =	ssub.s32 s23, s8;
	s24 =	sadd.s32 s10, s0  }
0xe: {  	s20 =	sadd.s32 s6, s1;
	s0 =	sshrl.u32 s0, $0x3;
	s10 =	simm.s32 $0x400  }
0xf: {  	s23 =	simm.s32 $0x2800;
	s21 =	smul.u32 $0x13C00, s3;
	s3 =	sadd.s32 $0x11200, s2  }
0x10: {  	s25 =	sshrl.u32 s24, $0x3;
	s8 =	smax.u32 s8, $0x1;
	s20 =	sshrl.u32 s20, $0x3  }
.Ltmp0:
0x11: {  	s4 =	sor.u32 s5, s21;
	s21 =	sadd.s32 $0x138000, s1;
	(pc) =	sbr.rel .LBB2_1-.Ltmp0, $4  }
0x12: {  	s24 =	simm.s32 $0x4;
	s4 =	sshrl.u32 s4, $0x3;
	s21 =	sshrl.u32 @!p0 s21, $0x3  }
0x13: {  	s7 =	sadd.s32 s4, s2;
	s4 =	sadd.s32 $0xEA00, s2;
	s2 =	sadd.s32 $0x38400, s2  }
0x14: {  	s5 =	sadd.s32 $0x4C00, s7;
	s6 =	sadd.s32 s2, s25;
	s0 =	sadd.s32 s2, s0  }
0x15: {  	s25 =	simm.s32 $0x2;
	s7 =	sadd.s32 $0x27000, s0;
	s0 =	simm.s32 $0x0  }
.LBB2_4:
0x16: {  	_ =	swait.ge [sflag:s22], $0x2800  }
0x17: {  	[sflag:s22] =	ssyncset.done $0x0  }
0x18: {  	[sflag:s22] =	ssyncadd.s32 $0xFFFFD800  }
0x19: {  	[spmem:s1] =	stream.indirect.scatter.add.f32 [tilespmem:s14], [sflag:$0x4], $0x80, s23, s12, $0xb8;
	[tilespmem:$0x1DB00] =	vst v63  }
0x1a: {  	_ =	swait.ge [sflag:s24], $0x2800  }
0x1b: {  	[sflag:s24] =	ssyncset.done $0x0  }
0x1c: {  	[sflag:s24] =	ssyncadd.s32 $0xFFFFD800  }
0x1d: {  	_ =	swait.ge [sflag:s25], $0x2800  }
0x1e: {  	[sflag:s25] =	ssyncset.done $0x0  }
0x1f: {  	[sflag:s25] =	ssyncadd.s32 $0xFFFFD800  }
0x20: {  	[spmem:s1] =	stream.indirect.scatter.add.f32 [tilespmem:s16], [sflag:$0x5], $0x80, s26, s12, $0xb8;
	[tilespmem:$0x1DB00] =	vst v63  }
0x21: {  	_ =	swait.ge [sflag:s28], $0x2800  }
0x22: {  	[sflag:s28] =	ssyncset.done $0x0  }
0x23: {  	[sflag:s28] =	ssyncadd.s32 $0xFFFFD800  }
0x24: {  	[bflag:$0x0] =	sbarrier.arrive $0xFFFF  }
0x25: {  	[hbm:s6], [sflag:s19] =	dma.local [spmem:s20], $0x2700  }
0x26: {  	s0 =	sadd.s32 $0x1, s0;
	_ =	swait.ge [sflag:s11], $0x2700  }
0x27: {  	p1 =	sne.s32 s0, s8;
	[sflag:s11] =	ssyncset.done $0x0  }
.Ltmp1:
0x28: {  	s2 =	simm.s32 @!p0 $0x7;
	[sflag:s11] =	ssyncadd.s32 $0xFFFFD900;
	(pc) =	sbr.rel @!p1 .LBB2_5-.Ltmp1, $4  }
0x29: {  	[hbm:s7], [sflag:s19] =	dma.local @!p0 [spmem:s21], $0x100  }
0x2a: {  	_ =	swait.ge @!p0 [sflag:s2], $0x100  }
0x2b: {  	[sflag:s2] =	ssyncset.done @!p0 $0x0  }
0x2c: {  	[sflag:s2] =	ssyncadd.s32 @!p0 $0xFFFFFF00  }
.LBB2_1:
0x2d: {  	s2 =	simm.s32 $0x0;
	s9 =	simm.s32 $0x80  }
0x2e: {  	[tilespmem:s2], [sflag:$0x7] =	stream.strided.gather [hbm4b:s5+s9], $0x2780, s10, s9, $0x38;
	[tilespmem:$0x1DB00] =	vst v63  }
0x2f: {  	_ =	swait.ge [sflag:s11], $0x2780  }
0x30: {  	[sflag:s11] =	ssyncset.done $0x0  }
0x31: {  	[sflag:s11] =	ssyncadd.s32 $0xFFFFD880  }
0x32: {  	v0 =	vld [tilespmem:$0x0];
	_ =	sdelay $0x1  }
0x33: {  	v1 =	vld [tilespmem:$0x10];
	_ =	sdelay $0x1  }
0x34: {  	v2 =	vld [tilespmem:$0x20]  }
0x35: {  	v3 =	vand.u32 $0x3FFF, v0  }
0x36: {  	v26 =	vld [tilespmem:$0x30];
	v0 =	vshrl.u32 v0, $0xE;
	[tilespmem:$0x2780] =	vst v3  }
0x37: {  	v27 =	vand.u32 $0x3FFF, v1;
	[tilespmem:$0x2800] =	vst v0  }
0x38: {  	v29 =	vld [tilespmem:$0x40];
	v28 =	vshrl.u32 v1, $0xE;
	[tilespmem:$0x2790] =	vst v27  }
0x39: {  	v30 =	vand.u32 $0x3FFF, v2;
	[tilespmem:$0x2810] =	vst v28  }
0x3a: {  	v31 =	vshrl.u32 v2, $0xE;
	[tilespmem:$0x27A0] =	vst v30  }
0x3b: {  	v32 =	vand.u32 $0x3FFF, v26;
	[tilespmem:$0x2820] =	vst v31  }
0x3c: {  	v33 =	vshrl.u32 v26, $0xE;
	[tilespmem:$0x27B0] =	vst v32  }
0x3d: {  	v34 =	vand.u32 $0x3FFF, v29;
	[tilespmem:$0x2830] =	vst v33  }
0x3e: {  	v35 =	vshrl.u32 v29, $0xE;
	[tilespmem:$0x27C0] =	vst v34  }
0x3f: {  	[tilespmem:$0x2840] =	vst v35  }
0x40: {  	[tilespmem:s14], [sflag:$0x1] =	stream.indirect.gather [hbm4b:s3+s12], $0x80, s13, s12, $0xb8;
	[tilespmem:$0x1DB00] =	vst v63  }
0x41: {  	v36 =	vld [tilespmem:$0x50];
	_ =	sdelay $0x1  }
0x42: {  	v37 =	vld [tilespmem:$0x60];
	_ =	sdelay $0x1  }
0x43: {  	v38 =	vld [tilespmem:$0x70]  }
0x44: {  	v39 =	vand.u32 $0x3FFF, v36  }
0x45: {  	v40 =	vld [tilespmem:$0x80];
	v0 =	vshrl.u32 v36, $0xE;
	[tilespmem:$0x2880] =	vst v39  }
0x46: {  	v41 =	vand.u32 $0x3FFF, v37;
	[tilespmem:$0x2900] =	vst v0  }
0x47: {  	v43 =	vld [tilespmem:$0x90];
	v42 =	vshrl.u32 v37, $0xE;
	[tilespmem:$0x2890] =	vst v41  }
0x48: {  	v44 =	vand.u32 $0x3FFF, v38;
	[tilespmem:$0x2910] =	vst v42  }
0x49: {  	v45 =	vshrl.u32 v38, $0xE;
	[tilespmem:$0x28A0] =	vst v44  }
0x4a: {  	v46 =	vand.u32 $0x3FFF, v40;
	[tilespmem:$0x2920] =	vst v45  }
0x4b: {  	v47 =	vshrl.u32 v40, $0xE;
	[tilespmem:$0x28B0] =	vst v46  }
0x4c: {  	v48 =	vand.u32 $0x3FFF, v43;
	[tilespmem:$0x2930] =	vst v47  }
0x4d: {  	v49 =	vshrl.u32 v43, $0xE;
	[tilespmem:$0x28C0] =	vst v48  }
0x4e: {  	[tilespmem:$0x2940] =	vst v49  }
0x4f: {  	[tilespmem:s16], [sflag:$0x2] =	stream.indirect.gather [hbm4b:s3+s12], $0x80, s15, s12, $0xb8;
	[tilespmem:$0x1DB00] =	vst v63  }
0x50: {  	v50 =	vld [tilespmem:$0xA0];
	_ =	sdelay $0x1  }
0x51: {  	v51 =	vld [tilespmem:$0xB0];
	_ =	sdelay $0x1  }
0x52: {  	v52 =	vld [tilespmem:$0xC0]  }
0x53: {  	v53 =	vand.u32 $0x3FFF, v50  }
0x54: {  	v54 =	vld [tilespmem:$0xD0];
	v0 =	vshrl.u32 v50, $0xE;
	[tilespmem:$0x2980] =	vst v53  }
0x55: {  	v55 =	vand.u32 $0x3FFF, v51;
	[tilespmem:$0x2A00] =	vst v0  }
0x56: {  	v57 =	vld [tilespmem:$0xE0];
	v56 =	vshrl.u32 v51, $0xE;
	[tilespmem:$0x2990] =	vst v55  }
0x57: {  	v58 =	vand.u32 $0x3FFF, v52;
	[tilespmem:$0x2A10] =	vst v56  }
0x58: {  	v59 =	vshrl.u32 v52, $0xE;
	[tilespmem:$0x29A0] =	vst v58  }
0x59: {  	v60 =	vand.u32 $0x3FFF, v54;
	[tilespmem:$0x2A20] =	vst v59  }
0x5a: {  	v61 =	vshrl.u32 v54, $0xE;
	[tilespmem:$0x29B0] =	vst v60  }
0x5b: {  	v62 =	vand.u32 $0x3FFF, v57;
	[tilespmem:$0x2A30] =	vst v61  }
0x5c: {  	v63 =	vshrl.u32 v57, $0xE;
	[tilespmem:$0x29C0] =	vst v62  }
0x5d: {  	[tilespmem:$0x2A40] =	vst v63  }
0x5e: {  	[tilespmem:s18], [sflag:$0x3] =	stream.indirect.gather [hbm4b:s3+s12], $0x80, s17, s12, $0xb8;
	[tilespmem:$0x1DB00] =	vst v63  }
0x5f: {  	[spmem:s20], [sflag:s19] =	dma.local [hbm:s4], $0x2700  }
0x60: {  	_ =	swait.ge [sflag:s11], $0x2700  }
0x61: {  	[sflag:s11] =	ssyncset.done $0x0  }
0x62: {  	s2 =	simm.s32 @!p0 $0x7;
	[sflag:s11] =	ssyncadd.s32 $0xFFFFD900  }
0x63: {  	[spmem:s21], [sflag:s19] =	dma.local @!p0 [hbm:s4], $0x100  }
0x64: {  	_ =	swait.ge @!p0 [sflag:s2], $0x100  }
0x65: {  	[sflag:s2] =	ssyncset.done @!p0 $0x0  }
0x66: {  	[sflag:s2] =	ssyncadd.s32 @!p0 $0xFFFFFF00  }
0x67: {  	s2 =	simm.s32 $0x740;
	[bflag:$0x0] =	sbarrier.arrive $0xFFFF  }
.LBB2_2:
0x68: {  	_ =	swait.ge [sflag:s22], $0x2800  }
0x69: {  	[sflag:s22] =	ssyncset.done $0x0  }
0x6a: {  	[sflag:s22] =	ssyncadd.s32 $0xFFFFD800  }
0x6b: {  	[spmem:s1] =	stream.indirect.scatter.add.f32 [tilespmem:s14], [sflag:$0x4], $0x80, s23, s12, $0xb8;
	[tilespmem:$0x1DB00] =	vst v63  }
0x6c: {  	_ =	swait.ge [sflag:s24], $0x2800  }
0x6d: {  	[sflag:s24] =	ssyncset.done $0x0  }
0x6e: {  	s9 =	sshra.s32 s2, $0x2;
	[sflag:s24] =	ssyncadd.s32 $0xFFFFD800  }
0x6f: {  	v0 =	vld [tilespmem:s9+$0xFFFFFF20];
	_ =	sdelay $0x4  }
0x70: {  	v1 =	vand.u32 $0x3FFF, v0  }
0x71: {  	v0 =	vshrl.u32 v0, $0xE;
	[tilespmem:$0x2780] =	vst v1  }
0x72: {  	[tilespmem:$0x2800] =	vst v0  }
0x73: {  	v0 =	vld [tilespmem:s9+$0xFFFFFF30];
	_ =	sdelay $0x4  }
0x74: {  	v54 =	vand.u32 $0x3FFF, v0  }
0x75: {  	v0 =	vshrl.u32 v0, $0xE;
	[tilespmem:$0x2790] =	vst v54  }
0x76: {  	[tilespmem:$0x2810] =	vst v0  }
0x77: {  	v0 =	vld [tilespmem:s9+$0xFFFFFF40];
	_ =	sdelay $0x4  }
0x78: {  	v55 =	vand.u32 $0x3FFF, v0  }
0x79: {  	v0 =	vshrl.u32 v0, $0xE;
	[tilespmem:$0x27A0] =	vst v55  }
0x7a: {  	[tilespmem:$0x2820] =	vst v0  }
0x7b: {  	v0 =	vld [tilespmem:s9+$0xFFFFFF50];
	_ =	sdelay $0x4  }
0x7c: {  	v56 =	vand.u32 $0x3FFF, v0  }
0x7d: {  	v0 =	vshrl.u32 v0, $0xE;
	[tilespmem:$0x27B0] =	vst v56  }
0x7e: {  	[tilespmem:$0x2830] =	vst v0  }
0x7f: {  	v0 =	vld [tilespmem:s9+$0xFFFFFF60];
	_ =	sdelay $0x4  }
0x80: {  	v57 =	vand.u32 $0x3FFF, v0  }
0x81: {  	v0 =	vshrl.u32 v0, $0xE;
	[tilespmem:$0x27C0] =	vst v57  }
0x82: {  	[tilespmem:$0x2840] =	vst v0  }
0x83: {  	[tilespmem:s14], [sflag:$0x1] =	stream.indirect.gather [hbm4b:s3+s12], $0x80, s13, s12, $0xb8;
	[tilespmem:$0x1DB00] =	vst v63  }
0x84: {  	_ =	swait.ge [sflag:s25], $0x2800  }
0x85: {  	[sflag:s25] =	ssyncset.done $0x0  }
0x86: {  	[sflag:s25] =	ssyncadd.s32 $0xFFFFD800  }
0x87: {  	[spmem:s1] =	stream.indirect.scatter.add.f32 [tilespmem:s16], [sflag:$0x5], $0x80, s26, s12, $0xb8;
	[tilespmem:$0x1DB00] =	vst v63  }
0x88: {  	_ =	swait.ge [sflag:s28], $0x2800  }
0x89: {  	[sflag:s28] =	ssyncset.done $0x0  }
0x8a: {  	[sflag:s28] =	ssyncadd.s32 $0xFFFFD800  }
0x8b: {  	v58 =	vld [tilespmem:s9+$0xFFFFFF70];
	_ =	sdelay $0x4  }
0x8c: {  	v59 =	vand.u32 $0x3FFF, v58  }
0x8d: {  	v0 =	vshrl.u32 v58, $0xE;
	[tilespmem:$0x2880] =	vst v59  }
0x8e: {  	[tilespmem:$0x2900] =	vst v0  }
0x8f: {  	v0 =	vld [tilespmem:s9+$0xFFFFFF80];
	_ =	sdelay $0x4  }
0x90: {  	v60 =	vand.u32 $0x3FFF, v0  }
0x91: {  	v0 =	vshrl.u32 v0, $0xE;
	[tilespmem:$0x2890] =	vst v60  }
0x92: {  	[tilespmem:$0x2910] =	vst v0  }
0x93: {  	v0 =	vld [tilespmem:s9+$0xFFFFFF90];
	_ =	sdelay $0x4  }
0x94: {  	v61 =	vand.u32 $0x3FFF, v0  }
0x95: {  	v0 =	vshrl.u32 v0, $0xE;
	[tilespmem:$0x28A0] =	vst v61  }
0x96: {  	[tilespmem:$0x2920] =	vst v0  }
0x97: {  	v0 =	vld [tilespmem:s9+$0xFFFFFFA0];
	_ =	sdelay $0x4  }
0x98: {  	v62 =	vand.u32 $0x3FFF, v0  }
0x99: {  	v0 =	vshrl.u32 v0, $0xE;
	[tilespmem:$0x28B0] =	vst v62  }
0x9a: {  	[tilespmem:$0x2930] =	vst v0  }
0x9b: {  	v0 =	vld [tilespmem:s9+$0xFFFFFFB0];
	_ =	sdelay $0x4  }
0x9c: {  	v63 =	vand.u32 $0x3FFF, v0  }
0x9d: {  	v0 =	vshrl.u32 v0, $0xE;
	[tilespmem:$0x28C0] =	vst v63  }
0x9e: {  	[tilespmem:$0x2940] =	vst v0  }
0x9f: {  	[tilespmem:s16], [sflag:$0x2] =	stream.indirect.gather [hbm4b:s3+s12], $0x80, s15, s12, $0xb8;
	[tilespmem:$0x1DB00] =	vst v63  }
0xa0: {  	_ =	swait.ge [sflag:s29], $0x2800  }
0xa1: {  	p1 =	seq.s32 s2, $0x9D40;
	[sflag:s29] =	ssyncset.done $0x0  }
.Ltmp2:
0xa2: {  	[sflag:s29] =	ssyncadd.s32 $0xFFFFD800;
	(pc) =	sbr.rel @p1 .LBB2_4-.Ltmp2, $4  }
0xa3: {  	[spmem:s1] =	stream.indirect.scatter.add.f32 [tilespmem:s18], [sflag:$0x6], $0x80, s30, s12, $0xb8;
	[tilespmem:$0x1DB00] =	vst v63  }
0xa4: {  	_ =	swait.ge [sflag:s31], $0x2800  }
0xa5: {  	[sflag:s31] =	ssyncset.done $0x0  }
0xa6: {  	[sflag:s31] =	ssyncadd.s32 $0xFFFFD800  }
0xa7: {  	v0 =	vld [tilespmem:s9+$0xFFFFFFC0];
	_ =	sdelay $0x4  }
0xa8: {  	v1 =	vand.u32 $0x3FFF, v0  }
0xa9: {  	v0 =	vshrl.u32 v0, $0xE;
	[tilespmem:$0x2980] =	vst v1  }
0xaa: {  	[tilespmem:$0x2A00] =	vst v0  }
0xab: {  	v0 =	vld [tilespmem:s9+$0xFFFFFFD0];
	_ =	sdelay $0x4  }
0xac: {  	v60 =	vand.u32 $0x3FFF, v0  }
0xad: {  	v0 =	vshrl.u32 v0, $0xE;
	[tilespmem:$0x2990] =	vst v60  }
0xae: {  	[tilespmem:$0x2A10] =	vst v0  }
0xaf: {  	v0 =	vld [tilespmem:s9+$0xFFFFFFE0];
	_ =	sdelay $0x4  }
0xb0: {  	v61 =	vand.u32 $0x3FFF, v0  }
0xb1: {  	v0 =	vshrl.u32 v0, $0xE;
	[tilespmem:$0x29A0] =	vst v61  }
0xb2: {  	[tilespmem:$0x2A20] =	vst v0  }
0xb3: {  	v0 =	vld [tilespmem:s9+$0xFFFFFFF0];
	_ =	sdelay $0x4  }
0xb4: {  	v62 =	vand.u32 $0x3FFF, v0  }
0xb5: {  	v0 =	vshrl.u32 v0, $0xE;
	[tilespmem:$0x29B0] =	vst v62  }
0xb6: {  	[tilespmem:$0x2A30] =	vst v0  }
0xb7: {  	v0 =	vld [tilespmem:s9+$0x0];
	_ =	sdelay $0x3  }
.Ltmp3:
0xb8: {  	_ = 	snop;
	(pc) =	sbr.rel .LBB2_2-.Ltmp3, $4  }
0xb9: {  	v63 =	vand.u32 $0x3FFF, v0  }
0xba: {  	v0 =	vshrl.u32 v0, $0xE;
	[tilespmem:$0x29C0] =	vst v63  }
0xbb: {  	s2 =	sadd.s32 $0x3C0, s2;
	[tilespmem:$0x2A40] =	vst v0  }
0xbc: {  	[tilespmem:s18], [sflag:$0x3] =	stream.indirect.gather [hbm4b:s3+s12], $0x80, s17, s12, $0xb8;
	[tilespmem:$0x1DB00] =	vst v63  }
.LBB2_5:
0xbd: {  	_ =	sfence.sel $0x180000  }
0xbe: {  	[bflag:$0x0] =	sbarrier.arrive $0xFFFF  }
0xbf: {  	_ =	strace $0x9000004A  }
0xc0: {  	[bflag:$0x2] =	sbarrier.arrive $0xFFFF  }
0xc1: {  	s0 =	rddreg [dreg:$0x2]  }
0xc2: {  	s0 =	sadd.s32 @!p0 $0x100000, s0  }
0xc3: {  	[sflag:s0] =	ssyncadd.tile.s32 @!p0 $0x1;
	_ =	shalt  }
.Lfunc_end2:
_tile_overlayer_lowered:
.L_overlay_start_2:
0xc4: {  	(tag) =	ssettag $0x2  }
0xc5: {  	s0 =	rddreg [dreg:$0x0];
	s2 =	stileid.u32  }
0xc6: {  	s1 =	rddreg [dreg:$0x1];
	p0 =	sne.s32 s2, $0x0  }
0xc7: {  	s3 =	rddreg [dreg:$0x2];
	[bflag:$0x3] =	sbarrier.arrive $0xFFFF;
	s2 =	simm.s32 @!p0 $0x1C07  }
0xc8: {  	[timem:s3], [sflag:s2] =	dma.local @!p0 [hbm:s0], s1  }
0xc9: {  	s0 =	simm.s32 @!p0 $0x7  }
0xca: {  	_ =	swait.ge @!p0 [sflag:s0], s1  }
0xcb: {  	s1 =	ssub.s32 @!p0 $0x0, s1;
	[sflag:s0] =	ssyncset.done @!p0 $0x0  }
0xcc: {  	[sflag:s0] =	ssyncadd.s32 @!p0 s1  }
0xcd: {  	[bflag:$0x3] =	sbarrier.arrive $0xFFFF  }
0xce: {  	_ =	shalt  }

// kernel: kernel.14.cloned.1.call-start
scs
__scs_entry_jumppad:
0x0: {  	(pc) =	sbr.rel $0x88, $3  }
0x1: {  	(tag) =	ssettag $0x0;
	lr =	simm.s32 $0x1  }
0x2: {  	[smem:$0x3F85] =	sst lr;
	_ =	strace $0xD0000000  }
0x3: {  	_ = 	snop  }
0x4: {  	_ = 	snop  }
0x5: {  	_ = 	snop  }
0x6: {  	_ = 	snop  }
0x7: {  	_ = 	snop  }
__scs_overlays_trampoline_lowered:
0x8: {  	[smem:$0x3F94] =	sst s0  }
0x9: {  	[smem:$0x3F95] =	sst s1  }
0xa: {  	[smem:$0x3F96] =	sst s2  }
0xb: {  	[smem:$0x3F97] =	sst s3  }
0xc: {  	[smem:$0x3F98] =	sst s4  }
0xd: {  	[smem:$0x3F99] =	sst s5  }
0xe: {  	[smem:$0x3F9A] =	sst s6  }
0xf: {  	[smem:$0x3F9B] =	sst s7  }
0x10: {  	[smem:$0x3F9C] =	sst s8  }
0x11: {  	[smem:$0x3F9D] =	sst s9;
	s0 =	simm.s32 @!p0 $0x0  }
0x12: {  	s1 =	sld [smem:$0x3F83];
	s0 =	simm.s32 @p0 $0x1  }
0x13: {  	[smem:$0x3F9E] =	sst s0;
	s0 =	simm.s32 @!p1 $0x0  }
0x14: {  	s2 =	sld [smem:$0x3F82];
	s0 =	simm.s32 @p1 $0x1  }
0x15: {  	[smem:$0x3F9F] =	sst s0;
	s0 =	simm.s32 @!p2 $0x0  }
0x16: {  	s3 =	sld [smem:$0x3FDB];
	s0 =	simm.s32 @p2 $0x1  }
0x17: {  	s4 =	simm.s32 $0x1BF5;
	[smem:$0x3FA1] =	sst s0  }
0x18: {  	s0 =	sld [smem:$0x3F84];
	_ =	swait.ge [sflag:s4], $0x0  }
0x19: {  	s7 =	sld [smem:$0x3F85]  }
0x1a: {  	s8 =	sadd.s32 $0xFFFFE003, lr  }
0x1b: {  	s9 =	sadd.s32 $0xFFFFFEF7, lr;
	s5 =	simm.s32 $0xFFFFFFFF;
	p2 =	slt.u32 s8, $0xFFFFF086  }
0x1c: {  	p1 =	slt.u32 s9, $0xF7A;
	s5 =	simm.s32 @!p2 $0x0  }
0x1d: {  	s5 =	simm.s32 @p1 $0x1;
	p0 =	seq.s32 s7, s2  }
0x1e: {  	s7 =	smul.u32 @!p0 $0xF7A, s2;
	p2 =	seq.s32 @!p0 s5, $0x0  }
0x1f: {  	s9 =	smul.u32 $0xF7A, s1;
	s8 =	simm.s32 @!p0 $0x1BF5;
	p2 =	por !p2, p0  }
0x20: {  	[sflag:s8] =	ssyncset.s32 @!p0 $0xFFFFF086;
	s6 =	sadd.s32 @!p0 s3, s7;
	s7 =	simm.s32 @!p0 $0x108  }
0x21: {  	s3 =	sadd.s32 s3, s9;
	s6 =	sadd.s32 @!p0 $0x88, s6;
	s7 =	simm.s32 @p2 $0x1082  }
0x22: {  	[simem:s7], [sflag:s8] =	dma.local @!p0 [hbm:s6], $0xF7A  }
0x23: {  	s9 =	sor.u32 $0xD0000000, s2;
	s6 =	simm.s32 $0x108;
	_ =	swait.ge @!p0 [sflag:s8], $0x0  }
0x24: {  	s3 =	sadd.s32 $0x88, s3;
	s6 =	simm.s32 @!p1 $0x1082;
	[sflag:s4] =	ssyncset.s32 $0xFFFFF086  }
0x25: {  	[simem:s6], [sflag:s4] =	dma.local [hbm:s3], $0xF7A  }
0x26: {  	[smem:$0x3F85] =	sst s1;
	(tag) =	ssettag s2;
	_ =	strace s9  }
0x27: {  	s1 =	sld [smem:$0x3F95]  }
0x28: {  	s2 =	sld [smem:$0x3F96]  }
0x29: {  	s4 =	sld [smem:$0x3F98]  }
0x2a: {  	p0 =	seq.s32 s5, $0x0;
	s5 =	sld [smem:$0x3F99]  }
0x2b: {  	s6 =	sld [smem:$0x3F9A]  }
0x2c: {  	s7 =	sld [smem:$0x3F9B]  }
0x2d: {  	s3 =	simm.s32 $0x108;
	s8 =	sld [smem:$0x3F9C]  }
0x2e: {  	s3 =	simm.s32 @!p0 $0x1082;
	s9 =	sld [smem:$0x3F9D]  }
0x2f: {  	lr =	sadd.s32 s0, s3;
	s0 =	sld [smem:$0x3F94]  }
0x30: {  	s3 =	sld [smem:$0x3F97]  }
0x31: {  	[smem:$0x3FA0] =	sst s10  }
0x32: {  	s10 =	sld [smem:$0x3F9E];
	_ =	sdelay $0x3  }
0x33: {  	p0 =	seq.s32 s10, $0x1;
	s10 =	sld [smem:$0x3FA0];
	_ =	sdelay $0x3  }
0x34: {  	[smem:$0x3FA0] =	sst s10  }
0x35: {  	s10 =	sld [smem:$0x3F9F];
	_ =	sdelay $0x3  }
0x36: {  	p1 =	seq.s32 s10, $0x1;
	s10 =	sld [smem:$0x3FA0];
	_ =	sdelay $0x3  }
0x37: {  	[smem:$0x3FA0] =	sst s10  }
0x38: {  	s10 =	sld [smem:$0x3FA1]  }
0x39: {  	_ = 	snop;
	(pc) =	sbr.ind lr, $3  }
0x3a: {  	_ = 	snop  }
0x3b: {  	_ = 	snop  }
0x3c: {  	p2 =	seq.s32 s10, $0x1;
	s10 =	sld [smem:$0x3FA0]  }
0x3d: {  	_ =	shalt  }
0x3e: {  	_ =	shalt  }
0x3f: {  	_ =	shalt  }
0x40: {  	_ =	shalt  }
0x41: {  	_ =	shalt  }
0x42: {  	_ =	shalt  }
0x43: {  	_ =	shalt  }
0x44: {  	_ =	shalt  }
0x45: {  	_ =	shalt  }
0x46: {  	_ =	shalt  }
0x47: {  	_ =	shalt  }
0x48: {  	_ =	shalt  }
0x49: {  	_ =	shalt  }
0x4a: {  	_ =	shalt  }
0x4b: {  	_ =	shalt  }
0x4c: {  	_ =	shalt  }
0x4d: {  	_ =	shalt  }
0x4e: {  	_ =	shalt  }
0x4f: {  	_ =	shalt  }
0x50: {  	_ =	shalt  }
0x51: {  	_ =	shalt  }
0x52: {  	_ =	shalt  }
0x53: {  	_ =	shalt  }
0x54: {  	_ =	shalt  }
0x55: {  	_ =	shalt  }
0x56: {  	_ =	shalt  }
0x57: {  	_ =	shalt  }
0x58: {  	_ =	shalt  }
0x59: {  	_ =	shalt  }
0x5a: {  	_ =	shalt  }
0x5b: {  	_ =	shalt  }
0x5c: {  	_ =	shalt  }
0x5d: {  	_ =	shalt  }
0x5e: {  	_ =	shalt  }
0x5f: {  	_ =	shalt  }
0x60: {  	_ =	shalt  }
0x61: {  	_ =	shalt  }
0x62: {  	_ =	shalt  }
0x63: {  	_ =	shalt  }
0x64: {  	_ =	shalt  }
0x65: {  	_ =	shalt  }
0x66: {  	_ =	shalt  }
0x67: {  	_ =	shalt  }
0x68: {  	_ =	shalt  }
0x69: {  	_ =	shalt  }
0x6a: {  	_ =	shalt  }
0x6b: {  	_ =	shalt  }
0x6c: {  	_ =	shalt  }
0x6d: {  	_ =	shalt  }
0x6e: {  	_ =	shalt  }
0x6f: {  	_ =	shalt  }
0x70: {  	_ =	shalt  }
0x71: {  	_ =	shalt  }
0x72: {  	_ =	shalt  }
0x73: {  	_ =	shalt  }
0x74: {  	_ =	shalt  }
0x75: {  	_ =	shalt  }
0x76: {  	_ =	shalt  }
0x77: {  	_ =	shalt  }
0x78: {  	_ =	shalt  }
0x79: {  	_ =	shalt  }
0x7a: {  	_ =	shalt  }
0x7b: {  	_ =	shalt  }
0x7c: {  	_ =	shalt  }
0x7d: {  	_ =	shalt  }
0x7e: {  	_ =	shalt  }
0x7f: {  	_ =	shalt  }
0x80: {  	_ =	shalt  }
0x81: {  	_ =	shalt  }
0x82: {  	_ =	shalt  }
0x83: {  	_ =	shalt  }
0x84: {  	_ =	shalt  }
0x85: {  	_ =	shalt  }
0x86: {  	_ =	shalt  }
0x87: {  	_ =	shalt  }
.Lfunc_end0:
.L_simem_size_0:
called_computation.2_lowered:
.L_overlay_start_0:
0x88: {  	s2 =	sld [smem:$0x3FD9]  }
0x89: {  	s3 =	sld [smem:$0x3FFE];
	_ =	sdelay $0x1  }
0x8a: {  	s1 =	srdreg.scid  }
0x8b: {  	s0 =	sand.u32 $0x1, s1  }
0x8c: {  	s16 =	sshll.u32 s0, $0xA;
	s2 =	sadd.s32 s3, s2  }
0x8d: {  	s2 =	sadd.s32 s2, s16  }
0x8e: {  	[smem:$0x3FAC] =	sst s2  }
0x8f: {  	_ = 	snop  }
0x90: {  	(tm) =	ssettm $0x1  }
0x91: {  	s17 =	sld [smem:$0x3FFB];
	_ =	sdelay $0x3  }
0x92: {  	_ =	strace s17  }
0x93: {  	s2 =	sld [smem:$0x3FFC];
	_ =	sdelay $0x3  }
0x94: {  	_ =	strace s2  }
0x95: {  	s2 =	sld [smem:$0x3FFD];
	_ =	sdelay $0x3  }
0x96: {  	_ =	strace s2  }
0x97: {  	_ =	strace $0x8FFFFFFF  }
0x98: {  	s18 =	sld [smem:$0x3FDB];
	_ =	sdelay $0x1  }
0x99: {  	s19 =	simm.s32 $_scs_section_size  }
0x9a: {  	s4 =	simm.s32 $_size__tile_overlayer_lowered;
	s5 =	simm.s32 $_tile_overlayer_lowered  }
0x9b: {  	s22 =	simm.s32 $0x1BFF;
	s21 =	sshll.u32 s5, $0x1;
	s2 =	sadd.s32 s19, s18  }
0x9c: {  	s6 =	simm.s32 $0x0;
	s20 =	sshll.u32 s4, $0x1;
	s4 =	sadd.s32 s21, s2  }
0x9d: {  	[timem:s6], [sflag:s22] =	dma.local [hbm:s4], s20  }
0x9e: {  	_ =	swait.ge [sflag:s22], s20  }
0x9f: {  	s3 =	ssub.s32 $0x0, s20;
	[sflag:s22] =	ssyncset.done $0x0  }
0xa0: {  	[sflag:s22] =	ssyncadd.s32 s3;
	_ =	sdelay $0x1  }
0xa1: {  	s23 =	simm.s32 $0x1B8B  }
0xa2: {  	_ =	swait.ge [sflag:s23], $0x1  }
0xa3: {  	[sflag:s23] =	ssyncset.done $0x0  }
0xa4: {  	s25 =	simm.s32 $0x1B8E;
	s24 =	sld [smem:$0x3FFE];
	[sflag:s23] =	ssyncadd.s32 $0xFFFFFFFF  }
0xa5: {  	s26 =	simm.s32 $execute0_lowered;
	[smem:$0x3FD2] =	sst s25  }
0xa6: {  	s4 =	sshll.u32 s26, $0x1;
	_ =	strace $0x8000004C;
	[dreg:$0x1] =	wrdreg $0xFFFFFFFF  }
0xa7: {  	s28 =	simm.s32 $_size_execute0_lowered;
	s2 =	sadd.s32 s2, s4;
	[dreg:$0x0] =	wrdreg $0x0  }
0xa8: {  	s4 =	sshll.u32 s28, $0x1;
	[dreg:$0x2] =	wrdreg s2  }
0xa9: {  	[dreg:$0x3] =	wrdreg s4  }
0xaa: {  	[dreg:$0x4] =	wrdreg $0xC0  }
0xab: {  	_ =	task [dreg:s6], $0x5FFFF  }
0xac: {  	[dreg:$0x1] =	wrdreg $0xFFFFFFFF  }
0xad: {  	[dreg:$0x0] =	wrdreg $0x60  }
0xae: {  	[dreg:$0x2] =	wrdreg s24  }
0xaf: {  	[dreg:$0x3] =	wrdreg $0xA2800  }
0xb0: {  	[dreg:$0x4] =	wrdreg $0x9  }
0xb1: {  	_ =	task.clear_ibuf [dreg:s6], $0x5FFFF;
	_ =	strace $0x9000004C  }
0xb2: {  	s29 =	simm.s32 $0x9;
	_ =	strace $0x8000004E  }
0xb3: {  	_ =	swait.ge [sflag:s29], $0x1  }
0xb4: {  	[sflag:s29] =	ssyncadd.s32 $0xFFFFFFFF  }
0xb5: {  	_ =	strace $0x9000004E  }
0xb6: {  	_ =	sfence  }
0xb7: {  	s30 =	sld [smem:$0x0];
	_ =	sdelay $0x2  }
0xb8: {  	s31 =	sshll.u32 s1, $0xD;
	s1 =	sshrl.u32 s1, $0x2  }
0xb9: {  	s3 =	sand.u32 $0x4000, s31;
	s1 =	sadd.s32 s1, s30  }
0xba: {  	s0 =	sor.u32 s3, s0;
	s1 =	sshll.u32 s1, $0x11  }
0xbb: {  	s0 =	sor.u32 s1, s0  }
0xbc: {  	s0 =	sadd.s32 $0x8F2B, s0  }
0xbd: {  	[sflag:s0] =	ssyncadd.remote.s32 $0x1  }
0xbe: {  	_ =	sfence.sel $0xFFFF  }
0xbf: {  	[dreg:$0x0] =	wrdreg $0xFFFFFFFF;
	(pc) =	sbr.abs _section_cstart, $3  }
0xc0: {  	[dreg:$0x1] =	wrdreg $0xFFFFFFFF  }
0xc1: {  	_ =	task.clear_ibuf [dreg:s6], $0x2FFFF;
	_ =	strace $0x9FFFFFFF  }
0xc2: {  	(tm) =	ssettm $0x7FFFFFFF  }
0xc3: {  	_ =	shalt  }
tec
execute0_lowered:
.L_overlay_start_1:
0x0: {  	(tag) =	ssettag $0x1  }
0x1: {  	s0 =	srdreg.scid;
	s2 =	rddreg [dreg:$0x0]  }
0x2: {  	s9 =	stileid.u32;
	s1 =	rddreg [dreg:$0x1];
	s4 =	simm.s32 $0x0  }
0x3: {  	s11 =	simm.s32 $0x7;
	s12 =	simm.s32 $0x50;
	s13 =	simm.s32 $0x2780  }
0x4: {  	s14 =	simm.s32 $0x2A80;
	s15 =	simm.s32 $0x2880;
	s16 =	simm.s32 $0x5280  }
0x5: {  	s17 =	simm.s32 $0x2980;
	s18 =	simm.s32 $0x7A80;
	s28 =	simm.s32 $0x5  }
0x6: {  	s29 =	simm.s32 $0x3;
	s30 =	simm.s32 $0x2A00;
	s31 =	simm.s32 $0x6  }
0x7: {  	s0 =	sand.u32 $0x1, s0;
	[smem:$0x7FF] =	sst s4;
	s6 =	smul.u32 $0x4E000, s9  }
0x8: {  	s22 =	sshll.u32 s9, $0x7;
	s10 =	smul.u32 $0x13800, s9;
	p0 =	sne.s32 s9, $0x0  }
0x9: {  	s26 =	sshll.u32 s9, $0x6;
	s3 =	sshll.u32 s0, $0x4;
	_ =	strace $0x8000004D  }
0xa: {  	s5 =	sand.u32 $0x380, s22;
	s23 =	ssub.s32 $0x2, s0;
	s0 =	smul.u32 $0x138800, s0  }
0xb: {  	s19 =	sor.u32 $0x1C07, s26;
	s22 =	simm.s32 $0x1;
	s26 =	simm.s32 $0x2900  }
0xc: {  	s3 =	sor.u32 s9, s3;
	s8 =	sshrl.u32 s23, $0x1;
	s6 =	sshrl.u32 s6, $0x2  }
0xd: {  	s3 =	sshrl.u32 s3, $0x3;
	s8 =	ssub.s32 s23, s8;
	s24 =	sadd.s32 s10, s0  }
0xe: {  	s20 =	sadd.s32 s6, s1;
	s0 =	sshrl.u32 s0, $0x3;
	s10 =	simm.s32 $0x400  }
0xf: {  	s23 =	simm.s32 $0x2800;
	s21 =	smul.u32 $0x13C00, s3;
	s3 =	sadd.s32 $0x11200, s2  }
0x10: {  	s25 =	sshrl.u32 s24, $0x3;
	s8 =	smax.u32 s8, $0x1;
	s20 =	sshrl.u32 s20, $0x3  }
.Ltmp0:
0x11: {  	s4 =	sor.u32 s5, s21;
	s21 =	sadd.s32 $0x138000, s1;
	(pc) =	sbr.rel .LBB2_1-.Ltmp0, $4  }
0x12: {  	s24 =	simm.s32 $0x4;
	s4 =	sshrl.u32 s4, $0x3;
	s21 =	sshrl.u32 @!p0 s21, $0x3  }
0x13: {  	s7 =	sadd.s32 s4, s2;
	s4 =	sadd.s32 $0xEA00, s2;
	s2 =	sadd.s32 $0x38400, s2  }
0x14: {  	s5 =	sadd.s32 $0x4C00, s7;
	s6 =	sadd.s32 s2, s25;
	s0 =	sadd.s32 s2, s0  }
0x15: {  	s25 =	simm.s32 $0x2;
	s7 =	sadd.s32 $0x27000, s0;
	s0 =	simm.s32 $0x0  }
.LBB2_4:
0x16: {  	_ =	swait.ge [sflag:s22], $0x2800  }
0x17: {  	[sflag:s22] =	ssyncset.done $0x0  }
0x18: {  	[sflag:s22] =	ssyncadd.s32 $0xFFFFD800  }
0x19: {  	[spmem:s1] =	stream.indirect.scatter.add.f32 [tilespmem:s14], [sflag:$0x4], $0x80, s23, s12, $0xb8;
	[tilespmem:$0x1DB00] =	vst v63  }
0x1a: {  	_ =	swait.ge [sflag:s24], $0x2800  }
0x1b: {  	[sflag:s24] =	ssyncset.done $0x0  }
0x1c: {  	[sflag:s24] =	ssyncadd.s32 $0xFFFFD800  }
0x1d: {  	_ =	swait.ge [sflag:s25], $0x2800  }
0x1e: {  	[sflag:s25] =	ssyncset.done $0x0  }
0x1f: {  	[sflag:s25] =	ssyncadd.s32 $0xFFFFD800  }
0x20: {  	[spmem:s1] =	stream.indirect.scatter.add.f32 [tilespmem:s16], [sflag:$0x5], $0x80, s26, s12, $0xb8;
	[tilespmem:$0x1DB00] =	vst v63  }
0x21: {  	_ =	swait.ge [sflag:s28], $0x2800  }
0x22: {  	[sflag:s28] =	ssyncset.done $0x0  }
0x23: {  	[sflag:s28] =	ssyncadd.s32 $0xFFFFD800  }
0x24: {  	[bflag:$0x0] =	sbarrier.arrive $0xFFFF  }
0x25: {  	[hbm:s6], [sflag:s19] =	dma.local [spmem:s20], $0x2700  }
0x26: {  	s0 =	sadd.s32 $0x1, s0;
	_ =	swait.ge [sflag:s11], $0x2700  }
0x27: {  	p1 =	sne.s32 s0, s8;
	[sflag:s11] =	ssyncset.done $0x0  }
.Ltmp1:
0x28: {  	s2 =	simm.s32 @!p0 $0x7;
	[sflag:s11] =	ssyncadd.s32 $0xFFFFD900;
	(pc) =	sbr.rel @!p1 .LBB2_5-.Ltmp1, $4  }
0x29: {  	[hbm:s7], [sflag:s19] =	dma.local @!p0 [spmem:s21], $0x100  }
0x2a: {  	_ =	swait.ge @!p0 [sflag:s2], $0x100  }
0x2b: {  	[sflag:s2] =	ssyncset.done @!p0 $0x0  }
0x2c: {  	[sflag:s2] =	ssyncadd.s32 @!p0 $0xFFFFFF00  }
.LBB2_1:
0x2d: {  	s2 =	simm.s32 $0x0;
	s9 =	simm.s32 $0x80  }
0x2e: {  	[tilespmem:s2], [sflag:$0x7] =	stream.strided.gather [hbm4b:s5+s9], $0x2780, s10, s9, $0x38;
	[tilespmem:$0x1DB00] =	vst v63  }
0x2f: {  	_ =	swait.ge [sflag:s11], $0x2780  }
0x30: {  	[sflag:s11] =	ssyncset.done $0x0  }
0x31: {  	[sflag:s11] =	ssyncadd.s32 $0xFFFFD880  }
0x32: {  	v0 =	vld [tilespmem:$0x0];
	_ =	sdelay $0x1  }
0x33: {  	v1 =	vld [tilespmem:$0x10];
	_ =	sdelay $0x1  }
0x34: {  	v2 =	vld [tilespmem:$0x20]  }
0x35: {  	v3 =	vand.u32 $0x3FFF, v0  }
0x36: {  	v26 =	vld [tilespmem:$0x30];
	v0 =	vshrl.u32 v0, $0xE;
	[tilespmem:$0x2780] =	vst v3  }
0x37: {  	v27 =	vand.u32 $0x3FFF, v1;
	[tilespmem:$0x2800] =	vst v0  }
0x38: {  	v29 =	vld [tilespmem:$0x40];
	v28 =	vshrl.u32 v1, $0xE;
	[tilespmem:$0x2790] =	vst v27  }
0x39: {  	v30 =	vand.u32 $0x3FFF, v2;
	[tilespmem:$0x2810] =	vst v28  }
0x3a: {  	v31 =	vshrl.u32 v2, $0xE;
	[tilespmem:$0x27A0] =	vst v30  }
0x3b: {  	v32 =	vand.u32 $0x3FFF, v26;
	[tilespmem:$0x2820] =	vst v31  }
0x3c: {  	v33 =	vshrl.u32 v26, $0xE;
	[tilespmem:$0x27B0] =	vst v32  }
0x3d: {  	v34 =	vand.u32 $0x3FFF, v29;
	[tilespmem:$0x2830] =	vst v33  }
0x3e: {  	v35 =	vshrl.u32 v29, $0xE;
	[tilespmem:$0x27C0] =	vst v34  }
0x3f: {  	[tilespmem:$0x2840] =	vst v35  }
0x40: {  	[tilespmem:s14], [sflag:$0x1] =	stream.indirect.gather [hbm4b:s3+s12], $0x80, s13, s12, $0xb8;
	[tilespmem:$0x1DB00] =	vst v63  }
0x41: {  	v36 =	vld [tilespmem:$0x50];
	_ =	sdelay $0x1  }
0x42: {  	v37 =	vld [tilespmem:$0x60];
	_ =	sdelay $0x1  }
0x43: {  	v38 =	vld [tilespmem:$0x70]  }
0x44: {  	v39 =	vand.u32 $0x3FFF, v36  }
0x45: {  	v40 =	vld [tilespmem:$0x80];
	v0 =	vshrl.u32 v36, $0xE;
	[tilespmem:$0x2880] =	vst v39  }
0x46: {  	v41 =	vand.u32 $0x3FFF, v37;
	[tilespmem:$0x2900] =	vst v0  }
0x47: {  	v43 =	vld [tilespmem:$0x90];
	v42 =	vshrl.u32 v37, $0xE;
	[tilespmem:$0x2890] =	vst v41  }
0x48: {  	v44 =	vand.u32 $0x3FFF, v38;
	[tilespmem:$0x2910] =	vst v42  }
0x49: {  	v45 =	vshrl.u32 v38, $0xE;
	[tilespmem:$0x28A0] =	vst v44  }
0x4a: {  	v46 =	vand.u32 $0x3FFF, v40;
	[tilespmem:$0x2920] =	vst v45  }
0x4b: {  	v47 =	vshrl.u32 v40, $0xE;
	[tilespmem:$0x28B0] =	vst v46  }
0x4c: {  	v48 =	vand.u32 $0x3FFF, v43;
	[tilespmem:$0x2930] =	vst v47  }
0x4d: {  	v49 =	vshrl.u32 v43, $0xE;
	[tilespmem:$0x28C0] =	vst v48  }
0x4e: {  	[tilespmem:$0x2940] =	vst v49  }
0x4f: {  	[tilespmem:s16], [sflag:$0x2] =	stream.indirect.gather [hbm4b:s3+s12], $0x80, s15, s12, $0xb8;
	[tilespmem:$0x1DB00] =	vst v63  }
0x50: {  	v50 =	vld [tilespmem:$0xA0];
	_ =	sdelay $0x1  }
0x51: {  	v51 =	vld [tilespmem:$0xB0];
	_ =	sdelay $0x1  }
0x52: {  	v52 =	vld [tilespmem:$0xC0]  }
0x53: {  	v53 =	vand.u32 $0x3FFF, v50  }
0x54: {  	v54 =	vld [tilespmem:$0xD0];
	v0 =	vshrl.u32 v50, $0xE;
	[tilespmem:$0x2980] =	vst v53  }
0x55: {  	v55 =	vand.u32 $0x3FFF, v51;
	[tilespmem:$0x2A00] =	vst v0  }
0x56: {  	v57 =	vld [tilespmem:$0xE0];
	v56 =	vshrl.u32 v51, $0xE;
	[tilespmem:$0x2990] =	vst v55  }
0x57: {  	v58 =	vand.u32 $0x3FFF, v52;
	[tilespmem:$0x2A10] =	vst v56  }
0x58: {  	v59 =	vshrl.u32 v52, $0xE;
	[tilespmem:$0x29A0] =	vst v58  }
0x59: {  	v60 =	vand.u32 $0x3FFF, v54;
	[tilespmem:$0x2A20] =	vst v59  }
0x5a: {  	v61 =	vshrl.u32 v54, $0xE;
	[tilespmem:$0x29B0] =	vst v60  }
0x5b: {  	v62 =	vand.u32 $0x3FFF, v57;
	[tilespmem:$0x2A30] =	vst v61  }
0x5c: {  	v63 =	vshrl.u32 v57, $0xE;
	[tilespmem:$0x29C0] =	vst v62  }
0x5d: {  	[tilespmem:$0x2A40] =	vst v63  }
0x5e: {  	[tilespmem:s18], [sflag:$0x3] =	stream.indirect.gather [hbm4b:s3+s12], $0x80, s17, s12, $0xb8;
	[tilespmem:$0x1DB00] =	vst v63  }
0x5f: {  	[spmem:s20], [sflag:s19] =	dma.local [hbm:s4], $0x2700  }
0x60: {  	_ =	swait.ge [sflag:s11], $0x2700  }
0x61: {  	[sflag:s11] =	ssyncset.done $0x0  }
0x62: {  	s2 =	simm.s32 @!p0 $0x7;
	[sflag:s11] =	ssyncadd.s32 $0xFFFFD900  }
0x63: {  	[spmem:s21], [sflag:s19] =	dma.local @!p0 [hbm:s4], $0x100  }
0x64: {  	_ =	swait.ge @!p0 [sflag:s2], $0x100  }
0x65: {  	[sflag:s2] =	ssyncset.done @!p0 $0x0  }
0x66: {  	[sflag:s2] =	ssyncadd.s32 @!p0 $0xFFFFFF00  }
0x67: {  	s2 =	simm.s32 $0x740;
	[bflag:$0x0] =	sbarrier.arrive $0xFFFF  }
.LBB2_2:
0x68: {  	_ =	swait.ge [sflag:s22], $0x2800  }
0x69: {  	[sflag:s22] =	ssyncset.done $0x0  }
0x6a: {  	[sflag:s22] =	ssyncadd.s32 $0xFFFFD800  }
0x6b: {  	[spmem:s1] =	stream.indirect.scatter.add.f32 [tilespmem:s14], [sflag:$0x4], $0x80, s23, s12, $0xb8;
	[tilespmem:$0x1DB00] =	vst v63  }
0x6c: {  	_ =	swait.ge [sflag:s24], $0x2800  }
0x6d: {  	[sflag:s24] =	ssyncset.done $0x0  }
0x6e: {  	s9 =	sshra.s32 s2, $0x2;
	[sflag:s24] =	ssyncadd.s32 $0xFFFFD800  }
0x6f: {  	v0 =	vld [tilespmem:s9+$0xFFFFFF20];
	_ =	sdelay $0x4  }
0x70: {  	v1 =	vand.u32 $0x3FFF, v0  }
0x71: {  	v0 =	vshrl.u32 v0, $0xE;
	[tilespmem:$0x2780] =	vst v1  }
0x72: {  	[tilespmem:$0x2800] =	vst v0  }
0x73: {  	v0 =	vld [tilespmem:s9+$0xFFFFFF30];
	_ =	sdelay $0x4  }
0x74: {  	v54 =	vand.u32 $0x3FFF, v0  }
0x75: {  	v0 =	vshrl.u32 v0, $0xE;
	[tilespmem:$0x2790] =	vst v54  }
0x76: {  	[tilespmem:$0x2810] =	vst v0  }
0x77: {  	v0 =	vld [tilespmem:s9+$0xFFFFFF40];
	_ =	sdelay $0x4  }
0x78: {  	v55 =	vand.u32 $0x3FFF, v0  }
0x79: {  	v0 =	vshrl.u32 v0, $0xE;
	[tilespmem:$0x27A0] =	vst v55  }
0x7a: {  	[tilespmem:$0x2820] =	vst v0  }
0x7b: {  	v0 =	vld [tilespmem:s9+$0xFFFFFF50];
	_ =	sdelay $0x4  }
0x7c: {  	v56 =	vand.u32 $0x3FFF, v0  }
0x7d: {  	v0 =	vshrl.u32 v0, $0xE;
	[tilespmem:$0x27B0] =	vst v56  }
0x7e: {  	[tilespmem:$0x2830] =	vst v0  }
0x7f: {  	v0 =	vld [tilespmem:s9+$0xFFFFFF60];
	_ =	sdelay $0x4  }
0x80: {  	v57 =	vand.u32 $0x3FFF, v0  }
0x81: {  	v0 =	vshrl.u32 v0, $0xE;
	[tilespmem:$0x27C0] =	vst v57  }
0x82: {  	[tilespmem:$0x2840] =	vst v0  }
0x83: {  	[tilespmem:s14], [sflag:$0x1] =	stream.indirect.gather [hbm4b:s3+s12], $0x80, s13, s12, $0xb8;
	[tilespmem:$0x1DB00] =	vst v63  }
0x84: {  	_ =	swait.ge [sflag:s25], $0x2800  }
0x85: {  	[sflag:s25] =	ssyncset.done $0x0  }
0x86: {  	[sflag:s25] =	ssyncadd.s32 $0xFFFFD800  }
0x87: {  	[spmem:s1] =	stream.indirect.scatter.add.f32 [tilespmem:s16], [sflag:$0x5], $0x80, s26, s12, $0xb8;
	[tilespmem:$0x1DB00] =	vst v63  }
0x88: {  	_ =	swait.ge [sflag:s28], $0x2800  }
0x89: {  	[sflag:s28] =	ssyncset.done $0x0  }
0x8a: {  	[sflag:s28] =	ssyncadd.s32 $0xFFFFD800  }
0x8b: {  	v58 =	vld [tilespmem:s9+$0xFFFFFF70];
	_ =	sdelay $0x4  }
0x8c: {  	v59 =	vand.u32 $0x3FFF, v58  }
0x8d: {  	v0 =	vshrl.u32 v58, $0xE;
	[tilespmem:$0x2880] =	vst v59  }
0x8e: {  	[tilespmem:$0x2900] =	vst v0  }
0x8f: {  	v0 =	vld [tilespmem:s9+$0xFFFFFF80];
	_ =	sdelay $0x4  }
0x90: {  	v60 =	vand.u32 $0x3FFF, v0  }
0x91: {  	v0 =	vshrl.u32 v0, $0xE;
	[tilespmem:$0x2890] =	vst v60  }
0x92: {  	[tilespmem:$0x2910] =	vst v0  }
0x93: {  	v0 =	vld [tilespmem:s9+$0xFFFFFF90];
	_ =	sdelay $0x4  }
0x94: {  	v61 =	vand.u32 $0x3FFF, v0  }
0x95: {  	v0 =	vshrl.u32 v0, $0xE;
	[tilespmem:$0x28A0] =	vst v61  }
0x96: {  	[tilespmem:$0x2920] =	vst v0  }
0x97: {  	v0 =	vld [tilespmem:s9+$0xFFFFFFA0];
	_ =	sdelay $0x4  }
0x98: {  	v62 =	vand.u32 $0x3FFF, v0  }
0x99: {  	v0 =	vshrl.u32 v0, $0xE;
	[tilespmem:$0x28B0] =	vst v62  }
0x9a: {  	[tilespmem:$0x2930] =	vst v0  }
0x9b: {  	v0 =	vld [tilespmem:s9+$0xFFFFFFB0];
	_ =	sdelay $0x4  }
0x9c: {  	v63 =	vand.u32 $0x3FFF, v0  }
0x9d: {  	v0 =	vshrl.u32 v0, $0xE;
	[tilespmem:$0x28C0] =	vst v63  }
0x9e: {  	[tilespmem:$0x2940] =	vst v0  }
0x9f: {  	[tilespmem:s16], [sflag:$0x2] =	stream.indirect.gather [hbm4b:s3+s12], $0x80, s15, s12, $0xb8;
	[tilespmem:$0x1DB00] =	vst v63  }
0xa0: {  	_ =	swait.ge [sflag:s29], $0x2800  }
0xa1: {  	p1 =	seq.s32 s2, $0x9D40;
	[sflag:s29] =	ssyncset.done $0x0  }
.Ltmp2:
0xa2: {  	[sflag:s29] =	ssyncadd.s32 $0xFFFFD800;
	(pc) =	sbr.rel @p1 .LBB2_4-.Ltmp2, $4  }
0xa3: {  	[spmem:s1] =	stream.indirect.scatter.add.f32 [tilespmem:s18], [sflag:$0x6], $0x80, s30, s12, $0xb8;
	[tilespmem:$0x1DB00] =	vst v63  }
0xa4: {  	_ =	swait.ge [sflag:s31], $0x2800  }
0xa5: {  	[sflag:s31] =	ssyncset.done $0x0  }
0xa6: {  	[sflag:s31] =	ssyncadd.s32 $0xFFFFD800  }
0xa7: {  	v0 =	vld [tilespmem:s9+$0xFFFFFFC0];
	_ =	sdelay $0x4  }
0xa8: {  	v1 =	vand.u32 $0x3FFF, v0  }
0xa9: {  	v0 =	vshrl.u32 v0, $0xE;
	[tilespmem:$0x2980] =	vst v1  }
0xaa: {  	[tilespmem:$0x2A00] =	vst v0  }
0xab: {  	v0 =	vld [tilespmem:s9+$0xFFFFFFD0];
	_ =	sdelay $0x4  }
0xac: {  	v60 =	vand.u32 $0x3FFF, v0  }
0xad: {  	v0 =	vshrl.u32 v0, $0xE;
	[tilespmem:$0x2990] =	vst v60  }
0xae: {  	[tilespmem:$0x2A10] =	vst v0  }
0xaf: {  	v0 =	vld [tilespmem:s9+$0xFFFFFFE0];
	_ =	sdelay $0x4  }
0xb0: {  	v61 =	vand.u32 $0x3FFF, v0  }
0xb1: {  	v0 =	vshrl.u32 v0, $0xE;
	[tilespmem:$0x29A0] =	vst v61  }
0xb2: {  	[tilespmem:$0x2A20] =	vst v0  }
0xb3: {  	v0 =	vld [tilespmem:s9+$0xFFFFFFF0];
	_ =	sdelay $0x4  }
0xb4: {  	v62 =	vand.u32 $0x3FFF, v0  }
0xb5: {  	v0 =	vshrl.u32 v0, $0xE;
	[tilespmem:$0x29B0] =	vst v62  }
0xb6: {  	[tilespmem:$0x2A30] =	vst v0  }
0xb7: {  	v0 =	vld [tilespmem:s9+$0x0];
	_ =	sdelay $0x3  }
.Ltmp3:
0xb8: {  	_ = 	snop;
	(pc) =	sbr.rel .LBB2_2-.Ltmp3, $4  }
0xb9: {  	v63 =	vand.u32 $0x3FFF, v0  }
0xba: {  	v0 =	vshrl.u32 v0, $0xE;
	[tilespmem:$0x29C0] =	vst v63  }
0xbb: {  	s2 =	sadd.s32 $0x3C0, s2;
	[tilespmem:$0x2A40] =	vst v0  }
0xbc: {  	[tilespmem:s18], [sflag:$0x3] =	stream.indirect.gather [hbm4b:s3+s12], $0x80, s17, s12, $0xb8;
	[tilespmem:$0x1DB00] =	vst v63  }
.LBB2_5:
0xbd: {  	_ =	sfence.sel $0x180000  }
0xbe: {  	[bflag:$0x0] =	sbarrier.arrive $0xFFFF  }
0xbf: {  	_ =	strace $0x9000004D  }
0xc0: {  	[bflag:$0x2] =	sbarrier.arrive $0xFFFF  }
0xc1: {  	s0 =	rddreg [dreg:$0x2]  }
0xc2: {  	s0 =	sadd.s32 @!p0 $0x100000, s0  }
0xc3: {  	[sflag:s0] =	ssyncadd.tile.s32 @!p0 $0x1;
	_ =	shalt  }
.Lfunc_end2:
_tile_overlayer_lowered:
.L_overlay_start_2:
0xc4: {  	(tag) =	ssettag $0x2  }
0xc5: {  	s0 =	rddreg [dreg:$0x0];
	s2 =	stileid.u32  }
0xc6: {  	s1 =	rddreg [dreg:$0x1];
	p0 =	sne.s32 s2, $0x0  }
0xc7: {  	s3 =	rddreg [dreg:$0x2];
	[bflag:$0x3] =	sbarrier.arrive $0xFFFF;
	s2 =	simm.s32 @!p0 $0x1C07  }
0xc8: {  	[timem:s3], [sflag:s2] =	dma.local @!p0 [hbm:s0], s1  }
0xc9: {  	s0 =	simm.s32 @!p0 $0x7  }
0xca: {  	_ =	swait.ge @!p0 [sflag:s0], s1  }
0xcb: {  	s1 =	ssub.s32 @!p0 $0x0, s1;
	[sflag:s0] =	ssyncset.done @!p0 $0x0  }
0xcc: {  	[sflag:s0] =	ssyncadd.s32 @!p0 s1  }
0xcd: {  	[bflag:$0x3] =	sbarrier.arrive $0xFFFF  }
0xce: {  	_ =	shalt  }

// kernel: kernel.8.cloned.1.call-start
scs
__scs_entry_jumppad:
0x0: {  	(pc) =	sbr.rel $0x88, $3  }
0x1: {  	(tag) =	ssettag $0x0;
	lr =	simm.s32 $0x1  }
0x2: {  	[smem:$0x3F85] =	sst lr;
	_ =	strace $0xD0000000  }
0x3: {  	_ = 	snop  }
0x4: {  	_ = 	snop  }
0x5: {  	_ = 	snop  }
0x6: {  	_ = 	snop  }
0x7: {  	_ = 	snop  }
__scs_overlays_trampoline_lowered:
0x8: {  	[smem:$0x3F94] =	sst s0  }
0x9: {  	[smem:$0x3F95] =	sst s1  }
0xa: {  	[smem:$0x3F96] =	sst s2  }
0xb: {  	[smem:$0x3F97] =	sst s3  }
0xc: {  	[smem:$0x3F98] =	sst s4  }
0xd: {  	[smem:$0x3F99] =	sst s5  }
0xe: {  	[smem:$0x3F9A] =	sst s6  }
0xf: {  	[smem:$0x3F9B] =	sst s7  }
0x10: {  	[smem:$0x3F9C] =	sst s8  }
0x11: {  	[smem:$0x3F9D] =	sst s9;
	s0 =	simm.s32 @!p0 $0x0  }
0x12: {  	s1 =	sld [smem:$0x3F83];
	s0 =	simm.s32 @p0 $0x1  }
0x13: {  	[smem:$0x3F9E] =	sst s0;
	s0 =	simm.s32 @!p1 $0x0  }
0x14: {  	s2 =	sld [smem:$0x3F82];
	s0 =	simm.s32 @p1 $0x1  }
0x15: {  	[smem:$0x3F9F] =	sst s0;
	s0 =	simm.s32 @!p2 $0x0  }
0x16: {  	s3 =	sld [smem:$0x3FDB];
	s0 =	simm.s32 @p2 $0x1  }
0x17: {  	s4 =	simm.s32 $0x1BF5;
	[smem:$0x3FA1] =	sst s0  }
0x18: {  	s0 =	sld [smem:$0x3F84];
	_ =	swait.ge [sflag:s4], $0x0  }
0x19: {  	s7 =	sld [smem:$0x3F85]  }
0x1a: {  	s8 =	sadd.s32 $0xFFFFE003, lr  }
0x1b: {  	s9 =	sadd.s32 $0xFFFFFEF7, lr;
	s5 =	simm.s32 $0xFFFFFFFF;
	p2 =	slt.u32 s8, $0xFFFFF086  }
0x1c: {  	p1 =	slt.u32 s9, $0xF7A;
	s5 =	simm.s32 @!p2 $0x0  }
0x1d: {  	s5 =	simm.s32 @p1 $0x1;
	p0 =	seq.s32 s7, s2  }
0x1e: {  	s7 =	smul.u32 @!p0 $0xF7A, s2;
	p2 =	seq.s32 @!p0 s5, $0x0  }
0x1f: {  	s9 =	smul.u32 $0xF7A, s1;
	s8 =	simm.s32 @!p0 $0x1BF5;
	p2 =	por !p2, p0  }
0x20: {  	[sflag:s8] =	ssyncset.s32 @!p0 $0xFFFFF086;
	s6 =	sadd.s32 @!p0 s3, s7;
	s7 =	simm.s32 @!p0 $0x108  }
0x21: {  	s3 =	sadd.s32 s3, s9;
	s6 =	sadd.s32 @!p0 $0x88, s6;
	s7 =	simm.s32 @p2 $0x1082  }
0x22: {  	[simem:s7], [sflag:s8] =	dma.local @!p0 [hbm:s6], $0xF7A  }
0x23: {  	s9 =	sor.u32 $0xD0000000, s2;
	s6 =	simm.s32 $0x108;
	_ =	swait.ge @!p0 [sflag:s8], $0x0  }
0x24: {  	s3 =	sadd.s32 $0x88, s3;
	s6 =	simm.s32 @!p1 $0x1082;
	[sflag:s4] =	ssyncset.s32 $0xFFFFF086  }
0x25: {  	[simem:s6], [sflag:s4] =	dma.local [hbm:s3], $0xF7A  }
0x26: {  	[smem:$0x3F85] =	sst s1;
	(tag) =	ssettag s2;
	_ =	strace s9  }
0x27: {  	s1 =	sld [smem:$0x3F95]  }
0x28: {  	s2 =	sld [smem:$0x3F96]  }
0x29: {  	s4 =	sld [smem:$0x3F98]  }
0x2a: {  	p0 =	seq.s32 s5, $0x0;
	s5 =	sld [smem:$0x3F99]  }
0x2b: {  	s6 =	sld [smem:$0x3F9A]  }
0x2c: {  	s7 =	sld [smem:$0x3F9B]  }
0x2d: {  	s3 =	simm.s32 $0x108;
	s8 =	sld [smem:$0x3F9C]  }
0x2e: {  	s3 =	simm.s32 @!p0 $0x1082;
	s9 =	sld [smem:$0x3F9D]  }
0x2f: {  	lr =	sadd.s32 s0, s3;
	s0 =	sld [smem:$0x3F94]  }
0x30: {  	s3 =	sld [smem:$0x3F97]  }
0x31: {  	[smem:$0x3FA0] =	sst s10  }
0x32: {  	s10 =	sld [smem:$0x3F9E];
	_ =	sdelay $0x3  }
0x33: {  	p0 =	seq.s32 s10, $0x1;
	s10 =	sld [smem:$0x3FA0];
	_ =	sdelay $0x3  }
0x34: {  	[smem:$0x3FA0] =	sst s10  }
0x35: {  	s10 =	sld [smem:$0x3F9F];
	_ =	sdelay $0x3  }
0x36: {  	p1 =	seq.s32 s10, $0x1;
	s10 =	sld [smem:$0x3FA0];
	_ =	sdelay $0x3  }
0x37: {  	[smem:$0x3FA0] =	sst s10  }
0x38: {  	s10 =	sld [smem:$0x3FA1]  }
0x39: {  	_ = 	snop;
	(pc) =	sbr.ind lr, $3  }
0x3a: {  	_ = 	snop  }
0x3b: {  	_ = 	snop  }
0x3c: {  	p2 =	seq.s32 s10, $0x1;
	s10 =	sld [smem:$0x3FA0]  }
0x3d: {  	_ =	shalt  }
0x3e: {  	_ =	shalt  }
0x3f: {  	_ =	shalt  }
0x40: {  	_ =	shalt  }
0x41: {  	_ =	shalt  }
0x42: {  	_ =	shalt  }
0x43: {  	_ =	shalt  }
0x44: {  	_ =	shalt  }
0x45: {  	_ =	shalt  }
0x46: {  	_ =	shalt  }
0x47: {  	_ =	shalt  }
0x48: {  	_ =	shalt  }
0x49: {  	_ =	shalt  }
0x4a: {  	_ =	shalt  }
0x4b: {  	_ =	shalt  }
0x4c: {  	_ =	shalt  }
0x4d: {  	_ =	shalt  }
0x4e: {  	_ =	shalt  }
0x4f: {  	_ =	shalt  }
0x50: {  	_ =	shalt  }
0x51: {  	_ =	shalt  }
0x52: {  	_ =	shalt  }
0x53: {  	_ =	shalt  }
0x54: {  	_ =	shalt  }
0x55: {  	_ =	shalt  }
0x56: {  	_ =	shalt  }
0x57: {  	_ =	shalt  }
0x58: {  	_ =	shalt  }
0x59: {  	_ =	shalt  }
0x5a: {  	_ =	shalt  }
0x5b: {  	_ =	shalt  }
0x5c: {  	_ =	shalt  }
0x5d: {  	_ =	shalt  }
0x5e: {  	_ =	shalt  }
0x5f: {  	_ =	shalt  }
0x60: {  	_ =	shalt  }
0x61: {  	_ =	shalt  }
0x62: {  	_ =	shalt  }
0x63: {  	_ =	shalt  }
0x64: {  	_ =	shalt  }
0x65: {  	_ =	shalt  }
0x66: {  	_ =	shalt  }
0x67: {  	_ =	shalt  }
0x68: {  	_ =	shalt  }
0x69: {  	_ =	shalt  }
0x6a: {  	_ =	shalt  }
0x6b: {  	_ =	shalt  }
0x6c: {  	_ =	shalt  }
0x6d: {  	_ =	shalt  }
0x6e: {  	_ =	shalt  }
0x6f: {  	_ =	shalt  }
0x70: {  	_ =	shalt  }
0x71: {  	_ =	shalt  }
0x72: {  	_ =	shalt  }
0x73: {  	_ =	shalt  }
0x74: {  	_ =	shalt  }
0x75: {  	_ =	shalt  }
0x76: {  	_ =	shalt  }
0x77: {  	_ =	shalt  }
0x78: {  	_ =	shalt  }
0x79: {  	_ =	shalt  }
0x7a: {  	_ =	shalt  }
0x7b: {  	_ =	shalt  }
0x7c: {  	_ =	shalt  }
0x7d: {  	_ =	shalt  }
0x7e: {  	_ =	shalt  }
0x7f: {  	_ =	shalt  }
0x80: {  	_ =	shalt  }
0x81: {  	_ =	shalt  }
0x82: {  	_ =	shalt  }
0x83: {  	_ =	shalt  }
0x84: {  	_ =	shalt  }
0x85: {  	_ =	shalt  }
0x86: {  	_ =	shalt  }
0x87: {  	_ =	shalt  }
.Lfunc_end0:
.L_simem_size_0:
called_computation_lowered:
.L_overlay_start_0:
0x88: {  	s2 =	sld [smem:$0x3FD9]  }
0x89: {  	s3 =	sld [smem:$0x3FFE];
	_ =	sdelay $0x1  }
0x8a: {  	s1 =	srdreg.scid  }
0x8b: {  	s0 =	sand.u32 $0x1, s1  }
0x8c: {  	s17 =	sshll.u32 s0, $0xA;
	s2 =	sadd.s32 s3, s2  }
0x8d: {  	s2 =	sadd.s32 s2, s17  }
0x8e: {  	[smem:$0x3FAC] =	sst s2  }
0x8f: {  	_ = 	snop  }
0x90: {  	s2 =	sld [smem:$0x3FC9];
	(tm) =	ssettm $0x1  }
0x91: {  	s18 =	sld [smem:$0x3FFB];
	_ =	sdelay $0x3  }
0x92: {  	_ =	strace s18  }
0x93: {  	s3 =	sld [smem:$0x3FFC];
	_ =	sdelay $0x3  }
0x94: {  	_ =	strace s3  }
0x95: {  	s3 =	sld [smem:$0x3FFD];
	_ =	sdelay $0x3  }
0x96: {  	_ =	strace s3  }
0x97: {  	_ =	strace $0x8FFFFFFF  }
0x98: {  	s19 =	sld [smem:$0x3FDB];
	_ =	sdelay $0x1  }
0x99: {  	s4 =	simm.s32 $_scs_section_size  }
0x9a: {  	s5 =	simm.s32 $_size__tile_overlayer_lowered;
	s6 =	simm.s32 $_tile_overlayer_lowered  }
0x9b: {  	s22 =	simm.s32 $0x1BFF;
	s21 =	sshll.u32 s6, $0x1;
	s3 =	sadd.s32 s4, s19  }
0x9c: {  	s7 =	simm.s32 $0x0;
	s20 =	sshll.u32 s5, $0x1;
	s5 =	sadd.s32 s21, s3  }
0x9d: {  	[timem:s7], [sflag:s22] =	dma.local [hbm:s5], s20  }
0x9e: {  	_ =	swait.ge [sflag:s22], s20  }
0x9f: {  	s4 =	ssub.s32 $0x0, s20;
	[sflag:s22] =	ssyncset.done $0x0  }
0xa0: {  	[sflag:s22] =	ssyncadd.s32 s4;
	_ =	sdelay $0x1  }
0xa1: {  	s23 =	simm.s32 $0x1B8B  }
0xa2: {  	_ =	swait.ge [sflag:s23], $0x1  }
0xa3: {  	[sflag:s23] =	ssyncset.done $0x0  }
0xa4: {  	s25 =	simm.s32 $0x1B8E;
	s24 =	sld [smem:$0x3FFE];
	[sflag:s23] =	ssyncadd.s32 $0xFFFFFFFF  }
0xa5: {  	s26 =	simm.s32 $execute0_lowered;
	[smem:$0x3FD2] =	sst s25  }
0xa6: {  	s5 =	sshll.u32 s26, $0x1;
	_ =	strace $0x80000046;
	[dreg:$0x1] =	wrdreg $0xFFFFFFFF  }
0xa7: {  	s28 =	simm.s32 $_size_execute0_lowered;
	s3 =	sadd.s32 s3, s5;
	[dreg:$0x0] =	wrdreg $0x0  }
0xa8: {  	s5 =	sshll.u32 s28, $0x1;
	[dreg:$0x2] =	wrdreg s3  }
0xa9: {  	[dreg:$0x3] =	wrdreg s5  }
0xaa: {  	[dreg:$0x4] =	wrdreg $0xC0  }
0xab: {  	_ =	task [dreg:s7], $0x5FFFF  }
0xac: {  	[dreg:$0x1] =	wrdreg $0xFFFFFFFF  }
0xad: {  	[dreg:$0x0] =	wrdreg $0x60  }
0xae: {  	[dreg:$0x2] =	wrdreg s2  }
0xaf: {  	[dreg:$0x3] =	wrdreg s24  }
0xb0: {  	[dreg:$0x4] =	wrdreg $0xA2800  }
0xb1: {  	[dreg:$0x5] =	wrdreg $0x9  }
0xb2: {  	_ =	task.clear_ibuf [dreg:s7], $0x6FFFF;
	_ =	strace $0x90000046  }
0xb3: {  	s29 =	simm.s32 $0x9;
	_ =	strace $0x80000048  }
0xb4: {  	_ =	swait.ge [sflag:s29], $0x1  }
0xb5: {  	[sflag:s29] =	ssyncadd.s32 $0xFFFFFFFF  }
0xb6: {  	_ =	strace $0x90000048  }
0xb7: {  	_ =	sfence  }
0xb8: {  	s30 =	sld [smem:$0x0];
	_ =	sdelay $0x2  }
0xb9: {  	s31 =	sshll.u32 s1, $0xD;
	s1 =	sshrl.u32 s1, $0x2  }
0xba: {  	s3 =	sand.u32 $0x4000, s31;
	s1 =	sadd.s32 s1, s30  }
0xbb: {  	s0 =	sor.u32 s3, s0;
	s1 =	sshll.u32 s1, $0x11  }
0xbc: {  	s0 =	sor.u32 s1, s0  }
0xbd: {  	s0 =	sadd.s32 $0x8F2B, s0  }
0xbe: {  	[sflag:s0] =	ssyncadd.remote.s32 $0x1  }
0xbf: {  	_ =	sfence.sel $0xFFFF  }
0xc0: {  	[dreg:$0x0] =	wrdreg $0xFFFFFFFF;
	(pc) =	sbr.abs _section_cstart, $3  }
0xc1: {  	[dreg:$0x1] =	wrdreg $0xFFFFFFFF  }
0xc2: {  	_ =	task.clear_ibuf [dreg:s7], $0x2FFFF;
	_ =	strace $0x9FFFFFFF  }
0xc3: {  	(tm) =	ssettm $0x7FFFFFFF  }
tec
execute0_lowered:
.L_overlay_start_1:
0x0: {  	(tag) =	ssettag $0x1  }
0x1: {  	s0 =	rddreg [dreg:$0x0]  }
0x2: {  	s1 =	srdreg.scid;
	s3 =	rddreg [dreg:$0x1]  }
0x3: {  	s9 =	stileid.u32;
	s2 =	rddreg [dreg:$0x2]  }
0x4: {  	s6 =	simm.s32 $0x0;
	s11 =	simm.s32 $0x7;
	s12 =	simm.s32 $0x50  }
0x5: {  	s13 =	simm.s32 $0x2780;
	s14 =	simm.s32 $0x2A80;
	s15 =	simm.s32 $0x2880  }
0x6: {  	s16 =	simm.s32 $0x5280;
	s17 =	simm.s32 $0x2980;
	s18 =	simm.s32 $0x7A80  }
0x7: {  	s28 =	simm.s32 $0x5;
	s29 =	simm.s32 $0x3;
	s30 =	simm.s32 $0x2A00  }
0x8: {  	s31 =	simm.s32 $0x6;
	s1 =	sand.u32 $0x1, s1;
	s22 =	smul.u32 $0x4E000, s9  }
0x9: {  	s5 =	sshll.u32 s9, $0x7;
	[smem:$0x7FF] =	sst s6;
	s10 =	smul.u32 $0x13800, s9  }
0xa: {  	s21 =	sadd.s32 $0x138000, s2;
	p0 =	sne.s32 s9, $0x0;
	s26 =	sshll.u32 s9, $0x6  }
0xb: {  	s4 =	sshll.u32 s1, $0x4;
	s5 =	sand.u32 $0x380, s5;
	_ =	strace $0x80000047  }
0xc: {  	s23 =	ssub.s32 $0x2, s1;
	s1 =	smul.u32 $0x138800, s1;
	s19 =	sor.u32 $0x1C07, s26  }
0xd: {  	s21 =	sshrl.u32 @!p0 s21, $0x3;
	s26 =	simm.s32 $0x2900;
	s4 =	sor.u32 s9, s4  }
0xe: {  	s8 =	sshrl.u32 s23, $0x1;
	s6 =	sshrl.u32 s22, $0x2;
	s22 =	simm.s32 $0x1  }
0xf: {  	s4 =	sshrl.u32 s4, $0x3;
	s8 =	ssub.s32 s23, s8;
	s24 =	sadd.s32 s10, s1  }
0x10: {  	s20 =	sadd.s32 s6, s2;
	s1 =	sshrl.u32 s1, $0x3;
	s4 =	smul.u32 $0x13C00, s4  }
0x11: {  	s10 =	simm.s32 $0x400;
	s23 =	simm.s32 $0x2800;
	s25 =	sshrl.u32 s24, $0x3  }
.Ltmp0:
0x12: {  	s8 =	smax.u32 s8, $0x1;
	s4 =	sor.u32 s5, s4;
	(pc) =	sbr.rel .LBB2_1-.Ltmp0, $4  }
0x13: {  	s20 =	sshrl.u32 s20, $0x3;
	s24 =	simm.s32 $0x4;
	s4 =	sshrl.u32 s4, $0x3  }
0x14: {  	s7 =	sadd.s32 s4, s3;
	s4 =	sadd.s32 $0xEA00, s3;
	s3 =	sadd.s32 $0x11200, s3  }
0x15: {  	s5 =	sadd.s32 $0x4C00, s7;
	s6 =	sadd.s32 s3, s25;
	s1 =	sadd.s32 s3, s1  }
0x16: {  	s25 =	simm.s32 $0x2;
	s7 =	sadd.s32 $0x27000, s1;
	s1 =	simm.s32 $0x0  }
.LBB2_4:
0x17: {  	_ =	swait.ge [sflag:s22], $0x2800  }
0x18: {  	[sflag:s22] =	ssyncset.done $0x0  }
0x19: {  	[sflag:s22] =	ssyncadd.s32 $0xFFFFD800  }
0x1a: {  	[spmem:s2] =	stream.indirect.scatter.add.f32 [tilespmem:s14], [sflag:$0x4], $0x80, s23, s12, $0xb8;
	[tilespmem:$0x1DB00] =	vst v63  }
0x1b: {  	_ =	swait.ge [sflag:s24], $0x2800  }
0x1c: {  	[sflag:s24] =	ssyncset.done $0x0  }
0x1d: {  	[sflag:s24] =	ssyncadd.s32 $0xFFFFD800  }
0x1e: {  	_ =	swait.ge [sflag:s25], $0x2800  }
0x1f: {  	[sflag:s25] =	ssyncset.done $0x0  }
0x20: {  	[sflag:s25] =	ssyncadd.s32 $0xFFFFD800  }
0x21: {  	[spmem:s2] =	stream.indirect.scatter.add.f32 [tilespmem:s16], [sflag:$0x5], $0x80, s26, s12, $0xb8;
	[tilespmem:$0x1DB00] =	vst v63  }
0x22: {  	_ =	swait.ge [sflag:s28], $0x2800  }
0x23: {  	[sflag:s28] =	ssyncset.done $0x0  }
0x24: {  	[sflag:s28] =	ssyncadd.s32 $0xFFFFD800  }
0x25: {  	[bflag:$0x0] =	sbarrier.arrive $0xFFFF  }
0x26: {  	[hbm:s6], [sflag:s19] =	dma.local [spmem:s20], $0x2700  }
0x27: {  	s1 =	sadd.s32 $0x1, s1;
	_ =	swait.ge [sflag:s11], $0x2700  }
0x28: {  	p1 =	sne.s32 s1, s8;
	[sflag:s11] =	ssyncset.done $0x0  }
.Ltmp1:
0x29: {  	s3 =	simm.s32 @!p0 $0x7;
	[sflag:s11] =	ssyncadd.s32 $0xFFFFD900;
	(pc) =	sbr.rel @!p1 .LBB2_5-.Ltmp1, $4  }
0x2a: {  	[hbm:s7], [sflag:s19] =	dma.local @!p0 [spmem:s21], $0x100  }
0x2b: {  	_ =	swait.ge @!p0 [sflag:s3], $0x100  }
0x2c: {  	[sflag:s3] =	ssyncset.done @!p0 $0x0  }
0x2d: {  	[sflag:s3] =	ssyncadd.s32 @!p0 $0xFFFFFF00  }
.LBB2_1:
0x2e: {  	s3 =	simm.s32 $0x0;
	s9 =	simm.s32 $0x80  }
0x2f: {  	[tilespmem:s3], [sflag:$0x7] =	stream.strided.gather [hbm4b:s5+s9], $0x2780, s10, s9, $0x38;
	[tilespmem:$0x1DB00] =	vst v63  }
0x30: {  	_ =	swait.ge [sflag:s11], $0x2780  }
0x31: {  	[sflag:s11] =	ssyncset.done $0x0  }
0x32: {  	[sflag:s11] =	ssyncadd.s32 $0xFFFFD880  }
0x33: {  	v0 =	vld [tilespmem:$0x0];
	_ =	sdelay $0x1  }
0x34: {  	v1 =	vld [tilespmem:$0x10];
	_ =	sdelay $0x1  }
0x35: {  	v2 =	vld [tilespmem:$0x20]  }
0x36: {  	v3 =	vand.u32 $0x3FFF, v0  }
0x37: {  	v26 =	vld [tilespmem:$0x30];
	v0 =	vshrl.u32 v0, $0xE;
	[tilespmem:$0x2780] =	vst v3  }
0x38: {  	v27 =	vand.u32 $0x3FFF, v1;
	[tilespmem:$0x2800] =	vst v0  }
0x39: {  	v29 =	vld [tilespmem:$0x40];
	v28 =	vshrl.u32 v1, $0xE;
	[tilespmem:$0x2790] =	vst v27  }
0x3a: {  	v30 =	vand.u32 $0x3FFF, v2;
	[tilespmem:$0x2810] =	vst v28  }
0x3b: {  	v31 =	vshrl.u32 v2, $0xE;
	[tilespmem:$0x27A0] =	vst v30  }
0x3c: {  	v32 =	vand.u32 $0x3FFF, v26;
	[tilespmem:$0x2820] =	vst v31  }
0x3d: {  	v33 =	vshrl.u32 v26, $0xE;
	[tilespmem:$0x27B0] =	vst v32  }
0x3e: {  	v34 =	vand.u32 $0x3FFF, v29;
	[tilespmem:$0x2830] =	vst v33  }
0x3f: {  	v35 =	vshrl.u32 v29, $0xE;
	[tilespmem:$0x27C0] =	vst v34  }
0x40: {  	[tilespmem:$0x2840] =	vst v35  }
0x41: {  	[tilespmem:s14], [sflag:$0x1] =	stream.indirect.gather [hbm4b:s0+s12], $0x80, s13, s12, $0xb8;
	[tilespmem:$0x1DB00] =	vst v63  }
0x42: {  	v36 =	vld [tilespmem:$0x50];
	_ =	sdelay $0x1  }
0x43: {  	v37 =	vld [tilespmem:$0x60];
	_ =	sdelay $0x1  }
0x44: {  	v38 =	vld [tilespmem:$0x70]  }
0x45: {  	v39 =	vand.u32 $0x3FFF, v36  }
0x46: {  	v40 =	vld [tilespmem:$0x80];
	v0 =	vshrl.u32 v36, $0xE;
	[tilespmem:$0x2880] =	vst v39  }
0x47: {  	v41 =	vand.u32 $0x3FFF, v37;
	[tilespmem:$0x2900] =	vst v0  }
0x48: {  	v43 =	vld [tilespmem:$0x90];
	v42 =	vshrl.u32 v37, $0xE;
	[tilespmem:$0x2890] =	vst v41  }
0x49: {  	v44 =	vand.u32 $0x3FFF, v38;
	[tilespmem:$0x2910] =	vst v42  }
0x4a: {  	v45 =	vshrl.u32 v38, $0xE;
	[tilespmem:$0x28A0] =	vst v44  }
0x4b: {  	v46 =	vand.u32 $0x3FFF, v40;
	[tilespmem:$0x2920] =	vst v45  }
0x4c: {  	v47 =	vshrl.u32 v40, $0xE;
	[tilespmem:$0x28B0] =	vst v46  }
0x4d: {  	v48 =	vand.u32 $0x3FFF, v43;
	[tilespmem:$0x2930] =	vst v47  }
0x4e: {  	v49 =	vshrl.u32 v43, $0xE;
	[tilespmem:$0x28C0] =	vst v48  }
0x4f: {  	[tilespmem:$0x2940] =	vst v49  }
0x50: {  	[tilespmem:s16], [sflag:$0x2] =	stream.indirect.gather [hbm4b:s0+s12], $0x80, s15, s12, $0xb8;
	[tilespmem:$0x1DB00] =	vst v63  }
0x51: {  	v50 =	vld [tilespmem:$0xA0];
	_ =	sdelay $0x1  }
0x52: {  	v51 =	vld [tilespmem:$0xB0];
	_ =	sdelay $0x1  }
0x53: {  	v52 =	vld [tilespmem:$0xC0]  }
0x54: {  	v53 =	vand.u32 $0x3FFF, v50  }
0x55: {  	v54 =	vld [tilespmem:$0xD0];
	v0 =	vshrl.u32 v50, $0xE;
	[tilespmem:$0x2980] =	vst v53  }
0x56: {  	v55 =	vand.u32 $0x3FFF, v51;
	[tilespmem:$0x2A00] =	vst v0  }
0x57: {  	v57 =	vld [tilespmem:$0xE0];
	v56 =	vshrl.u32 v51, $0xE;
	[tilespmem:$0x2990] =	vst v55  }
0x58: {  	v58 =	vand.u32 $0x3FFF, v52;
	[tilespmem:$0x2A10] =	vst v56  }
0x59: {  	v59 =	vshrl.u32 v52, $0xE;
	[tilespmem:$0x29A0] =	vst v58  }
0x5a: {  	v60 =	vand.u32 $0x3FFF, v54;
	[tilespmem:$0x2A20] =	vst v59  }
0x5b: {  	v61 =	vshrl.u32 v54, $0xE;
	[tilespmem:$0x29B0] =	vst v60  }
0x5c: {  	v62 =	vand.u32 $0x3FFF, v57;
	[tilespmem:$0x2A30] =	vst v61  }
0x5d: {  	v63 =	vshrl.u32 v57, $0xE;
	[tilespmem:$0x29C0] =	vst v62  }
0x5e: {  	[tilespmem:$0x2A40] =	vst v63  }
0x5f: {  	[tilespmem:s18], [sflag:$0x3] =	stream.indirect.gather [hbm4b:s0+s12], $0x80, s17, s12, $0xb8;
	[tilespmem:$0x1DB00] =	vst v63  }
0x60: {  	[spmem:s20], [sflag:s19] =	dma.local [hbm:s4], $0x2700  }
0x61: {  	_ =	swait.ge [sflag:s11], $0x2700  }
0x62: {  	[sflag:s11] =	ssyncset.done $0x0  }
0x63: {  	s3 =	simm.s32 @!p0 $0x7;
	[sflag:s11] =	ssyncadd.s32 $0xFFFFD900  }
0x64: {  	[spmem:s21], [sflag:s19] =	dma.local @!p0 [hbm:s4], $0x100  }
0x65: {  	_ =	swait.ge @!p0 [sflag:s3], $0x100  }
0x66: {  	[sflag:s3] =	ssyncset.done @!p0 $0x0  }
0x67: {  	[sflag:s3] =	ssyncadd.s32 @!p0 $0xFFFFFF00  }
0x68: {  	s3 =	simm.s32 $0x740;
	[bflag:$0x0] =	sbarrier.arrive $0xFFFF  }
.LBB2_2:
0x69: {  	_ =	swait.ge [sflag:s22], $0x2800  }
0x6a: {  	[sflag:s22] =	ssyncset.done $0x0  }
0x6b: {  	[sflag:s22] =	ssyncadd.s32 $0xFFFFD800  }
0x6c: {  	[spmem:s2] =	stream.indirect.scatter.add.f32 [tilespmem:s14], [sflag:$0x4], $0x80, s23, s12, $0xb8;
	[tilespmem:$0x1DB00] =	vst v63  }
0x6d: {  	_ =	swait.ge [sflag:s24], $0x2800  }
0x6e: {  	[sflag:s24] =	ssyncset.done $0x0  }
0x6f: {  	s9 =	sshra.s32 s3, $0x2;
	[sflag:s24] =	ssyncadd.s32 $0xFFFFD800  }
0x70: {  	v0 =	vld [tilespmem:s9+$0xFFFFFF20];
	_ =	sdelay $0x4  }
0x71: {  	v1 =	vand.u32 $0x3FFF, v0  }
0x72: {  	v0 =	vshrl.u32 v0, $0xE;
	[tilespmem:$0x2780] =	vst v1  }
0x73: {  	[tilespmem:$0x2800] =	vst v0  }
0x74: {  	v0 =	vld [tilespmem:s9+$0xFFFFFF30];
	_ =	sdelay $0x4  }
0x75: {  	v54 =	vand.u32 $0x3FFF, v0  }
0x76: {  	v0 =	vshrl.u32 v0, $0xE;
	[tilespmem:$0x2790] =	vst v54  }
0x77: {  	[tilespmem:$0x2810] =	vst v0  }
0x78: {  	v0 =	vld [tilespmem:s9+$0xFFFFFF40];
	_ =	sdelay $0x4  }
0x79: {  	v55 =	vand.u32 $0x3FFF, v0  }
0x7a: {  	v0 =	vshrl.u32 v0, $0xE;
	[tilespmem:$0x27A0] =	vst v55  }
0x7b: {  	[tilespmem:$0x2820] =	vst v0  }
0x7c: {  	v0 =	vld [tilespmem:s9+$0xFFFFFF50];
	_ =	sdelay $0x4  }
0x7d: {  	v56 =	vand.u32 $0x3FFF, v0  }
0x7e: {  	v0 =	vshrl.u32 v0, $0xE;
	[tilespmem:$0x27B0] =	vst v56  }
0x7f: {  	[tilespmem:$0x2830] =	vst v0  }
0x80: {  	v0 =	vld [tilespmem:s9+$0xFFFFFF60];
	_ =	sdelay $0x4  }
0x81: {  	v57 =	vand.u32 $0x3FFF, v0  }
0x82: {  	v0 =	vshrl.u32 v0, $0xE;
	[tilespmem:$0x27C0] =	vst v57  }
0x83: {  	[tilespmem:$0x2840] =	vst v0  }
0x84: {  	[tilespmem:s14], [sflag:$0x1] =	stream.indirect.gather [hbm4b:s0+s12], $0x80, s13, s12, $0xb8;
	[tilespmem:$0x1DB00] =	vst v63  }
0x85: {  	_ =	swait.ge [sflag:s25], $0x2800  }
0x86: {  	[sflag:s25] =	ssyncset.done $0x0  }
0x87: {  	[sflag:s25] =	ssyncadd.s32 $0xFFFFD800  }
0x88: {  	[spmem:s2] =	stream.indirect.scatter.add.f32 [tilespmem:s16], [sflag:$0x5], $0x80, s26, s12, $0xb8;
	[tilespmem:$0x1DB00] =	vst v63  }
0x89: {  	_ =	swait.ge [sflag:s28], $0x2800  }
0x8a: {  	[sflag:s28] =	ssyncset.done $0x0  }
0x8b: {  	[sflag:s28] =	ssyncadd.s32 $0xFFFFD800  }
0x8c: {  	v58 =	vld [tilespmem:s9+$0xFFFFFF70];
	_ =	sdelay $0x4  }
0x8d: {  	v59 =	vand.u32 $0x3FFF, v58  }
0x8e: {  	v0 =	vshrl.u32 v58, $0xE;
	[tilespmem:$0x2880] =	vst v59  }
0x8f: {  	[tilespmem:$0x2900] =	vst v0  }
0x90: {  	v0 =	vld [tilespmem:s9+$0xFFFFFF80];
	_ =	sdelay $0x4  }
0x91: {  	v60 =	vand.u32 $0x3FFF, v0  }
0x92: {  	v0 =	vshrl.u32 v0, $0xE;
	[tilespmem:$0x2890] =	vst v60  }
0x93: {  	[tilespmem:$0x2910] =	vst v0  }
0x94: {  	v0 =	vld [tilespmem:s9+$0xFFFFFF90];
	_ =	sdelay $0x4  }
0x95: {  	v61 =	vand.u32 $0x3FFF, v0  }
0x96: {  	v0 =	vshrl.u32 v0, $0xE;
	[tilespmem:$0x28A0] =	vst v61  }
0x97: {  	[tilespmem:$0x2920] =	vst v0  }
0x98: {  	v0 =	vld [tilespmem:s9+$0xFFFFFFA0];
	_ =	sdelay $0x4  }
0x99: {  	v62 =	vand.u32 $0x3FFF, v0  }
0x9a: {  	v0 =	vshrl.u32 v0, $0xE;
	[tilespmem:$0x28B0] =	vst v62  }
0x9b: {  	[tilespmem:$0x2930] =	vst v0  }
0x9c: {  	v0 =	vld [tilespmem:s9+$0xFFFFFFB0];
	_ =	sdelay $0x4  }
0x9d: {  	v63 =	vand.u32 $0x3FFF, v0  }
0x9e: {  	v0 =	vshrl.u32 v0, $0xE;
	[tilespmem:$0x28C0] =	vst v63  }
0x9f: {  	[tilespmem:$0x2940] =	vst v0  }
0xa0: {  	[tilespmem:s16], [sflag:$0x2] =	stream.indirect.gather [hbm4b:s0+s12], $0x80, s15, s12, $0xb8;
	[tilespmem:$0x1DB00] =	vst v63  }
0xa1: {  	_ =	swait.ge [sflag:s29], $0x2800  }
0xa2: {  	p1 =	seq.s32 s3, $0x9D40;
	[sflag:s29] =	ssyncset.done $0x0  }
.Ltmp2:
0xa3: {  	[sflag:s29] =	ssyncadd.s32 $0xFFFFD800;
	(pc) =	sbr.rel @p1 .LBB2_4-.Ltmp2, $4  }
0xa4: {  	[spmem:s2] =	stream.indirect.scatter.add.f32 [tilespmem:s18], [sflag:$0x6], $0x80, s30, s12, $0xb8;
	[tilespmem:$0x1DB00] =	vst v63  }
0xa5: {  	_ =	swait.ge [sflag:s31], $0x2800  }
0xa6: {  	[sflag:s31] =	ssyncset.done $0x0  }
0xa7: {  	[sflag:s31] =	ssyncadd.s32 $0xFFFFD800  }
0xa8: {  	v0 =	vld [tilespmem:s9+$0xFFFFFFC0];
	_ =	sdelay $0x4  }
0xa9: {  	v1 =	vand.u32 $0x3FFF, v0  }
0xaa: {  	v0 =	vshrl.u32 v0, $0xE;
	[tilespmem:$0x2980] =	vst v1  }
0xab: {  	[tilespmem:$0x2A00] =	vst v0  }
0xac: {  	v0 =	vld [tilespmem:s9+$0xFFFFFFD0];
	_ =	sdelay $0x4  }
0xad: {  	v60 =	vand.u32 $0x3FFF, v0  }
0xae: {  	v0 =	vshrl.u32 v0, $0xE;
	[tilespmem:$0x2990] =	vst v60  }
0xaf: {  	[tilespmem:$0x2A10] =	vst v0  }
0xb0: {  	v0 =	vld [tilespmem:s9+$0xFFFFFFE0];
	_ =	sdelay $0x4  }
0xb1: {  	v61 =	vand.u32 $0x3FFF, v0  }
0xb2: {  	v0 =	vshrl.u32 v0, $0xE;
	[tilespmem:$0x29A0] =	vst v61  }
0xb3: {  	[tilespmem:$0x2A20] =	vst v0  }
0xb4: {  	v0 =	vld [tilespmem:s9+$0xFFFFFFF0];
	_ =	sdelay $0x4  }
0xb5: {  	v62 =	vand.u32 $0x3FFF, v0  }
0xb6: {  	v0 =	vshrl.u32 v0, $0xE;
	[tilespmem:$0x29B0] =	vst v62  }
0xb7: {  	[tilespmem:$0x2A30] =	vst v0  }
0xb8: {  	v0 =	vld [tilespmem:s9+$0x0];
	_ =	sdelay $0x3  }
.Ltmp3:
0xb9: {  	_ = 	snop;
	(pc) =	sbr.rel .LBB2_2-.Ltmp3, $4  }
0xba: {  	v63 =	vand.u32 $0x3FFF, v0  }
0xbb: {  	v0 =	vshrl.u32 v0, $0xE;
	[tilespmem:$0x29C0] =	vst v63  }
0xbc: {  	s3 =	sadd.s32 $0x3C0, s3;
	[tilespmem:$0x2A40] =	vst v0  }
0xbd: {  	[tilespmem:s18], [sflag:$0x3] =	stream.indirect.gather [hbm4b:s0+s12], $0x80, s17, s12, $0xb8;
	[tilespmem:$0x1DB00] =	vst v63  }
.LBB2_5:
0xbe: {  	_ =	sfence.sel $0x180000  }
0xbf: {  	[bflag:$0x0] =	sbarrier.arrive $0xFFFF  }
0xc0: {  	_ =	strace $0x90000047  }
0xc1: {  	[bflag:$0x2] =	sbarrier.arrive $0xFFFF  }
0xc2: {  	s0 =	rddreg [dreg:$0x3]  }
0xc3: {  	s0 =	sadd.s32 @!p0 $0x100000, s0  }
0xc4: {  	[sflag:s0] =	ssyncadd.tile.s32 @!p0 $0x1;
	_ =	shalt  }
.Lfunc_end2:
_tile_overlayer_lowered:
.L_overlay_start_2:
0xc5: {  	(tag) =	ssettag $0x2  }
0xc6: {  	s0 =	rddreg [dreg:$0x0];
	s2 =	stileid.u32  }
0xc7: {  	s1 =	rddreg [dreg:$0x1];
	p0 =	sne.s32 s2, $0x0  }
0xc8: {  	s3 =	rddreg [dreg:$0x2];
	[bflag:$0x3] =	sbarrier.arrive $0xFFFF;
	s2 =	simm.s32 @!p0 $0x1C07  }
0xc9: {  	[timem:s3], [sflag:s2] =	dma.local @!p0 [hbm:s0], s1  }
0xca: {  	s0 =	simm.s32 @!p0 $0x7  }
0xcb: {  	_ =	swait.ge @!p0 [sflag:s0], s1  }
0xcc: {  	s1 =	ssub.s32 @!p0 $0x0, s1;
	[sflag:s0] =	ssyncset.done @!p0 $0x0  }
0xcd: {  	[sflag:s0] =	ssyncadd.s32 @!p0 s1  }
0xce: {  	[bflag:$0x3] =	sbarrier.arrive $0xFFFF  }
0xcf: {  	_ =	shalt  }

</sc_bundles>
